<compile_context>
chip_gen: v7x
topology: tpu7x:2x2x1
jax: 0.10.2.dev20260603
libtpu: 0.0.44.dev20260713+nightly
codegen_flags: <defaults>
</compile_context>

<pallas_src>
import functools

import jax
import jax.numpy as jnp
from jax import lax
from jax.experimental import pallas as pl
from jax.experimental.pallas import tpu as pltpu
from jax.experimental.pallas import tpu_sc as plsc

N = 10000
E = 320000
D_EDGE = 16
D_HID = 32
DIMS = [128, 104, 80, 56, 32]
PADS = [112, 80, 64, 32]
EPS = 1e-5

NW = 32
ET = E // NW
NP = 10240
NPT = NP // 16



def _edge_mlp_body(ea_ref, w1_ref, b1_ref, w2_ref, b2_ref, out_ref):
    ea = ea_ref[...]
    cols = []
    for l in range(4):
        h = jnp.dot(ea, w1_ref[l], preferred_element_type=jnp.float32)
        h = jnp.maximum(h + b1_ref[l][None, :], 0.0)
        e = jnp.dot(h, w2_ref[l], preferred_element_type=jnp.float32)
        cols.append(jax.nn.sigmoid(e + b2_ref[l][None, :]))
    out_ref[...] = jnp.concatenate(cols, axis=1)


def _edge_mlp(edge_attr, w1s, b1s, w2s, b2s):
    B = 8000
    nblk = E // B
    return pl.pallas_call(
        _edge_mlp_body,
        grid=(nblk,),
        in_specs=[
            pl.BlockSpec((B, D_EDGE), lambda i: (i, 0)),
            pl.BlockSpec((4, D_EDGE, D_HID), lambda i: (0, 0, 0)),
            pl.BlockSpec((4, D_HID), lambda i: (0, 0)),
            pl.BlockSpec((4, D_HID, 1), lambda i: (0, 0, 0)),
            pl.BlockSpec((4, 1), lambda i: (0, 0)),
        ],
        out_specs=pl.BlockSpec((B, 4), lambda i: (i, 0)),
        out_shape=jax.ShapeDtypeStruct((E, 4), jnp.float32),
    )(edge_attr, w1s, b1s, w2s, b2s)


def _pre1_body(x_ref, pw_ref, pb_ref, lin_ref, dega_ref, degb_ref,
               hp_ref, dis_ref):
    x = x_ref[...]
    mean = jnp.mean(x, axis=0)
    var = jnp.mean((x - mean[None, :]) ** 2, axis=0)
    xb = (x - mean[None, :]) * lax.rsqrt(var + EPS)[None, :]
    xb = xb * pw_ref[...][None, :] + pb_ref[...][None, :]
    deg = 1.0 + dega_ref[...][0:N] + degb_ref[...][0:N]
    dis = lax.rsqrt(deg)
    hp = jnp.dot(xb, lin_ref[...], preferred_element_type=jnp.float32)
    hp_ref[...] = hp * dis[:, None]
    dis_ref[...] = dis


def _pre1(x, pre_w, pre_b, lin_pad, dega, degb):
    P = PADS[0]
    return pl.pallas_call(
        _pre1_body,
        out_shape=[
            jax.ShapeDtypeStruct((N, P), jnp.float32),
            jax.ShapeDtypeStruct((N,), jnp.float32),
        ],
    )(x, pre_w, pre_b, lin_pad, dega, degb)


def _mid_body(is_batch_norm, agg0_ref, agg1_ref, hp_ref, dis_ref,
              w_ref, b_ref, ms_ref, lin_ref, dega_ref, degb_ref,
              hp2_ref, dis2_ref):
    agg = agg0_ref[...][0:N] + agg1_ref[...][0:N]
    t = dis_ref[...][:, None] * (agg + hp_ref[...])
    t = jnp.maximum(t, 0.0)
    mean = jnp.mean(t, axis=0)
    if is_batch_norm:
        var = jnp.mean((t - mean[None, :]) ** 2, axis=0)
        t = (t - mean[None, :]) * lax.rsqrt(var + EPS)[None, :]
        t = t * w_ref[...][None, :] + b_ref[...][None, :]
    else:
        out = t - ms_ref[...][None, :] * mean[None, :]
        var = jnp.mean(out * out, axis=0)
        t = (w_ref[...][None, :] * out * lax.rsqrt(var + EPS)[None, :]
             + b_ref[...][None, :])
    deg = 1.0 + dega_ref[...][0:N] + degb_ref[...][0:N]
    dis2 = lax.rsqrt(deg)
    hp2 = jnp.dot(t, lin_ref[...], preferred_element_type=jnp.float32)
    hp2_ref[...] = hp2 * dis2[:, None]
    dis2_ref[...] = dis2


def _mid(l, agg0, agg1, hp, dis, w, b, ms, lin_pad, dega, degb):
    P2 = PADS[l + 1]
    return pl.pallas_call(
        functools.partial(_mid_body, l == 0),
        out_shape=[
            jax.ShapeDtypeStruct((N, P2), jnp.float32),
            jax.ShapeDtypeStruct((N,), jnp.float32),
        ],
    )(agg0, agg1, hp, dis, w, b, ms, lin_pad, dega, degb)


def _final_body(agg0_ref, agg1_ref, hp_ref, dis_ref, w_ref, b_ref, ms_ref,
                out_ref):
    agg = agg0_ref[...][0:N] + agg1_ref[...][0:N]
    t = dis_ref[...][:, None] * (agg + hp_ref[...])
    t = jnp.maximum(t, 0.0)
    mean = jnp.mean(t, axis=0)
    out = t - ms_ref[...][None, :] * mean[None, :]
    var = jnp.mean(out * out, axis=0)
    out_ref[...] = (w_ref[...][None, :] * out * lax.rsqrt(var + EPS)[None, :]
                    + b_ref[...][None, :])


def _final(agg0, agg1, hp, dis, w, b, ms):
    return pl.pallas_call(
        _final_body,
        out_shape=jax.ShapeDtypeStruct((N, DIMS[4]), jnp.float32),
    )(agg0, agg1, hp, dis, w, b, ms)



_MESH = plsc.VectorSubcoreMesh(core_axis_name="c", subcore_axis_name="s")
_SC_PARAMS = pltpu.CompilerParams(needs_layout_passes=False,
                                  use_tc_tiling_on_sc=False)

_DEG_K = 1000


@functools.partial(
    pl.kernel,
    out_type=[jax.ShapeDtypeStruct((NP,), jnp.float32) for _ in range(8)],
    mesh=_MESH,
    compiler_params=_SC_PARAMS,
    scratch_types=[
        pltpu.VMEM((_DEG_K,), jnp.int32),
        pltpu.VMEM((_DEG_K,), jnp.float32),
        pltpu.VMEM((NPT,), jnp.float32),
        pltpu.VMEM_SHARED((NP,), jnp.float32),
        pltpu.VMEM_SHARED((NP,), jnp.float32),
        pltpu.VMEM_SHARED((NP,), jnp.float32),
        pltpu.VMEM_SHARED((NP,), jnp.float32),
    ],
)
def _deg_kernel(col_hbm, ew0_hbm, ew1_hbm, ew2_hbm, ew3_hbm,
                o00, o01, o02, o03, o10, o11, o12, o13,
                col_v, ew_v, zero_v, deg0, deg1, deg2, deg3):
    c = lax.axis_index("c")
    s = lax.axis_index("s")
    wid = c * 16 + s
    degs = [deg0, deg1, deg2, deg3]
    ew_hbms = [ew0_hbm, ew1_hbm, ew2_hbm, ew3_hbm]

    zvec = jnp.zeros((16,), jnp.float32)

    def zbody(i, _):
        zero_v[pl.ds(i * 16, 16)] = zvec
        return 0

    lax.fori_loop(0, NPT // 16, zbody, 0)
    rs = s * NPT
    for d in degs:
        pltpu.sync_copy(zero_v, d.at[pl.ds(rs, NPT)])
    plsc.subcore_barrier()

    def chunk(ch, _):
        base = wid * ET + ch * _DEG_K
        pltpu.sync_copy(col_hbm.at[pl.ds(base, _DEG_K)], col_v)
        for l, d in enumerate(degs):
            pltpu.sync_copy(ew_hbms[l].at[pl.ds(base, _DEG_K)], ew_v)
            pltpu.sync_copy(ew_v, d.at[col_v], add=True)
        return 0

    lax.fori_loop(0, ET // _DEG_K, chunk, 0)
    plsc.subcore_barrier()

    @pl.when(c == 0)
    def _():
        for d, o in zip(degs, [o00, o01, o02, o03]):
            pltpu.sync_copy(d.at[pl.ds(rs, NPT)], o.at[pl.ds(rs, NPT)])

    @pl.when(c == 1)
    def _():
        for d, o in zip(degs, [o10, o11, o12, o13]):
            pltpu.sync_copy(d.at[pl.ds(rs, NPT)], o.at[pl.ds(rs, NPT)])


_MSG_K = 400


def _make_msg_kernel(P):
    @functools.partial(
        pl.kernel,
        out_type=[jax.ShapeDtypeStruct((NP, P), jnp.float32) for _ in range(2)],
        mesh=_MESH,
        compiler_params=_SC_PARAMS,
        scratch_types=[
            pltpu.VMEM((_MSG_K,), jnp.int32),
            pltpu.VMEM((_MSG_K,), jnp.int32),
            pltpu.VMEM((_MSG_K,), jnp.float32),
            pltpu.VMEM((_MSG_K, P), jnp.float32),
            pltpu.VMEM_SHARED((NP, P), jnp.float32),
            pltpu.SemaphoreType.DMA,
        ],
    )
    def msg_kernel(hp_hbm, row_hbm, col_hbm, ew_hbm, out0, out1,
                   row_v, col_v, ew_v, msg_v, acc, sem):
        c = lax.axis_index("c")
        s = lax.axis_index("s")
        wid = c * 16 + s
        zvec = jnp.zeros((16,), jnp.float32)

        ZR = 128

        def zbody(j, _):
            for p in range(P // 16):
                msg_v[j, pl.ds(p * 16, 16)] = zvec
            return 0

        lax.fori_loop(0, ZR, zbody, 0)
        rs = s * NPT
        for r in range(NPT // ZR):
            pltpu.sync_copy(msg_v.at[pl.ds(0, ZR)],
                            acc.at[pl.ds(rs + r * ZR, ZR)])
        plsc.subcore_barrier()

        def chunk(ch, _):
            base = wid * ET + ch * _MSG_K
            pltpu.sync_copy(row_hbm.at[pl.ds(base, _MSG_K)], row_v)
            pltpu.sync_copy(col_hbm.at[pl.ds(base, _MSG_K)], col_v)
            pltpu.sync_copy(ew_hbm.at[pl.ds(base, _MSG_K)], ew_v)
            pltpu.async_copy(hp_hbm.at[row_v], msg_v, sem).wait()

            def scale(j, _):
                w = plsc.load_gather(ew_v, [jnp.full((16,), j, jnp.int32)])
                for p in range(P // 16):
                    sl = pl.ds(p * 16, 16)
                    msg_v[j, sl] = msg_v[j, sl] * w
                return 0

            lax.fori_loop(0, _MSG_K, scale, 0)
            pltpu.sync_copy(msg_v, acc.at[col_v], add=True)
            return 0

        lax.fori_loop(0, ET // _MSG_K, chunk, 0)
        plsc.subcore_barrier()

        @pl.when(c == 0)
        def _():
            pltpu.sync_copy(acc.at[pl.ds(rs, NPT)], out0.at[pl.ds(rs, NPT)])

        @pl.when(c == 1)
        def _():
            pltpu.sync_copy(acc.at[pl.ds(rs, NPT)], out1.at[pl.ds(rs, NPT)])

    return msg_kernel


_MSG_KERNELS = {P: _make_msg_kernel(P) for P in sorted(set(PADS))}



def kernel(x, edge_index, edge_attr, pre_w, pre_b,
           c1_lin, c1_w1, c1_b1, c1_w2, c1_b2,
           c2_lin, c2_w1, c2_b1, c2_w2, c2_b2,
           c3_lin, c3_w1, c3_b1, c3_w2, c3_b2,
           c4_lin, c4_w1, c4_b1, c4_w2, c4_b2,
           n1_w, n1_b, g2_w, g2_b, g2_ms, g3_w, g3_b, g3_ms,
           g4_w, g4_b, g4_ms):
    row = edge_index[0]
    col = edge_index[1]

    lins = [c1_lin, c2_lin, c3_lin, c4_lin]
    w1s = jnp.stack([c1_w1, c2_w1, c3_w1, c4_w1])
    b1s = jnp.stack([c1_b1, c2_b1, c3_b1, c4_b1])
    w2s = jnp.stack([c1_w2, c2_w2, c3_w2, c4_w2])
    b2s = jnp.stack([c1_b2, c2_b2, c3_b2, c4_b2])

    ews = _edge_mlp(edge_attr, w1s, b1s, w2s, b2s)
    ew_list = [ews[:, l] for l in range(4)]
    degs = _deg_kernel(col, *ew_list)

    in_pads = [DIMS[0]] + PADS[:3]
    lin_pads = [
        jnp.pad(lins[l], ((0, in_pads[l] - DIMS[l]), (0, PADS[l] - DIMS[l + 1])))
        for l in range(4)
    ]

    def padv(v, P):
        return jnp.pad(v, (0, P - v.shape[0]))

    norm_w = [padv(n1_w, PADS[0]), padv(g2_w, PADS[1]), padv(g3_w, PADS[2])]
    norm_b = [padv(n1_b, PADS[0]), padv(g2_b, PADS[1]), padv(g3_b, PADS[2])]
    norm_ms = [jnp.zeros((PADS[0],), jnp.float32), padv(g2_ms, PADS[1]),
               padv(g3_ms, PADS[2])]

    hp, dis = _pre1(x, pre_w, pre_b, lin_pads[0], degs[0], degs[4])
    for l in range(3):
        agg0, agg1 = _MSG_KERNELS[PADS[l]](hp, row, col, ew_list[l])
        hp, dis = _mid(l, agg0, agg1, hp, dis, norm_w[l], norm_b[l],
                       norm_ms[l], lin_pads[l + 1], degs[l + 1], degs[l + 5])
    agg0, agg1 = _MSG_KERNELS[PADS[3]](hp, row, col, ew_list[3])
    return _final(agg0, agg1, hp, dis, g4_w, g4_b, g4_ms)

# --- scband reference (transcript-rebuilt; emitter-appended) ---
"""Pipeline reference for scband-pf-anomaly-5600637354289 (READ-ONLY COPY).

The authoritative reference and input builder live on the scoring server;
editing this copy changes nothing except your own understanding.
"""

import jax, jax.numpy as jnp
import numpy as np

N_NODES = 10000
N_EDGES = 320000
D_IN = 128
D_EDGE = 16
D_HID = 32
DIMS = [128, 104, 80, 56, 32]


def _lin_init(key, fan_in, fan_out):
    return jax.random.normal(key, (fan_in, fan_out), dtype=jnp.float32) / np.sqrt(fan_in)


def setup_inputs(seed: int = 0):
    key = jax.random.key(seed)
    ks = jax.random.split(key, 32)
    inp = {}
    inp["x"] = jax.random.normal(ks[0], (N_NODES, D_IN), dtype=jnp.float32)
    inp["edge_index"] = jax.random.randint(ks[1], (2, N_EDGES), 0, N_NODES, dtype=jnp.int32)
    inp["edge_attr"] = jax.random.normal(ks[2], (N_EDGES, D_EDGE), dtype=jnp.float32)
    inp["pre_w"] = jnp.ones((D_IN,), jnp.float32)
    inp["pre_b"] = jnp.zeros((D_IN,), jnp.float32)
    i = 3
    for l in range(4):
        din, dout = DIMS[l], DIMS[l + 1]
        inp["c%d_lin" % (l + 1)] = _lin_init(ks[i], din, dout); i += 1
        inp["c%d_w1" % (l + 1)] = _lin_init(ks[i], D_EDGE, D_HID); i += 1
        inp["c%d_b1" % (l + 1)] = jnp.zeros((D_HID,), jnp.float32)
        inp["c%d_w2" % (l + 1)] = _lin_init(ks[i], D_HID, 1); i += 1
        inp["c%d_b2" % (l + 1)] = jnp.zeros((1,), jnp.float32)
    inp["n1_w"] = jnp.ones((DIMS[1],), jnp.float32)
    inp["n1_b"] = jnp.zeros((DIMS[1],), jnp.float32)
    for l in (2, 3, 4):
        d = DIMS[l]
        inp["g%d_w" % l] = jnp.ones((d,), jnp.float32)
        inp["g%d_b" % l] = jnp.zeros((d,), jnp.float32)
        inp["g%d_ms" % l] = jnp.ones((d,), jnp.float32)
    return inp


def _batch_norm(x, w, b, eps=1e-5):
    mean = jnp.mean(x, axis=0)
    var = jnp.var(x, axis=0)
    return (x - mean) / jnp.sqrt(var + eps) * w + b


def _graph_norm(x, w, b, ms, eps=1e-5):
    mean = jnp.mean(x, axis=0, keepdims=True)
    out = x - ms * mean
    var = jnp.mean(out * out, axis=0, keepdims=True)
    return w * out / jnp.sqrt(var + eps) + b


def _pdn_conv(x, edge_index, edge_attr, lin_w, w1, b1, w2, b2):
    n = x.shape[0]
    h = x @ lin_w
    ew = jax.nn.sigmoid(jax.nn.relu(edge_attr @ w1 + b1) @ w2 + b2)[:, 0]
    loop = jnp.arange(n, dtype=edge_index.dtype)
    row = jnp.concatenate([edge_index[0], loop])
    col = jnp.concatenate([edge_index[1], loop])
    ew = jnp.concatenate([ew, jnp.ones((n,), x.dtype)])
    deg = jnp.zeros((n,), x.dtype).at[col].add(ew)
    deg_safe = jnp.where(deg > 0, deg, 1.0)
    dis = jnp.where(deg > 0, 1.0 / jnp.sqrt(deg_safe), 0.0)
    norm = dis[row] * ew * dis[col]
    msg = h[row] * norm[:, None]
    return jnp.zeros((n, h.shape[1]), x.dtype).at[col].add(msg)


def reference(x, edge_index, edge_attr, pre_w, pre_b, c1_lin, c1_w1, c1_b1, c1_w2, c1_b2, c2_lin, c2_w1, c2_b1, c2_w2, c2_b2, c3_lin, c3_w1, c3_b1, c3_w2, c3_b2, c4_lin, c4_w1, c4_b1, c4_w2, c4_b2, n1_w, n1_b, g2_w, g2_b, g2_ms, g3_w, g3_b, g3_ms, g4_w, g4_b, g4_ms):
    h = _batch_norm(x, pre_w, pre_b)
    h = jax.nn.relu(_pdn_conv(h, edge_index, edge_attr, c1_lin, c1_w1, c1_b1, c1_w2, c1_b2))
    h = _batch_norm(h, n1_w, n1_b)
    h = jax.nn.relu(_pdn_conv(h, edge_index, edge_attr, c2_lin, c2_w1, c2_b1, c2_w2, c2_b2))
    h = _graph_norm(h, g2_w, g2_b, g2_ms)
    h = jax.nn.relu(_pdn_conv(h, edge_index, edge_attr, c3_lin, c3_w1, c3_b1, c3_w2, c3_b2))
    h = _graph_norm(h, g3_w, g3_b, g3_ms)
    h = jax.nn.relu(_pdn_conv(h, edge_index, edge_attr, c4_lin, c4_w1, c4_b1, c4_w2, c4_b2))
    h = _graph_norm(h, g4_w, g4_b, g4_ms)
    return h

if __name__ == "__main__":
    import jax
    _d = setup_inputs()
    print(jax.jit(kernel)(*tuple(_d.values())))

</pallas_src>

<mosaic_0001>
#map = affine_map<(d0, d1) -> (0, 0)>
#map1 = affine_map<(d0, d1) -> (0)>
module attributes {stable_mosaic.version = 14 : i64} {
  func.func @msg_kernel(%arg0: i32, %arg1: i32, %arg2: memref<10000x64xf32, #tpu.memory_space<hbm>>, %arg3: memref<320000xi32, #tpu.memory_space<hbm>>, %arg4: memref<320000xi32, #tpu.memory_space<hbm>>, %arg5: memref<320000xf32, #tpu.memory_space<hbm>>, %arg6: memref<10240x64xf32, #tpu.memory_space<hbm>>, %arg7: memref<10240x64xf32, #tpu.memory_space<hbm>>, %arg8: memref<400xi32, #tpu.memory_space<vmem>>, %arg9: memref<400xi32, #tpu.memory_space<vmem>>, %arg10: memref<400xf32, #tpu.memory_space<vmem>>, %arg11: memref<400x64xf32, #tpu.memory_space<vmem>>, %arg12: memref<10240x64xf32, #tpu.memory_space<vmem_shared>>, %arg13: memref<!tpu.dma_semaphore, #tpu.memory_space<semaphore_mem>>) attributes {dimension_semantics = [#tpu.dimension_semantics<core_parallel>, #tpu.dimension_semantics<subcore_parallel>], iteration_bounds = array<i64: 2, 16>, scalar_prefetch = 0 : i64, scratch_operands = 6 : i64, tpu.core_type = #tpu.core_type<sc_vector_subcore>, window_params = [{transform_indices = #map}, {transform_indices = #map1}, {transform_indices = #map1}, {transform_indices = #map1}, {transform_indices = #map}, {transform_indices = #map}]} {
    %mul3A = arith.constant 16 : i32
    %mul3A_0 = arith.muli %arg0, %mul3A : i32
    %add3A = arith.addi %mul3A_0, %arg1 : i32
    %broadcast_in_dim3A = arith.constant 0.000000e+00 : f32
    %broadcast_in_dim3A_1 = vector.broadcast %broadcast_in_dim3A : f32 to vector<16xf32>
    %scan3A = arith.constant 0 : i32
    %scan3A_2 = arith.constant 0 : i32
    %scan3A_3 = arith.constant 128 : i32
    %scan3A_4 = arith.addi %scan3A_2, %scan3A_3 : i32
    %scan3A_5 = arith.constant 1 : i32
    %scan3A_6 = scf.for %scan3A_35 = %scan3A_2 to %scan3A_4 step %scan3A_5 iter_args(%scan3A_36 = %scan3A) -> (i32)  : i32 {
      %swap3A = arith.index_cast %scan3A_35 : i32 to index
      %swap3A_37 = arith.constant 0 : index
      %swap3A_38 = tpu.vector_load %arg11[%swap3A, %swap3A_37] {strides = array<i32>} : memref<400x64xf32, #tpu.memory_space<vmem>>, vector<16xf32>,
      tpu.vector_store %arg11[%swap3A, %swap3A_37], %broadcast_in_dim3A_1 {strides = array<i32>} : memref<400x64xf32, #tpu.memory_space<vmem>>, vector<16xf32>,
      %swap3A_39 = arith.index_cast %scan3A_35 : i32 to index
      %swap3A_40 = arith.constant 16 : index
      %swap3A_41 = tpu.vector_load %arg11[%swap3A_39, %swap3A_40] {strides = array<i32>} : memref<400x64xf32, #tpu.memory_space<vmem>>, vector<16xf32>,
      tpu.vector_store %arg11[%swap3A_39, %swap3A_40], %broadcast_in_dim3A_1 {strides = array<i32>} : memref<400x64xf32, #tpu.memory_space<vmem>>, vector<16xf32>,
      %swap3A_42 = arith.index_cast %scan3A_35 : i32 to index
      %swap3A_43 = arith.constant 32 : index
      %swap3A_44 = tpu.vector_load %arg11[%swap3A_42, %swap3A_43] {strides = array<i32>} : memref<400x64xf32, #tpu.memory_space<vmem>>, vector<16xf32>,
      tpu.vector_store %arg11[%swap3A_42, %swap3A_43], %broadcast_in_dim3A_1 {strides = array<i32>} : memref<400x64xf32, #tpu.memory_space<vmem>>, vector<16xf32>,
      %swap3A_45 = arith.index_cast %scan3A_35 : i32 to index
      %swap3A_46 = arith.constant 48 : index
      %swap3A_47 = tpu.vector_load %arg11[%swap3A_45, %swap3A_46] {strides = array<i32>} : memref<400x64xf32, #tpu.memory_space<vmem>>, vector<16xf32>,
      tpu.vector_store %arg11[%swap3A_45, %swap3A_46], %broadcast_in_dim3A_1 {strides = array<i32>} : memref<400x64xf32, #tpu.memory_space<vmem>>, vector<16xf32>,
      %scan3A_48 = arith.constant 0 : i32
      scf.yield %scan3A_48 : i32
    }
    %scan3A_7 = arith.constant 128 : i32
    %mul3A_8 = arith.constant 640 : i32
    %mul3A_9 = arith.muli %arg1, %mul3A_8 : i32
    %add3A_10 = arith.constant 0 : i32
    %add3A_11 = arith.addi %mul3A_9, %add3A_10 : i32
    "tpu.region"() ({
      %run_scoped3A = tpu.sem_alloc : memref<!tpu.dma_semaphore, #tpu.memory_space<semaphore_mem>>
      %dma_start3A = arith.constant 0 : i32
      %dma_start3A_35 = arith.constant 0 : i32
      %dma_start3A_36 = tpu.memref_slice %arg11[%dma_start3A, %dma_start3A_35] : memref<400x64xf32, #tpu.memory_space<vmem>> -> memref<128x64xf32, #tpu.memory_space<vmem>>
      %dma_start3A_37 = arith.constant 0 : i32
      %dma_start3A_38 = tpu.memref_slice %arg12[%add3A_11, %dma_start3A_37] : memref<10240x64xf32, #tpu.memory_space<vmem_shared>> -> memref<128x64xf32, #tpu.memory_space<vmem_shared>>
      %dma_start3A_39 = arith.constant 0 : i32
      %dma_start3A_40 = tpu.memref_slice %arg12[%add3A_11, %dma_start3A_39] : memref<10240x64xf32, #tpu.memory_space<vmem_shared>> -> memref<128x64xf32, #tpu.memory_space<vmem_shared>>
      %dma_start3A_41 = arith.constant 0 : i32
      %dma_start3A_42 = arith.constant 0 : i32
      %dma_start3A_43 = tpu.memref_slice %arg11[%dma_start3A_41, %dma_start3A_42] : memref<400x64xf32, #tpu.memory_space<vmem>> -> memref<128x64xf32, #tpu.memory_space<vmem>>
      tpu.enqueue_dma source(%dma_start3A_43 : memref<128x64xf32, #tpu.memory_space<vmem>>) target(%dma_start3A_40 : memref<128x64xf32, #tpu.memory_space<vmem_shared>>) target_semaphore(%run_scoped3A : memref<!tpu.dma_semaphore, #tpu.memory_space<semaphore_mem>>)
      %dma_wait3A = arith.constant 0 : i32
      %dma_wait3A_44 = arith.constant 0 : i32
      %dma_wait3A_45 = tpu.memref_slice %arg11[%dma_wait3A, %dma_wait3A_44] : memref<400x64xf32, #tpu.memory_space<vmem>> -> memref<128x64xf32, #tpu.memory_space<vmem>>
      %dma_wait3A_46 = arith.constant 0 : i32
      %dma_wait3A_47 = tpu.memref_slice %arg12[%add3A_11, %dma_wait3A_46] : memref<10240x64xf32, #tpu.memory_space<vmem_shared>> -> memref<128x64xf32, #tpu.memory_space<vmem_shared>>
      %dma_wait3A_48 = arith.constant 0 : i32
      %dma_wait3A_49 = tpu.memref_slice %arg12[%add3A_11, %dma_wait3A_48] : memref<10240x64xf32, #tpu.memory_space<vmem_shared>> -> memref<128x64xf32, #tpu.memory_space<vmem_shared>>
      %dma_wait3A_50 = arith.constant 0 : i32
      %dma_wait3A_51 = arith.constant 0 : i32
      %dma_wait3A_52 = tpu.memref_slice %arg11[%dma_wait3A_50, %dma_wait3A_51] : memref<400x64xf32, #tpu.memory_space<vmem>> -> memref<128x64xf32, #tpu.memory_space<vmem>>
      tpu.wait_dma2 semaphore(%run_scoped3A : memref<!tpu.dma_semaphore, #tpu.memory_space<semaphore_mem>>) src(%dma_wait3A_52 : memref<128x64xf32, #tpu.memory_space<vmem>>) dst(%dma_wait3A_49 : memref<128x64xf32, #tpu.memory_space<vmem_shared>>)
      tpu.yield
    }) : () -> ()
    %add3A_12 = arith.constant 128 : i32
    %add3A_13 = arith.addi %mul3A_9, %add3A_12 : i32
    "tpu.region"() ({
      %run_scoped3A = tpu.sem_alloc : memref<!tpu.dma_semaphore, #tpu.memory_space<semaphore_mem>>
      %dma_start3A = arith.constant 0 : i32
      %dma_start3A_35 = arith.constant 0 : i32
      %dma_start3A_36 = tpu.memref_slice %arg11[%dma_start3A, %dma_start3A_35] : memref<400x64xf32, #tpu.memory_space<vmem>> -> memref<128x64xf32, #tpu.memory_space<vmem>>
      %dma_start3A_37 = arith.constant 0 : i32
      %dma_start3A_38 = tpu.memref_slice %arg12[%add3A_13, %dma_start3A_37] : memref<10240x64xf32, #tpu.memory_space<vmem_shared>> -> memref<128x64xf32, #tpu.memory_space<vmem_shared>>
      %dma_start3A_39 = arith.constant 0 : i32
      %dma_start3A_40 = tpu.memref_slice %arg12[%add3A_13, %dma_start3A_39] : memref<10240x64xf32, #tpu.memory_space<vmem_shared>> -> memref<128x64xf32, #tpu.memory_space<vmem_shared>>
      %dma_start3A_41 = arith.constant 0 : i32
      %dma_start3A_42 = arith.constant 0 : i32
      %dma_start3A_43 = tpu.memref_slice %arg11[%dma_start3A_41, %dma_start3A_42] : memref<400x64xf32, #tpu.memory_space<vmem>> -> memref<128x64xf32, #tpu.memory_space<vmem>>
      tpu.enqueue_dma source(%dma_start3A_43 : memref<128x64xf32, #tpu.memory_space<vmem>>) target(%dma_start3A_40 : memref<128x64xf32, #tpu.memory_space<vmem_shared>>) target_semaphore(%run_scoped3A : memref<!tpu.dma_semaphore, #tpu.memory_space<semaphore_mem>>)
      %dma_wait3A = arith.constant 0 : i32
      %dma_wait3A_44 = arith.constant 0 : i32
      %dma_wait3A_45 = tpu.memref_slice %arg11[%dma_wait3A, %dma_wait3A_44] : memref<400x64xf32, #tpu.memory_space<vmem>> -> memref<128x64xf32, #tpu.memory_space<vmem>>
      %dma_wait3A_46 = arith.constant 0 : i32
      %dma_wait3A_47 = tpu.memref_slice %arg12[%add3A_13, %dma_wait3A_46] : memref<10240x64xf32, #tpu.memory_space<vmem_shared>> -> memref<128x64xf32, #tpu.memory_space<vmem_shared>>
      %dma_wait3A_48 = arith.constant 0 : i32
      %dma_wait3A_49 = tpu.memref_slice %arg12[%add3A_13, %dma_wait3A_48] : memref<10240x64xf32, #tpu.memory_space<vmem_shared>> -> memref<128x64xf32, #tpu.memory_space<vmem_shared>>
      %dma_wait3A_50 = arith.constant 0 : i32
      %dma_wait3A_51 = arith.constant 0 : i32
      %dma_wait3A_52 = tpu.memref_slice %arg11[%dma_wait3A_50, %dma_wait3A_51] : memref<400x64xf32, #tpu.memory_space<vmem>> -> memref<128x64xf32, #tpu.memory_space<vmem>>
      tpu.wait_dma2 semaphore(%run_scoped3A : memref<!tpu.dma_semaphore, #tpu.memory_space<semaphore_mem>>) src(%dma_wait3A_52 : memref<128x64xf32, #tpu.memory_space<vmem>>) dst(%dma_wait3A_49 : memref<128x64xf32, #tpu.memory_space<vmem_shared>>)
      tpu.yield
    }) : () -> ()
    %add3A_14 = arith.constant 256 : i32
    %add3A_15 = arith.addi %mul3A_9, %add3A_14 : i32
    "tpu.region"() ({
      %run_scoped3A = tpu.sem_alloc : memref<!tpu.dma_semaphore, #tpu.memory_space<semaphore_mem>>
      %dma_start3A = arith.constant 0 : i32
      %dma_start3A_35 = arith.constant 0 : i32
      %dma_start3A_36 = tpu.memref_slice %arg11[%dma_start3A, %dma_start3A_35] : memref<400x64xf32, #tpu.memory_space<vmem>> -> memref<128x64xf32, #tpu.memory_space<vmem>>
      %dma_start3A_37 = arith.constant 0 : i32
      %dma_start3A_38 = tpu.memref_slice %arg12[%add3A_15, %dma_start3A_37] : memref<10240x64xf32, #tpu.memory_space<vmem_shared>> -> memref<128x64xf32, #tpu.memory_space<vmem_shared>>
      %dma_start3A_39 = arith.constant 0 : i32
      %dma_start3A_40 = tpu.memref_slice %arg12[%add3A_15, %dma_start3A_39] : memref<10240x64xf32, #tpu.memory_space<vmem_shared>> -> memref<128x64xf32, #tpu.memory_space<vmem_shared>>
      %dma_start3A_41 = arith.constant 0 : i32
      %dma_start3A_42 = arith.constant 0 : i32
      %dma_start3A_43 = tpu.memref_slice %arg11[%dma_start3A_41, %dma_start3A_42] : memref<400x64xf32, #tpu.memory_space<vmem>> -> memref<128x64xf32, #tpu.memory_space<vmem>>
      tpu.enqueue_dma source(%dma_start3A_43 : memref<128x64xf32, #tpu.memory_space<vmem>>) target(%dma_start3A_40 : memref<128x64xf32, #tpu.memory_space<vmem_shared>>) target_semaphore(%run_scoped3A : memref<!tpu.dma_semaphore, #tpu.memory_space<semaphore_mem>>)
      %dma_wait3A = arith.constant 0 : i32
      %dma_wait3A_44 = arith.constant 0 : i32
      %dma_wait3A_45 = tpu.memref_slice %arg11[%dma_wait3A, %dma_wait3A_44] : memref<400x64xf32, #tpu.memory_space<vmem>> -> memref<128x64xf32, #tpu.memory_space<vmem>>
      %dma_wait3A_46 = arith.constant 0 : i32
      %dma_wait3A_47 = tpu.memref_slice %arg12[%add3A_15, %dma_wait3A_46] : memref<10240x64xf32, #tpu.memory_space<vmem_shared>> -> memref<128x64xf32, #tpu.memory_space<vmem_shared>>
      %dma_wait3A_48 = arith.constant 0 : i32
      %dma_wait3A_49 = tpu.memref_slice %arg12[%add3A_15, %dma_wait3A_48] : memref<10240x64xf32, #tpu.memory_space<vmem_shared>> -> memref<128x64xf32, #tpu.memory_space<vmem_shared>>
      %dma_wait3A_50 = arith.constant 0 : i32
      %dma_wait3A_51 = arith.constant 0 : i32
      %dma_wait3A_52 = tpu.memref_slice %arg11[%dma_wait3A_50, %dma_wait3A_51] : memref<400x64xf32, #tpu.memory_space<vmem>> -> memref<128x64xf32, #tpu.memory_space<vmem>>
      tpu.wait_dma2 semaphore(%run_scoped3A : memref<!tpu.dma_semaphore, #tpu.memory_space<semaphore_mem>>) src(%dma_wait3A_52 : memref<128x64xf32, #tpu.memory_space<vmem>>) dst(%dma_wait3A_49 : memref<128x64xf32, #tpu.memory_space<vmem_shared>>)
      tpu.yield
    }) : () -> ()
    %add3A_16 = arith.constant 384 : i32
    %add3A_17 = arith.addi %mul3A_9, %add3A_16 : i32
    "tpu.region"() ({
      %run_scoped3A = tpu.sem_alloc : memref<!tpu.dma_semaphore, #tpu.memory_space<semaphore_mem>>
      %dma_start3A = arith.constant 0 : i32
      %dma_start3A_35 = arith.constant 0 : i32
      %dma_start3A_36 = tpu.memref_slice %arg11[%dma_start3A, %dma_start3A_35] : memref<400x64xf32, #tpu.memory_space<vmem>> -> memref<128x64xf32, #tpu.memory_space<vmem>>
      %dma_start3A_37 = arith.constant 0 : i32
      %dma_start3A_38 = tpu.memref_slice %arg12[%add3A_17, %dma_start3A_37] : memref<10240x64xf32, #tpu.memory_space<vmem_shared>> -> memref<128x64xf32, #tpu.memory_space<vmem_shared>>
      %dma_start3A_39 = arith.constant 0 : i32
      %dma_start3A_40 = tpu.memref_slice %arg12[%add3A_17, %dma_start3A_39] : memref<10240x64xf32, #tpu.memory_space<vmem_shared>> -> memref<128x64xf32, #tpu.memory_space<vmem_shared>>
      %dma_start3A_41 = arith.constant 0 : i32
      %dma_start3A_42 = arith.constant 0 : i32
      %dma_start3A_43 = tpu.memref_slice %arg11[%dma_start3A_41, %dma_start3A_42] : memref<400x64xf32, #tpu.memory_space<vmem>> -> memref<128x64xf32, #tpu.memory_space<vmem>>
      tpu.enqueue_dma source(%dma_start3A_43 : memref<128x64xf32, #tpu.memory_space<vmem>>) target(%dma_start3A_40 : memref<128x64xf32, #tpu.memory_space<vmem_shared>>) target_semaphore(%run_scoped3A : memref<!tpu.dma_semaphore, #tpu.memory_space<semaphore_mem>>)
      %dma_wait3A = arith.constant 0 : i32
      %dma_wait3A_44 = arith.constant 0 : i32
      %dma_wait3A_45 = tpu.memref_slice %arg11[%dma_wait3A, %dma_wait3A_44] : memref<400x64xf32, #tpu.memory_space<vmem>> -> memref<128x64xf32, #tpu.memory_space<vmem>>
      %dma_wait3A_46 = arith.constant 0 : i32
      %dma_wait3A_47 = tpu.memref_slice %arg12[%add3A_17, %dma_wait3A_46] : memref<10240x64xf32, #tpu.memory_space<vmem_shared>> -> memref<128x64xf32, #tpu.memory_space<vmem_shared>>
      %dma_wait3A_48 = arith.constant 0 : i32
      %dma_wait3A_49 = tpu.memref_slice %arg12[%add3A_17, %dma_wait3A_48] : memref<10240x64xf32, #tpu.memory_space<vmem_shared>> -> memref<128x64xf32, #tpu.memory_space<vmem_shared>>
      %dma_wait3A_50 = arith.constant 0 : i32
      %dma_wait3A_51 = arith.constant 0 : i32
      %dma_wait3A_52 = tpu.memref_slice %arg11[%dma_wait3A_50, %dma_wait3A_51] : memref<400x64xf32, #tpu.memory_space<vmem>> -> memref<128x64xf32, #tpu.memory_space<vmem>>
      tpu.wait_dma2 semaphore(%run_scoped3A : memref<!tpu.dma_semaphore, #tpu.memory_space<semaphore_mem>>) src(%dma_wait3A_52 : memref<128x64xf32, #tpu.memory_space<vmem>>) dst(%dma_wait3A_49 : memref<128x64xf32, #tpu.memory_space<vmem_shared>>)
      tpu.yield
    }) : () -> ()
    %add3A_18 = arith.constant 512 : i32
    %add3A_19 = arith.addi %mul3A_9, %add3A_18 : i32
    "tpu.region"() ({
      %run_scoped3A = tpu.sem_alloc : memref<!tpu.dma_semaphore, #tpu.memory_space<semaphore_mem>>
      %dma_start3A = arith.constant 0 : i32
      %dma_start3A_35 = arith.constant 0 : i32
      %dma_start3A_36 = tpu.memref_slice %arg11[%dma_start3A, %dma_start3A_35] : memref<400x64xf32, #tpu.memory_space<vmem>> -> memref<128x64xf32, #tpu.memory_space<vmem>>
      %dma_start3A_37 = arith.constant 0 : i32
      %dma_start3A_38 = tpu.memref_slice %arg12[%add3A_19, %dma_start3A_37] : memref<10240x64xf32, #tpu.memory_space<vmem_shared>> -> memref<128x64xf32, #tpu.memory_space<vmem_shared>>
      %dma_start3A_39 = arith.constant 0 : i32
      %dma_start3A_40 = tpu.memref_slice %arg12[%add3A_19, %dma_start3A_39] : memref<10240x64xf32, #tpu.memory_space<vmem_shared>> -> memref<128x64xf32, #tpu.memory_space<vmem_shared>>
      %dma_start3A_41 = arith.constant 0 : i32
      %dma_start3A_42 = arith.constant 0 : i32
      %dma_start3A_43 = tpu.memref_slice %arg11[%dma_start3A_41, %dma_start3A_42] : memref<400x64xf32, #tpu.memory_space<vmem>> -> memref<128x64xf32, #tpu.memory_space<vmem>>
      tpu.enqueue_dma source(%dma_start3A_43 : memref<128x64xf32, #tpu.memory_space<vmem>>) target(%dma_start3A_40 : memref<128x64xf32, #tpu.memory_space<vmem_shared>>) target_semaphore(%run_scoped3A : memref<!tpu.dma_semaphore, #tpu.memory_space<semaphore_mem>>)
      %dma_wait3A = arith.constant 0 : i32
      %dma_wait3A_44 = arith.constant 0 : i32
      %dma_wait3A_45 = tpu.memref_slice %arg11[%dma_wait3A, %dma_wait3A_44] : memref<400x64xf32, #tpu.memory_space<vmem>> -> memref<128x64xf32, #tpu.memory_space<vmem>>
      %dma_wait3A_46 = arith.constant 0 : i32
      %dma_wait3A_47 = tpu.memref_slice %arg12[%add3A_19, %dma_wait3A_46] : memref<10240x64xf32, #tpu.memory_space<vmem_shared>> -> memref<128x64xf32, #tpu.memory_space<vmem_shared>>
      %dma_wait3A_48 = arith.constant 0 : i32
      %dma_wait3A_49 = tpu.memref_slice %arg12[%add3A_19, %dma_wait3A_48] : memref<10240x64xf32, #tpu.memory_space<vmem_shared>> -> memref<128x64xf32, #tpu.memory_space<vmem_shared>>
      %dma_wait3A_50 = arith.constant 0 : i32
      %dma_wait3A_51 = arith.constant 0 : i32
      %dma_wait3A_52 = tpu.memref_slice %arg11[%dma_wait3A_50, %dma_wait3A_51] : memref<400x64xf32, #tpu.memory_space<vmem>> -> memref<128x64xf32, #tpu.memory_space<vmem>>
      tpu.wait_dma2 semaphore(%run_scoped3A : memref<!tpu.dma_semaphore, #tpu.memory_space<semaphore_mem>>) src(%dma_wait3A_52 : memref<128x64xf32, #tpu.memory_space<vmem>>) dst(%dma_wait3A_49 : memref<128x64xf32, #tpu.memory_space<vmem_shared>>)
      tpu.yield
    }) : () -> ()
    %barrier3A = arith.constant 0 : index
    tpu.barrier barrier_id(%barrier3A)
    %scan3A_20 = arith.constant 0 : i32
    %scan3A_21 = arith.constant 0 : i32
    %scan3A_22 = arith.constant 25 : i32
    %scan3A_23 = arith.addi %scan3A_21, %scan3A_22 : i32
    %scan3A_24 = arith.constant 1 : i32
    %scan3A_25 = scf.for %scan3A_35 = %scan3A_21 to %scan3A_23 step %scan3A_24 iter_args(%scan3A_36 = %scan3A_20) -> (i32)  : i32 {
      %mul3A_37 = arith.constant 10000 : i32
      %mul3A_38 = arith.muli %add3A, %mul3A_37 : i32
      %mul3A_39 = arith.constant 400 : i32
      %mul3A_40 = arith.muli %scan3A_35, %mul3A_39 : i32
      %add3A_41 = arith.addi %mul3A_38, %mul3A_40 : i32
      "tpu.region"() ({
        %run_scoped3A = tpu.sem_alloc : memref<!tpu.dma_semaphore, #tpu.memory_space<semaphore_mem>>
        %dma_start3A_54 = tpu.memref_slice %arg3[%add3A_41] : memref<320000xi32, #tpu.memory_space<hbm>> -> memref<400xi32, #tpu.memory_space<hbm>>
        %dma_start3A_55 = tpu.memref_slice %arg3[%add3A_41] : memref<320000xi32, #tpu.memory_space<hbm>> -> memref<400xi32, #tpu.memory_space<hbm>>
        tpu.enqueue_dma source(%dma_start3A_55 : memref<400xi32, #tpu.memory_space<hbm>>) target(%arg8 : memref<400xi32, #tpu.memory_space<vmem>>) target_semaphore(%run_scoped3A : memref<!tpu.dma_semaphore, #tpu.memory_space<semaphore_mem>>)
        %dma_wait3A_56 = tpu.memref_slice %arg3[%add3A_41] : memref<320000xi32, #tpu.memory_space<hbm>> -> memref<400xi32, #tpu.memory_space<hbm>>
        %dma_wait3A_57 = tpu.memref_slice %arg3[%add3A_41] : memref<320000xi32, #tpu.memory_space<hbm>> -> memref<400xi32, #tpu.memory_space<hbm>>
        tpu.wait_dma2 semaphore(%run_scoped3A : memref<!tpu.dma_semaphore, #tpu.memory_space<semaphore_mem>>) src(%dma_wait3A_57 : memref<400xi32, #tpu.memory_space<hbm>>) dst(%arg8 : memref<400xi32, #tpu.memory_space<vmem>>)
        tpu.yield
      }) : () -> ()
      "tpu.region"() ({
        %run_scoped3A = tpu.sem_alloc : memref<!tpu.dma_semaphore, #tpu.memory_space<semaphore_mem>>
        %dma_start3A_54 = tpu.memref_slice %arg4[%add3A_41] : memref<320000xi32, #tpu.memory_space<hbm>> -> memref<400xi32, #tpu.memory_space<hbm>>
        %dma_start3A_55 = tpu.memref_slice %arg4[%add3A_41] : memref<320000xi32, #tpu.memory_space<hbm>> -> memref<400xi32, #tpu.memory_space<hbm>>
        tpu.enqueue_dma source(%dma_start3A_55 : memref<400xi32, #tpu.memory_space<hbm>>) target(%arg9 : memref<400xi32, #tpu.memory_space<vmem>>) target_semaphore(%run_scoped3A : memref<!tpu.dma_semaphore, #tpu.memory_space<semaphore_mem>>)
        %dma_wait3A_56 = tpu.memref_slice %arg4[%add3A_41] : memref<320000xi32, #tpu.memory_space<hbm>> -> memref<400xi32, #tpu.memory_space<hbm>>
        %dma_wait3A_57 = tpu.memref_slice %arg4[%add3A_41] : memref<320000xi32, #tpu.memory_space<hbm>> -> memref<400xi32, #tpu.memory_space<hbm>>
        tpu.wait_dma2 semaphore(%run_scoped3A : memref<!tpu.dma_semaphore, #tpu.memory_space<semaphore_mem>>) src(%dma_wait3A_57 : memref<400xi32, #tpu.memory_space<hbm>>) dst(%arg9 : memref<400xi32, #tpu.memory_space<vmem>>)
        tpu.yield
      }) : () -> ()
      "tpu.region"() ({
        %run_scoped3A = tpu.sem_alloc : memref<!tpu.dma_semaphore, #tpu.memory_space<semaphore_mem>>
        %dma_start3A_54 = tpu.memref_slice %arg5[%add3A_41] : memref<320000xf32, #tpu.memory_space<hbm>> -> memref<400xf32, #tpu.memory_space<hbm>>
        %dma_start3A_55 = tpu.memref_slice %arg5[%add3A_41] : memref<320000xf32, #tpu.memory_space<hbm>> -> memref<400xf32, #tpu.memory_space<hbm>>
        tpu.enqueue_dma source(%dma_start3A_55 : memref<400xf32, #tpu.memory_space<hbm>>) target(%arg10 : memref<400xf32, #tpu.memory_space<vmem>>) target_semaphore(%run_scoped3A : memref<!tpu.dma_semaphore, #tpu.memory_space<semaphore_mem>>)
        %dma_wait3A_56 = tpu.memref_slice %arg5[%add3A_41] : memref<320000xf32, #tpu.memory_space<hbm>> -> memref<400xf32, #tpu.memory_space<hbm>>
        %dma_wait3A_57 = tpu.memref_slice %arg5[%add3A_41] : memref<320000xf32, #tpu.memory_space<hbm>> -> memref<400xf32, #tpu.memory_space<hbm>>
        tpu.wait_dma2 semaphore(%run_scoped3A : memref<!tpu.dma_semaphore, #tpu.memory_space<semaphore_mem>>) src(%dma_wait3A_57 : memref<400xf32, #tpu.memory_space<hbm>>) dst(%arg10 : memref<400xf32, #tpu.memory_space<vmem>>)
        tpu.yield
      }) : () -> ()
      %dma_start3A = arith.constant 0 : i32
      %dma_start3A_42 = arith.constant 0 : i32
      %dma_start3A_43 = tpu.memref_slice %arg2[%dma_start3A, %dma_start3A_42] : memref<10000x64xf32, #tpu.memory_space<hbm>> -> memref<10000x64xf32, #tpu.memory_space<hbm>>
      tpu.enqueue_indirect_dma source(%dma_start3A_43 : memref<10000x64xf32, #tpu.memory_space<hbm>>) target(%arg11 : memref<400x64xf32, #tpu.memory_space<vmem>>) offsets(%arg8 : memref<400xi32, #tpu.memory_space<vmem>>) semaphore(%arg13 : memref<!tpu.dma_semaphore, #tpu.memory_space<semaphore_mem>>)
      %dma_wait3A = arith.constant 0 : i32
      %dma_wait3A_44 = arith.constant 0 : i32
      %dma_wait3A_45 = tpu.memref_slice %arg2[%dma_wait3A, %dma_wait3A_44] : memref<10000x64xf32, #tpu.memory_space<hbm>> -> memref<10000x64xf32, #tpu.memory_space<hbm>>
      tpu.wait_indirect_dma semaphore(%arg13 : memref<!tpu.dma_semaphore, #tpu.memory_space<semaphore_mem>>) src(%dma_wait3A_45 : memref<10000x64xf32, #tpu.memory_space<hbm>>) dst(%arg11 : memref<400x64xf32, #tpu.memory_space<vmem>>)
      %scan3A_46 = arith.constant 0 : i32
      %scan3A_47 = arith.constant 0 : i32
      %scan3A_48 = arith.constant 400 : i32
      %scan3A_49 = arith.addi %scan3A_47, %scan3A_48 : i32
      %scan3A_50 = arith.constant 1 : i32
      %scan3A_51 = scf.for %scan3A_54 = %scan3A_47 to %scan3A_49 step %scan3A_50 iter_args(%scan3A_55 = %scan3A_46) -> (i32)  : i32 {
        %broadcast_in_dim3A_56 = vector.broadcast %scan3A_54 : i32 to vector<16xi32>
        %gather3A = tpu.vector_load_idx %arg10[%broadcast_in_dim3A_56] : memref<400xf32, #tpu.memory_space<vmem>>[vector<16xi32>], vector<16xf32>,
        %get3A = arith.index_cast %scan3A_54 : i32 to index
        %get3A_57 = arith.constant 0 : index
        %get3A_58 = tpu.vector_load %arg11[%get3A, %get3A_57] {strides = array<i32>} : memref<400x64xf32, #tpu.memory_space<vmem>>, vector<16xf32>,
        %mul3A_59 = arith.mulf %get3A_58, %gather3A : vector<16xf32>
        %swap3A = arith.index_cast %scan3A_54 : i32 to index
        %swap3A_60 = arith.constant 0 : index
        %swap3A_61 = tpu.vector_load %arg11[%swap3A, %swap3A_60] {strides = array<i32>} : memref<400x64xf32, #tpu.memory_space<vmem>>, vector<16xf32>,
        tpu.vector_store %arg11[%swap3A, %swap3A_60], %mul3A_59 {strides = array<i32>} : memref<400x64xf32, #tpu.memory_space<vmem>>, vector<16xf32>,
        %get3A_62 = arith.index_cast %scan3A_54 : i32 to index
        %get3A_63 = arith.constant 16 : index
        %get3A_64 = tpu.vector_load %arg11[%get3A_62, %get3A_63] {strides = array<i32>} : memref<400x64xf32, #tpu.memory_space<vmem>>, vector<16xf32>,
        %mul3A_65 = arith.mulf %get3A_64, %gather3A : vector<16xf32>
        %swap3A_66 = arith.index_cast %scan3A_54 : i32 to index
        %swap3A_67 = arith.constant 16 : index
        %swap3A_68 = tpu.vector_load %arg11[%swap3A_66, %swap3A_67] {strides = array<i32>} : memref<400x64xf32, #tpu.memory_space<vmem>>, vector<16xf32>,
        tpu.vector_store %arg11[%swap3A_66, %swap3A_67], %mul3A_65 {strides = array<i32>} : memref<400x64xf32, #tpu.memory_space<vmem>>, vector<16xf32>,
        %get3A_69 = arith.index_cast %scan3A_54 : i32 to index
        %get3A_70 = arith.constant 32 : index
        %get3A_71 = tpu.vector_load %arg11[%get3A_69, %get3A_70] {strides = array<i32>} : memref<400x64xf32, #tpu.memory_space<vmem>>, vector<16xf32>,
        %mul3A_72 = arith.mulf %get3A_71, %gather3A : vector<16xf32>
        %swap3A_73 = arith.index_cast %scan3A_54 : i32 to index
        %swap3A_74 = arith.constant 32 : index
        %swap3A_75 = tpu.vector_load %arg11[%swap3A_73, %swap3A_74] {strides = array<i32>} : memref<400x64xf32, #tpu.memory_space<vmem>>, vector<16xf32>,
        tpu.vector_store %arg11[%swap3A_73, %swap3A_74], %mul3A_72 {strides = array<i32>} : memref<400x64xf32, #tpu.memory_space<vmem>>, vector<16xf32>,
        %get3A_76 = arith.index_cast %scan3A_54 : i32 to index
        %get3A_77 = arith.constant 48 : index
        %get3A_78 = tpu.vector_load %arg11[%get3A_76, %get3A_77] {strides = array<i32>} : memref<400x64xf32, #tpu.memory_space<vmem>>, vector<16xf32>,
        %mul3A_79 = arith.mulf %get3A_78, %gather3A : vector<16xf32>
        %swap3A_80 = arith.index_cast %scan3A_54 : i32 to index
        %swap3A_81 = arith.constant 48 : index
        %swap3A_82 = tpu.vector_load %arg11[%swap3A_80, %swap3A_81] {strides = array<i32>} : memref<400x64xf32, #tpu.memory_space<vmem>>, vector<16xf32>,
        tpu.vector_store %arg11[%swap3A_80, %swap3A_81], %mul3A_79 {strides = array<i32>} : memref<400x64xf32, #tpu.memory_space<vmem>>, vector<16xf32>,
        %scan3A_83 = arith.constant 0 : i32
        scf.yield %scan3A_83 : i32
      }
      %scan3A_52 = arith.constant 400 : i32
      "tpu.region"() ({
        %run_scoped3A = tpu.sem_alloc : memref<!tpu.dma_semaphore, #tpu.memory_space<semaphore_mem>>
        %dma_start3A_54 = arith.constant 0 : i32
        %dma_start3A_55 = arith.constant 0 : i32
        %dma_start3A_56 = tpu.memref_slice %arg12[%dma_start3A_54, %dma_start3A_55] : memref<10240x64xf32, #tpu.memory_space<vmem_shared>> -> memref<10240x64xf32, #tpu.memory_space<vmem_shared>>
        tpu.enqueue_indirect_dma source(%arg11 : memref<400x64xf32, #tpu.memory_space<vmem>>) target(%dma_start3A_56 : memref<10240x64xf32, #tpu.memory_space<vmem_shared>>) offsets(%arg9 : memref<400xi32, #tpu.memory_space<vmem>>) semaphore(%run_scoped3A : memref<!tpu.dma_semaphore, #tpu.memory_space<semaphore_mem>>) {add = true}
        %dma_wait3A_57 = arith.constant 0 : i32
        %dma_wait3A_58 = arith.constant 0 : i32
        %dma_wait3A_59 = tpu.memref_slice %arg12[%dma_wait3A_57, %dma_wait3A_58] : memref<10240x64xf32, #tpu.memory_space<vmem_shared>> -> memref<10240x64xf32, #tpu.memory_space<vmem_shared>>
        tpu.wait_indirect_dma semaphore(%run_scoped3A : memref<!tpu.dma_semaphore, #tpu.memory_space<semaphore_mem>>) src(%arg11 : memref<400x64xf32, #tpu.memory_space<vmem>>) dst(%dma_wait3A_59 : memref<10240x64xf32, #tpu.memory_space<vmem_shared>>)
        tpu.yield
      }) : () -> ()
      %scan3A_53 = arith.constant 0 : i32
      scf.yield %scan3A_53 : i32
    }
    %scan3A_26 = arith.constant 25 : i32
    %barrier3A_27 = arith.constant 0 : index
    tpu.barrier barrier_id(%barrier3A_27)
    %eq3A = arith.constant 0 : i32
    %eq3A_28 = arith.cmpi eq, %arg0, %eq3A : i32
    %convert_element_type3A = arith.extui %eq3A_28 : i1 to i32
    %cond3A = arith.constant 0 : i32
    %cond3A_29 = arith.cmpi ne, %convert_element_type3A, %cond3A : i32
    scf.if %cond3A_29 {
      "tpu.region"() ({
        %run_scoped3A = tpu.sem_alloc : memref<!tpu.dma_semaphore, #tpu.memory_space<semaphore_mem>>
        %dma_start3A = arith.constant 0 : i32
        %dma_start3A_35 = tpu.memref_slice %arg6[%mul3A_9, %dma_start3A] : memref<10240x64xf32, #tpu.memory_space<hbm>> -> memref<640x64xf32, #tpu.memory_space<hbm>>
        %dma_start3A_36 = arith.constant 0 : i32
        %dma_start3A_37 = tpu.memref_slice %arg12[%mul3A_9, %dma_start3A_36] : memref<10240x64xf32, #tpu.memory_space<vmem_shared>> -> memref<640x64xf32, #tpu.memory_space<vmem_shared>>
        tpu.enqueue_dma source(%dma_start3A_37 : memref<640x64xf32, #tpu.memory_space<vmem_shared>>) target(%dma_start3A_35 : memref<640x64xf32, #tpu.memory_space<hbm>>) target_semaphore(%run_scoped3A : memref<!tpu.dma_semaphore, #tpu.memory_space<semaphore_mem>>)
        %dma_wait3A = arith.constant 0 : i32
        %dma_wait3A_38 = tpu.memref_slice %arg6[%mul3A_9, %dma_wait3A] : memref<10240x64xf32, #tpu.memory_space<hbm>> -> memref<640x64xf32, #tpu.memory_space<hbm>>
        %dma_wait3A_39 = arith.constant 0 : i32
        %dma_wait3A_40 = tpu.memref_slice %arg12[%mul3A_9, %dma_wait3A_39] : memref<10240x64xf32, #tpu.memory_space<vmem_shared>> -> memref<640x64xf32, #tpu.memory_space<vmem_shared>>
        tpu.wait_dma2 semaphore(%run_scoped3A : memref<!tpu.dma_semaphore, #tpu.memory_space<semaphore_mem>>) src(%dma_wait3A_40 : memref<640x64xf32, #tpu.memory_space<vmem_shared>>) dst(%dma_wait3A_38 : memref<640x64xf32, #tpu.memory_space<hbm>>)
        tpu.yield
      }) : () -> ()
    } else {
    }
    %eq3A_30 = arith.constant 1 : i32
    %eq3A_31 = arith.cmpi eq, %arg0, %eq3A_30 : i32
    %convert_element_type3A_32 = arith.extui %eq3A_31 : i1 to i32
    %cond3A_33 = arith.constant 0 : i32
    %cond3A_34 = arith.cmpi ne, %convert_element_type3A_32, %cond3A_33 : i32
    scf.if %cond3A_34 {
      "tpu.region"() ({
        %run_scoped3A = tpu.sem_alloc : memref<!tpu.dma_semaphore, #tpu.memory_space<semaphore_mem>>
        %dma_start3A = arith.constant 0 : i32
        %dma_start3A_35 = tpu.memref_slice %arg7[%mul3A_9, %dma_start3A] : memref<10240x64xf32, #tpu.memory_space<hbm>> -> memref<640x64xf32, #tpu.memory_space<hbm>>
        %dma_start3A_36 = arith.constant 0 : i32
        %dma_start3A_37 = tpu.memref_slice %arg12[%mul3A_9, %dma_start3A_36] : memref<10240x64xf32, #tpu.memory_space<vmem_shared>> -> memref<640x64xf32, #tpu.memory_space<vmem_shared>>
        tpu.enqueue_dma source(%dma_start3A_37 : memref<640x64xf32, #tpu.memory_space<vmem_shared>>) target(%dma_start3A_35 : memref<640x64xf32, #tpu.memory_space<hbm>>) target_semaphore(%run_scoped3A : memref<!tpu.dma_semaphore, #tpu.memory_space<semaphore_mem>>)
        %dma_wait3A = arith.constant 0 : i32
        %dma_wait3A_38 = tpu.memref_slice %arg7[%mul3A_9, %dma_wait3A] : memref<10240x64xf32, #tpu.memory_space<hbm>> -> memref<640x64xf32, #tpu.memory_space<hbm>>
        %dma_wait3A_39 = arith.constant 0 : i32
        %dma_wait3A_40 = tpu.memref_slice %arg12[%mul3A_9, %dma_wait3A_39] : memref<10240x64xf32, #tpu.memory_space<vmem_shared>> -> memref<640x64xf32, #tpu.memory_space<vmem_shared>>
        tpu.wait_dma2 semaphore(%run_scoped3A : memref<!tpu.dma_semaphore, #tpu.memory_space<semaphore_mem>>) src(%dma_wait3A_40 : memref<640x64xf32, #tpu.memory_space<vmem_shared>>) dst(%dma_wait3A_38 : memref<640x64xf32, #tpu.memory_space<hbm>>)
        tpu.yield
      }) : () -> ()
    } else {
    }
    return
  }
}

#map = affine_map<(d0, d1) -> (0)>
module attributes {stable_mosaic.version = 14 : i64} {
  func.func @_deg_kernel(%arg0: i32, %arg1: i32, %arg2: memref<320000xi32, #tpu.memory_space<hbm>>, %arg3: memref<320000xf32, #tpu.memory_space<hbm>>, %arg4: memref<320000xf32, #tpu.memory_space<hbm>>, %arg5: memref<320000xf32, #tpu.memory_space<hbm>>, %arg6: memref<320000xf32, #tpu.memory_space<hbm>>, %arg7: memref<10240xf32, #tpu.memory_space<hbm>>, %arg8: memref<10240xf32, #tpu.memory_space<hbm>>, %arg9: memref<10240xf32, #tpu.memory_space<hbm>>, %arg10: memref<10240xf32, #tpu.memory_space<hbm>>, %arg11: memref<10240xf32, #tpu.memory_space<hbm>>, %arg12: memref<10240xf32, #tpu.memory_space<hbm>>, %arg13: memref<10240xf32, #tpu.memory_space<hbm>>, %arg14: memref<10240xf32, #tpu.memory_space<hbm>>, %arg15: memref<1000xi32, #tpu.memory_space<vmem>>, %arg16: memref<1000xf32, #tpu.memory_space<vmem>>, %arg17: memref<640xf32, #tpu.memory_space<vmem>>, %arg18: memref<10240xf32, #tpu.memory_space<vmem_shared>>, %arg19: memref<10240xf32, #tpu.memory_space<vmem_shared>>, %arg20: memref<10240xf32, #tpu.memory_space<vmem_shared>>, %arg21: memref<10240xf32, #tpu.memory_space<vmem_shared>>) attributes {dimension_semantics = [#tpu.dimension_semantics<core_parallel>, #tpu.dimension_semantics<subcore_parallel>], iteration_bounds = array<i64: 2, 16>, scalar_prefetch = 0 : i64, scratch_operands = 7 : i64, tpu.core_type = #tpu.core_type<sc_vector_subcore>, window_params = [{transform_indices = #map}, {transform_indices = #map}, {transform_indices = #map}, {transform_indices = #map}, {transform_indices = #map}, {transform_indices = #map}, {transform_indices = #map}, {transform_indices = #map}, {transform_indices = #map}, {transform_indices = #map}, {transform_indices = #map}, {transform_indices = #map}, {transform_indices = #map}]} {
    %mul3A = arith.constant 16 : i32
    %mul3A_0 = arith.muli %arg0, %mul3A : i32
    %add3A = arith.addi %mul3A_0, %arg1 : i32
    %broadcast_in_dim3A = arith.constant 0.000000e+00 : f32
    %broadcast_in_dim3A_1 = vector.broadcast %broadcast_in_dim3A : f32 to vector<16xf32>
    %scan3A = arith.constant 0 : i32
    %scan3A_2 = arith.constant 0 : i32
    %scan3A_3 = arith.constant 40 : i32
    %scan3A_4 = arith.addi %scan3A_2, %scan3A_3 : i32
    %scan3A_5 = arith.constant 1 : i32
    %scan3A_6 = scf.for %scan3A_25 = %scan3A_2 to %scan3A_4 step %scan3A_5 iter_args(%scan3A_26 = %scan3A) -> (i32)  : i32 {
      %mul3A_27 = arith.constant 16 : i32
      %mul3A_28 = arith.muli %scan3A_25, %mul3A_27 : i32
      %swap3A = arith.index_cast %mul3A_28 : i32 to index
      %swap3A_29 = tpu.vector_load %arg17[%swap3A] {strides = array<i32>} : memref<640xf32, #tpu.memory_space<vmem>>, vector<16xf32>,
      tpu.vector_store %arg17[%swap3A], %broadcast_in_dim3A_1 {strides = array<i32>} : memref<640xf32, #tpu.memory_space<vmem>>, vector<16xf32>,
      %scan3A_30 = arith.constant 0 : i32
      scf.yield %scan3A_30 : i32
    }
    %scan3A_7 = arith.constant 40 : i32
    %mul3A_8 = arith.constant 640 : i32
    %mul3A_9 = arith.muli %arg1, %mul3A_8 : i32
    "tpu.region"() ({
      %run_scoped3A = tpu.sem_alloc : memref<!tpu.dma_semaphore, #tpu.memory_space<semaphore_mem>>
      %dma_start3A = tpu.memref_slice %arg18[%mul3A_9] : memref<10240xf32, #tpu.memory_space<vmem_shared>> -> memref<640xf32, #tpu.memory_space<vmem_shared>>
      %dma_start3A_25 = tpu.memref_slice %arg18[%mul3A_9] : memref<10240xf32, #tpu.memory_space<vmem_shared>> -> memref<640xf32, #tpu.memory_space<vmem_shared>>
      tpu.enqueue_dma source(%arg17 : memref<640xf32, #tpu.memory_space<vmem>>) target(%dma_start3A_25 : memref<640xf32, #tpu.memory_space<vmem_shared>>) target_semaphore(%run_scoped3A : memref<!tpu.dma_semaphore, #tpu.memory_space<semaphore_mem>>)
      %dma_wait3A = tpu.memref_slice %arg18[%mul3A_9] : memref<10240xf32, #tpu.memory_space<vmem_shared>> -> memref<640xf32, #tpu.memory_space<vmem_shared>>
      %dma_wait3A_26 = tpu.memref_slice %arg18[%mul3A_9] : memref<10240xf32, #tpu.memory_space<vmem_shared>> -> memref<640xf32, #tpu.memory_space<vmem_shared>>
      tpu.wait_dma2 semaphore(%run_scoped3A : memref<!tpu.dma_semaphore, #tpu.memory_space<semaphore_mem>>) src(%arg17 : memref<640xf32, #tpu.memory_space<vmem>>) dst(%dma_wait3A_26 : memref<640xf32, #tpu.memory_space<vmem_shared>>)
      tpu.yield
    }) : () -> ()
    "tpu.region"() ({
      %run_scoped3A = tpu.sem_alloc : memref<!tpu.dma_semaphore, #tpu.memory_space<semaphore_mem>>
      %dma_start3A = tpu.memref_slice %arg19[%mul3A_9] : memref<10240xf32, #tpu.memory_space<vmem_shared>> -> memref<640xf32, #tpu.memory_space<vmem_shared>>
      %dma_start3A_25 = tpu.memref_slice %arg19[%mul3A_9] : memref<10240xf32, #tpu.memory_space<vmem_shared>> -> memref<640xf32, #tpu.memory_space<vmem_shared>>
      tpu.enqueue_dma source(%arg17 : memref<640xf32, #tpu.memory_space<vmem>>) target(%dma_start3A_25 : memref<640xf32, #tpu.memory_space<vmem_shared>>) target_semaphore(%run_scoped3A : memref<!tpu.dma_semaphore, #tpu.memory_space<semaphore_mem>>)
      %dma_wait3A = tpu.memref_slice %arg19[%mul3A_9] : memref<10240xf32, #tpu.memory_space<vmem_shared>> -> memref<640xf32, #tpu.memory_space<vmem_shared>>
      %dma_wait3A_26 = tpu.memref_slice %arg19[%mul3A_9] : memref<10240xf32, #tpu.memory_space<vmem_shared>> -> memref<640xf32, #tpu.memory_space<vmem_shared>>
      tpu.wait_dma2 semaphore(%run_scoped3A : memref<!tpu.dma_semaphore, #tpu.memory_space<semaphore_mem>>) src(%arg17 : memref<640xf32, #tpu.memory_space<vmem>>) dst(%dma_wait3A_26 : memref<640xf32, #tpu.memory_space<vmem_shared>>)
      tpu.yield
    }) : () -> ()
    "tpu.region"() ({
      %run_scoped3A = tpu.sem_alloc : memref<!tpu.dma_semaphore, #tpu.memory_space<semaphore_mem>>
      %dma_start3A = tpu.memref_slice %arg20[%mul3A_9] : memref<10240xf32, #tpu.memory_space<vmem_shared>> -> memref<640xf32, #tpu.memory_space<vmem_shared>>
      %dma_start3A_25 = tpu.memref_slice %arg20[%mul3A_9] : memref<10240xf32, #tpu.memory_space<vmem_shared>> -> memref<640xf32, #tpu.memory_space<vmem_shared>>
      tpu.enqueue_dma source(%arg17 : memref<640xf32, #tpu.memory_space<vmem>>) target(%dma_start3A_25 : memref<640xf32, #tpu.memory_space<vmem_shared>>) target_semaphore(%run_scoped3A : memref<!tpu.dma_semaphore, #tpu.memory_space<semaphore_mem>>)
      %dma_wait3A = tpu.memref_slice %arg20[%mul3A_9] : memref<10240xf32, #tpu.memory_space<vmem_shared>> -> memref<640xf32, #tpu.memory_space<vmem_shared>>
      %dma_wait3A_26 = tpu.memref_slice %arg20[%mul3A_9] : memref<10240xf32, #tpu.memory_space<vmem_shared>> -> memref<640xf32, #tpu.memory_space<vmem_shared>>
      tpu.wait_dma2 semaphore(%run_scoped3A : memref<!tpu.dma_semaphore, #tpu.memory_space<semaphore_mem>>) src(%arg17 : memref<640xf32, #tpu.memory_space<vmem>>) dst(%dma_wait3A_26 : memref<640xf32, #tpu.memory_space<vmem_shared>>)
      tpu.yield
    }) : () -> ()
    "tpu.region"() ({
      %run_scoped3A = tpu.sem_alloc : memref<!tpu.dma_semaphore, #tpu.memory_space<semaphore_mem>>
      %dma_start3A = tpu.memref_slice %arg21[%mul3A_9] : memref<10240xf32, #tpu.memory_space<vmem_shared>> -> memref<640xf32, #tpu.memory_space<vmem_shared>>
      %dma_start3A_25 = tpu.memref_slice %arg21[%mul3A_9] : memref<10240xf32, #tpu.memory_space<vmem_shared>> -> memref<640xf32, #tpu.memory_space<vmem_shared>>
      tpu.enqueue_dma source(%arg17 : memref<640xf32, #tpu.memory_space<vmem>>) target(%dma_start3A_25 : memref<640xf32, #tpu.memory_space<vmem_shared>>) target_semaphore(%run_scoped3A : memref<!tpu.dma_semaphore, #tpu.memory_space<semaphore_mem>>)
      %dma_wait3A = tpu.memref_slice %arg21[%mul3A_9] : memref<10240xf32, #tpu.memory_space<vmem_shared>> -> memref<640xf32, #tpu.memory_space<vmem_shared>>
      %dma_wait3A_26 = tpu.memref_slice %arg21[%mul3A_9] : memref<10240xf32, #tpu.memory_space<vmem_shared>> -> memref<640xf32, #tpu.memory_space<vmem_shared>>
      tpu.wait_dma2 semaphore(%run_scoped3A : memref<!tpu.dma_semaphore, #tpu.memory_space<semaphore_mem>>) src(%arg17 : memref<640xf32, #tpu.memory_space<vmem>>) dst(%dma_wait3A_26 : memref<640xf32, #tpu.memory_space<vmem_shared>>)
      tpu.yield
    }) : () -> ()
    %barrier3A = arith.constant 0 : index
    tpu.barrier barrier_id(%barrier3A)
    %scan3A_10 = arith.constant 0 : i32
    %scan3A_11 = arith.constant 0 : i32
    %scan3A_12 = arith.constant 10 : i32
    %scan3A_13 = arith.addi %scan3A_11, %scan3A_12 : i32
    %scan3A_14 = arith.constant 1 : i32
    %scan3A_15 = scf.for %scan3A_25 = %scan3A_11 to %scan3A_13 step %scan3A_14 iter_args(%scan3A_26 = %scan3A_10) -> (i32)  : i32 {
      %mul3A_27 = arith.constant 10000 : i32
      %mul3A_28 = arith.muli %add3A, %mul3A_27 : i32
      %mul3A_29 = arith.constant 1000 : i32
      %mul3A_30 = arith.muli %scan3A_25, %mul3A_29 : i32
      %add3A_31 = arith.addi %mul3A_28, %mul3A_30 : i32
      "tpu.region"() ({
        %run_scoped3A = tpu.sem_alloc : memref<!tpu.dma_semaphore, #tpu.memory_space<semaphore_mem>>
        %dma_start3A = tpu.memref_slice %arg2[%add3A_31] : memref<320000xi32, #tpu.memory_space<hbm>> -> memref<1000xi32, #tpu.memory_space<hbm>>
        %dma_start3A_33 = tpu.memref_slice %arg2[%add3A_31] : memref<320000xi32, #tpu.memory_space<hbm>> -> memref<1000xi32, #tpu.memory_space<hbm>>
        tpu.enqueue_dma source(%dma_start3A_33 : memref<1000xi32, #tpu.memory_space<hbm>>) target(%arg15 : memref<1000xi32, #tpu.memory_space<vmem>>) target_semaphore(%run_scoped3A : memref<!tpu.dma_semaphore, #tpu.memory_space<semaphore_mem>>)
        %dma_wait3A = tpu.memref_slice %arg2[%add3A_31] : memref<320000xi32, #tpu.memory_space<hbm>> -> memref<1000xi32, #tpu.memory_space<hbm>>
        %dma_wait3A_34 = tpu.memref_slice %arg2[%add3A_31] : memref<320000xi32, #tpu.memory_space<hbm>> -> memref<1000xi32, #tpu.memory_space<hbm>>
        tpu.wait_dma2 semaphore(%run_scoped3A : memref<!tpu.dma_semaphore, #tpu.memory_space<semaphore_mem>>) src(%dma_wait3A_34 : memref<1000xi32, #tpu.memory_space<hbm>>) dst(%arg15 : memref<1000xi32, #tpu.memory_space<vmem>>)
        tpu.yield
      }) : () -> ()
      "tpu.region"() ({
        %run_scoped3A = tpu.sem_alloc : memref<!tpu.dma_semaphore, #tpu.memory_space<semaphore_mem>>
        %dma_start3A = tpu.memref_slice %arg3[%add3A_31] : memref<320000xf32, #tpu.memory_space<hbm>> -> memref<1000xf32, #tpu.memory_space<hbm>>
        %dma_start3A_33 = tpu.memref_slice %arg3[%add3A_31] : memref<320000xf32, #tpu.memory_space<hbm>> -> memref<1000xf32, #tpu.memory_space<hbm>>
        tpu.enqueue_dma source(%dma_start3A_33 : memref<1000xf32, #tpu.memory_space<hbm>>) target(%arg16 : memref<1000xf32, #tpu.memory_space<vmem>>) target_semaphore(%run_scoped3A : memref<!tpu.dma_semaphore, #tpu.memory_space<semaphore_mem>>)
        %dma_wait3A = tpu.memref_slice %arg3[%add3A_31] : memref<320000xf32, #tpu.memory_space<hbm>> -> memref<1000xf32, #tpu.memory_space<hbm>>
        %dma_wait3A_34 = tpu.memref_slice %arg3[%add3A_31] : memref<320000xf32, #tpu.memory_space<hbm>> -> memref<1000xf32, #tpu.memory_space<hbm>>
        tpu.wait_dma2 semaphore(%run_scoped3A : memref<!tpu.dma_semaphore, #tpu.memory_space<semaphore_mem>>) src(%dma_wait3A_34 : memref<1000xf32, #tpu.memory_space<hbm>>) dst(%arg16 : memref<1000xf32, #tpu.memory_space<vmem>>)
        tpu.yield
      }) : () -> ()
      "tpu.region"() ({
        %run_scoped3A = tpu.sem_alloc : memref<!tpu.dma_semaphore, #tpu.memory_space<semaphore_mem>>
        %dma_start3A = arith.constant 0 : i32
        %dma_start3A_33 = tpu.memref_slice %arg18[%dma_start3A] : memref<10240xf32, #tpu.memory_space<vmem_shared>> -> memref<10240xf32, #tpu.memory_space<vmem_shared>>
        tpu.enqueue_indirect_dma source(%arg16 : memref<1000xf32, #tpu.memory_space<vmem>>) target(%dma_start3A_33 : memref<10240xf32, #tpu.memory_space<vmem_shared>>) offsets(%arg15 : memref<1000xi32, #tpu.memory_space<vmem>>) semaphore(%run_scoped3A : memref<!tpu.dma_semaphore, #tpu.memory_space<semaphore_mem>>) {add = true}
        %dma_wait3A = arith.constant 0 : i32
        %dma_wait3A_34 = tpu.memref_slice %arg18[%dma_wait3A] : memref<10240xf32, #tpu.memory_space<vmem_shared>> -> memref<10240xf32, #tpu.memory_space<vmem_shared>>
        tpu.wait_indirect_dma semaphore(%run_scoped3A : memref<!tpu.dma_semaphore, #tpu.memory_space<semaphore_mem>>) src(%arg16 : memref<1000xf32, #tpu.memory_space<vmem>>) dst(%dma_wait3A_34 : memref<10240xf32, #tpu.memory_space<vmem_shared>>)
        tpu.yield
      }) : () -> ()
      "tpu.region"() ({
        %run_scoped3A = tpu.sem_alloc : memref<!tpu.dma_semaphore, #tpu.memory_space<semaphore_mem>>
        %dma_start3A = tpu.memref_slice %arg4[%add3A_31] : memref<320000xf32, #tpu.memory_space<hbm>> -> memref<1000xf32, #tpu.memory_space<hbm>>
        %dma_start3A_33 = tpu.memref_slice %arg4[%add3A_31] : memref<320000xf32, #tpu.memory_space<hbm>> -> memref<1000xf32, #tpu.memory_space<hbm>>
        tpu.enqueue_dma source(%dma_start3A_33 : memref<1000xf32, #tpu.memory_space<hbm>>) target(%arg16 : memref<1000xf32, #tpu.memory_space<vmem>>) target_semaphore(%run_scoped3A : memref<!tpu.dma_semaphore, #tpu.memory_space<semaphore_mem>>)
        %dma_wait3A = tpu.memref_slice %arg4[%add3A_31] : memref<320000xf32, #tpu.memory_space<hbm>> -> memref<1000xf32, #tpu.memory_space<hbm>>
        %dma_wait3A_34 = tpu.memref_slice %arg4[%add3A_31] : memref<320000xf32, #tpu.memory_space<hbm>> -> memref<1000xf32, #tpu.memory_space<hbm>>
        tpu.wait_dma2 semaphore(%run_scoped3A : memref<!tpu.dma_semaphore, #tpu.memory_space<semaphore_mem>>) src(%dma_wait3A_34 : memref<1000xf32, #tpu.memory_space<hbm>>) dst(%arg16 : memref<1000xf32, #tpu.memory_space<vmem>>)
        tpu.yield
      }) : () -> ()
      "tpu.region"() ({
        %run_scoped3A = tpu.sem_alloc : memref<!tpu.dma_semaphore, #tpu.memory_space<semaphore_mem>>
        %dma_start3A = arith.constant 0 : i32
        %dma_start3A_33 = tpu.memref_slice %arg19[%dma_start3A] : memref<10240xf32, #tpu.memory_space<vmem_shared>> -> memref<10240xf32, #tpu.memory_space<vmem_shared>>
        tpu.enqueue_indirect_dma source(%arg16 : memref<1000xf32, #tpu.memory_space<vmem>>) target(%dma_start3A_33 : memref<10240xf32, #tpu.memory_space<vmem_shared>>) offsets(%arg15 : memref<1000xi32, #tpu.memory_space<vmem>>) semaphore(%run_scoped3A : memref<!tpu.dma_semaphore, #tpu.memory_space<semaphore_mem>>) {add = true}
        %dma_wait3A = arith.constant 0 : i32
        %dma_wait3A_34 = tpu.memref_slice %arg19[%dma_wait3A] : memref<10240xf32, #tpu.memory_space<vmem_shared>> -> memref<10240xf32, #tpu.memory_space<vmem_shared>>
        tpu.wait_indirect_dma semaphore(%run_scoped3A : memref<!tpu.dma_semaphore, #tpu.memory_space<semaphore_mem>>) src(%arg16 : memref<1000xf32, #tpu.memory_space<vmem>>) dst(%dma_wait3A_34 : memref<10240xf32, #tpu.memory_space<vmem_shared>>)
        tpu.yield
      }) : () -> ()
      "tpu.region"() ({
        %run_scoped3A = tpu.sem_alloc : memref<!tpu.dma_semaphore, #tpu.memory_space<semaphore_mem>>
        %dma_start3A = tpu.memref_slice %arg5[%add3A_31] : memref<320000xf32, #tpu.memory_space<hbm>> -> memref<1000xf32, #tpu.memory_space<hbm>>
        %dma_start3A_33 = tpu.memref_slice %arg5[%add3A_31] : memref<320000xf32, #tpu.memory_space<hbm>> -> memref<1000xf32, #tpu.memory_space<hbm>>
        tpu.enqueue_dma source(%dma_start3A_33 : memref<1000xf32, #tpu.memory_space<hbm>>) target(%arg16 : memref<1000xf32, #tpu.memory_space<vmem>>) target_semaphore(%run_scoped3A : memref<!tpu.dma_semaphore, #tpu.memory_space<semaphore_mem>>)
        %dma_wait3A = tpu.memref_slice %arg5[%add3A_31] : memref<320000xf32, #tpu.memory_space<hbm>> -> memref<1000xf32, #tpu.memory_space<hbm>>
        %dma_wait3A_34 = tpu.memref_slice %arg5[%add3A_31] : memref<320000xf32, #tpu.memory_space<hbm>> -> memref<1000xf32, #tpu.memory_space<hbm>>
        tpu.wait_dma2 semaphore(%run_scoped3A : memref<!tpu.dma_semaphore, #tpu.memory_space<semaphore_mem>>) src(%dma_wait3A_34 : memref<1000xf32, #tpu.memory_space<hbm>>) dst(%arg16 : memref<1000xf32, #tpu.memory_space<vmem>>)
        tpu.yield
      }) : () -> ()
      "tpu.region"() ({
        %run_scoped3A = tpu.sem_alloc : memref<!tpu.dma_semaphore, #tpu.memory_space<semaphore_mem>>
        %dma_start3A = arith.constant 0 : i32
        %dma_start3A_33 = tpu.memref_slice %arg20[%dma_start3A] : memref<10240xf32, #tpu.memory_space<vmem_shared>> -> memref<10240xf32, #tpu.memory_space<vmem_shared>>
        tpu.enqueue_indirect_dma source(%arg16 : memref<1000xf32, #tpu.memory_space<vmem>>) target(%dma_start3A_33 : memref<10240xf32, #tpu.memory_space<vmem_shared>>) offsets(%arg15 : memref<1000xi32, #tpu.memory_space<vmem>>) semaphore(%run_scoped3A : memref<!tpu.dma_semaphore, #tpu.memory_space<semaphore_mem>>) {add = true}
        %dma_wait3A = arith.constant 0 : i32
        %dma_wait3A_34 = tpu.memref_slice %arg20[%dma_wait3A] : memref<10240xf32, #tpu.memory_space<vmem_shared>> -> memref<10240xf32, #tpu.memory_space<vmem_shared>>
        tpu.wait_indirect_dma semaphore(%run_scoped3A : memref<!tpu.dma_semaphore, #tpu.memory_space<semaphore_mem>>) src(%arg16 : memref<1000xf32, #tpu.memory_space<vmem>>) dst(%dma_wait3A_34 : memref<10240xf32, #tpu.memory_space<vmem_shared>>)
        tpu.yield
      }) : () -> ()
      "tpu.region"() ({
        %run_scoped3A = tpu.sem_alloc : memref<!tpu.dma_semaphore, #tpu.memory_space<semaphore_mem>>
        %dma_start3A = tpu.memref_slice %arg6[%add3A_31] : memref<320000xf32, #tpu.memory_space<hbm>> -> memref<1000xf32, #tpu.memory_space<hbm>>
        %dma_start3A_33 = tpu.memref_slice %arg6[%add3A_31] : memref<320000xf32, #tpu.memory_space<hbm>> -> memref<1000xf32, #tpu.memory_space<hbm>>
        tpu.enqueue_dma source(%dma_start3A_33 : memref<1000xf32, #tpu.memory_space<hbm>>) target(%arg16 : memref<1000xf32, #tpu.memory_space<vmem>>) target_semaphore(%run_scoped3A : memref<!tpu.dma_semaphore, #tpu.memory_space<semaphore_mem>>)
        %dma_wait3A = tpu.memref_slice %arg6[%add3A_31] : memref<320000xf32, #tpu.memory_space<hbm>> -> memref<1000xf32, #tpu.memory_space<hbm>>
        %dma_wait3A_34 = tpu.memref_slice %arg6[%add3A_31] : memref<320000xf32, #tpu.memory_space<hbm>> -> memref<1000xf32, #tpu.memory_space<hbm>>
        tpu.wait_dma2 semaphore(%run_scoped3A : memref<!tpu.dma_semaphore, #tpu.memory_space<semaphore_mem>>) src(%dma_wait3A_34 : memref<1000xf32, #tpu.memory_space<hbm>>) dst(%arg16 : memref<1000xf32, #tpu.memory_space<vmem>>)
        tpu.yield
      }) : () -> ()
      "tpu.region"() ({
        %run_scoped3A = tpu.sem_alloc : memref<!tpu.dma_semaphore, #tpu.memory_space<semaphore_mem>>
        %dma_start3A = arith.constant 0 : i32
        %dma_start3A_33 = tpu.memref_slice %arg21[%dma_start3A] : memref<10240xf32, #tpu.memory_space<vmem_shared>> -> memref<10240xf32, #tpu.memory_space<vmem_shared>>
        tpu.enqueue_indirect_dma source(%arg16 : memref<1000xf32, #tpu.memory_space<vmem>>) target(%dma_start3A_33 : memref<10240xf32, #tpu.memory_space<vmem_shared>>) offsets(%arg15 : memref<1000xi32, #tpu.memory_space<vmem>>) semaphore(%run_scoped3A : memref<!tpu.dma_semaphore, #tpu.memory_space<semaphore_mem>>) {add = true}
        %dma_wait3A = arith.constant 0 : i32
        %dma_wait3A_34 = tpu.memref_slice %arg21[%dma_wait3A] : memref<10240xf32, #tpu.memory_space<vmem_shared>> -> memref<10240xf32, #tpu.memory_space<vmem_shared>>
        tpu.wait_indirect_dma semaphore(%run_scoped3A : memref<!tpu.dma_semaphore, #tpu.memory_space<semaphore_mem>>) src(%arg16 : memref<1000xf32, #tpu.memory_space<vmem>>) dst(%dma_wait3A_34 : memref<10240xf32, #tpu.memory_space<vmem_shared>>)
        tpu.yield
      }) : () -> ()
      %scan3A_32 = arith.constant 0 : i32
      scf.yield %scan3A_32 : i32
    }
    %scan3A_16 = arith.constant 10 : i32
    %barrier3A_17 = arith.constant 0 : index
    tpu.barrier barrier_id(%barrier3A_17)
    %eq3A = arith.constant 0 : i32
    %eq3A_18 = arith.cmpi eq, %arg0, %eq3A : i32
    %convert_element_type3A = arith.extui %eq3A_18 : i1 to i32
    %cond3A = arith.constant 0 : i32
    %cond3A_19 = arith.cmpi ne, %convert_element_type3A, %cond3A : i32
    scf.if %cond3A_19 {
      "tpu.region"() ({
        %run_scoped3A = tpu.sem_alloc : memref<!tpu.dma_semaphore, #tpu.memory_space<semaphore_mem>>
        %dma_start3A = tpu.memref_slice %arg7[%mul3A_9] : memref<10240xf32, #tpu.memory_space<hbm>> -> memref<640xf32, #tpu.memory_space<hbm>>
        %dma_start3A_25 = tpu.memref_slice %arg18[%mul3A_9] : memref<10240xf32, #tpu.memory_space<vmem_shared>> -> memref<640xf32, #tpu.memory_space<vmem_shared>>
        tpu.enqueue_dma source(%dma_start3A_25 : memref<640xf32, #tpu.memory_space<vmem_shared>>) target(%dma_start3A : memref<640xf32, #tpu.memory_space<hbm>>) target_semaphore(%run_scoped3A : memref<!tpu.dma_semaphore, #tpu.memory_space<semaphore_mem>>)
        %dma_wait3A = tpu.memref_slice %arg7[%mul3A_9] : memref<10240xf32, #tpu.memory_space<hbm>> -> memref<640xf32, #tpu.memory_space<hbm>>
        %dma_wait3A_26 = tpu.memref_slice %arg18[%mul3A_9] : memref<10240xf32, #tpu.memory_space<vmem_shared>> -> memref<640xf32, #tpu.memory_space<vmem_shared>>
        tpu.wait_dma2 semaphore(%run_scoped3A : memref<!tpu.dma_semaphore, #tpu.memory_space<semaphore_mem>>) src(%dma_wait3A_26 : memref<640xf32, #tpu.memory_space<vmem_shared>>) dst(%dma_wait3A : memref<640xf32, #tpu.memory_space<hbm>>)
        tpu.yield
      }) : () -> ()
      "tpu.region"() ({
        %run_scoped3A = tpu.sem_alloc : memref<!tpu.dma_semaphore, #tpu.memory_space<semaphore_mem>>
        %dma_start3A = tpu.memref_slice %arg8[%mul3A_9] : memref<10240xf32, #tpu.memory_space<hbm>> -> memref<640xf32, #tpu.memory_space<hbm>>
        %dma_start3A_25 = tpu.memref_slice %arg19[%mul3A_9] : memref<10240xf32, #tpu.memory_space<vmem_shared>> -> memref<640xf32, #tpu.memory_space<vmem_shared>>
        tpu.enqueue_dma source(%dma_start3A_25 : memref<640xf32, #tpu.memory_space<vmem_shared>>) target(%dma_start3A : memref<640xf32, #tpu.memory_space<hbm>>) target_semaphore(%run_scoped3A : memref<!tpu.dma_semaphore, #tpu.memory_space<semaphore_mem>>)
        %dma_wait3A = tpu.memref_slice %arg8[%mul3A_9] : memref<10240xf32, #tpu.memory_space<hbm>> -> memref<640xf32, #tpu.memory_space<hbm>>
        %dma_wait3A_26 = tpu.memref_slice %arg19[%mul3A_9] : memref<10240xf32, #tpu.memory_space<vmem_shared>> -> memref<640xf32, #tpu.memory_space<vmem_shared>>
        tpu.wait_dma2 semaphore(%run_scoped3A : memref<!tpu.dma_semaphore, #tpu.memory_space<semaphore_mem>>) src(%dma_wait3A_26 : memref<640xf32, #tpu.memory_space<vmem_shared>>) dst(%dma_wait3A : memref<640xf32, #tpu.memory_space<hbm>>)
        tpu.yield
      }) : () -> ()
      "tpu.region"() ({
        %run_scoped3A = tpu.sem_alloc : memref<!tpu.dma_semaphore, #tpu.memory_space<semaphore_mem>>
        %dma_start3A = tpu.memref_slice %arg9[%mul3A_9] : memref<10240xf32, #tpu.memory_space<hbm>> -> memref<640xf32, #tpu.memory_space<hbm>>
        %dma_start3A_25 = tpu.memref_slice %arg20[%mul3A_9] : memref<10240xf32, #tpu.memory_space<vmem_shared>> -> memref<640xf32, #tpu.memory_space<vmem_shared>>
        tpu.enqueue_dma source(%dma_start3A_25 : memref<640xf32, #tpu.memory_space<vmem_shared>>) target(%dma_start3A : memref<640xf32, #tpu.memory_space<hbm>>) target_semaphore(%run_scoped3A : memref<!tpu.dma_semaphore, #tpu.memory_space<semaphore_mem>>)
        %dma_wait3A = tpu.memref_slice %arg9[%mul3A_9] : memref<10240xf32, #tpu.memory_space<hbm>> -> memref<640xf32, #tpu.memory_space<hbm>>
        %dma_wait3A_26 = tpu.memref_slice %arg20[%mul3A_9] : memref<10240xf32, #tpu.memory_space<vmem_shared>> -> memref<640xf32, #tpu.memory_space<vmem_shared>>
        tpu.wait_dma2 semaphore(%run_scoped3A : memref<!tpu.dma_semaphore, #tpu.memory_space<semaphore_mem>>) src(%dma_wait3A_26 : memref<640xf32, #tpu.memory_space<vmem_shared>>) dst(%dma_wait3A : memref<640xf32, #tpu.memory_space<hbm>>)
        tpu.yield
      }) : () -> ()
      "tpu.region"() ({
        %run_scoped3A = tpu.sem_alloc : memref<!tpu.dma_semaphore, #tpu.memory_space<semaphore_mem>>
        %dma_start3A = tpu.memref_slice %arg10[%mul3A_9] : memref<10240xf32, #tpu.memory_space<hbm>> -> memref<640xf32, #tpu.memory_space<hbm>>
        %dma_start3A_25 = tpu.memref_slice %arg21[%mul3A_9] : memref<10240xf32, #tpu.memory_space<vmem_shared>> -> memref<640xf32, #tpu.memory_space<vmem_shared>>
        tpu.enqueue_dma source(%dma_start3A_25 : memref<640xf32, #tpu.memory_space<vmem_shared>>) target(%dma_start3A : memref<640xf32, #tpu.memory_space<hbm>>) target_semaphore(%run_scoped3A : memref<!tpu.dma_semaphore, #tpu.memory_space<semaphore_mem>>)
        %dma_wait3A = tpu.memref_slice %arg10[%mul3A_9] : memref<10240xf32, #tpu.memory_space<hbm>> -> memref<640xf32, #tpu.memory_space<hbm>>
        %dma_wait3A_26 = tpu.memref_slice %arg21[%mul3A_9] : memref<10240xf32, #tpu.memory_space<vmem_shared>> -> memref<640xf32, #tpu.memory_space<vmem_shared>>
        tpu.wait_dma2 semaphore(%run_scoped3A : memref<!tpu.dma_semaphore, #tpu.memory_space<semaphore_mem>>) src(%dma_wait3A_26 : memref<640xf32, #tpu.memory_space<vmem_shared>>) dst(%dma_wait3A : memref<640xf32, #tpu.memory_space<hbm>>)
        tpu.yield
      }) : () -> ()
    } else {
    }
    %eq3A_20 = arith.constant 1 : i32
    %eq3A_21 = arith.cmpi eq, %arg0, %eq3A_20 : i32
    %convert_element_type3A_22 = arith.extui %eq3A_21 : i1 to i32
    %cond3A_23 = arith.constant 0 : i32
    %cond3A_24 = arith.cmpi ne, %convert_element_type3A_22, %cond3A_23 : i32
    scf.if %cond3A_24 {
      "tpu.region"() ({
        %run_scoped3A = tpu.sem_alloc : memref<!tpu.dma_semaphore, #tpu.memory_space<semaphore_mem>>
        %dma_start3A = tpu.memref_slice %arg11[%mul3A_9] : memref<10240xf32, #tpu.memory_space<hbm>> -> memref<640xf32, #tpu.memory_space<hbm>>
        %dma_start3A_25 = tpu.memref_slice %arg18[%mul3A_9] : memref<10240xf32, #tpu.memory_space<vmem_shared>> -> memref<640xf32, #tpu.memory_space<vmem_shared>>
        tpu.enqueue_dma source(%dma_start3A_25 : memref<640xf32, #tpu.memory_space<vmem_shared>>) target(%dma_start3A : memref<640xf32, #tpu.memory_space<hbm>>) target_semaphore(%run_scoped3A : memref<!tpu.dma_semaphore, #tpu.memory_space<semaphore_mem>>)
        %dma_wait3A = tpu.memref_slice %arg11[%mul3A_9] : memref<10240xf32, #tpu.memory_space<hbm>> -> memref<640xf32, #tpu.memory_space<hbm>>
        %dma_wait3A_26 = tpu.memref_slice %arg18[%mul3A_9] : memref<10240xf32, #tpu.memory_space<vmem_shared>> -> memref<640xf32, #tpu.memory_space<vmem_shared>>
        tpu.wait_dma2 semaphore(%run_scoped3A : memref<!tpu.dma_semaphore, #tpu.memory_space<semaphore_mem>>) src(%dma_wait3A_26 : memref<640xf32, #tpu.memory_space<vmem_shared>>) dst(%dma_wait3A : memref<640xf32, #tpu.memory_space<hbm>>)
        tpu.yield
      }) : () -> ()
      "tpu.region"() ({
        %run_scoped3A = tpu.sem_alloc : memref<!tpu.dma_semaphore, #tpu.memory_space<semaphore_mem>>
        %dma_start3A = tpu.memref_slice %arg12[%mul3A_9] : memref<10240xf32, #tpu.memory_space<hbm>> -> memref<640xf32, #tpu.memory_space<hbm>>
        %dma_start3A_25 = tpu.memref_slice %arg19[%mul3A_9] : memref<10240xf32, #tpu.memory_space<vmem_shared>> -> memref<640xf32, #tpu.memory_space<vmem_shared>>
        tpu.enqueue_dma source(%dma_start3A_25 : memref<640xf32, #tpu.memory_space<vmem_shared>>) target(%dma_start3A : memref<640xf32, #tpu.memory_space<hbm>>) target_semaphore(%run_scoped3A : memref<!tpu.dma_semaphore, #tpu.memory_space<semaphore_mem>>)
        %dma_wait3A = tpu.memref_slice %arg12[%mul3A_9] : memref<10240xf32, #tpu.memory_space<hbm>> -> memref<640xf32, #tpu.memory_space<hbm>>
        %dma_wait3A_26 = tpu.memref_slice %arg19[%mul3A_9] : memref<10240xf32, #tpu.memory_space<vmem_shared>> -> memref<640xf32, #tpu.memory_space<vmem_shared>>
        tpu.wait_dma2 semaphore(%run_scoped3A : memref<!tpu.dma_semaphore, #tpu.memory_space<semaphore_mem>>) src(%dma_wait3A_26 : memref<640xf32, #tpu.memory_space<vmem_shared>>) dst(%dma_wait3A : memref<640xf32, #tpu.memory_space<hbm>>)
        tpu.yield
      }) : () -> ()
      "tpu.region"() ({
        %run_scoped3A = tpu.sem_alloc : memref<!tpu.dma_semaphore, #tpu.memory_space<semaphore_mem>>
        %dma_start3A = tpu.memref_slice %arg13[%mul3A_9] : memref<10240xf32, #tpu.memory_space<hbm>> -> memref<640xf32, #tpu.memory_space<hbm>>
        %dma_start3A_25 = tpu.memref_slice %arg20[%mul3A_9] : memref<10240xf32, #tpu.memory_space<vmem_shared>> -> memref<640xf32, #tpu.memory_space<vmem_shared>>
        tpu.enqueue_dma source(%dma_start3A_25 : memref<640xf32, #tpu.memory_space<vmem_shared>>) target(%dma_start3A : memref<640xf32, #tpu.memory_space<hbm>>) target_semaphore(%run_scoped3A : memref<!tpu.dma_semaphore, #tpu.memory_space<semaphore_mem>>)
        %dma_wait3A = tpu.memref_slice %arg13[%mul3A_9] : memref<10240xf32, #tpu.memory_space<hbm>> -> memref<640xf32, #tpu.memory_space<hbm>>
        %dma_wait3A_26 = tpu.memref_slice %arg20[%mul3A_9] : memref<10240xf32, #tpu.memory_space<vmem_shared>> -> memref<640xf32, #tpu.memory_space<vmem_shared>>
        tpu.wait_dma2 semaphore(%run_scoped3A : memref<!tpu.dma_semaphore, #tpu.memory_space<semaphore_mem>>) src(%dma_wait3A_26 : memref<640xf32, #tpu.memory_space<vmem_shared>>) dst(%dma_wait3A : memref<640xf32, #tpu.memory_space<hbm>>)
        tpu.yield
      }) : () -> ()
      "tpu.region"() ({
        %run_scoped3A = tpu.sem_alloc : memref<!tpu.dma_semaphore, #tpu.memory_space<semaphore_mem>>
        %dma_start3A = tpu.memref_slice %arg14[%mul3A_9] : memref<10240xf32, #tpu.memory_space<hbm>> -> memref<640xf32, #tpu.memory_space<hbm>>
        %dma_start3A_25 = tpu.memref_slice %arg21[%mul3A_9] : memref<10240xf32, #tpu.memory_space<vmem_shared>> -> memref<640xf32, #tpu.memory_space<vmem_shared>>
        tpu.enqueue_dma source(%dma_start3A_25 : memref<640xf32, #tpu.memory_space<vmem_shared>>) target(%dma_start3A : memref<640xf32, #tpu.memory_space<hbm>>) target_semaphore(%run_scoped3A : memref<!tpu.dma_semaphore, #tpu.memory_space<semaphore_mem>>)
        %dma_wait3A = tpu.memref_slice %arg14[%mul3A_9] : memref<10240xf32, #tpu.memory_space<hbm>> -> memref<640xf32, #tpu.memory_space<hbm>>
        %dma_wait3A_26 = tpu.memref_slice %arg21[%mul3A_9] : memref<10240xf32, #tpu.memory_space<vmem_shared>> -> memref<640xf32, #tpu.memory_space<vmem_shared>>
        tpu.wait_dma2 semaphore(%run_scoped3A : memref<!tpu.dma_semaphore, #tpu.memory_space<semaphore_mem>>) src(%dma_wait3A_26 : memref<640xf32, #tpu.memory_space<vmem_shared>>) dst(%dma_wait3A : memref<640xf32, #tpu.memory_space<hbm>>)
        tpu.yield
      }) : () -> ()
    } else {
    }
    return
  }
}

#map = affine_map<(d0, d1) -> (0, 0)>
#map1 = affine_map<(d0, d1) -> (0)>
module attributes {stable_mosaic.version = 14 : i64} {
  func.func @msg_kernel(%arg0: i32, %arg1: i32, %arg2: memref<10000x80xf32, #tpu.memory_space<hbm>>, %arg3: memref<320000xi32, #tpu.memory_space<hbm>>, %arg4: memref<320000xi32, #tpu.memory_space<hbm>>, %arg5: memref<320000xf32, #tpu.memory_space<hbm>>, %arg6: memref<10240x80xf32, #tpu.memory_space<hbm>>, %arg7: memref<10240x80xf32, #tpu.memory_space<hbm>>, %arg8: memref<400xi32, #tpu.memory_space<vmem>>, %arg9: memref<400xi32, #tpu.memory_space<vmem>>, %arg10: memref<400xf32, #tpu.memory_space<vmem>>, %arg11: memref<400x80xf32, #tpu.memory_space<vmem>>, %arg12: memref<10240x80xf32, #tpu.memory_space<vmem_shared>>, %arg13: memref<!tpu.dma_semaphore, #tpu.memory_space<semaphore_mem>>) attributes {dimension_semantics = [#tpu.dimension_semantics<core_parallel>, #tpu.dimension_semantics<subcore_parallel>], iteration_bounds = array<i64: 2, 16>, scalar_prefetch = 0 : i64, scratch_operands = 6 : i64, tpu.core_type = #tpu.core_type<sc_vector_subcore>, window_params = [{transform_indices = #map}, {transform_indices = #map1}, {transform_indices = #map1}, {transform_indices = #map1}, {transform_indices = #map}, {transform_indices = #map}]} {
    %mul3A = arith.constant 16 : i32
    %mul3A_0 = arith.muli %arg0, %mul3A : i32
    %add3A = arith.addi %mul3A_0, %arg1 : i32
    %broadcast_in_dim3A = arith.constant 0.000000e+00 : f32
    %broadcast_in_dim3A_1 = vector.broadcast %broadcast_in_dim3A : f32 to vector<16xf32>
    %scan3A = arith.constant 0 : i32
    %scan3A_2 = arith.constant 0 : i32
    %scan3A_3 = arith.constant 128 : i32
    %scan3A_4 = arith.addi %scan3A_2, %scan3A_3 : i32
    %scan3A_5 = arith.constant 1 : i32
    %scan3A_6 = scf.for %scan3A_35 = %scan3A_2 to %scan3A_4 step %scan3A_5 iter_args(%scan3A_36 = %scan3A) -> (i32)  : i32 {
      %swap3A = arith.index_cast %scan3A_35 : i32 to index
      %swap3A_37 = arith.constant 0 : index
      %swap3A_38 = tpu.vector_load %arg11[%swap3A, %swap3A_37] {strides = array<i32>} : memref<400x80xf32, #tpu.memory_space<vmem>>, vector<16xf32>,
      tpu.vector_store %arg11[%swap3A, %swap3A_37], %broadcast_in_dim3A_1 {strides = array<i32>} : memref<400x80xf32, #tpu.memory_space<vmem>>, vector<16xf32>,
      %swap3A_39 = arith.index_cast %scan3A_35 : i32 to index
      %swap3A_40 = arith.constant 16 : index
      %swap3A_41 = tpu.vector_load %arg11[%swap3A_39, %swap3A_40] {strides = array<i32>} : memref<400x80xf32, #tpu.memory_space<vmem>>, vector<16xf32>,
      tpu.vector_store %arg11[%swap3A_39, %swap3A_40], %broadcast_in_dim3A_1 {strides = array<i32>} : memref<400x80xf32, #tpu.memory_space<vmem>>, vector<16xf32>,
      %swap3A_42 = arith.index_cast %scan3A_35 : i32 to index
      %swap3A_43 = arith.constant 32 : index
      %swap3A_44 = tpu.vector_load %arg11[%swap3A_42, %swap3A_43] {strides = array<i32>} : memref<400x80xf32, #tpu.memory_space<vmem>>, vector<16xf32>,
      tpu.vector_store %arg11[%swap3A_42, %swap3A_43], %broadcast_in_dim3A_1 {strides = array<i32>} : memref<400x80xf32, #tpu.memory_space<vmem>>, vector<16xf32>,
      %swap3A_45 = arith.index_cast %scan3A_35 : i32 to index
      %swap3A_46 = arith.constant 48 : index
      %swap3A_47 = tpu.vector_load %arg11[%swap3A_45, %swap3A_46] {strides = array<i32>} : memref<400x80xf32, #tpu.memory_space<vmem>>, vector<16xf32>,
      tpu.vector_store %arg11[%swap3A_45, %swap3A_46], %broadcast_in_dim3A_1 {strides = array<i32>} : memref<400x80xf32, #tpu.memory_space<vmem>>, vector<16xf32>,
      %swap3A_48 = arith.index_cast %scan3A_35 : i32 to index
      %swap3A_49 = arith.constant 64 : index
      %swap3A_50 = tpu.vector_load %arg11[%swap3A_48, %swap3A_49] {strides = array<i32>} : memref<400x80xf32, #tpu.memory_space<vmem>>, vector<16xf32>,
      tpu.vector_store %arg11[%swap3A_48, %swap3A_49], %broadcast_in_dim3A_1 {strides = array<i32>} : memref<400x80xf32, #tpu.memory_space<vmem>>, vector<16xf32>,
      %scan3A_51 = arith.constant 0 : i32
      scf.yield %scan3A_51 : i32
    }
    %scan3A_7 = arith.constant 128 : i32
    %mul3A_8 = arith.constant 640 : i32
    %mul3A_9 = arith.muli %arg1, %mul3A_8 : i32
    %add3A_10 = arith.constant 0 : i32
    %add3A_11 = arith.addi %mul3A_9, %add3A_10 : i32
    "tpu.region"() ({
      %run_scoped3A = tpu.sem_alloc : memref<!tpu.dma_semaphore, #tpu.memory_space<semaphore_mem>>
      %dma_start3A = arith.constant 0 : i32
      %dma_start3A_35 = arith.constant 0 : i32
      %dma_start3A_36 = tpu.memref_slice %arg11[%dma_start3A, %dma_start3A_35] : memref<400x80xf32, #tpu.memory_space<vmem>> -> memref<128x80xf32, #tpu.memory_space<vmem>>
      %dma_start3A_37 = arith.constant 0 : i32
      %dma_start3A_38 = tpu.memref_slice %arg12[%add3A_11, %dma_start3A_37] : memref<10240x80xf32, #tpu.memory_space<vmem_shared>> -> memref<128x80xf32, #tpu.memory_space<vmem_shared>>
      %dma_start3A_39 = arith.constant 0 : i32
      %dma_start3A_40 = tpu.memref_slice %arg12[%add3A_11, %dma_start3A_39] : memref<10240x80xf32, #tpu.memory_space<vmem_shared>> -> memref<128x80xf32, #tpu.memory_space<vmem_shared>>
      %dma_start3A_41 = arith.constant 0 : i32
      %dma_start3A_42 = arith.constant 0 : i32
      %dma_start3A_43 = tpu.memref_slice %arg11[%dma_start3A_41, %dma_start3A_42] : memref<400x80xf32, #tpu.memory_space<vmem>> -> memref<128x80xf32, #tpu.memory_space<vmem>>
      tpu.enqueue_dma source(%dma_start3A_43 : memref<128x80xf32, #tpu.memory_space<vmem>>) target(%dma_start3A_40 : memref<128x80xf32, #tpu.memory_space<vmem_shared>>) target_semaphore(%run_scoped3A : memref<!tpu.dma_semaphore, #tpu.memory_space<semaphore_mem>>)
      %dma_wait3A = arith.constant 0 : i32
      %dma_wait3A_44 = arith.constant 0 : i32
      %dma_wait3A_45 = tpu.memref_slice %arg11[%dma_wait3A, %dma_wait3A_44] : memref<400x80xf32, #tpu.memory_space<vmem>> -> memref<128x80xf32, #tpu.memory_space<vmem>>
      %dma_wait3A_46 = arith.constant 0 : i32
      %dma_wait3A_47 = tpu.memref_slice %arg12[%add3A_11, %dma_wait3A_46] : memref<10240x80xf32, #tpu.memory_space<vmem_shared>> -> memref<128x80xf32, #tpu.memory_space<vmem_shared>>
      %dma_wait3A_48 = arith.constant 0 : i32
      %dma_wait3A_49 = tpu.memref_slice %arg12[%add3A_11, %dma_wait3A_48] : memref<10240x80xf32, #tpu.memory_space<vmem_shared>> -> memref<128x80xf32, #tpu.memory_space<vmem_shared>>
      %dma_wait3A_50 = arith.constant 0 : i32
      %dma_wait3A_51 = arith.constant 0 : i32
      %dma_wait3A_52 = tpu.memref_slice %arg11[%dma_wait3A_50, %dma_wait3A_51] : memref<400x80xf32, #tpu.memory_space<vmem>> -> memref<128x80xf32, #tpu.memory_space<vmem>>
      tpu.wait_dma2 semaphore(%run_scoped3A : memref<!tpu.dma_semaphore, #tpu.memory_space<semaphore_mem>>) src(%dma_wait3A_52 : memref<128x80xf32, #tpu.memory_space<vmem>>) dst(%dma_wait3A_49 : memref<128x80xf32, #tpu.memory_space<vmem_shared>>)
      tpu.yield
    }) : () -> ()
    %add3A_12 = arith.constant 128 : i32
    %add3A_13 = arith.addi %mul3A_9, %add3A_12 : i32
    "tpu.region"() ({
      %run_scoped3A = tpu.sem_alloc : memref<!tpu.dma_semaphore, #tpu.memory_space<semaphore_mem>>
      %dma_start3A = arith.constant 0 : i32
      %dma_start3A_35 = arith.constant 0 : i32
      %dma_start3A_36 = tpu.memref_slice %arg11[%dma_start3A, %dma_start3A_35] : memref<400x80xf32, #tpu.memory_space<vmem>> -> memref<128x80xf32, #tpu.memory_space<vmem>>
      %dma_start3A_37 = arith.constant 0 : i32
      %dma_start3A_38 = tpu.memref_slice %arg12[%add3A_13, %dma_start3A_37] : memref<10240x80xf32, #tpu.memory_space<vmem_shared>> -> memref<128x80xf32, #tpu.memory_space<vmem_shared>>
      %dma_start3A_39 = arith.constant 0 : i32
      %dma_start3A_40 = tpu.memref_slice %arg12[%add3A_13, %dma_start3A_39] : memref<10240x80xf32, #tpu.memory_space<vmem_shared>> -> memref<128x80xf32, #tpu.memory_space<vmem_shared>>
      %dma_start3A_41 = arith.constant 0 : i32
      %dma_start3A_42 = arith.constant 0 : i32
      %dma_start3A_43 = tpu.memref_slice %arg11[%dma_start3A_41, %dma_start3A_42] : memref<400x80xf32, #tpu.memory_space<vmem>> -> memref<128x80xf32, #tpu.memory_space<vmem>>
      tpu.enqueue_dma source(%dma_start3A_43 : memref<128x80xf32, #tpu.memory_space<vmem>>) target(%dma_start3A_40 : memref<128x80xf32, #tpu.memory_space<vmem_shared>>) target_semaphore(%run_scoped3A : memref<!tpu.dma_semaphore, #tpu.memory_space<semaphore_mem>>)
      %dma_wait3A = arith.constant 0 : i32
      %dma_wait3A_44 = arith.constant 0 : i32
      %dma_wait3A_45 = tpu.memref_slice %arg11[%dma_wait3A, %dma_wait3A_44] : memref<400x80xf32, #tpu.memory_space<vmem>> -> memref<128x80xf32, #tpu.memory_space<vmem>>
      %dma_wait3A_46 = arith.constant 0 : i32
      %dma_wait3A_47 = tpu.memref_slice %arg12[%add3A_13, %dma_wait3A_46] : memref<10240x80xf32, #tpu.memory_space<vmem_shared>> -> memref<128x80xf32, #tpu.memory_space<vmem_shared>>
      %dma_wait3A_48 = arith.constant 0 : i32
      %dma_wait3A_49 = tpu.memref_slice %arg12[%add3A_13, %dma_wait3A_48] : memref<10240x80xf32, #tpu.memory_space<vmem_shared>> -> memref<128x80xf32, #tpu.memory_space<vmem_shared>>
      %dma_wait3A_50 = arith.constant 0 : i32
      %dma_wait3A_51 = arith.constant 0 : i32
      %dma_wait3A_52 = tpu.memref_slice %arg11[%dma_wait3A_50, %dma_wait3A_51] : memref<400x80xf32, #tpu.memory_space<vmem>> -> memref<128x80xf32, #tpu.memory_space<vmem>>
      tpu.wait_dma2 semaphore(%run_scoped3A : memref<!tpu.dma_semaphore, #tpu.memory_space<semaphore_mem>>) src(%dma_wait3A_52 : memref<128x80xf32, #tpu.memory_space<vmem>>) dst(%dma_wait3A_49 : memref<128x80xf32, #tpu.memory_space<vmem_shared>>)
      tpu.yield
    }) : () -> ()
    %add3A_14 = arith.constant 256 : i32
    %add3A_15 = arith.addi %mul3A_9, %add3A_14 : i32
    "tpu.region"() ({
      %run_scoped3A = tpu.sem_alloc : memref<!tpu.dma_semaphore, #tpu.memory_space<semaphore_mem>>
      %dma_start3A = arith.constant 0 : i32
      %dma_start3A_35 = arith.constant 0 : i32
      %dma_start3A_36 = tpu.memref_slice %arg11[%dma_start3A, %dma_start3A_35] : memref<400x80xf32, #tpu.memory_space<vmem>> -> memref<128x80xf32, #tpu.memory_space<vmem>>
      %dma_start3A_37 = arith.constant 0 : i32
      %dma_start3A_38 = tpu.memref_slice %arg12[%add3A_15, %dma_start3A_37] : memref<10240x80xf32, #tpu.memory_space<vmem_shared>> -> memref<128x80xf32, #tpu.memory_space<vmem_shared>>
      %dma_start3A_39 = arith.constant 0 : i32
      %dma_start3A_40 = tpu.memref_slice %arg12[%add3A_15, %dma_start3A_39] : memref<10240x80xf32, #tpu.memory_space<vmem_shared>> -> memref<128x80xf32, #tpu.memory_space<vmem_shared>>
      %dma_start3A_41 = arith.constant 0 : i32
      %dma_start3A_42 = arith.constant 0 : i32
      %dma_start3A_43 = tpu.memref_slice %arg11[%dma_start3A_41, %dma_start3A_42] : memref<400x80xf32, #tpu.memory_space<vmem>> -> memref<128x80xf32, #tpu.memory_space<vmem>>
      tpu.enqueue_dma source(%dma_start3A_43 : memref<128x80xf32, #tpu.memory_space<vmem>>) target(%dma_start3A_40 : memref<128x80xf32, #tpu.memory_space<vmem_shared>>) target_semaphore(%run_scoped3A : memref<!tpu.dma_semaphore, #tpu.memory_space<semaphore_mem>>)
      %dma_wait3A = arith.constant 0 : i32
      %dma_wait3A_44 = arith.constant 0 : i32
      %dma_wait3A_45 = tpu.memref_slice %arg11[%dma_wait3A, %dma_wait3A_44] : memref<400x80xf32, #tpu.memory_space<vmem>> -> memref<128x80xf32, #tpu.memory_space<vmem>>
      %dma_wait3A_46 = arith.constant 0 : i32
      %dma_wait3A_47 = tpu.memref_slice %arg12[%add3A_15, %dma_wait3A_46] : memref<10240x80xf32, #tpu.memory_space<vmem_shared>> -> memref<128x80xf32, #tpu.memory_space<vmem_shared>>
      %dma_wait3A_48 = arith.constant 0 : i32
      %dma_wait3A_49 = tpu.memref_slice %arg12[%add3A_15, %dma_wait3A_48] : memref<10240x80xf32, #tpu.memory_space<vmem_shared>> -> memref<128x80xf32, #tpu.memory_space<vmem_shared>>
      %dma_wait3A_50 = arith.constant 0 : i32
      %dma_wait3A_51 = arith.constant 0 : i32
      %dma_wait3A_52 = tpu.memref_slice %arg11[%dma_wait3A_50, %dma_wait3A_51] : memref<400x80xf32, #tpu.memory_space<vmem>> -> memref<128x80xf32, #tpu.memory_space<vmem>>
      tpu.wait_dma2 semaphore(%run_scoped3A : memref<!tpu.dma_semaphore, #tpu.memory_space<semaphore_mem>>) src(%dma_wait3A_52 : memref<128x80xf32, #tpu.memory_space<vmem>>) dst(%dma_wait3A_49 : memref<128x80xf32, #tpu.memory_space<vmem_shared>>)
      tpu.yield
    }) : () -> ()
    %add3A_16 = arith.constant 384 : i32
    %add3A_17 = arith.addi %mul3A_9, %add3A_16 : i32
    "tpu.region"() ({
      %run_scoped3A = tpu.sem_alloc : memref<!tpu.dma_semaphore, #tpu.memory_space<semaphore_mem>>
      %dma_start3A = arith.constant 0 : i32
      %dma_start3A_35 = arith.constant 0 : i32
      %dma_start3A_36 = tpu.memref_slice %arg11[%dma_start3A, %dma_start3A_35] : memref<400x80xf32, #tpu.memory_space<vmem>> -> memref<128x80xf32, #tpu.memory_space<vmem>>
      %dma_start3A_37 = arith.constant 0 : i32
      %dma_start3A_38 = tpu.memref_slice %arg12[%add3A_17, %dma_start3A_37] : memref<10240x80xf32, #tpu.memory_space<vmem_shared>> -> memref<128x80xf32, #tpu.memory_space<vmem_shared>>
      %dma_start3A_39 = arith.constant 0 : i32
      %dma_start3A_40 = tpu.memref_slice %arg12[%add3A_17, %dma_start3A_39] : memref<10240x80xf32, #tpu.memory_space<vmem_shared>> -> memref<128x80xf32, #tpu.memory_space<vmem_shared>>
      %dma_start3A_41 = arith.constant 0 : i32
      %dma_start3A_42 = arith.constant 0 : i32
      %dma_start3A_43 = tpu.memref_slice %arg11[%dma_start3A_41, %dma_start3A_42] : memref<400x80xf32, #tpu.memory_space<vmem>> -> memref<128x80xf32, #tpu.memory_space<vmem>>
      tpu.enqueue_dma source(%dma_start3A_43 : memref<128x80xf32, #tpu.memory_space<vmem>>) target(%dma_start3A_40 : memref<128x80xf32, #tpu.memory_space<vmem_shared>>) target_semaphore(%run_scoped3A : memref<!tpu.dma_semaphore, #tpu.memory_space<semaphore_mem>>)
      %dma_wait3A = arith.constant 0 : i32
      %dma_wait3A_44 = arith.constant 0 : i32
      %dma_wait3A_45 = tpu.memref_slice %arg11[%dma_wait3A, %dma_wait3A_44] : memref<400x80xf32, #tpu.memory_space<vmem>> -> memref<128x80xf32, #tpu.memory_space<vmem>>
      %dma_wait3A_46 = arith.constant 0 : i32
      %dma_wait3A_47 = tpu.memref_slice %arg12[%add3A_17, %dma_wait3A_46] : memref<10240x80xf32, #tpu.memory_space<vmem_shared>> -> memref<128x80xf32, #tpu.memory_space<vmem_shared>>
      %dma_wait3A_48 = arith.constant 0 : i32
      %dma_wait3A_49 = tpu.memref_slice %arg12[%add3A_17, %dma_wait3A_48] : memref<10240x80xf32, #tpu.memory_space<vmem_shared>> -> memref<128x80xf32, #tpu.memory_space<vmem_shared>>
      %dma_wait3A_50 = arith.constant 0 : i32
      %dma_wait3A_51 = arith.constant 0 : i32
      %dma_wait3A_52 = tpu.memref_slice %arg11[%dma_wait3A_50, %dma_wait3A_51] : memref<400x80xf32, #tpu.memory_space<vmem>> -> memref<128x80xf32, #tpu.memory_space<vmem>>
      tpu.wait_dma2 semaphore(%run_scoped3A : memref<!tpu.dma_semaphore, #tpu.memory_space<semaphore_mem>>) src(%dma_wait3A_52 : memref<128x80xf32, #tpu.memory_space<vmem>>) dst(%dma_wait3A_49 : memref<128x80xf32, #tpu.memory_space<vmem_shared>>)
      tpu.yield
    }) : () -> ()
    %add3A_18 = arith.constant 512 : i32
    %add3A_19 = arith.addi %mul3A_9, %add3A_18 : i32
    "tpu.region"() ({
      %run_scoped3A = tpu.sem_alloc : memref<!tpu.dma_semaphore, #tpu.memory_space<semaphore_mem>>
      %dma_start3A = arith.constant 0 : i32
      %dma_start3A_35 = arith.constant 0 : i32
      %dma_start3A_36 = tpu.memref_slice %arg11[%dma_start3A, %dma_start3A_35] : memref<400x80xf32, #tpu.memory_space<vmem>> -> memref<128x80xf32, #tpu.memory_space<vmem>>
      %dma_start3A_37 = arith.constant 0 : i32
      %dma_start3A_38 = tpu.memref_slice %arg12[%add3A_19, %dma_start3A_37] : memref<10240x80xf32, #tpu.memory_space<vmem_shared>> -> memref<128x80xf32, #tpu.memory_space<vmem_shared>>
      %dma_start3A_39 = arith.constant 0 : i32
      %dma_start3A_40 = tpu.memref_slice %arg12[%add3A_19, %dma_start3A_39] : memref<10240x80xf32, #tpu.memory_space<vmem_shared>> -> memref<128x80xf32, #tpu.memory_space<vmem_shared>>
      %dma_start3A_41 = arith.constant 0 : i32
      %dma_start3A_42 = arith.constant 0 : i32
      %dma_start3A_43 = tpu.memref_slice %arg11[%dma_start3A_41, %dma_start3A_42] : memref<400x80xf32, #tpu.memory_space<vmem>> -> memref<128x80xf32, #tpu.memory_space<vmem>>
      tpu.enqueue_dma source(%dma_start3A_43 : memref<128x80xf32, #tpu.memory_space<vmem>>) target(%dma_start3A_40 : memref<128x80xf32, #tpu.memory_space<vmem_shared>>) target_semaphore(%run_scoped3A : memref<!tpu.dma_semaphore, #tpu.memory_space<semaphore_mem>>)
      %dma_wait3A = arith.constant 0 : i32
      %dma_wait3A_44 = arith.constant 0 : i32
      %dma_wait3A_45 = tpu.memref_slice %arg11[%dma_wait3A, %dma_wait3A_44] : memref<400x80xf32, #tpu.memory_space<vmem>> -> memref<128x80xf32, #tpu.memory_space<vmem>>
      %dma_wait3A_46 = arith.constant 0 : i32
      %dma_wait3A_47 = tpu.memref_slice %arg12[%add3A_19, %dma_wait3A_46] : memref<10240x80xf32, #tpu.memory_space<vmem_shared>> -> memref<128x80xf32, #tpu.memory_space<vmem_shared>>
      %dma_wait3A_48 = arith.constant 0 : i32
      %dma_wait3A_49 = tpu.memref_slice %arg12[%add3A_19, %dma_wait3A_48] : memref<10240x80xf32, #tpu.memory_space<vmem_shared>> -> memref<128x80xf32, #tpu.memory_space<vmem_shared>>
      %dma_wait3A_50 = arith.constant 0 : i32
      %dma_wait3A_51 = arith.constant 0 : i32
      %dma_wait3A_52 = tpu.memref_slice %arg11[%dma_wait3A_50, %dma_wait3A_51] : memref<400x80xf32, #tpu.memory_space<vmem>> -> memref<128x80xf32, #tpu.memory_space<vmem>>
      tpu.wait_dma2 semaphore(%run_scoped3A : memref<!tpu.dma_semaphore, #tpu.memory_space<semaphore_mem>>) src(%dma_wait3A_52 : memref<128x80xf32, #tpu.memory_space<vmem>>) dst(%dma_wait3A_49 : memref<128x80xf32, #tpu.memory_space<vmem_shared>>)
      tpu.yield
    }) : () -> ()
    %barrier3A = arith.constant 0 : index
    tpu.barrier barrier_id(%barrier3A)
    %scan3A_20 = arith.constant 0 : i32
    %scan3A_21 = arith.constant 0 : i32
    %scan3A_22 = arith.constant 25 : i32
    %scan3A_23 = arith.addi %scan3A_21, %scan3A_22 : i32
    %scan3A_24 = arith.constant 1 : i32
    %scan3A_25 = scf.for %scan3A_35 = %scan3A_21 to %scan3A_23 step %scan3A_24 iter_args(%scan3A_36 = %scan3A_20) -> (i32)  : i32 {
      %mul3A_37 = arith.constant 10000 : i32
      %mul3A_38 = arith.muli %add3A, %mul3A_37 : i32
      %mul3A_39 = arith.constant 400 : i32
      %mul3A_40 = arith.muli %scan3A_35, %mul3A_39 : i32
      %add3A_41 = arith.addi %mul3A_38, %mul3A_40 : i32
      "tpu.region"() ({
        %run_scoped3A = tpu.sem_alloc : memref<!tpu.dma_semaphore, #tpu.memory_space<semaphore_mem>>
        %dma_start3A_54 = tpu.memref_slice %arg3[%add3A_41] : memref<320000xi32, #tpu.memory_space<hbm>> -> memref<400xi32, #tpu.memory_space<hbm>>
        %dma_start3A_55 = tpu.memref_slice %arg3[%add3A_41] : memref<320000xi32, #tpu.memory_space<hbm>> -> memref<400xi32, #tpu.memory_space<hbm>>
        tpu.enqueue_dma source(%dma_start3A_55 : memref<400xi32, #tpu.memory_space<hbm>>) target(%arg8 : memref<400xi32, #tpu.memory_space<vmem>>) target_semaphore(%run_scoped3A : memref<!tpu.dma_semaphore, #tpu.memory_space<semaphore_mem>>)
        %dma_wait3A_56 = tpu.memref_slice %arg3[%add3A_41] : memref<320000xi32, #tpu.memory_space<hbm>> -> memref<400xi32, #tpu.memory_space<hbm>>
        %dma_wait3A_57 = tpu.memref_slice %arg3[%add3A_41] : memref<320000xi32, #tpu.memory_space<hbm>> -> memref<400xi32, #tpu.memory_space<hbm>>
        tpu.wait_dma2 semaphore(%run_scoped3A : memref<!tpu.dma_semaphore, #tpu.memory_space<semaphore_mem>>) src(%dma_wait3A_57 : memref<400xi32, #tpu.memory_space<hbm>>) dst(%arg8 : memref<400xi32, #tpu.memory_space<vmem>>)
        tpu.yield
      }) : () -> ()
      "tpu.region"() ({
        %run_scoped3A = tpu.sem_alloc : memref<!tpu.dma_semaphore, #tpu.memory_space<semaphore_mem>>
        %dma_start3A_54 = tpu.memref_slice %arg4[%add3A_41] : memref<320000xi32, #tpu.memory_space<hbm>> -> memref<400xi32, #tpu.memory_space<hbm>>
        %dma_start3A_55 = tpu.memref_slice %arg4[%add3A_41] : memref<320000xi32, #tpu.memory_space<hbm>> -> memref<400xi32, #tpu.memory_space<hbm>>
        tpu.enqueue_dma source(%dma_start3A_55 : memref<400xi32, #tpu.memory_space<hbm>>) target(%arg9 : memref<400xi32, #tpu.memory_space<vmem>>) target_semaphore(%run_scoped3A : memref<!tpu.dma_semaphore, #tpu.memory_space<semaphore_mem>>)
        %dma_wait3A_56 = tpu.memref_slice %arg4[%add3A_41] : memref<320000xi32, #tpu.memory_space<hbm>> -> memref<400xi32, #tpu.memory_space<hbm>>
        %dma_wait3A_57 = tpu.memref_slice %arg4[%add3A_41] : memref<320000xi32, #tpu.memory_space<hbm>> -> memref<400xi32, #tpu.memory_space<hbm>>
        tpu.wait_dma2 semaphore(%run_scoped3A : memref<!tpu.dma_semaphore, #tpu.memory_space<semaphore_mem>>) src(%dma_wait3A_57 : memref<400xi32, #tpu.memory_space<hbm>>) dst(%arg9 : memref<400xi32, #tpu.memory_space<vmem>>)
        tpu.yield
      }) : () -> ()
      "tpu.region"() ({
        %run_scoped3A = tpu.sem_alloc : memref<!tpu.dma_semaphore, #tpu.memory_space<semaphore_mem>>
        %dma_start3A_54 = tpu.memref_slice %arg5[%add3A_41] : memref<320000xf32, #tpu.memory_space<hbm>> -> memref<400xf32, #tpu.memory_space<hbm>>
        %dma_start3A_55 = tpu.memref_slice %arg5[%add3A_41] : memref<320000xf32, #tpu.memory_space<hbm>> -> memref<400xf32, #tpu.memory_space<hbm>>
        tpu.enqueue_dma source(%dma_start3A_55 : memref<400xf32, #tpu.memory_space<hbm>>) target(%arg10 : memref<400xf32, #tpu.memory_space<vmem>>) target_semaphore(%run_scoped3A : memref<!tpu.dma_semaphore, #tpu.memory_space<semaphore_mem>>)
        %dma_wait3A_56 = tpu.memref_slice %arg5[%add3A_41] : memref<320000xf32, #tpu.memory_space<hbm>> -> memref<400xf32, #tpu.memory_space<hbm>>
        %dma_wait3A_57 = tpu.memref_slice %arg5[%add3A_41] : memref<320000xf32, #tpu.memory_space<hbm>> -> memref<400xf32, #tpu.memory_space<hbm>>
        tpu.wait_dma2 semaphore(%run_scoped3A : memref<!tpu.dma_semaphore, #tpu.memory_space<semaphore_mem>>) src(%dma_wait3A_57 : memref<400xf32, #tpu.memory_space<hbm>>) dst(%arg10 : memref<400xf32, #tpu.memory_space<vmem>>)
        tpu.yield
      }) : () -> ()
      %dma_start3A = arith.constant 0 : i32
      %dma_start3A_42 = arith.constant 0 : i32
      %dma_start3A_43 = tpu.memref_slice %arg2[%dma_start3A, %dma_start3A_42] : memref<10000x80xf32, #tpu.memory_space<hbm>> -> memref<10000x80xf32, #tpu.memory_space<hbm>>
      tpu.enqueue_indirect_dma source(%dma_start3A_43 : memref<10000x80xf32, #tpu.memory_space<hbm>>) target(%arg11 : memref<400x80xf32, #tpu.memory_space<vmem>>) offsets(%arg8 : memref<400xi32, #tpu.memory_space<vmem>>) semaphore(%arg13 : memref<!tpu.dma_semaphore, #tpu.memory_space<semaphore_mem>>)
      %dma_wait3A = arith.constant 0 : i32
      %dma_wait3A_44 = arith.constant 0 : i32
      %dma_wait3A_45 = tpu.memref_slice %arg2[%dma_wait3A, %dma_wait3A_44] : memref<10000x80xf32, #tpu.memory_space<hbm>> -> memref<10000x80xf32, #tpu.memory_space<hbm>>
      tpu.wait_indirect_dma semaphore(%arg13 : memref<!tpu.dma_semaphore, #tpu.memory_space<semaphore_mem>>) src(%dma_wait3A_45 : memref<10000x80xf32, #tpu.memory_space<hbm>>) dst(%arg11 : memref<400x80xf32, #tpu.memory_space<vmem>>)
      %scan3A_46 = arith.constant 0 : i32
      %scan3A_47 = arith.constant 0 : i32
      %scan3A_48 = arith.constant 400 : i32
      %scan3A_49 = arith.addi %scan3A_47, %scan3A_48 : i32
      %scan3A_50 = arith.constant 1 : i32
      %scan3A_51 = scf.for %scan3A_54 = %scan3A_47 to %scan3A_49 step %scan3A_50 iter_args(%scan3A_55 = %scan3A_46) -> (i32)  : i32 {
        %broadcast_in_dim3A_56 = vector.broadcast %scan3A_54 : i32 to vector<16xi32>
        %gather3A = tpu.vector_load_idx %arg10[%broadcast_in_dim3A_56] : memref<400xf32, #tpu.memory_space<vmem>>[vector<16xi32>], vector<16xf32>,
        %get3A = arith.index_cast %scan3A_54 : i32 to index
        %get3A_57 = arith.constant 0 : index
        %get3A_58 = tpu.vector_load %arg11[%get3A, %get3A_57] {strides = array<i32>} : memref<400x80xf32, #tpu.memory_space<vmem>>, vector<16xf32>,
        %mul3A_59 = arith.mulf %get3A_58, %gather3A : vector<16xf32>
        %swap3A = arith.index_cast %scan3A_54 : i32 to index
        %swap3A_60 = arith.constant 0 : index
        %swap3A_61 = tpu.vector_load %arg11[%swap3A, %swap3A_60] {strides = array<i32>} : memref<400x80xf32, #tpu.memory_space<vmem>>, vector<16xf32>,
        tpu.vector_store %arg11[%swap3A, %swap3A_60], %mul3A_59 {strides = array<i32>} : memref<400x80xf32, #tpu.memory_space<vmem>>, vector<16xf32>,
        %get3A_62 = arith.index_cast %scan3A_54 : i32 to index
        %get3A_63 = arith.constant 16 : index
        %get3A_64 = tpu.vector_load %arg11[%get3A_62, %get3A_63] {strides = array<i32>} : memref<400x80xf32, #tpu.memory_space<vmem>>, vector<16xf32>,
        %mul3A_65 = arith.mulf %get3A_64, %gather3A : vector<16xf32>
        %swap3A_66 = arith.index_cast %scan3A_54 : i32 to index
        %swap3A_67 = arith.constant 16 : index
        %swap3A_68 = tpu.vector_load %arg11[%swap3A_66, %swap3A_67] {strides = array<i32>} : memref<400x80xf32, #tpu.memory_space<vmem>>, vector<16xf32>,
        tpu.vector_store %arg11[%swap3A_66, %swap3A_67], %mul3A_65 {strides = array<i32>} : memref<400x80xf32, #tpu.memory_space<vmem>>, vector<16xf32>,
        %get3A_69 = arith.index_cast %scan3A_54 : i32 to index
        %get3A_70 = arith.constant 32 : index
        %get3A_71 = tpu.vector_load %arg11[%get3A_69, %get3A_70] {strides = array<i32>} : memref<400x80xf32, #tpu.memory_space<vmem>>, vector<16xf32>,
        %mul3A_72 = arith.mulf %get3A_71, %gather3A : vector<16xf32>
        %swap3A_73 = arith.index_cast %scan3A_54 : i32 to index
        %swap3A_74 = arith.constant 32 : index
        %swap3A_75 = tpu.vector_load %arg11[%swap3A_73, %swap3A_74] {strides = array<i32>} : memref<400x80xf32, #tpu.memory_space<vmem>>, vector<16xf32>,
        tpu.vector_store %arg11[%swap3A_73, %swap3A_74], %mul3A_72 {strides = array<i32>} : memref<400x80xf32, #tpu.memory_space<vmem>>, vector<16xf32>,
        %get3A_76 = arith.index_cast %scan3A_54 : i32 to index
        %get3A_77 = arith.constant 48 : index
        %get3A_78 = tpu.vector_load %arg11[%get3A_76, %get3A_77] {strides = array<i32>} : memref<400x80xf32, #tpu.memory_space<vmem>>, vector<16xf32>,
        %mul3A_79 = arith.mulf %get3A_78, %gather3A : vector<16xf32>
        %swap3A_80 = arith.index_cast %scan3A_54 : i32 to index
        %swap3A_81 = arith.constant 48 : index
        %swap3A_82 = tpu.vector_load %arg11[%swap3A_80, %swap3A_81] {strides = array<i32>} : memref<400x80xf32, #tpu.memory_space<vmem>>, vector<16xf32>,
        tpu.vector_store %arg11[%swap3A_80, %swap3A_81], %mul3A_79 {strides = array<i32>} : memref<400x80xf32, #tpu.memory_space<vmem>>, vector<16xf32>,
        %get3A_83 = arith.index_cast %scan3A_54 : i32 to index
        %get3A_84 = arith.constant 64 : index
        %get3A_85 = tpu.vector_load %arg11[%get3A_83, %get3A_84] {strides = array<i32>} : memref<400x80xf32, #tpu.memory_space<vmem>>, vector<16xf32>,
        %mul3A_86 = arith.mulf %get3A_85, %gather3A : vector<16xf32>
        %swap3A_87 = arith.index_cast %scan3A_54 : i32 to index
        %swap3A_88 = arith.constant 64 : index
        %swap3A_89 = tpu.vector_load %arg11[%swap3A_87, %swap3A_88] {strides = array<i32>} : memref<400x80xf32, #tpu.memory_space<vmem>>, vector<16xf32>,
        tpu.vector_store %arg11[%swap3A_87, %swap3A_88], %mul3A_86 {strides = array<i32>} : memref<400x80xf32, #tpu.memory_space<vmem>>, vector<16xf32>,
        %scan3A_90 = arith.constant 0 : i32
        scf.yield %scan3A_90 : i32
      }
      %scan3A_52 = arith.constant 400 : i32
      "tpu.region"() ({
        %run_scoped3A = tpu.sem_alloc : memref<!tpu.dma_semaphore, #tpu.memory_space<semaphore_mem>>
        %dma_start3A_54 = arith.constant 0 : i32
        %dma_start3A_55 = arith.constant 0 : i32
        %dma_start3A_56 = tpu.memref_slice %arg12[%dma_start3A_54, %dma_start3A_55] : memref<10240x80xf32, #tpu.memory_space<vmem_shared>> -> memref<10240x80xf32, #tpu.memory_space<vmem_shared>>
        tpu.enqueue_indirect_dma source(%arg11 : memref<400x80xf32, #tpu.memory_space<vmem>>) target(%dma_start3A_56 : memref<10240x80xf32, #tpu.memory_space<vmem_shared>>) offsets(%arg9 : memref<400xi32, #tpu.memory_space<vmem>>) semaphore(%run_scoped3A : memref<!tpu.dma_semaphore, #tpu.memory_space<semaphore_mem>>) {add = true}
        %dma_wait3A_57 = arith.constant 0 : i32
        %dma_wait3A_58 = arith.constant 0 : i32
        %dma_wait3A_59 = tpu.memref_slice %arg12[%dma_wait3A_57, %dma_wait3A_58] : memref<10240x80xf32, #tpu.memory_space<vmem_shared>> -> memref<10240x80xf32, #tpu.memory_space<vmem_shared>>
        tpu.wait_indirect_dma semaphore(%run_scoped3A : memref<!tpu.dma_semaphore, #tpu.memory_space<semaphore_mem>>) src(%arg11 : memref<400x80xf32, #tpu.memory_space<vmem>>) dst(%dma_wait3A_59 : memref<10240x80xf32, #tpu.memory_space<vmem_shared>>)
        tpu.yield
      }) : () -> ()
      %scan3A_53 = arith.constant 0 : i32
      scf.yield %scan3A_53 : i32
    }
    %scan3A_26 = arith.constant 25 : i32
    %barrier3A_27 = arith.constant 0 : index
    tpu.barrier barrier_id(%barrier3A_27)
    %eq3A = arith.constant 0 : i32
    %eq3A_28 = arith.cmpi eq, %arg0, %eq3A : i32
    %convert_element_type3A = arith.extui %eq3A_28 : i1 to i32
    %cond3A = arith.constant 0 : i32
    %cond3A_29 = arith.cmpi ne, %convert_element_type3A, %cond3A : i32
    scf.if %cond3A_29 {
      "tpu.region"() ({
        %run_scoped3A = tpu.sem_alloc : memref<!tpu.dma_semaphore, #tpu.memory_space<semaphore_mem>>
        %dma_start3A = arith.constant 0 : i32
        %dma_start3A_35 = tpu.memref_slice %arg6[%mul3A_9, %dma_start3A] : memref<10240x80xf32, #tpu.memory_space<hbm>> -> memref<640x80xf32, #tpu.memory_space<hbm>>
        %dma_start3A_36 = arith.constant 0 : i32
        %dma_start3A_37 = tpu.memref_slice %arg12[%mul3A_9, %dma_start3A_36] : memref<10240x80xf32, #tpu.memory_space<vmem_shared>> -> memref<640x80xf32, #tpu.memory_space<vmem_shared>>
        tpu.enqueue_dma source(%dma_start3A_37 : memref<640x80xf32, #tpu.memory_space<vmem_shared>>) target(%dma_start3A_35 : memref<640x80xf32, #tpu.memory_space<hbm>>) target_semaphore(%run_scoped3A : memref<!tpu.dma_semaphore, #tpu.memory_space<semaphore_mem>>)
        %dma_wait3A = arith.constant 0 : i32
        %dma_wait3A_38 = tpu.memref_slice %arg6[%mul3A_9, %dma_wait3A] : memref<10240x80xf32, #tpu.memory_space<hbm>> -> memref<640x80xf32, #tpu.memory_space<hbm>>
        %dma_wait3A_39 = arith.constant 0 : i32
        %dma_wait3A_40 = tpu.memref_slice %arg12[%mul3A_9, %dma_wait3A_39] : memref<10240x80xf32, #tpu.memory_space<vmem_shared>> -> memref<640x80xf32, #tpu.memory_space<vmem_shared>>
        tpu.wait_dma2 semaphore(%run_scoped3A : memref<!tpu.dma_semaphore, #tpu.memory_space<semaphore_mem>>) src(%dma_wait3A_40 : memref<640x80xf32, #tpu.memory_space<vmem_shared>>) dst(%dma_wait3A_38 : memref<640x80xf32, #tpu.memory_space<hbm>>)
        tpu.yield
      }) : () -> ()
    } else {
    }
    %eq3A_30 = arith.constant 1 : i32
    %eq3A_31 = arith.cmpi eq, %arg0, %eq3A_30 : i32
    %convert_element_type3A_32 = arith.extui %eq3A_31 : i1 to i32
    %cond3A_33 = arith.constant 0 : i32
    %cond3A_34 = arith.cmpi ne, %convert_element_type3A_32, %cond3A_33 : i32
    scf.if %cond3A_34 {
      "tpu.region"() ({
        %run_scoped3A = tpu.sem_alloc : memref<!tpu.dma_semaphore, #tpu.memory_space<semaphore_mem>>
        %dma_start3A = arith.constant 0 : i32
        %dma_start3A_35 = tpu.memref_slice %arg7[%mul3A_9, %dma_start3A] : memref<10240x80xf32, #tpu.memory_space<hbm>> -> memref<640x80xf32, #tpu.memory_space<hbm>>
        %dma_start3A_36 = arith.constant 0 : i32
        %dma_start3A_37 = tpu.memref_slice %arg12[%mul3A_9, %dma_start3A_36] : memref<10240x80xf32, #tpu.memory_space<vmem_shared>> -> memref<640x80xf32, #tpu.memory_space<vmem_shared>>
        tpu.enqueue_dma source(%dma_start3A_37 : memref<640x80xf32, #tpu.memory_space<vmem_shared>>) target(%dma_start3A_35 : memref<640x80xf32, #tpu.memory_space<hbm>>) target_semaphore(%run_scoped3A : memref<!tpu.dma_semaphore, #tpu.memory_space<semaphore_mem>>)
        %dma_wait3A = arith.constant 0 : i32
        %dma_wait3A_38 = tpu.memref_slice %arg7[%mul3A_9, %dma_wait3A] : memref<10240x80xf32, #tpu.memory_space<hbm>> -> memref<640x80xf32, #tpu.memory_space<hbm>>
        %dma_wait3A_39 = arith.constant 0 : i32
        %dma_wait3A_40 = tpu.memref_slice %arg12[%mul3A_9, %dma_wait3A_39] : memref<10240x80xf32, #tpu.memory_space<vmem_shared>> -> memref<640x80xf32, #tpu.memory_space<vmem_shared>>
        tpu.wait_dma2 semaphore(%run_scoped3A : memref<!tpu.dma_semaphore, #tpu.memory_space<semaphore_mem>>) src(%dma_wait3A_40 : memref<640x80xf32, #tpu.memory_space<vmem_shared>>) dst(%dma_wait3A_38 : memref<640x80xf32, #tpu.memory_space<hbm>>)
        tpu.yield
      }) : () -> ()
    } else {
    }
    return
  }
}

#map = affine_map<(d0, d1) -> (0, 0)>
#map1 = affine_map<(d0, d1) -> (0)>
module attributes {stable_mosaic.version = 14 : i64} {
  func.func @msg_kernel(%arg0: i32, %arg1: i32, %arg2: memref<10000x112xf32, #tpu.memory_space<hbm>>, %arg3: memref<320000xi32, #tpu.memory_space<hbm>>, %arg4: memref<320000xi32, #tpu.memory_space<hbm>>, %arg5: memref<320000xf32, #tpu.memory_space<hbm>>, %arg6: memref<10240x112xf32, #tpu.memory_space<hbm>>, %arg7: memref<10240x112xf32, #tpu.memory_space<hbm>>, %arg8: memref<400xi32, #tpu.memory_space<vmem>>, %arg9: memref<400xi32, #tpu.memory_space<vmem>>, %arg10: memref<400xf32, #tpu.memory_space<vmem>>, %arg11: memref<400x112xf32, #tpu.memory_space<vmem>>, %arg12: memref<10240x112xf32, #tpu.memory_space<vmem_shared>>, %arg13: memref<!tpu.dma_semaphore, #tpu.memory_space<semaphore_mem>>) attributes {dimension_semantics = [#tpu.dimension_semantics<core_parallel>, #tpu.dimension_semantics<subcore_parallel>], iteration_bounds = array<i64: 2, 16>, scalar_prefetch = 0 : i64, scratch_operands = 6 : i64, tpu.core_type = #tpu.core_type<sc_vector_subcore>, window_params = [{transform_indices = #map}, {transform_indices = #map1}, {transform_indices = #map1}, {transform_indices = #map1}, {transform_indices = #map}, {transform_indices = #map}]} {
    %mul3A = arith.constant 16 : i32
    %mul3A_0 = arith.muli %arg0, %mul3A : i32
    %add3A = arith.addi %mul3A_0, %arg1 : i32
    %broadcast_in_dim3A = arith.constant 0.000000e+00 : f32
    %broadcast_in_dim3A_1 = vector.broadcast %broadcast_in_dim3A : f32 to vector<16xf32>
    %scan3A = arith.constant 0 : i32
    %scan3A_2 = arith.constant 0 : i32
    %scan3A_3 = arith.constant 128 : i32
    %scan3A_4 = arith.addi %scan3A_2, %scan3A_3 : i32
    %scan3A_5 = arith.constant 1 : i32
    %scan3A_6 = scf.for %scan3A_35 = %scan3A_2 to %scan3A_4 step %scan3A_5 iter_args(%scan3A_36 = %scan3A) -> (i32)  : i32 {
      %swap3A = arith.index_cast %scan3A_35 : i32 to index
      %swap3A_37 = arith.constant 0 : index
      %swap3A_38 = tpu.vector_load %arg11[%swap3A, %swap3A_37] {strides = array<i32>} : memref<400x112xf32, #tpu.memory_space<vmem>>, vector<16xf32>,
      tpu.vector_store %arg11[%swap3A, %swap3A_37], %broadcast_in_dim3A_1 {strides = array<i32>} : memref<400x112xf32, #tpu.memory_space<vmem>>, vector<16xf32>,
      %swap3A_39 = arith.index_cast %scan3A_35 : i32 to index
      %swap3A_40 = arith.constant 16 : index
      %swap3A_41 = tpu.vector_load %arg11[%swap3A_39, %swap3A_40] {strides = array<i32>} : memref<400x112xf32, #tpu.memory_space<vmem>>, vector<16xf32>,
      tpu.vector_store %arg11[%swap3A_39, %swap3A_40], %broadcast_in_dim3A_1 {strides = array<i32>} : memref<400x112xf32, #tpu.memory_space<vmem>>, vector<16xf32>,
      %swap3A_42 = arith.index_cast %scan3A_35 : i32 to index
      %swap3A_43 = arith.constant 32 : index
      %swap3A_44 = tpu.vector_load %arg11[%swap3A_42, %swap3A_43] {strides = array<i32>} : memref<400x112xf32, #tpu.memory_space<vmem>>, vector<16xf32>,
      tpu.vector_store %arg11[%swap3A_42, %swap3A_43], %broadcast_in_dim3A_1 {strides = array<i32>} : memref<400x112xf32, #tpu.memory_space<vmem>>, vector<16xf32>,
      %swap3A_45 = arith.index_cast %scan3A_35 : i32 to index
      %swap3A_46 = arith.constant 48 : index
      %swap3A_47 = tpu.vector_load %arg11[%swap3A_45, %swap3A_46] {strides = array<i32>} : memref<400x112xf32, #tpu.memory_space<vmem>>, vector<16xf32>,
      tpu.vector_store %arg11[%swap3A_45, %swap3A_46], %broadcast_in_dim3A_1 {strides = array<i32>} : memref<400x112xf32, #tpu.memory_space<vmem>>, vector<16xf32>,
      %swap3A_48 = arith.index_cast %scan3A_35 : i32 to index
      %swap3A_49 = arith.constant 64 : index
      %swap3A_50 = tpu.vector_load %arg11[%swap3A_48, %swap3A_49] {strides = array<i32>} : memref<400x112xf32, #tpu.memory_space<vmem>>, vector<16xf32>,
      tpu.vector_store %arg11[%swap3A_48, %swap3A_49], %broadcast_in_dim3A_1 {strides = array<i32>} : memref<400x112xf32, #tpu.memory_space<vmem>>, vector<16xf32>,
      %swap3A_51 = arith.index_cast %scan3A_35 : i32 to index
      %swap3A_52 = arith.constant 80 : index
      %swap3A_53 = tpu.vector_load %arg11[%swap3A_51, %swap3A_52] {strides = array<i32>} : memref<400x112xf32, #tpu.memory_space<vmem>>, vector<16xf32>,
      tpu.vector_store %arg11[%swap3A_51, %swap3A_52], %broadcast_in_dim3A_1 {strides = array<i32>} : memref<400x112xf32, #tpu.memory_space<vmem>>, vector<16xf32>,
      %swap3A_54 = arith.index_cast %scan3A_35 : i32 to index
      %swap3A_55 = arith.constant 96 : index
      %swap3A_56 = tpu.vector_load %arg11[%swap3A_54, %swap3A_55] {strides = array<i32>} : memref<400x112xf32, #tpu.memory_space<vmem>>, vector<16xf32>,
      tpu.vector_store %arg11[%swap3A_54, %swap3A_55], %broadcast_in_dim3A_1 {strides = array<i32>} : memref<400x112xf32, #tpu.memory_space<vmem>>, vector<16xf32>,
      %scan3A_57 = arith.constant 0 : i32
      scf.yield %scan3A_57 : i32
    }
    %scan3A_7 = arith.constant 128 : i32
    %mul3A_8 = arith.constant 640 : i32
    %mul3A_9 = arith.muli %arg1, %mul3A_8 : i32
    %add3A_10 = arith.constant 0 : i32
    %add3A_11 = arith.addi %mul3A_9, %add3A_10 : i32
    "tpu.region"() ({
      %run_scoped3A = tpu.sem_alloc : memref<!tpu.dma_semaphore, #tpu.memory_space<semaphore_mem>>
      %dma_start3A = arith.constant 0 : i32
      %dma_start3A_35 = arith.constant 0 : i32
      %dma_start3A_36 = tpu.memref_slice %arg11[%dma_start3A, %dma_start3A_35] : memref<400x112xf32, #tpu.memory_space<vmem>> -> memref<128x112xf32, #tpu.memory_space<vmem>>
      %dma_start3A_37 = arith.constant 0 : i32
      %dma_start3A_38 = tpu.memref_slice %arg12[%add3A_11, %dma_start3A_37] : memref<10240x112xf32, #tpu.memory_space<vmem_shared>> -> memref<128x112xf32, #tpu.memory_space<vmem_shared>>
      %dma_start3A_39 = arith.constant 0 : i32
      %dma_start3A_40 = tpu.memref_slice %arg12[%add3A_11, %dma_start3A_39] : memref<10240x112xf32, #tpu.memory_space<vmem_shared>> -> memref<128x112xf32, #tpu.memory_space<vmem_shared>>
      %dma_start3A_41 = arith.constant 0 : i32
      %dma_start3A_42 = arith.constant 0 : i32
      %dma_start3A_43 = tpu.memref_slice %arg11[%dma_start3A_41, %dma_start3A_42] : memref<400x112xf32, #tpu.memory_space<vmem>> -> memref<128x112xf32, #tpu.memory_space<vmem>>
      tpu.enqueue_dma source(%dma_start3A_43 : memref<128x112xf32, #tpu.memory_space<vmem>>) target(%dma_start3A_40 : memref<128x112xf32, #tpu.memory_space<vmem_shared>>) target_semaphore(%run_scoped3A : memref<!tpu.dma_semaphore, #tpu.memory_space<semaphore_mem>>)
      %dma_wait3A = arith.constant 0 : i32
      %dma_wait3A_44 = arith.constant 0 : i32
      %dma_wait3A_45 = tpu.memref_slice %arg11[%dma_wait3A, %dma_wait3A_44] : memref<400x112xf32, #tpu.memory_space<vmem>> -> memref<128x112xf32, #tpu.memory_space<vmem>>
      %dma_wait3A_46 = arith.constant 0 : i32
      %dma_wait3A_47 = tpu.memref_slice %arg12[%add3A_11, %dma_wait3A_46] : memref<10240x112xf32, #tpu.memory_space<vmem_shared>> -> memref<128x112xf32, #tpu.memory_space<vmem_shared>>
      %dma_wait3A_48 = arith.constant 0 : i32
      %dma_wait3A_49 = tpu.memref_slice %arg12[%add3A_11, %dma_wait3A_48] : memref<10240x112xf32, #tpu.memory_space<vmem_shared>> -> memref<128x112xf32, #tpu.memory_space<vmem_shared>>
      %dma_wait3A_50 = arith.constant 0 : i32
      %dma_wait3A_51 = arith.constant 0 : i32
      %dma_wait3A_52 = tpu.memref_slice %arg11[%dma_wait3A_50, %dma_wait3A_51] : memref<400x112xf32, #tpu.memory_space<vmem>> -> memref<128x112xf32, #tpu.memory_space<vmem>>
      tpu.wait_dma2 semaphore(%run_scoped3A : memref<!tpu.dma_semaphore, #tpu.memory_space<semaphore_mem>>) src(%dma_wait3A_52 : memref<128x112xf32, #tpu.memory_space<vmem>>) dst(%dma_wait3A_49 : memref<128x112xf32, #tpu.memory_space<vmem_shared>>)
      tpu.yield
    }) : () -> ()
    %add3A_12 = arith.constant 128 : i32
    %add3A_13 = arith.addi %mul3A_9, %add3A_12 : i32
    "tpu.region"() ({
      %run_scoped3A = tpu.sem_alloc : memref<!tpu.dma_semaphore, #tpu.memory_space<semaphore_mem>>
      %dma_start3A = arith.constant 0 : i32
      %dma_start3A_35 = arith.constant 0 : i32
      %dma_start3A_36 = tpu.memref_slice %arg11[%dma_start3A, %dma_start3A_35] : memref<400x112xf32, #tpu.memory_space<vmem>> -> memref<128x112xf32, #tpu.memory_space<vmem>>
      %dma_start3A_37 = arith.constant 0 : i32
      %dma_start3A_38 = tpu.memref_slice %arg12[%add3A_13, %dma_start3A_37] : memref<10240x112xf32, #tpu.memory_space<vmem_shared>> -> memref<128x112xf32, #tpu.memory_space<vmem_shared>>
      %dma_start3A_39 = arith.constant 0 : i32
      %dma_start3A_40 = tpu.memref_slice %arg12[%add3A_13, %dma_start3A_39] : memref<10240x112xf32, #tpu.memory_space<vmem_shared>> -> memref<128x112xf32, #tpu.memory_space<vmem_shared>>
      %dma_start3A_41 = arith.constant 0 : i32
      %dma_start3A_42 = arith.constant 0 : i32
      %dma_start3A_43 = tpu.memref_slice %arg11[%dma_start3A_41, %dma_start3A_42] : memref<400x112xf32, #tpu.memory_space<vmem>> -> memref<128x112xf32, #tpu.memory_space<vmem>>
      tpu.enqueue_dma source(%dma_start3A_43 : memref<128x112xf32, #tpu.memory_space<vmem>>) target(%dma_start3A_40 : memref<128x112xf32, #tpu.memory_space<vmem_shared>>) target_semaphore(%run_scoped3A : memref<!tpu.dma_semaphore, #tpu.memory_space<semaphore_mem>>)
      %dma_wait3A = arith.constant 0 : i32
      %dma_wait3A_44 = arith.constant 0 : i32
      %dma_wait3A_45 = tpu.memref_slice %arg11[%dma_wait3A, %dma_wait3A_44] : memref<400x112xf32, #tpu.memory_space<vmem>> -> memref<128x112xf32, #tpu.memory_space<vmem>>
      %dma_wait3A_46 = arith.constant 0 : i32
      %dma_wait3A_47 = tpu.memref_slice %arg12[%add3A_13, %dma_wait3A_46] : memref<10240x112xf32, #tpu.memory_space<vmem_shared>> -> memref<128x112xf32, #tpu.memory_space<vmem_shared>>
      %dma_wait3A_48 = arith.constant 0 : i32
      %dma_wait3A_49 = tpu.memref_slice %arg12[%add3A_13, %dma_wait3A_48] : memref<10240x112xf32, #tpu.memory_space<vmem_shared>> -> memref<128x112xf32, #tpu.memory_space<vmem_shared>>
      %dma_wait3A_50 = arith.constant 0 : i32
      %dma_wait3A_51 = arith.constant 0 : i32
      %dma_wait3A_52 = tpu.memref_slice %arg11[%dma_wait3A_50, %dma_wait3A_51] : memref<400x112xf32, #tpu.memory_space<vmem>> -> memref<128x112xf32, #tpu.memory_space<vmem>>
      tpu.wait_dma2 semaphore(%run_scoped3A : memref<!tpu.dma_semaphore, #tpu.memory_space<semaphore_mem>>) src(%dma_wait3A_52 : memref<128x112xf32, #tpu.memory_space<vmem>>) dst(%dma_wait3A_49 : memref<128x112xf32, #tpu.memory_space<vmem_shared>>)
      tpu.yield
    }) : () -> ()
    %add3A_14 = arith.constant 256 : i32
    %add3A_15 = arith.addi %mul3A_9, %add3A_14 : i32
    "tpu.region"() ({
      %run_scoped3A = tpu.sem_alloc : memref<!tpu.dma_semaphore, #tpu.memory_space<semaphore_mem>>
      %dma_start3A = arith.constant 0 : i32
      %dma_start3A_35 = arith.constant 0 : i32
      %dma_start3A_36 = tpu.memref_slice %arg11[%dma_start3A, %dma_start3A_35] : memref<400x112xf32, #tpu.memory_space<vmem>> -> memref<128x112xf32, #tpu.memory_space<vmem>>
      %dma_start3A_37 = arith.constant 0 : i32
      %dma_start3A_38 = tpu.memref_slice %arg12[%add3A_15, %dma_start3A_37] : memref<10240x112xf32, #tpu.memory_space<vmem_shared>> -> memref<128x112xf32, #tpu.memory_space<vmem_shared>>
      %dma_start3A_39 = arith.constant 0 : i32
      %dma_start3A_40 = tpu.memref_slice %arg12[%add3A_15, %dma_start3A_39] : memref<10240x112xf32, #tpu.memory_space<vmem_shared>> -> memref<128x112xf32, #tpu.memory_space<vmem_shared>>
      %dma_start3A_41 = arith.constant 0 : i32
      %dma_start3A_42 = arith.constant 0 : i32
      %dma_start3A_43 = tpu.memref_slice %arg11[%dma_start3A_41, %dma_start3A_42] : memref<400x112xf32, #tpu.memory_space<vmem>> -> memref<128x112xf32, #tpu.memory_space<vmem>>
      tpu.enqueue_dma source(%dma_start3A_43 : memref<128x112xf32, #tpu.memory_space<vmem>>) target(%dma_start3A_40 : memref<128x112xf32, #tpu.memory_space<vmem_shared>>) target_semaphore(%run_scoped3A : memref<!tpu.dma_semaphore, #tpu.memory_space<semaphore_mem>>)
      %dma_wait3A = arith.constant 0 : i32
      %dma_wait3A_44 = arith.constant 0 : i32
      %dma_wait3A_45 = tpu.memref_slice %arg11[%dma_wait3A, %dma_wait3A_44] : memref<400x112xf32, #tpu.memory_space<vmem>> -> memref<128x112xf32, #tpu.memory_space<vmem>>
      %dma_wait3A_46 = arith.constant 0 : i32
      %dma_wait3A_47 = tpu.memref_slice %arg12[%add3A_15, %dma_wait3A_46] : memref<10240x112xf32, #tpu.memory_space<vmem_shared>> -> memref<128x112xf32, #tpu.memory_space<vmem_shared>>
      %dma_wait3A_48 = arith.constant 0 : i32
      %dma_wait3A_49 = tpu.memref_slice %arg12[%add3A_15, %dma_wait3A_48] : memref<10240x112xf32, #tpu.memory_space<vmem_shared>> -> memref<128x112xf32, #tpu.memory_space<vmem_shared>>
      %dma_wait3A_50 = arith.constant 0 : i32
      %dma_wait3A_51 = arith.constant 0 : i32
      %dma_wait3A_52 = tpu.memref_slice %arg11[%dma_wait3A_50, %dma_wait3A_51] : memref<400x112xf32, #tpu.memory_space<vmem>> -> memref<128x112xf32, #tpu.memory_space<vmem>>
      tpu.wait_dma2 semaphore(%run_scoped3A : memref<!tpu.dma_semaphore, #tpu.memory_space<semaphore_mem>>) src(%dma_wait3A_52 : memref<128x112xf32, #tpu.memory_space<vmem>>) dst(%dma_wait3A_49 : memref<128x112xf32, #tpu.memory_space<vmem_shared>>)
      tpu.yield
    }) : () -> ()
    %add3A_16 = arith.constant 384 : i32
    %add3A_17 = arith.addi %mul3A_9, %add3A_16 : i32
    "tpu.region"() ({
      %run_scoped3A = tpu.sem_alloc : memref<!tpu.dma_semaphore, #tpu.memory_space<semaphore_mem>>
      %dma_start3A = arith.constant 0 : i32
      %dma_start3A_35 = arith.constant 0 : i32
      %dma_start3A_36 = tpu.memref_slice %arg11[%dma_start3A, %dma_start3A_35] : memref<400x112xf32, #tpu.memory_space<vmem>> -> memref<128x112xf32, #tpu.memory_space<vmem>>
      %dma_start3A_37 = arith.constant 0 : i32
      %dma_start3A_38 = tpu.memref_slice %arg12[%add3A_17, %dma_start3A_37] : memref<10240x112xf32, #tpu.memory_space<vmem_shared>> -> memref<128x112xf32, #tpu.memory_space<vmem_shared>>
      %dma_start3A_39 = arith.constant 0 : i32
      %dma_start3A_40 = tpu.memref_slice %arg12[%add3A_17, %dma_start3A_39] : memref<10240x112xf32, #tpu.memory_space<vmem_shared>> -> memref<128x112xf32, #tpu.memory_space<vmem_shared>>
      %dma_start3A_41 = arith.constant 0 : i32
      %dma_start3A_42 = arith.constant 0 : i32
      %dma_start3A_43 = tpu.memref_slice %arg11[%dma_start3A_41, %dma_start3A_42] : memref<400x112xf32, #tpu.memory_space<vmem>> -> memref<128x112xf32, #tpu.memory_space<vmem>>
      tpu.enqueue_dma source(%dma_start3A_43 : memref<128x112xf32, #tpu.memory_space<vmem>>) target(%dma_start3A_40 : memref<128x112xf32, #tpu.memory_space<vmem_shared>>) target_semaphore(%run_scoped3A : memref<!tpu.dma_semaphore, #tpu.memory_space<semaphore_mem>>)
      %dma_wait3A = arith.constant 0 : i32
      %dma_wait3A_44 = arith.constant 0 : i32
      %dma_wait3A_45 = tpu.memref_slice %arg11[%dma_wait3A, %dma_wait3A_44] : memref<400x112xf32, #tpu.memory_space<vmem>> -> memref<128x112xf32, #tpu.memory_space<vmem>>
      %dma_wait3A_46 = arith.constant 0 : i32
      %dma_wait3A_47 = tpu.memref_slice %arg12[%add3A_17, %dma_wait3A_46] : memref<10240x112xf32, #tpu.memory_space<vmem_shared>> -> memref<128x112xf32, #tpu.memory_space<vmem_shared>>
      %dma_wait3A_48 = arith.constant 0 : i32
      %dma_wait3A_49 = tpu.memref_slice %arg12[%add3A_17, %dma_wait3A_48] : memref<10240x112xf32, #tpu.memory_space<vmem_shared>> -> memref<128x112xf32, #tpu.memory_space<vmem_shared>>
      %dma_wait3A_50 = arith.constant 0 : i32
      %dma_wait3A_51 = arith.constant 0 : i32
      %dma_wait3A_52 = tpu.memref_slice %arg11[%dma_wait3A_50, %dma_wait3A_51] : memref<400x112xf32, #tpu.memory_space<vmem>> -> memref<128x112xf32, #tpu.memory_space<vmem>>
      tpu.wait_dma2 semaphore(%run_scoped3A : memref<!tpu.dma_semaphore, #tpu.memory_space<semaphore_mem>>) src(%dma_wait3A_52 : memref<128x112xf32, #tpu.memory_space<vmem>>) dst(%dma_wait3A_49 : memref<128x112xf32, #tpu.memory_space<vmem_shared>>)
      tpu.yield
    }) : () -> ()
    %add3A_18 = arith.constant 512 : i32
    %add3A_19 = arith.addi %mul3A_9, %add3A_18 : i32
    "tpu.region"() ({
      %run_scoped3A = tpu.sem_alloc : memref<!tpu.dma_semaphore, #tpu.memory_space<semaphore_mem>>
      %dma_start3A = arith.constant 0 : i32
      %dma_start3A_35 = arith.constant 0 : i32
      %dma_start3A_36 = tpu.memref_slice %arg11[%dma_start3A, %dma_start3A_35] : memref<400x112xf32, #tpu.memory_space<vmem>> -> memref<128x112xf32, #tpu.memory_space<vmem>>
      %dma_start3A_37 = arith.constant 0 : i32
      %dma_start3A_38 = tpu.memref_slice %arg12[%add3A_19, %dma_start3A_37] : memref<10240x112xf32, #tpu.memory_space<vmem_shared>> -> memref<128x112xf32, #tpu.memory_space<vmem_shared>>
      %dma_start3A_39 = arith.constant 0 : i32
      %dma_start3A_40 = tpu.memref_slice %arg12[%add3A_19, %dma_start3A_39] : memref<10240x112xf32, #tpu.memory_space<vmem_shared>> -> memref<128x112xf32, #tpu.memory_space<vmem_shared>>
      %dma_start3A_41 = arith.constant 0 : i32
      %dma_start3A_42 = arith.constant 0 : i32
      %dma_start3A_43 = tpu.memref_slice %arg11[%dma_start3A_41, %dma_start3A_42] : memref<400x112xf32, #tpu.memory_space<vmem>> -> memref<128x112xf32, #tpu.memory_space<vmem>>
      tpu.enqueue_dma source(%dma_start3A_43 : memref<128x112xf32, #tpu.memory_space<vmem>>) target(%dma_start3A_40 : memref<128x112xf32, #tpu.memory_space<vmem_shared>>) target_semaphore(%run_scoped3A : memref<!tpu.dma_semaphore, #tpu.memory_space<semaphore_mem>>)
      %dma_wait3A = arith.constant 0 : i32
      %dma_wait3A_44 = arith.constant 0 : i32
      %dma_wait3A_45 = tpu.memref_slice %arg11[%dma_wait3A, %dma_wait3A_44] : memref<400x112xf32, #tpu.memory_space<vmem>> -> memref<128x112xf32, #tpu.memory_space<vmem>>
      %dma_wait3A_46 = arith.constant 0 : i32
      %dma_wait3A_47 = tpu.memref_slice %arg12[%add3A_19, %dma_wait3A_46] : memref<10240x112xf32, #tpu.memory_space<vmem_shared>> -> memref<128x112xf32, #tpu.memory_space<vmem_shared>>
      %dma_wait3A_48 = arith.constant 0 : i32
      %dma_wait3A_49 = tpu.memref_slice %arg12[%add3A_19, %dma_wait3A_48] : memref<10240x112xf32, #tpu.memory_space<vmem_shared>> -> memref<128x112xf32, #tpu.memory_space<vmem_shared>>
      %dma_wait3A_50 = arith.constant 0 : i32
      %dma_wait3A_51 = arith.constant 0 : i32
      %dma_wait3A_52 = tpu.memref_slice %arg11[%dma_wait3A_50, %dma_wait3A_51] : memref<400x112xf32, #tpu.memory_space<vmem>> -> memref<128x112xf32, #tpu.memory_space<vmem>>
      tpu.wait_dma2 semaphore(%run_scoped3A : memref<!tpu.dma_semaphore, #tpu.memory_space<semaphore_mem>>) src(%dma_wait3A_52 : memref<128x112xf32, #tpu.memory_space<vmem>>) dst(%dma_wait3A_49 : memref<128x112xf32, #tpu.memory_space<vmem_shared>>)
      tpu.yield
    }) : () -> ()
    %barrier3A = arith.constant 0 : index
    tpu.barrier barrier_id(%barrier3A)
    %scan3A_20 = arith.constant 0 : i32
    %scan3A_21 = arith.constant 0 : i32
    %scan3A_22 = arith.constant 25 : i32
    %scan3A_23 = arith.addi %scan3A_21, %scan3A_22 : i32
    %scan3A_24 = arith.constant 1 : i32
    %scan3A_25 = scf.for %scan3A_35 = %scan3A_21 to %scan3A_23 step %scan3A_24 iter_args(%scan3A_36 = %scan3A_20) -> (i32)  : i32 {
      %mul3A_37 = arith.constant 10000 : i32
      %mul3A_38 = arith.muli %add3A, %mul3A_37 : i32
      %mul3A_39 = arith.constant 400 : i32
      %mul3A_40 = arith.muli %scan3A_35, %mul3A_39 : i32
      %add3A_41 = arith.addi %mul3A_38, %mul3A_40 : i32
      "tpu.region"() ({
        %run_scoped3A = tpu.sem_alloc : memref<!tpu.dma_semaphore, #tpu.memory_space<semaphore_mem>>
        %dma_start3A_54 = tpu.memref_slice %arg3[%add3A_41] : memref<320000xi32, #tpu.memory_space<hbm>> -> memref<400xi32, #tpu.memory_space<hbm>>
        %dma_start3A_55 = tpu.memref_slice %arg3[%add3A_41] : memref<320000xi32, #tpu.memory_space<hbm>> -> memref<400xi32, #tpu.memory_space<hbm>>
        tpu.enqueue_dma source(%dma_start3A_55 : memref<400xi32, #tpu.memory_space<hbm>>) target(%arg8 : memref<400xi32, #tpu.memory_space<vmem>>) target_semaphore(%run_scoped3A : memref<!tpu.dma_semaphore, #tpu.memory_space<semaphore_mem>>)
        %dma_wait3A_56 = tpu.memref_slice %arg3[%add3A_41] : memref<320000xi32, #tpu.memory_space<hbm>> -> memref<400xi32, #tpu.memory_space<hbm>>
        %dma_wait3A_57 = tpu.memref_slice %arg3[%add3A_41] : memref<320000xi32, #tpu.memory_space<hbm>> -> memref<400xi32, #tpu.memory_space<hbm>>
        tpu.wait_dma2 semaphore(%run_scoped3A : memref<!tpu.dma_semaphore, #tpu.memory_space<semaphore_mem>>) src(%dma_wait3A_57 : memref<400xi32, #tpu.memory_space<hbm>>) dst(%arg8 : memref<400xi32, #tpu.memory_space<vmem>>)
        tpu.yield
      }) : () -> ()
      "tpu.region"() ({
        %run_scoped3A = tpu.sem_alloc : memref<!tpu.dma_semaphore, #tpu.memory_space<semaphore_mem>>
        %dma_start3A_54 = tpu.memref_slice %arg4[%add3A_41] : memref<320000xi32, #tpu.memory_space<hbm>> -> memref<400xi32, #tpu.memory_space<hbm>>
        %dma_start3A_55 = tpu.memref_slice %arg4[%add3A_41] : memref<320000xi32, #tpu.memory_space<hbm>> -> memref<400xi32, #tpu.memory_space<hbm>>
        tpu.enqueue_dma source(%dma_start3A_55 : memref<400xi32, #tpu.memory_space<hbm>>) target(%arg9 : memref<400xi32, #tpu.memory_space<vmem>>) target_semaphore(%run_scoped3A : memref<!tpu.dma_semaphore, #tpu.memory_space<semaphore_mem>>)
        %dma_wait3A_56 = tpu.memref_slice %arg4[%add3A_41] : memref<320000xi32, #tpu.memory_space<hbm>> -> memref<400xi32, #tpu.memory_space<hbm>>
        %dma_wait3A_57 = tpu.memref_slice %arg4[%add3A_41] : memref<320000xi32, #tpu.memory_space<hbm>> -> memref<400xi32, #tpu.memory_space<hbm>>
        tpu.wait_dma2 semaphore(%run_scoped3A : memref<!tpu.dma_semaphore, #tpu.memory_space<semaphore_mem>>) src(%dma_wait3A_57 : memref<400xi32, #tpu.memory_space<hbm>>) dst(%arg9 : memref<400xi32, #tpu.memory_space<vmem>>)
        tpu.yield
      }) : () -> ()
      "tpu.region"() ({
        %run_scoped3A = tpu.sem_alloc : memref<!tpu.dma_semaphore, #tpu.memory_space<semaphore_mem>>
        %dma_start3A_54 = tpu.memref_slice %arg5[%add3A_41] : memref<320000xf32, #tpu.memory_space<hbm>> -> memref<400xf32, #tpu.memory_space<hbm>>
        %dma_start3A_55 = tpu.memref_slice %arg5[%add3A_41] : memref<320000xf32, #tpu.memory_space<hbm>> -> memref<400xf32, #tpu.memory_space<hbm>>
        tpu.enqueue_dma source(%dma_start3A_55 : memref<400xf32, #tpu.memory_space<hbm>>) target(%arg10 : memref<400xf32, #tpu.memory_space<vmem>>) target_semaphore(%run_scoped3A : memref<!tpu.dma_semaphore, #tpu.memory_space<semaphore_mem>>)
        %dma_wait3A_56 = tpu.memref_slice %arg5[%add3A_41] : memref<320000xf32, #tpu.memory_space<hbm>> -> memref<400xf32, #tpu.memory_space<hbm>>
        %dma_wait3A_57 = tpu.memref_slice %arg5[%add3A_41] : memref<320000xf32, #tpu.memory_space<hbm>> -> memref<400xf32, #tpu.memory_space<hbm>>
        tpu.wait_dma2 semaphore(%run_scoped3A : memref<!tpu.dma_semaphore, #tpu.memory_space<semaphore_mem>>) src(%dma_wait3A_57 : memref<400xf32, #tpu.memory_space<hbm>>) dst(%arg10 : memref<400xf32, #tpu.memory_space<vmem>>)
        tpu.yield
      }) : () -> ()
      %dma_start3A = arith.constant 0 : i32
      %dma_start3A_42 = arith.constant 0 : i32
      %dma_start3A_43 = tpu.memref_slice %arg2[%dma_start3A, %dma_start3A_42] : memref<10000x112xf32, #tpu.memory_space<hbm>> -> memref<10000x112xf32, #tpu.memory_space<hbm>>
      tpu.enqueue_indirect_dma source(%dma_start3A_43 : memref<10000x112xf32, #tpu.memory_space<hbm>>) target(%arg11 : memref<400x112xf32, #tpu.memory_space<vmem>>) offsets(%arg8 : memref<400xi32, #tpu.memory_space<vmem>>) semaphore(%arg13 : memref<!tpu.dma_semaphore, #tpu.memory_space<semaphore_mem>>)
      %dma_wait3A = arith.constant 0 : i32
      %dma_wait3A_44 = arith.constant 0 : i32
      %dma_wait3A_45 = tpu.memref_slice %arg2[%dma_wait3A, %dma_wait3A_44] : memref<10000x112xf32, #tpu.memory_space<hbm>> -> memref<10000x112xf32, #tpu.memory_space<hbm>>
      tpu.wait_indirect_dma semaphore(%arg13 : memref<!tpu.dma_semaphore, #tpu.memory_space<semaphore_mem>>) src(%dma_wait3A_45 : memref<10000x112xf32, #tpu.memory_space<hbm>>) dst(%arg11 : memref<400x112xf32, #tpu.memory_space<vmem>>)
      %scan3A_46 = arith.constant 0 : i32
      %scan3A_47 = arith.constant 0 : i32
      %scan3A_48 = arith.constant 400 : i32
      %scan3A_49 = arith.addi %scan3A_47, %scan3A_48 : i32
      %scan3A_50 = arith.constant 1 : i32
      %scan3A_51 = scf.for %scan3A_54 = %scan3A_47 to %scan3A_49 step %scan3A_50 iter_args(%scan3A_55 = %scan3A_46) -> (i32)  : i32 {
        %broadcast_in_dim3A_56 = vector.broadcast %scan3A_54 : i32 to vector<16xi32>
        %gather3A = tpu.vector_load_idx %arg10[%broadcast_in_dim3A_56] : memref<400xf32, #tpu.memory_space<vmem>>[vector<16xi32>], vector<16xf32>,
        %get3A = arith.index_cast %scan3A_54 : i32 to index
        %get3A_57 = arith.constant 0 : index
        %get3A_58 = tpu.vector_load %arg11[%get3A, %get3A_57] {strides = array<i32>} : memref<400x112xf32, #tpu.memory_space<vmem>>, vector<16xf32>,
        %mul3A_59 = arith.mulf %get3A_58, %gather3A : vector<16xf32>
        %swap3A = arith.index_cast %scan3A_54 : i32 to index
        %swap3A_60 = arith.constant 0 : index
        %swap3A_61 = tpu.vector_load %arg11[%swap3A, %swap3A_60] {strides = array<i32>} : memref<400x112xf32, #tpu.memory_space<vmem>>, vector<16xf32>,
        tpu.vector_store %arg11[%swap3A, %swap3A_60], %mul3A_59 {strides = array<i32>} : memref<400x112xf32, #tpu.memory_space<vmem>>, vector<16xf32>,
        %get3A_62 = arith.index_cast %scan3A_54 : i32 to index
        %get3A_63 = arith.constant 16 : index
        %get3A_64 = tpu.vector_load %arg11[%get3A_62, %get3A_63] {strides = array<i32>} : memref<400x112xf32, #tpu.memory_space<vmem>>, vector<16xf32>,
        %mul3A_65 = arith.mulf %get3A_64, %gather3A : vector<16xf32>
        %swap3A_66 = arith.index_cast %scan3A_54 : i32 to index
        %swap3A_67 = arith.constant 16 : index
        %swap3A_68 = tpu.vector_load %arg11[%swap3A_66, %swap3A_67] {strides = array<i32>} : memref<400x112xf32, #tpu.memory_space<vmem>>, vector<16xf32>,
        tpu.vector_store %arg11[%swap3A_66, %swap3A_67], %mul3A_65 {strides = array<i32>} : memref<400x112xf32, #tpu.memory_space<vmem>>, vector<16xf32>,
        %get3A_69 = arith.index_cast %scan3A_54 : i32 to index
        %get3A_70 = arith.constant 32 : index
        %get3A_71 = tpu.vector_load %arg11[%get3A_69, %get3A_70] {strides = array<i32>} : memref<400x112xf32, #tpu.memory_space<vmem>>, vector<16xf32>,
        %mul3A_72 = arith.mulf %get3A_71, %gather3A : vector<16xf32>
        %swap3A_73 = arith.index_cast %scan3A_54 : i32 to index
        %swap3A_74 = arith.constant 32 : index
        %swap3A_75 = tpu.vector_load %arg11[%swap3A_73, %swap3A_74] {strides = array<i32>} : memref<400x112xf32, #tpu.memory_space<vmem>>, vector<16xf32>,
        tpu.vector_store %arg11[%swap3A_73, %swap3A_74], %mul3A_72 {strides = array<i32>} : memref<400x112xf32, #tpu.memory_space<vmem>>, vector<16xf32>,
        %get3A_76 = arith.index_cast %scan3A_54 : i32 to index
        %get3A_77 = arith.constant 48 : index
        %get3A_78 = tpu.vector_load %arg11[%get3A_76, %get3A_77] {strides = array<i32>} : memref<400x112xf32, #tpu.memory_space<vmem>>, vector<16xf32>,
        %mul3A_79 = arith.mulf %get3A_78, %gather3A : vector<16xf32>
        %swap3A_80 = arith.index_cast %scan3A_54 : i32 to index
        %swap3A_81 = arith.constant 48 : index
        %swap3A_82 = tpu.vector_load %arg11[%swap3A_80, %swap3A_81] {strides = array<i32>} : memref<400x112xf32, #tpu.memory_space<vmem>>, vector<16xf32>,
        tpu.vector_store %arg11[%swap3A_80, %swap3A_81], %mul3A_79 {strides = array<i32>} : memref<400x112xf32, #tpu.memory_space<vmem>>, vector<16xf32>,
        %get3A_83 = arith.index_cast %scan3A_54 : i32 to index
        %get3A_84 = arith.constant 64 : index
        %get3A_85 = tpu.vector_load %arg11[%get3A_83, %get3A_84] {strides = array<i32>} : memref<400x112xf32, #tpu.memory_space<vmem>>, vector<16xf32>,
        %mul3A_86 = arith.mulf %get3A_85, %gather3A : vector<16xf32>
        %swap3A_87 = arith.index_cast %scan3A_54 : i32 to index
        %swap3A_88 = arith.constant 64 : index
        %swap3A_89 = tpu.vector_load %arg11[%swap3A_87, %swap3A_88] {strides = array<i32>} : memref<400x112xf32, #tpu.memory_space<vmem>>, vector<16xf32>,
        tpu.vector_store %arg11[%swap3A_87, %swap3A_88], %mul3A_86 {strides = array<i32>} : memref<400x112xf32, #tpu.memory_space<vmem>>, vector<16xf32>,
        %get3A_90 = arith.index_cast %scan3A_54 : i32 to index
        %get3A_91 = arith.constant 80 : index
        %get3A_92 = tpu.vector_load %arg11[%get3A_90, %get3A_91] {strides = array<i32>} : memref<400x112xf32, #tpu.memory_space<vmem>>, vector<16xf32>,
        %mul3A_93 = arith.mulf %get3A_92, %gather3A : vector<16xf32>
        %swap3A_94 = arith.index_cast %scan3A_54 : i32 to index
        %swap3A_95 = arith.constant 80 : index
        %swap3A_96 = tpu.vector_load %arg11[%swap3A_94, %swap3A_95] {strides = array<i32>} : memref<400x112xf32, #tpu.memory_space<vmem>>, vector<16xf32>,
        tpu.vector_store %arg11[%swap3A_94, %swap3A_95], %mul3A_93 {strides = array<i32>} : memref<400x112xf32, #tpu.memory_space<vmem>>, vector<16xf32>,
        %get3A_97 = arith.index_cast %scan3A_54 : i32 to index
        %get3A_98 = arith.constant 96 : index
        %get3A_99 = tpu.vector_load %arg11[%get3A_97, %get3A_98] {strides = array<i32>} : memref<400x112xf32, #tpu.memory_space<vmem>>, vector<16xf32>,
        %mul3A_100 = arith.mulf %get3A_99, %gather3A : vector<16xf32>
        %swap3A_101 = arith.index_cast %scan3A_54 : i32 to index
        %swap3A_102 = arith.constant 96 : index
        %swap3A_103 = tpu.vector_load %arg11[%swap3A_101, %swap3A_102] {strides = array<i32>} : memref<400x112xf32, #tpu.memory_space<vmem>>, vector<16xf32>,
        tpu.vector_store %arg11[%swap3A_101, %swap3A_102], %mul3A_100 {strides = array<i32>} : memref<400x112xf32, #tpu.memory_space<vmem>>, vector<16xf32>,
        %scan3A_104 = arith.constant 0 : i32
        scf.yield %scan3A_104 : i32
      }
      %scan3A_52 = arith.constant 400 : i32
      "tpu.region"() ({
        %run_scoped3A = tpu.sem_alloc : memref<!tpu.dma_semaphore, #tpu.memory_space<semaphore_mem>>
        %dma_start3A_54 = arith.constant 0 : i32
        %dma_start3A_55 = arith.constant 0 : i32
        %dma_start3A_56 = tpu.memref_slice %arg12[%dma_start3A_54, %dma_start3A_55] : memref<10240x112xf32, #tpu.memory_space<vmem_shared>> -> memref<10240x112xf32, #tpu.memory_space<vmem_shared>>
        tpu.enqueue_indirect_dma source(%arg11 : memref<400x112xf32, #tpu.memory_space<vmem>>) target(%dma_start3A_56 : memref<10240x112xf32, #tpu.memory_space<vmem_shared>>) offsets(%arg9 : memref<400xi32, #tpu.memory_space<vmem>>) semaphore(%run_scoped3A : memref<!tpu.dma_semaphore, #tpu.memory_space<semaphore_mem>>) {add = true}
        %dma_wait3A_57 = arith.constant 0 : i32
        %dma_wait3A_58 = arith.constant 0 : i32
        %dma_wait3A_59 = tpu.memref_slice %arg12[%dma_wait3A_57, %dma_wait3A_58] : memref<10240x112xf32, #tpu.memory_space<vmem_shared>> -> memref<10240x112xf32, #tpu.memory_space<vmem_shared>>
        tpu.wait_indirect_dma semaphore(%run_scoped3A : memref<!tpu.dma_semaphore, #tpu.memory_space<semaphore_mem>>) src(%arg11 : memref<400x112xf32, #tpu.memory_space<vmem>>) dst(%dma_wait3A_59 : memref<10240x112xf32, #tpu.memory_space<vmem_shared>>)
        tpu.yield
      }) : () -> ()
      %scan3A_53 = arith.constant 0 : i32
      scf.yield %scan3A_53 : i32
    }
    %scan3A_26 = arith.constant 25 : i32
    %barrier3A_27 = arith.constant 0 : index
    tpu.barrier barrier_id(%barrier3A_27)
    %eq3A = arith.constant 0 : i32
    %eq3A_28 = arith.cmpi eq, %arg0, %eq3A : i32
    %convert_element_type3A = arith.extui %eq3A_28 : i1 to i32
    %cond3A = arith.constant 0 : i32
    %cond3A_29 = arith.cmpi ne, %convert_element_type3A, %cond3A : i32
    scf.if %cond3A_29 {
      "tpu.region"() ({
        %run_scoped3A = tpu.sem_alloc : memref<!tpu.dma_semaphore, #tpu.memory_space<semaphore_mem>>
        %dma_start3A = arith.constant 0 : i32
        %dma_start3A_35 = tpu.memref_slice %arg6[%mul3A_9, %dma_start3A] : memref<10240x112xf32, #tpu.memory_space<hbm>> -> memref<640x112xf32, #tpu.memory_space<hbm>>
        %dma_start3A_36 = arith.constant 0 : i32
        %dma_start3A_37 = tpu.memref_slice %arg12[%mul3A_9, %dma_start3A_36] : memref<10240x112xf32, #tpu.memory_space<vmem_shared>> -> memref<640x112xf32, #tpu.memory_space<vmem_shared>>
        tpu.enqueue_dma source(%dma_start3A_37 : memref<640x112xf32, #tpu.memory_space<vmem_shared>>) target(%dma_start3A_35 : memref<640x112xf32, #tpu.memory_space<hbm>>) target_semaphore(%run_scoped3A : memref<!tpu.dma_semaphore, #tpu.memory_space<semaphore_mem>>)
        %dma_wait3A = arith.constant 0 : i32
        %dma_wait3A_38 = tpu.memref_slice %arg6[%mul3A_9, %dma_wait3A] : memref<10240x112xf32, #tpu.memory_space<hbm>> -> memref<640x112xf32, #tpu.memory_space<hbm>>
        %dma_wait3A_39 = arith.constant 0 : i32
        %dma_wait3A_40 = tpu.memref_slice %arg12[%mul3A_9, %dma_wait3A_39] : memref<10240x112xf32, #tpu.memory_space<vmem_shared>> -> memref<640x112xf32, #tpu.memory_space<vmem_shared>>
        tpu.wait_dma2 semaphore(%run_scoped3A : memref<!tpu.dma_semaphore, #tpu.memory_space<semaphore_mem>>) src(%dma_wait3A_40 : memref<640x112xf32, #tpu.memory_space<vmem_shared>>) dst(%dma_wait3A_38 : memref<640x112xf32, #tpu.memory_space<hbm>>)
        tpu.yield
      }) : () -> ()
    } else {
    }
    %eq3A_30 = arith.constant 1 : i32
    %eq3A_31 = arith.cmpi eq, %arg0, %eq3A_30 : i32
    %convert_element_type3A_32 = arith.extui %eq3A_31 : i1 to i32
    %cond3A_33 = arith.constant 0 : i32
    %cond3A_34 = arith.cmpi ne, %convert_element_type3A_32, %cond3A_33 : i32
    scf.if %cond3A_34 {
      "tpu.region"() ({
        %run_scoped3A = tpu.sem_alloc : memref<!tpu.dma_semaphore, #tpu.memory_space<semaphore_mem>>
        %dma_start3A = arith.constant 0 : i32
        %dma_start3A_35 = tpu.memref_slice %arg7[%mul3A_9, %dma_start3A] : memref<10240x112xf32, #tpu.memory_space<hbm>> -> memref<640x112xf32, #tpu.memory_space<hbm>>
        %dma_start3A_36 = arith.constant 0 : i32
        %dma_start3A_37 = tpu.memref_slice %arg12[%mul3A_9, %dma_start3A_36] : memref<10240x112xf32, #tpu.memory_space<vmem_shared>> -> memref<640x112xf32, #tpu.memory_space<vmem_shared>>
        tpu.enqueue_dma source(%dma_start3A_37 : memref<640x112xf32, #tpu.memory_space<vmem_shared>>) target(%dma_start3A_35 : memref<640x112xf32, #tpu.memory_space<hbm>>) target_semaphore(%run_scoped3A : memref<!tpu.dma_semaphore, #tpu.memory_space<semaphore_mem>>)
        %dma_wait3A = arith.constant 0 : i32
        %dma_wait3A_38 = tpu.memref_slice %arg7[%mul3A_9, %dma_wait3A] : memref<10240x112xf32, #tpu.memory_space<hbm>> -> memref<640x112xf32, #tpu.memory_space<hbm>>
        %dma_wait3A_39 = arith.constant 0 : i32
        %dma_wait3A_40 = tpu.memref_slice %arg12[%mul3A_9, %dma_wait3A_39] : memref<10240x112xf32, #tpu.memory_space<vmem_shared>> -> memref<640x112xf32, #tpu.memory_space<vmem_shared>>
        tpu.wait_dma2 semaphore(%run_scoped3A : memref<!tpu.dma_semaphore, #tpu.memory_space<semaphore_mem>>) src(%dma_wait3A_40 : memref<640x112xf32, #tpu.memory_space<vmem_shared>>) dst(%dma_wait3A_38 : memref<640x112xf32, #tpu.memory_space<hbm>>)
        tpu.yield
      }) : () -> ()
    } else {
    }
    return
  }
}

#map = affine_map<(d0, d1) -> (0, 0)>
#map1 = affine_map<(d0, d1) -> (0)>
module attributes {stable_mosaic.version = 14 : i64} {
  func.func @msg_kernel(%arg0: i32, %arg1: i32, %arg2: memref<10000x32xf32, #tpu.memory_space<hbm>>, %arg3: memref<320000xi32, #tpu.memory_space<hbm>>, %arg4: memref<320000xi32, #tpu.memory_space<hbm>>, %arg5: memref<320000xf32, #tpu.memory_space<hbm>>, %arg6: memref<10240x32xf32, #tpu.memory_space<hbm>>, %arg7: memref<10240x32xf32, #tpu.memory_space<hbm>>, %arg8: memref<400xi32, #tpu.memory_space<vmem>>, %arg9: memref<400xi32, #tpu.memory_space<vmem>>, %arg10: memref<400xf32, #tpu.memory_space<vmem>>, %arg11: memref<400x32xf32, #tpu.memory_space<vmem>>, %arg12: memref<10240x32xf32, #tpu.memory_space<vmem_shared>>, %arg13: memref<!tpu.dma_semaphore, #tpu.memory_space<semaphore_mem>>) attributes {dimension_semantics = [#tpu.dimension_semantics<core_parallel>, #tpu.dimension_semantics<subcore_parallel>], iteration_bounds = array<i64: 2, 16>, scalar_prefetch = 0 : i64, scratch_operands = 6 : i64, tpu.core_type = #tpu.core_type<sc_vector_subcore>, window_params = [{transform_indices = #map}, {transform_indices = #map1}, {transform_indices = #map1}, {transform_indices = #map1}, {transform_indices = #map}, {transform_indices = #map}]} {
    %mul3A = arith.constant 16 : i32
    %mul3A_0 = arith.muli %arg0, %mul3A : i32
    %add3A = arith.addi %mul3A_0, %arg1 : i32
    %broadcast_in_dim3A = arith.constant 0.000000e+00 : f32
    %broadcast_in_dim3A_1 = vector.broadcast %broadcast_in_dim3A : f32 to vector<16xf32>
    %scan3A = arith.constant 0 : i32
    %scan3A_2 = arith.constant 0 : i32
    %scan3A_3 = arith.constant 128 : i32
    %scan3A_4 = arith.addi %scan3A_2, %scan3A_3 : i32
    %scan3A_5 = arith.constant 1 : i32
    %scan3A_6 = scf.for %scan3A_35 = %scan3A_2 to %scan3A_4 step %scan3A_5 iter_args(%scan3A_36 = %scan3A) -> (i32)  : i32 {
      %swap3A = arith.index_cast %scan3A_35 : i32 to index
      %swap3A_37 = arith.constant 0 : index
      %swap3A_38 = tpu.vector_load %arg11[%swap3A, %swap3A_37] {strides = array<i32>} : memref<400x32xf32, #tpu.memory_space<vmem>>, vector<16xf32>,
      tpu.vector_store %arg11[%swap3A, %swap3A_37], %broadcast_in_dim3A_1 {strides = array<i32>} : memref<400x32xf32, #tpu.memory_space<vmem>>, vector<16xf32>,
      %swap3A_39 = arith.index_cast %scan3A_35 : i32 to index
      %swap3A_40 = arith.constant 16 : index
      %swap3A_41 = tpu.vector_load %arg11[%swap3A_39, %swap3A_40] {strides = array<i32>} : memref<400x32xf32, #tpu.memory_space<vmem>>, vector<16xf32>,
      tpu.vector_store %arg11[%swap3A_39, %swap3A_40], %broadcast_in_dim3A_1 {strides = array<i32>} : memref<400x32xf32, #tpu.memory_space<vmem>>, vector<16xf32>,
      %scan3A_42 = arith.constant 0 : i32
      scf.yield %scan3A_42 : i32
    }
    %scan3A_7 = arith.constant 128 : i32
    %mul3A_8 = arith.constant 640 : i32
    %mul3A_9 = arith.muli %arg1, %mul3A_8 : i32
    %add3A_10 = arith.constant 0 : i32
    %add3A_11 = arith.addi %mul3A_9, %add3A_10 : i32
    "tpu.region"() ({
      %run_scoped3A = tpu.sem_alloc : memref<!tpu.dma_semaphore, #tpu.memory_space<semaphore_mem>>
      %dma_start3A = arith.constant 0 : i32
      %dma_start3A_35 = arith.constant 0 : i32
      %dma_start3A_36 = tpu.memref_slice %arg11[%dma_start3A, %dma_start3A_35] : memref<400x32xf32, #tpu.memory_space<vmem>> -> memref<128x32xf32, #tpu.memory_space<vmem>>
      %dma_start3A_37 = arith.constant 0 : i32
      %dma_start3A_38 = tpu.memref_slice %arg12[%add3A_11, %dma_start3A_37] : memref<10240x32xf32, #tpu.memory_space<vmem_shared>> -> memref<128x32xf32, #tpu.memory_space<vmem_shared>>
      %dma_start3A_39 = arith.constant 0 : i32
      %dma_start3A_40 = tpu.memref_slice %arg12[%add3A_11, %dma_start3A_39] : memref<10240x32xf32, #tpu.memory_space<vmem_shared>> -> memref<128x32xf32, #tpu.memory_space<vmem_shared>>
      %dma_start3A_41 = arith.constant 0 : i32
      %dma_start3A_42 = arith.constant 0 : i32
      %dma_start3A_43 = tpu.memref_slice %arg11[%dma_start3A_41, %dma_start3A_42] : memref<400x32xf32, #tpu.memory_space<vmem>> -> memref<128x32xf32, #tpu.memory_space<vmem>>
      tpu.enqueue_dma source(%dma_start3A_43 : memref<128x32xf32, #tpu.memory_space<vmem>>) target(%dma_start3A_40 : memref<128x32xf32, #tpu.memory_space<vmem_shared>>) target_semaphore(%run_scoped3A : memref<!tpu.dma_semaphore, #tpu.memory_space<semaphore_mem>>)
      %dma_wait3A = arith.constant 0 : i32
      %dma_wait3A_44 = arith.constant 0 : i32
      %dma_wait3A_45 = tpu.memref_slice %arg11[%dma_wait3A, %dma_wait3A_44] : memref<400x32xf32, #tpu.memory_space<vmem>> -> memref<128x32xf32, #tpu.memory_space<vmem>>
      %dma_wait3A_46 = arith.constant 0 : i32
      %dma_wait3A_47 = tpu.memref_slice %arg12[%add3A_11, %dma_wait3A_46] : memref<10240x32xf32, #tpu.memory_space<vmem_shared>> -> memref<128x32xf32, #tpu.memory_space<vmem_shared>>
      %dma_wait3A_48 = arith.constant 0 : i32
      %dma_wait3A_49 = tpu.memref_slice %arg12[%add3A_11, %dma_wait3A_48] : memref<10240x32xf32, #tpu.memory_space<vmem_shared>> -> memref<128x32xf32, #tpu.memory_space<vmem_shared>>
      %dma_wait3A_50 = arith.constant 0 : i32
      %dma_wait3A_51 = arith.constant 0 : i32
      %dma_wait3A_52 = tpu.memref_slice %arg11[%dma_wait3A_50, %dma_wait3A_51] : memref<400x32xf32, #tpu.memory_space<vmem>> -> memref<128x32xf32, #tpu.memory_space<vmem>>
      tpu.wait_dma2 semaphore(%run_scoped3A : memref<!tpu.dma_semaphore, #tpu.memory_space<semaphore_mem>>) src(%dma_wait3A_52 : memref<128x32xf32, #tpu.memory_space<vmem>>) dst(%dma_wait3A_49 : memref<128x32xf32, #tpu.memory_space<vmem_shared>>)
      tpu.yield
    }) : () -> ()
    %add3A_12 = arith.constant 128 : i32
    %add3A_13 = arith.addi %mul3A_9, %add3A_12 : i32
    "tpu.region"() ({
      %run_scoped3A = tpu.sem_alloc : memref<!tpu.dma_semaphore, #tpu.memory_space<semaphore_mem>>
      %dma_start3A = arith.constant 0 : i32
      %dma_start3A_35 = arith.constant 0 : i32
      %dma_start3A_36 = tpu.memref_slice %arg11[%dma_start3A, %dma_start3A_35] : memref<400x32xf32, #tpu.memory_space<vmem>> -> memref<128x32xf32, #tpu.memory_space<vmem>>
      %dma_start3A_37 = arith.constant 0 : i32
      %dma_start3A_38 = tpu.memref_slice %arg12[%add3A_13, %dma_start3A_37] : memref<10240x32xf32, #tpu.memory_space<vmem_shared>> -> memref<128x32xf32, #tpu.memory_space<vmem_shared>>
      %dma_start3A_39 = arith.constant 0 : i32
      %dma_start3A_40 = tpu.memref_slice %arg12[%add3A_13, %dma_start3A_39] : memref<10240x32xf32, #tpu.memory_space<vmem_shared>> -> memref<128x32xf32, #tpu.memory_space<vmem_shared>>
      %dma_start3A_41 = arith.constant 0 : i32
      %dma_start3A_42 = arith.constant 0 : i32
      %dma_start3A_43 = tpu.memref_slice %arg11[%dma_start3A_41, %dma_start3A_42] : memref<400x32xf32, #tpu.memory_space<vmem>> -> memref<128x32xf32, #tpu.memory_space<vmem>>
      tpu.enqueue_dma source(%dma_start3A_43 : memref<128x32xf32, #tpu.memory_space<vmem>>) target(%dma_start3A_40 : memref<128x32xf32, #tpu.memory_space<vmem_shared>>) target_semaphore(%run_scoped3A : memref<!tpu.dma_semaphore, #tpu.memory_space<semaphore_mem>>)
      %dma_wait3A = arith.constant 0 : i32
      %dma_wait3A_44 = arith.constant 0 : i32
      %dma_wait3A_45 = tpu.memref_slice %arg11[%dma_wait3A, %dma_wait3A_44] : memref<400x32xf32, #tpu.memory_space<vmem>> -> memref<128x32xf32, #tpu.memory_space<vmem>>
      %dma_wait3A_46 = arith.constant 0 : i32
      %dma_wait3A_47 = tpu.memref_slice %arg12[%add3A_13, %dma_wait3A_46] : memref<10240x32xf32, #tpu.memory_space<vmem_shared>> -> memref<128x32xf32, #tpu.memory_space<vmem_shared>>
      %dma_wait3A_48 = arith.constant 0 : i32
      %dma_wait3A_49 = tpu.memref_slice %arg12[%add3A_13, %dma_wait3A_48] : memref<10240x32xf32, #tpu.memory_space<vmem_shared>> -> memref<128x32xf32, #tpu.memory_space<vmem_shared>>
      %dma_wait3A_50 = arith.constant 0 : i32
      %dma_wait3A_51 = arith.constant 0 : i32
      %dma_wait3A_52 = tpu.memref_slice %arg11[%dma_wait3A_50, %dma_wait3A_51] : memref<400x32xf32, #tpu.memory_space<vmem>> -> memref<128x32xf32, #tpu.memory_space<vmem>>
      tpu.wait_dma2 semaphore(%run_scoped3A : memref<!tpu.dma_semaphore, #tpu.memory_space<semaphore_mem>>) src(%dma_wait3A_52 : memref<128x32xf32, #tpu.memory_space<vmem>>) dst(%dma_wait3A_49 : memref<128x32xf32, #tpu.memory_space<vmem_shared>>)
      tpu.yield
    }) : () -> ()
    %add3A_14 = arith.constant 256 : i32
    %add3A_15 = arith.addi %mul3A_9, %add3A_14 : i32
    "tpu.region"() ({
      %run_scoped3A = tpu.sem_alloc : memref<!tpu.dma_semaphore, #tpu.memory_space<semaphore_mem>>
      %dma_start3A = arith.constant 0 : i32
      %dma_start3A_35 = arith.constant 0 : i32
      %dma_start3A_36 = tpu.memref_slice %arg11[%dma_start3A, %dma_start3A_35] : memref<400x32xf32, #tpu.memory_space<vmem>> -> memref<128x32xf32, #tpu.memory_space<vmem>>
      %dma_start3A_37 = arith.constant 0 : i32
      %dma_start3A_38 = tpu.memref_slice %arg12[%add3A_15, %dma_start3A_37] : memref<10240x32xf32, #tpu.memory_space<vmem_shared>> -> memref<128x32xf32, #tpu.memory_space<vmem_shared>>
      %dma_start3A_39 = arith.constant 0 : i32
      %dma_start3A_40 = tpu.memref_slice %arg12[%add3A_15, %dma_start3A_39] : memref<10240x32xf32, #tpu.memory_space<vmem_shared>> -> memref<128x32xf32, #tpu.memory_space<vmem_shared>>
      %dma_start3A_41 = arith.constant 0 : i32
      %dma_start3A_42 = arith.constant 0 : i32
      %dma_start3A_43 = tpu.memref_slice %arg11[%dma_start3A_41, %dma_start3A_42] : memref<400x32xf32, #tpu.memory_space<vmem>> -> memref<128x32xf32, #tpu.memory_space<vmem>>
      tpu.enqueue_dma source(%dma_start3A_43 : memref<128x32xf32, #tpu.memory_space<vmem>>) target(%dma_start3A_40 : memref<128x32xf32, #tpu.memory_space<vmem_shared>>) target_semaphore(%run_scoped3A : memref<!tpu.dma_semaphore, #tpu.memory_space<semaphore_mem>>)
      %dma_wait3A = arith.constant 0 : i32
      %dma_wait3A_44 = arith.constant 0 : i32
      %dma_wait3A_45 = tpu.memref_slice %arg11[%dma_wait3A, %dma_wait3A_44] : memref<400x32xf32, #tpu.memory_space<vmem>> -> memref<128x32xf32, #tpu.memory_space<vmem>>
      %dma_wait3A_46 = arith.constant 0 : i32
      %dma_wait3A_47 = tpu.memref_slice %arg12[%add3A_15, %dma_wait3A_46] : memref<10240x32xf32, #tpu.memory_space<vmem_shared>> -> memref<128x32xf32, #tpu.memory_space<vmem_shared>>
      %dma_wait3A_48 = arith.constant 0 : i32
      %dma_wait3A_49 = tpu.memref_slice %arg12[%add3A_15, %dma_wait3A_48] : memref<10240x32xf32, #tpu.memory_space<vmem_shared>> -> memref<128x32xf32, #tpu.memory_space<vmem_shared>>
      %dma_wait3A_50 = arith.constant 0 : i32
      %dma_wait3A_51 = arith.constant 0 : i32
      %dma_wait3A_52 = tpu.memref_slice %arg11[%dma_wait3A_50, %dma_wait3A_51] : memref<400x32xf32, #tpu.memory_space<vmem>> -> memref<128x32xf32, #tpu.memory_space<vmem>>
      tpu.wait_dma2 semaphore(%run_scoped3A : memref<!tpu.dma_semaphore, #tpu.memory_space<semaphore_mem>>) src(%dma_wait3A_52 : memref<128x32xf32, #tpu.memory_space<vmem>>) dst(%dma_wait3A_49 : memref<128x32xf32, #tpu.memory_space<vmem_shared>>)
      tpu.yield
    }) : () -> ()
    %add3A_16 = arith.constant 384 : i32
    %add3A_17 = arith.addi %mul3A_9, %add3A_16 : i32
    "tpu.region"() ({
      %run_scoped3A = tpu.sem_alloc : memref<!tpu.dma_semaphore, #tpu.memory_space<semaphore_mem>>
      %dma_start3A = arith.constant 0 : i32
      %dma_start3A_35 = arith.constant 0 : i32
      %dma_start3A_36 = tpu.memref_slice %arg11[%dma_start3A, %dma_start3A_35] : memref<400x32xf32, #tpu.memory_space<vmem>> -> memref<128x32xf32, #tpu.memory_space<vmem>>
      %dma_start3A_37 = arith.constant 0 : i32
      %dma_start3A_38 = tpu.memref_slice %arg12[%add3A_17, %dma_start3A_37] : memref<10240x32xf32, #tpu.memory_space<vmem_shared>> -> memref<128x32xf32, #tpu.memory_space<vmem_shared>>
      %dma_start3A_39 = arith.constant 0 : i32
      %dma_start3A_40 = tpu.memref_slice %arg12[%add3A_17, %dma_start3A_39] : memref<10240x32xf32, #tpu.memory_space<vmem_shared>> -> memref<128x32xf32, #tpu.memory_space<vmem_shared>>
      %dma_start3A_41 = arith.constant 0 : i32
      %dma_start3A_42 = arith.constant 0 : i32
      %dma_start3A_43 = tpu.memref_slice %arg11[%dma_start3A_41, %dma_start3A_42] : memref<400x32xf32, #tpu.memory_space<vmem>> -> memref<128x32xf32, #tpu.memory_space<vmem>>
      tpu.enqueue_dma source(%dma_start3A_43 : memref<128x32xf32, #tpu.memory_space<vmem>>) target(%dma_start3A_40 : memref<128x32xf32, #tpu.memory_space<vmem_shared>>) target_semaphore(%run_scoped3A : memref<!tpu.dma_semaphore, #tpu.memory_space<semaphore_mem>>)
      %dma_wait3A = arith.constant 0 : i32
      %dma_wait3A_44 = arith.constant 0 : i32
      %dma_wait3A_45 = tpu.memref_slice %arg11[%dma_wait3A, %dma_wait3A_44] : memref<400x32xf32, #tpu.memory_space<vmem>> -> memref<128x32xf32, #tpu.memory_space<vmem>>
      %dma_wait3A_46 = arith.constant 0 : i32
      %dma_wait3A_47 = tpu.memref_slice %arg12[%add3A_17, %dma_wait3A_46] : memref<10240x32xf32, #tpu.memory_space<vmem_shared>> -> memref<128x32xf32, #tpu.memory_space<vmem_shared>>
      %dma_wait3A_48 = arith.constant 0 : i32
      %dma_wait3A_49 = tpu.memref_slice %arg12[%add3A_17, %dma_wait3A_48] : memref<10240x32xf32, #tpu.memory_space<vmem_shared>> -> memref<128x32xf32, #tpu.memory_space<vmem_shared>>
      %dma_wait3A_50 = arith.constant 0 : i32
      %dma_wait3A_51 = arith.constant 0 : i32
      %dma_wait3A_52 = tpu.memref_slice %arg11[%dma_wait3A_50, %dma_wait3A_51] : memref<400x32xf32, #tpu.memory_space<vmem>> -> memref<128x32xf32, #tpu.memory_space<vmem>>
      tpu.wait_dma2 semaphore(%run_scoped3A : memref<!tpu.dma_semaphore, #tpu.memory_space<semaphore_mem>>) src(%dma_wait3A_52 : memref<128x32xf32, #tpu.memory_space<vmem>>) dst(%dma_wait3A_49 : memref<128x32xf32, #tpu.memory_space<vmem_shared>>)
      tpu.yield
    }) : () -> ()
    %add3A_18 = arith.constant 512 : i32
    %add3A_19 = arith.addi %mul3A_9, %add3A_18 : i32
    "tpu.region"() ({
      %run_scoped3A = tpu.sem_alloc : memref<!tpu.dma_semaphore, #tpu.memory_space<semaphore_mem>>
      %dma_start3A = arith.constant 0 : i32
      %dma_start3A_35 = arith.constant 0 : i32
      %dma_start3A_36 = tpu.memref_slice %arg11[%dma_start3A, %dma_start3A_35] : memref<400x32xf32, #tpu.memory_space<vmem>> -> memref<128x32xf32, #tpu.memory_space<vmem>>
      %dma_start3A_37 = arith.constant 0 : i32
      %dma_start3A_38 = tpu.memref_slice %arg12[%add3A_19, %dma_start3A_37] : memref<10240x32xf32, #tpu.memory_space<vmem_shared>> -> memref<128x32xf32, #tpu.memory_space<vmem_shared>>
      %dma_start3A_39 = arith.constant 0 : i32
      %dma_start3A_40 = tpu.memref_slice %arg12[%add3A_19, %dma_start3A_39] : memref<10240x32xf32, #tpu.memory_space<vmem_shared>> -> memref<128x32xf32, #tpu.memory_space<vmem_shared>>
      %dma_start3A_41 = arith.constant 0 : i32
      %dma_start3A_42 = arith.constant 0 : i32
      %dma_start3A_43 = tpu.memref_slice %arg11[%dma_start3A_41, %dma_start3A_42] : memref<400x32xf32, #tpu.memory_space<vmem>> -> memref<128x32xf32, #tpu.memory_space<vmem>>
      tpu.enqueue_dma source(%dma_start3A_43 : memref<128x32xf32, #tpu.memory_space<vmem>>) target(%dma_start3A_40 : memref<128x32xf32, #tpu.memory_space<vmem_shared>>) target_semaphore(%run_scoped3A : memref<!tpu.dma_semaphore, #tpu.memory_space<semaphore_mem>>)
      %dma_wait3A = arith.constant 0 : i32
      %dma_wait3A_44 = arith.constant 0 : i32
      %dma_wait3A_45 = tpu.memref_slice %arg11[%dma_wait3A, %dma_wait3A_44] : memref<400x32xf32, #tpu.memory_space<vmem>> -> memref<128x32xf32, #tpu.memory_space<vmem>>
      %dma_wait3A_46 = arith.constant 0 : i32
      %dma_wait3A_47 = tpu.memref_slice %arg12[%add3A_19, %dma_wait3A_46] : memref<10240x32xf32, #tpu.memory_space<vmem_shared>> -> memref<128x32xf32, #tpu.memory_space<vmem_shared>>
      %dma_wait3A_48 = arith.constant 0 : i32
      %dma_wait3A_49 = tpu.memref_slice %arg12[%add3A_19, %dma_wait3A_48] : memref<10240x32xf32, #tpu.memory_space<vmem_shared>> -> memref<128x32xf32, #tpu.memory_space<vmem_shared>>
      %dma_wait3A_50 = arith.constant 0 : i32
      %dma_wait3A_51 = arith.constant 0 : i32
      %dma_wait3A_52 = tpu.memref_slice %arg11[%dma_wait3A_50, %dma_wait3A_51] : memref<400x32xf32, #tpu.memory_space<vmem>> -> memref<128x32xf32, #tpu.memory_space<vmem>>
      tpu.wait_dma2 semaphore(%run_scoped3A : memref<!tpu.dma_semaphore, #tpu.memory_space<semaphore_mem>>) src(%dma_wait3A_52 : memref<128x32xf32, #tpu.memory_space<vmem>>) dst(%dma_wait3A_49 : memref<128x32xf32, #tpu.memory_space<vmem_shared>>)
      tpu.yield
    }) : () -> ()
    %barrier3A = arith.constant 0 : index
    tpu.barrier barrier_id(%barrier3A)
    %scan3A_20 = arith.constant 0 : i32
    %scan3A_21 = arith.constant 0 : i32
    %scan3A_22 = arith.constant 25 : i32
    %scan3A_23 = arith.addi %scan3A_21, %scan3A_22 : i32
    %scan3A_24 = arith.constant 1 : i32
    %scan3A_25 = scf.for %scan3A_35 = %scan3A_21 to %scan3A_23 step %scan3A_24 iter_args(%scan3A_36 = %scan3A_20) -> (i32)  : i32 {
      %mul3A_37 = arith.constant 10000 : i32
      %mul3A_38 = arith.muli %add3A, %mul3A_37 : i32
      %mul3A_39 = arith.constant 400 : i32
      %mul3A_40 = arith.muli %scan3A_35, %mul3A_39 : i32
      %add3A_41 = arith.addi %mul3A_38, %mul3A_40 : i32
      "tpu.region"() ({
        %run_scoped3A = tpu.sem_alloc : memref<!tpu.dma_semaphore, #tpu.memory_space<semaphore_mem>>
        %dma_start3A_54 = tpu.memref_slice %arg3[%add3A_41] : memref<320000xi32, #tpu.memory_space<hbm>> -> memref<400xi32, #tpu.memory_space<hbm>>
        %dma_start3A_55 = tpu.memref_slice %arg3[%add3A_41] : memref<320000xi32, #tpu.memory_space<hbm>> -> memref<400xi32, #tpu.memory_space<hbm>>
        tpu.enqueue_dma source(%dma_start3A_55 : memref<400xi32, #tpu.memory_space<hbm>>) target(%arg8 : memref<400xi32, #tpu.memory_space<vmem>>) target_semaphore(%run_scoped3A : memref<!tpu.dma_semaphore, #tpu.memory_space<semaphore_mem>>)
        %dma_wait3A_56 = tpu.memref_slice %arg3[%add3A_41] : memref<320000xi32, #tpu.memory_space<hbm>> -> memref<400xi32, #tpu.memory_space<hbm>>
        %dma_wait3A_57 = tpu.memref_slice %arg3[%add3A_41] : memref<320000xi32, #tpu.memory_space<hbm>> -> memref<400xi32, #tpu.memory_space<hbm>>
        tpu.wait_dma2 semaphore(%run_scoped3A : memref<!tpu.dma_semaphore, #tpu.memory_space<semaphore_mem>>) src(%dma_wait3A_57 : memref<400xi32, #tpu.memory_space<hbm>>) dst(%arg8 : memref<400xi32, #tpu.memory_space<vmem>>)
        tpu.yield
      }) : () -> ()
      "tpu.region"() ({
        %run_scoped3A = tpu.sem_alloc : memref<!tpu.dma_semaphore, #tpu.memory_space<semaphore_mem>>
        %dma_start3A_54 = tpu.memref_slice %arg4[%add3A_41] : memref<320000xi32, #tpu.memory_space<hbm>> -> memref<400xi32, #tpu.memory_space<hbm>>
        %dma_start3A_55 = tpu.memref_slice %arg4[%add3A_41] : memref<320000xi32, #tpu.memory_space<hbm>> -> memref<400xi32, #tpu.memory_space<hbm>>
        tpu.enqueue_dma source(%dma_start3A_55 : memref<400xi32, #tpu.memory_space<hbm>>) target(%arg9 : memref<400xi32, #tpu.memory_space<vmem>>) target_semaphore(%run_scoped3A : memref<!tpu.dma_semaphore, #tpu.memory_space<semaphore_mem>>)
        %dma_wait3A_56 = tpu.memref_slice %arg4[%add3A_41] : memref<320000xi32, #tpu.memory_space<hbm>> -> memref<400xi32, #tpu.memory_space<hbm>>
        %dma_wait3A_57 = tpu.memref_slice %arg4[%add3A_41] : memref<320000xi32, #tpu.memory_space<hbm>> -> memref<400xi32, #tpu.memory_space<hbm>>
        tpu.wait_dma2 semaphore(%run_scoped3A : memref<!tpu.dma_semaphore, #tpu.memory_space<semaphore_mem>>) src(%dma_wait3A_57 : memref<400xi32, #tpu.memory_space<hbm>>) dst(%arg9 : memref<400xi32, #tpu.memory_space<vmem>>)
        tpu.yield
      }) : () -> ()
      "tpu.region"() ({
        %run_scoped3A = tpu.sem_alloc : memref<!tpu.dma_semaphore, #tpu.memory_space<semaphore_mem>>
        %dma_start3A_54 = tpu.memref_slice %arg5[%add3A_41] : memref<320000xf32, #tpu.memory_space<hbm>> -> memref<400xf32, #tpu.memory_space<hbm>>
        %dma_start3A_55 = tpu.memref_slice %arg5[%add3A_41] : memref<320000xf32, #tpu.memory_space<hbm>> -> memref<400xf32, #tpu.memory_space<hbm>>
        tpu.enqueue_dma source(%dma_start3A_55 : memref<400xf32, #tpu.memory_space<hbm>>) target(%arg10 : memref<400xf32, #tpu.memory_space<vmem>>) target_semaphore(%run_scoped3A : memref<!tpu.dma_semaphore, #tpu.memory_space<semaphore_mem>>)
        %dma_wait3A_56 = tpu.memref_slice %arg5[%add3A_41] : memref<320000xf32, #tpu.memory_space<hbm>> -> memref<400xf32, #tpu.memory_space<hbm>>
        %dma_wait3A_57 = tpu.memref_slice %arg5[%add3A_41] : memref<320000xf32, #tpu.memory_space<hbm>> -> memref<400xf32, #tpu.memory_space<hbm>>
        tpu.wait_dma2 semaphore(%run_scoped3A : memref<!tpu.dma_semaphore, #tpu.memory_space<semaphore_mem>>) src(%dma_wait3A_57 : memref<400xf32, #tpu.memory_space<hbm>>) dst(%arg10 : memref<400xf32, #tpu.memory_space<vmem>>)
        tpu.yield
      }) : () -> ()
      %dma_start3A = arith.constant 0 : i32
      %dma_start3A_42 = arith.constant 0 : i32
      %dma_start3A_43 = tpu.memref_slice %arg2[%dma_start3A, %dma_start3A_42] : memref<10000x32xf32, #tpu.memory_space<hbm>> -> memref<10000x32xf32, #tpu.memory_space<hbm>>
      tpu.enqueue_indirect_dma source(%dma_start3A_43 : memref<10000x32xf32, #tpu.memory_space<hbm>>) target(%arg11 : memref<400x32xf32, #tpu.memory_space<vmem>>) offsets(%arg8 : memref<400xi32, #tpu.memory_space<vmem>>) semaphore(%arg13 : memref<!tpu.dma_semaphore, #tpu.memory_space<semaphore_mem>>)
      %dma_wait3A = arith.constant 0 : i32
      %dma_wait3A_44 = arith.constant 0 : i32
      %dma_wait3A_45 = tpu.memref_slice %arg2[%dma_wait3A, %dma_wait3A_44] : memref<10000x32xf32, #tpu.memory_space<hbm>> -> memref<10000x32xf32, #tpu.memory_space<hbm>>
      tpu.wait_indirect_dma semaphore(%arg13 : memref<!tpu.dma_semaphore, #tpu.memory_space<semaphore_mem>>) src(%dma_wait3A_45 : memref<10000x32xf32, #tpu.memory_space<hbm>>) dst(%arg11 : memref<400x32xf32, #tpu.memory_space<vmem>>)
      %scan3A_46 = arith.constant 0 : i32
      %scan3A_47 = arith.constant 0 : i32
      %scan3A_48 = arith.constant 400 : i32
      %scan3A_49 = arith.addi %scan3A_47, %scan3A_48 : i32
      %scan3A_50 = arith.constant 1 : i32
      %scan3A_51 = scf.for %scan3A_54 = %scan3A_47 to %scan3A_49 step %scan3A_50 iter_args(%scan3A_55 = %scan3A_46) -> (i32)  : i32 {
        %broadcast_in_dim3A_56 = vector.broadcast %scan3A_54 : i32 to vector<16xi32>
        %gather3A = tpu.vector_load_idx %arg10[%broadcast_in_dim3A_56] : memref<400xf32, #tpu.memory_space<vmem>>[vector<16xi32>], vector<16xf32>,
        %get3A = arith.index_cast %scan3A_54 : i32 to index
        %get3A_57 = arith.constant 0 : index
        %get3A_58 = tpu.vector_load %arg11[%get3A, %get3A_57] {strides = array<i32>} : memref<400x32xf32, #tpu.memory_space<vmem>>, vector<16xf32>,
        %mul3A_59 = arith.mulf %get3A_58, %gather3A : vector<16xf32>
        %swap3A = arith.index_cast %scan3A_54 : i32 to index
        %swap3A_60 = arith.constant 0 : index
        %swap3A_61 = tpu.vector_load %arg11[%swap3A, %swap3A_60] {strides = array<i32>} : memref<400x32xf32, #tpu.memory_space<vmem>>, vector<16xf32>,
        tpu.vector_store %arg11[%swap3A, %swap3A_60], %mul3A_59 {strides = array<i32>} : memref<400x32xf32, #tpu.memory_space<vmem>>, vector<16xf32>,
        %get3A_62 = arith.index_cast %scan3A_54 : i32 to index
        %get3A_63 = arith.constant 16 : index
        %get3A_64 = tpu.vector_load %arg11[%get3A_62, %get3A_63] {strides = array<i32>} : memref<400x32xf32, #tpu.memory_space<vmem>>, vector<16xf32>,
        %mul3A_65 = arith.mulf %get3A_64, %gather3A : vector<16xf32>
        %swap3A_66 = arith.index_cast %scan3A_54 : i32 to index
        %swap3A_67 = arith.constant 16 : index
        %swap3A_68 = tpu.vector_load %arg11[%swap3A_66, %swap3A_67] {strides = array<i32>} : memref<400x32xf32, #tpu.memory_space<vmem>>, vector<16xf32>,
        tpu.vector_store %arg11[%swap3A_66, %swap3A_67], %mul3A_65 {strides = array<i32>} : memref<400x32xf32, #tpu.memory_space<vmem>>, vector<16xf32>,
        %scan3A_69 = arith.constant 0 : i32
        scf.yield %scan3A_69 : i32
      }
      %scan3A_52 = arith.constant 400 : i32
      "tpu.region"() ({
        %run_scoped3A = tpu.sem_alloc : memref<!tpu.dma_semaphore, #tpu.memory_space<semaphore_mem>>
        %dma_start3A_54 = arith.constant 0 : i32
        %dma_start3A_55 = arith.constant 0 : i32
        %dma_start3A_56 = tpu.memref_slice %arg12[%dma_start3A_54, %dma_start3A_55] : memref<10240x32xf32, #tpu.memory_space<vmem_shared>> -> memref<10240x32xf32, #tpu.memory_space<vmem_shared>>
        tpu.enqueue_indirect_dma source(%arg11 : memref<400x32xf32, #tpu.memory_space<vmem>>) target(%dma_start3A_56 : memref<10240x32xf32, #tpu.memory_space<vmem_shared>>) offsets(%arg9 : memref<400xi32, #tpu.memory_space<vmem>>) semaphore(%run_scoped3A : memref<!tpu.dma_semaphore, #tpu.memory_space<semaphore_mem>>) {add = true}
        %dma_wait3A_57 = arith.constant 0 : i32
        %dma_wait3A_58 = arith.constant 0 : i32
        %dma_wait3A_59 = tpu.memref_slice %arg12[%dma_wait3A_57, %dma_wait3A_58] : memref<10240x32xf32, #tpu.memory_space<vmem_shared>> -> memref<10240x32xf32, #tpu.memory_space<vmem_shared>>
        tpu.wait_indirect_dma semaphore(%run_scoped3A : memref<!tpu.dma_semaphore, #tpu.memory_space<semaphore_mem>>) src(%arg11 : memref<400x32xf32, #tpu.memory_space<vmem>>) dst(%dma_wait3A_59 : memref<10240x32xf32, #tpu.memory_space<vmem_shared>>)
        tpu.yield
      }) : () -> ()
      %scan3A_53 = arith.constant 0 : i32
      scf.yield %scan3A_53 : i32
    }
    %scan3A_26 = arith.constant 25 : i32
    %barrier3A_27 = arith.constant 0 : index
    tpu.barrier barrier_id(%barrier3A_27)
    %eq3A = arith.constant 0 : i32
    %eq3A_28 = arith.cmpi eq, %arg0, %eq3A : i32
    %convert_element_type3A = arith.extui %eq3A_28 : i1 to i32
    %cond3A = arith.constant 0 : i32
    %cond3A_29 = arith.cmpi ne, %convert_element_type3A, %cond3A : i32
    scf.if %cond3A_29 {
      "tpu.region"() ({
        %run_scoped3A = tpu.sem_alloc : memref<!tpu.dma_semaphore, #tpu.memory_space<semaphore_mem>>
        %dma_start3A = arith.constant 0 : i32
        %dma_start3A_35 = tpu.memref_slice %arg6[%mul3A_9, %dma_start3A] : memref<10240x32xf32, #tpu.memory_space<hbm>> -> memref<640x32xf32, #tpu.memory_space<hbm>>
        %dma_start3A_36 = arith.constant 0 : i32
        %dma_start3A_37 = tpu.memref_slice %arg12[%mul3A_9, %dma_start3A_36] : memref<10240x32xf32, #tpu.memory_space<vmem_shared>> -> memref<640x32xf32, #tpu.memory_space<vmem_shared>>
        tpu.enqueue_dma source(%dma_start3A_37 : memref<640x32xf32, #tpu.memory_space<vmem_shared>>) target(%dma_start3A_35 : memref<640x32xf32, #tpu.memory_space<hbm>>) target_semaphore(%run_scoped3A : memref<!tpu.dma_semaphore, #tpu.memory_space<semaphore_mem>>)
        %dma_wait3A = arith.constant 0 : i32
        %dma_wait3A_38 = tpu.memref_slice %arg6[%mul3A_9, %dma_wait3A] : memref<10240x32xf32, #tpu.memory_space<hbm>> -> memref<640x32xf32, #tpu.memory_space<hbm>>
        %dma_wait3A_39 = arith.constant 0 : i32
        %dma_wait3A_40 = tpu.memref_slice %arg12[%mul3A_9, %dma_wait3A_39] : memref<10240x32xf32, #tpu.memory_space<vmem_shared>> -> memref<640x32xf32, #tpu.memory_space<vmem_shared>>
        tpu.wait_dma2 semaphore(%run_scoped3A : memref<!tpu.dma_semaphore, #tpu.memory_space<semaphore_mem>>) src(%dma_wait3A_40 : memref<640x32xf32, #tpu.memory_space<vmem_shared>>) dst(%dma_wait3A_38 : memref<640x32xf32, #tpu.memory_space<hbm>>)
        tpu.yield
      }) : () -> ()
    } else {
    }
    %eq3A_30 = arith.constant 1 : i32
    %eq3A_31 = arith.cmpi eq, %arg0, %eq3A_30 : i32
    %convert_element_type3A_32 = arith.extui %eq3A_31 : i1 to i32
    %cond3A_33 = arith.constant 0 : i32
    %cond3A_34 = arith.cmpi ne, %convert_element_type3A_32, %cond3A_33 : i32
    scf.if %cond3A_34 {
      "tpu.region"() ({
        %run_scoped3A = tpu.sem_alloc : memref<!tpu.dma_semaphore, #tpu.memory_space<semaphore_mem>>
        %dma_start3A = arith.constant 0 : i32
        %dma_start3A_35 = tpu.memref_slice %arg7[%mul3A_9, %dma_start3A] : memref<10240x32xf32, #tpu.memory_space<hbm>> -> memref<640x32xf32, #tpu.memory_space<hbm>>
        %dma_start3A_36 = arith.constant 0 : i32
        %dma_start3A_37 = tpu.memref_slice %arg12[%mul3A_9, %dma_start3A_36] : memref<10240x32xf32, #tpu.memory_space<vmem_shared>> -> memref<640x32xf32, #tpu.memory_space<vmem_shared>>
        tpu.enqueue_dma source(%dma_start3A_37 : memref<640x32xf32, #tpu.memory_space<vmem_shared>>) target(%dma_start3A_35 : memref<640x32xf32, #tpu.memory_space<hbm>>) target_semaphore(%run_scoped3A : memref<!tpu.dma_semaphore, #tpu.memory_space<semaphore_mem>>)
        %dma_wait3A = arith.constant 0 : i32
        %dma_wait3A_38 = tpu.memref_slice %arg7[%mul3A_9, %dma_wait3A] : memref<10240x32xf32, #tpu.memory_space<hbm>> -> memref<640x32xf32, #tpu.memory_space<hbm>>
        %dma_wait3A_39 = arith.constant 0 : i32
        %dma_wait3A_40 = tpu.memref_slice %arg12[%mul3A_9, %dma_wait3A_39] : memref<10240x32xf32, #tpu.memory_space<vmem_shared>> -> memref<640x32xf32, #tpu.memory_space<vmem_shared>>
        tpu.wait_dma2 semaphore(%run_scoped3A : memref<!tpu.dma_semaphore, #tpu.memory_space<semaphore_mem>>) src(%dma_wait3A_40 : memref<640x32xf32, #tpu.memory_space<vmem_shared>>) dst(%dma_wait3A_38 : memref<640x32xf32, #tpu.memory_space<hbm>>)
        tpu.yield
      }) : () -> ()
    } else {
    }
    return
  }
}

module attributes {stable_mosaic.version = 14 : i64} {
  func.func @_edge_mlp_body(%arg0: i32, %arg1: memref<8000x16xf32, #tpu.memory_space<vmem>>, %arg2: memref<4x16x32xf32, #tpu.memory_space<vmem>>, %arg3: memref<4x32xf32, #tpu.memory_space<vmem>>, %arg4: memref<4x32x1xf32, #tpu.memory_space<vmem>>, %arg5: memref<4x1xf32, #tpu.memory_space<vmem>>, %arg6: memref<8000x4xf32, #tpu.memory_space<vmem>>) attributes {dimension_semantics = [#tpu.dimension_semantics<arbitrary>], iteration_bounds = array<i64: 40>, scalar_prefetch = 0 : i64, scratch_operands = 0 : i64, tpu.core_type = #tpu.core_type<tc>, window_params = [{transform_indices = @transform_0, window_bounds = array<i64: 8000, 16>}, {pipeline_mode = #tpu.pipeline_mode<synchronous>, transform_indices = @transform_1, window_bounds = array<i64: 4, 16, 32>}, {pipeline_mode = #tpu.pipeline_mode<synchronous>, transform_indices = @transform_2, window_bounds = array<i64: 4, 32>}, {pipeline_mode = #tpu.pipeline_mode<synchronous>, transform_indices = @transform_3, window_bounds = array<i64: 4, 32, 1>}, {pipeline_mode = #tpu.pipeline_mode<synchronous>, transform_indices = @transform_4, window_bounds = array<i64: 4, 1>}, {transform_indices = @transform_5, window_bounds = array<i64: 8000, 4>}]} {
    %get3A = arith.constant 0 : index
    %get3A_0 = arith.constant 0 : index
    %get3A_1 = vector.load %arg1[%get3A, %get3A_0] : memref<8000x16xf32, #tpu.memory_space<vmem>>, vector<8000x16xf32>
    %get3A_2 = arith.constant 0 : index
    %get3A_3 = arith.constant 0 : index
    %get3A_4 = arith.constant 0 : index
    %get3A_5 = vector.load %arg2[%get3A_2, %get3A_3, %get3A_4] : memref<4x16x32xf32, #tpu.memory_space<vmem>>, vector<1x16x32xf32>
    %get3A_6 = vector.shape_cast %get3A_5 : vector<1x16x32xf32> to vector<16x32xf32>
    %dot_general3A = arith.constant dense<0.000000e+00> : vector<8000x32xf32>
    %dot_general3A_7 = tpu.matmul %get3A_1, %get3A_6, %dot_general3A {dimension_numbers = #tpu.dot_dimension_numbers<[1], [0], [0], [1], [0, 0, 1, 1], [], []>, transpose_lhs_hint = false} : vector<8000x16xf32>, vector<16x32xf32>, vector<8000x32xf32> -> vector<8000x32xf32>
    %get3A_8 = arith.constant 0 : index
    %get3A_9 = arith.constant 0 : index
    %get3A_10 = vector.load %arg3[%get3A_8, %get3A_9] : memref<4x32xf32, #tpu.memory_space<vmem>>, vector<1x32xf32>
    %get3A_11 = vector.shape_cast %get3A_10 : vector<1x32xf32> to vector<32xf32>
    %broadcast_in_dim3A = vector.shape_cast %get3A_11 : vector<32xf32> to vector<1x32xf32>
    %add3A = vector.broadcast %broadcast_in_dim3A : vector<1x32xf32> to vector<8000x32xf32>
    %add3A_12 = arith.addf %dot_general3A_7, %add3A : vector<8000x32xf32>
    %max3A = arith.constant 0.000000e+00 : f32
    %max3A_13 = vector.broadcast %max3A : f32 to vector<8000x32xf32>
    %max3A_14 = arith.maximumf %add3A_12, %max3A_13 : vector<8000x32xf32>
    %get3A_15 = arith.constant 0 : index
    %get3A_16 = arith.constant 0 : index
    %get3A_17 = arith.constant 0 : index
    %get3A_18 = vector.load %arg4[%get3A_15, %get3A_16, %get3A_17] : memref<4x32x1xf32, #tpu.memory_space<vmem>>, vector<1x32x1xf32>
    %get3A_19 = vector.shape_cast %get3A_18 : vector<1x32x1xf32> to vector<32x1xf32>
    %dot_general3A_20 = arith.constant dense<0.000000e+00> : vector<8000x1xf32>
    %dot_general3A_21 = tpu.matmul %max3A_14, %get3A_19, %dot_general3A_20 {dimension_numbers = #tpu.dot_dimension_numbers<[1], [0], [0], [1], [0, 0, 1, 1], [], []>, transpose_lhs_hint = false} : vector<8000x32xf32>, vector<32x1xf32>, vector<8000x1xf32> -> vector<8000x1xf32>
    %get3A_22 = arith.constant 0 : index
    %get3A_23 = arith.constant 0 : index
    %get3A_24 = vector.load %arg5[%get3A_22, %get3A_23] : memref<4x1xf32, #tpu.memory_space<vmem>>, vector<1x1xf32>
    %get3A_25 = vector.shape_cast %get3A_24 : vector<1x1xf32> to vector<1xf32>
    %broadcast_in_dim3A_26 = vector.shape_cast %get3A_25 : vector<1xf32> to vector<1x1xf32>
    %add3A_27 = vector.broadcast %broadcast_in_dim3A_26 : vector<1x1xf32> to vector<8000x1xf32>
    %add3A_28 = arith.addf %dot_general3A_21, %add3A_27 : vector<8000x1xf32>
    %logistic3A = arith.negf %add3A_28 : vector<8000x1xf32>
    %logistic3A_29 = math.exp %logistic3A : vector<8000x1xf32>
    %logistic3A_30 = arith.constant 1.000000e+00 : f32
    %logistic3A_31 = vector.broadcast %logistic3A_30 : f32 to vector<8000x1xf32>
    %logistic3A_32 = arith.addf %logistic3A_31, %logistic3A_29 : vector<8000x1xf32>
    %logistic3A_33 = arith.divf %logistic3A_31, %logistic3A_32 : vector<8000x1xf32>
    %get3A_34 = arith.constant 1 : index
    %get3A_35 = arith.constant 0 : index
    %get3A_36 = arith.constant 0 : index
    %get3A_37 = vector.load %arg2[%get3A_34, %get3A_35, %get3A_36] : memref<4x16x32xf32, #tpu.memory_space<vmem>>, vector<1x16x32xf32>
    %get3A_38 = vector.shape_cast %get3A_37 : vector<1x16x32xf32> to vector<16x32xf32>
    %dot_general3A_39 = arith.constant dense<0.000000e+00> : vector<8000x32xf32>
    %dot_general3A_40 = tpu.matmul %get3A_1, %get3A_38, %dot_general3A_39 {dimension_numbers = #tpu.dot_dimension_numbers<[1], [0], [0], [1], [0, 0, 1, 1], [], []>, transpose_lhs_hint = false} : vector<8000x16xf32>, vector<16x32xf32>, vector<8000x32xf32> -> vector<8000x32xf32>
    %get3A_41 = arith.constant 1 : index
    %get3A_42 = arith.constant 0 : index
    %get3A_43 = vector.load %arg3[%get3A_41, %get3A_42] : memref<4x32xf32, #tpu.memory_space<vmem>>, vector<1x32xf32>
    %get3A_44 = vector.shape_cast %get3A_43 : vector<1x32xf32> to vector<32xf32>
    %broadcast_in_dim3A_45 = vector.shape_cast %get3A_44 : vector<32xf32> to vector<1x32xf32>
    %add3A_46 = vector.broadcast %broadcast_in_dim3A_45 : vector<1x32xf32> to vector<8000x32xf32>
    %add3A_47 = arith.addf %dot_general3A_40, %add3A_46 : vector<8000x32xf32>
    %max3A_48 = arith.constant 0.000000e+00 : f32
    %max3A_49 = vector.broadcast %max3A_48 : f32 to vector<8000x32xf32>
    %max3A_50 = arith.maximumf %add3A_47, %max3A_49 : vector<8000x32xf32>
    %get3A_51 = arith.constant 1 : index
    %get3A_52 = arith.constant 0 : index
    %get3A_53 = arith.constant 0 : index
    %get3A_54 = vector.load %arg4[%get3A_51, %get3A_52, %get3A_53] : memref<4x32x1xf32, #tpu.memory_space<vmem>>, vector<1x32x1xf32>
    %get3A_55 = vector.shape_cast %get3A_54 : vector<1x32x1xf32> to vector<32x1xf32>
    %dot_general3A_56 = arith.constant dense<0.000000e+00> : vector<8000x1xf32>
    %dot_general3A_57 = tpu.matmul %max3A_50, %get3A_55, %dot_general3A_56 {dimension_numbers = #tpu.dot_dimension_numbers<[1], [0], [0], [1], [0, 0, 1, 1], [], []>, transpose_lhs_hint = false} : vector<8000x32xf32>, vector<32x1xf32>, vector<8000x1xf32> -> vector<8000x1xf32>
    %get3A_58 = arith.constant 1 : index
    %get3A_59 = arith.constant 0 : index
    %get3A_60 = vector.load %arg5[%get3A_58, %get3A_59] : memref<4x1xf32, #tpu.memory_space<vmem>>, vector<1x1xf32>
    %get3A_61 = vector.shape_cast %get3A_60 : vector<1x1xf32> to vector<1xf32>
    %broadcast_in_dim3A_62 = vector.shape_cast %get3A_61 : vector<1xf32> to vector<1x1xf32>
    %add3A_63 = vector.broadcast %broadcast_in_dim3A_62 : vector<1x1xf32> to vector<8000x1xf32>
    %add3A_64 = arith.addf %dot_general3A_57, %add3A_63 : vector<8000x1xf32>
    %logistic3A_65 = arith.negf %add3A_64 : vector<8000x1xf32>
    %logistic3A_66 = math.exp %logistic3A_65 : vector<8000x1xf32>
    %logistic3A_67 = arith.constant 1.000000e+00 : f32
    %logistic3A_68 = vector.broadcast %logistic3A_67 : f32 to vector<8000x1xf32>
    %logistic3A_69 = arith.addf %logistic3A_68, %logistic3A_66 : vector<8000x1xf32>
    %logistic3A_70 = arith.divf %logistic3A_68, %logistic3A_69 : vector<8000x1xf32>
    %get3A_71 = arith.constant 2 : index
    %get3A_72 = arith.constant 0 : index
    %get3A_73 = arith.constant 0 : index
    %get3A_74 = vector.load %arg2[%get3A_71, %get3A_72, %get3A_73] : memref<4x16x32xf32, #tpu.memory_space<vmem>>, vector<1x16x32xf32>
    %get3A_75 = vector.shape_cast %get3A_74 : vector<1x16x32xf32> to vector<16x32xf32>
    %dot_general3A_76 = arith.constant dense<0.000000e+00> : vector<8000x32xf32>
    %dot_general3A_77 = tpu.matmul %get3A_1, %get3A_75, %dot_general3A_76 {dimension_numbers = #tpu.dot_dimension_numbers<[1], [0], [0], [1], [0, 0, 1, 1], [], []>, transpose_lhs_hint = false} : vector<8000x16xf32>, vector<16x32xf32>, vector<8000x32xf32> -> vector<8000x32xf32>
    %get3A_78 = arith.constant 2 : index
    %get3A_79 = arith.constant 0 : index
    %get3A_80 = vector.load %arg3[%get3A_78, %get3A_79] : memref<4x32xf32, #tpu.memory_space<vmem>>, vector<1x32xf32>
    %get3A_81 = vector.shape_cast %get3A_80 : vector<1x32xf32> to vector<32xf32>
    %broadcast_in_dim3A_82 = vector.shape_cast %get3A_81 : vector<32xf32> to vector<1x32xf32>
    %add3A_83 = vector.broadcast %broadcast_in_dim3A_82 : vector<1x32xf32> to vector<8000x32xf32>
    %add3A_84 = arith.addf %dot_general3A_77, %add3A_83 : vector<8000x32xf32>
    %max3A_85 = arith.constant 0.000000e+00 : f32
    %max3A_86 = vector.broadcast %max3A_85 : f32 to vector<8000x32xf32>
    %max3A_87 = arith.maximumf %add3A_84, %max3A_86 : vector<8000x32xf32>
    %get3A_88 = arith.constant 2 : index
    %get3A_89 = arith.constant 0 : index
    %get3A_90 = arith.constant 0 : index
    %get3A_91 = vector.load %arg4[%get3A_88, %get3A_89, %get3A_90] : memref<4x32x1xf32, #tpu.memory_space<vmem>>, vector<1x32x1xf32>
    %get3A_92 = vector.shape_cast %get3A_91 : vector<1x32x1xf32> to vector<32x1xf32>
    %dot_general3A_93 = arith.constant dense<0.000000e+00> : vector<8000x1xf32>
    %dot_general3A_94 = tpu.matmul %max3A_87, %get3A_92, %dot_general3A_93 {dimension_numbers = #tpu.dot_dimension_numbers<[1], [0], [0], [1], [0, 0, 1, 1], [], []>, transpose_lhs_hint = false} : vector<8000x32xf32>, vector<32x1xf32>, vector<8000x1xf32> -> vector<8000x1xf32>
    %get3A_95 = arith.constant 2 : index
    %get3A_96 = arith.constant 0 : index
    %get3A_97 = vector.load %arg5[%get3A_95, %get3A_96] : memref<4x1xf32, #tpu.memory_space<vmem>>, vector<1x1xf32>
    %get3A_98 = vector.shape_cast %get3A_97 : vector<1x1xf32> to vector<1xf32>
    %broadcast_in_dim3A_99 = vector.shape_cast %get3A_98 : vector<1xf32> to vector<1x1xf32>
    %add3A_100 = vector.broadcast %broadcast_in_dim3A_99 : vector<1x1xf32> to vector<8000x1xf32>
    %add3A_101 = arith.addf %dot_general3A_94, %add3A_100 : vector<8000x1xf32>
    %logistic3A_102 = arith.negf %add3A_101 : vector<8000x1xf32>
    %logistic3A_103 = math.exp %logistic3A_102 : vector<8000x1xf32>
    %logistic3A_104 = arith.constant 1.000000e+00 : f32
    %logistic3A_105 = vector.broadcast %logistic3A_104 : f32 to vector<8000x1xf32>
    %logistic3A_106 = arith.addf %logistic3A_105, %logistic3A_103 : vector<8000x1xf32>
    %logistic3A_107 = arith.divf %logistic3A_105, %logistic3A_106 : vector<8000x1xf32>
    %get3A_108 = arith.constant 3 : index
    %get3A_109 = arith.constant 0 : index
    %get3A_110 = arith.constant 0 : index
    %get3A_111 = vector.load %arg2[%get3A_108, %get3A_109, %get3A_110] : memref<4x16x32xf32, #tpu.memory_space<vmem>>, vector<1x16x32xf32>
    %get3A_112 = vector.shape_cast %get3A_111 : vector<1x16x32xf32> to vector<16x32xf32>
    %dot_general3A_113 = arith.constant dense<0.000000e+00> : vector<8000x32xf32>
    %dot_general3A_114 = tpu.matmul %get3A_1, %get3A_112, %dot_general3A_113 {dimension_numbers = #tpu.dot_dimension_numbers<[1], [0], [0], [1], [0, 0, 1, 1], [], []>, transpose_lhs_hint = false} : vector<8000x16xf32>, vector<16x32xf32>, vector<8000x32xf32> -> vector<8000x32xf32>
    %get3A_115 = arith.constant 3 : index
    %get3A_116 = arith.constant 0 : index
    %get3A_117 = vector.load %arg3[%get3A_115, %get3A_116] : memref<4x32xf32, #tpu.memory_space<vmem>>, vector<1x32xf32>
    %get3A_118 = vector.shape_cast %get3A_117 : vector<1x32xf32> to vector<32xf32>
    %broadcast_in_dim3A_119 = vector.shape_cast %get3A_118 : vector<32xf32> to vector<1x32xf32>
    %add3A_120 = vector.broadcast %broadcast_in_dim3A_119 : vector<1x32xf32> to vector<8000x32xf32>
    %add3A_121 = arith.addf %dot_general3A_114, %add3A_120 : vector<8000x32xf32>
    %max3A_122 = arith.constant 0.000000e+00 : f32
    %max3A_123 = vector.broadcast %max3A_122 : f32 to vector<8000x32xf32>
    %max3A_124 = arith.maximumf %add3A_121, %max3A_123 : vector<8000x32xf32>
    %get3A_125 = arith.constant 3 : index
    %get3A_126 = arith.constant 0 : index
    %get3A_127 = arith.constant 0 : index
    %get3A_128 = vector.load %arg4[%get3A_125, %get3A_126, %get3A_127] : memref<4x32x1xf32, #tpu.memory_space<vmem>>, vector<1x32x1xf32>
    %get3A_129 = vector.shape_cast %get3A_128 : vector<1x32x1xf32> to vector<32x1xf32>
    %dot_general3A_130 = arith.constant dense<0.000000e+00> : vector<8000x1xf32>
    %dot_general3A_131 = tpu.matmul %max3A_124, %get3A_129, %dot_general3A_130 {dimension_numbers = #tpu.dot_dimension_numbers<[1], [0], [0], [1], [0, 0, 1, 1], [], []>, transpose_lhs_hint = false} : vector<8000x32xf32>, vector<32x1xf32>, vector<8000x1xf32> -> vector<8000x1xf32>
    %get3A_132 = arith.constant 3 : index
    %get3A_133 = arith.constant 0 : index
    %get3A_134 = vector.load %arg5[%get3A_132, %get3A_133] : memref<4x1xf32, #tpu.memory_space<vmem>>, vector<1x1xf32>
    %get3A_135 = vector.shape_cast %get3A_134 : vector<1x1xf32> to vector<1xf32>
    %broadcast_in_dim3A_136 = vector.shape_cast %get3A_135 : vector<1xf32> to vector<1x1xf32>
    %add3A_137 = vector.broadcast %broadcast_in_dim3A_136 : vector<1x1xf32> to vector<8000x1xf32>
    %add3A_138 = arith.addf %dot_general3A_131, %add3A_137 : vector<8000x1xf32>
    %logistic3A_139 = arith.negf %add3A_138 : vector<8000x1xf32>
    %logistic3A_140 = math.exp %logistic3A_139 : vector<8000x1xf32>
    %logistic3A_141 = arith.constant 1.000000e+00 : f32
    %logistic3A_142 = vector.broadcast %logistic3A_141 : f32 to vector<8000x1xf32>
    %logistic3A_143 = arith.addf %logistic3A_142, %logistic3A_140 : vector<8000x1xf32>
    %logistic3A_144 = arith.divf %logistic3A_142, %logistic3A_143 : vector<8000x1xf32>
    %concatenate3A = tpu.concatenate %logistic3A_33, %logistic3A_70, %logistic3A_107, %logistic3A_144 in 1 : vector<8000x1xf32>, vector<8000x1xf32>, vector<8000x1xf32>, vector<8000x1xf32> -> vector<8000x4xf32>
    %swap3A = arith.constant 0 : index
    %swap3A_145 = arith.constant 0 : index
    %swap3A_146 = vector.load %arg6[%swap3A, %swap3A_145] : memref<8000x4xf32, #tpu.memory_space<vmem>>, vector<8000x4xf32>
    tpu.vector_store %arg6[%swap3A, %swap3A_145], %concatenate3A {strides = array<i32>} : memref<8000x4xf32, #tpu.memory_space<vmem>>, vector<8000x4xf32>,
    return
  }
  func.func @transform_0(%arg0: i32) -> (i32, i32) {
    %c0_i32 = arith.constant 0 : i32
    %c0_i32_0 = arith.constant 0 : i32
    return %arg0, %c0_i32 : i32, i32
  }
  func.func @transform_1(%arg0: i32) -> (i32, i32, i32) {
    %c0_i32 = arith.constant 0 : i32
    %c0_i32_0 = arith.constant 0 : i32
    %c0_i32_1 = arith.constant 0 : i32
    %c0_i32_2 = arith.constant 0 : i32
    return %c0_i32, %c0_i32_0, %c0_i32_1 : i32, i32, i32
  }
  func.func @transform_2(%arg0: i32) -> (i32, i32) {
    %c0_i32 = arith.constant 0 : i32
    %c0_i32_0 = arith.constant 0 : i32
    %c0_i32_1 = arith.constant 0 : i32
    return %c0_i32, %c0_i32_0 : i32, i32
  }
  func.func @transform_3(%arg0: i32) -> (i32, i32, i32) {
    %c0_i32 = arith.constant 0 : i32
    %c0_i32_0 = arith.constant 0 : i32
    %c0_i32_1 = arith.constant 0 : i32
    %c0_i32_2 = arith.constant 0 : i32
    return %c0_i32, %c0_i32_0, %c0_i32_1 : i32, i32, i32
  }
  func.func @transform_4(%arg0: i32) -> (i32, i32) {
    %c0_i32 = arith.constant 0 : i32
    %c0_i32_0 = arith.constant 0 : i32
    %c0_i32_1 = arith.constant 0 : i32
    return %c0_i32, %c0_i32_0 : i32, i32
  }
  func.func @transform_5(%arg0: i32) -> (i32, i32) {
    %c0_i32 = arith.constant 0 : i32
    %c0_i32_0 = arith.constant 0 : i32
    return %arg0, %c0_i32 : i32, i32
  }
}

module attributes {stable_mosaic.version = 14 : i64} {
  func.func @_pre1_body(%arg0: memref<10000x128xf32, #tpu.memory_space<vmem>>, %arg1: memref<128xf32, #tpu.memory_space<vmem>>, %arg2: memref<128xf32, #tpu.memory_space<vmem>>, %arg3: memref<128x112xf32, #tpu.memory_space<vmem>>, %arg4: memref<10240xf32, #tpu.memory_space<vmem>>, %arg5: memref<10240xf32, #tpu.memory_space<vmem>>, %arg6: memref<10000x112xf32, #tpu.memory_space<vmem>>, %arg7: memref<10000xf32, #tpu.memory_space<vmem>>) attributes {dimension_semantics = [], scalar_prefetch = 0 : i64, scratch_operands = 0 : i64, tpu.core_type = #tpu.core_type<tc>} {
    %get3A = arith.constant 0 : index
    %get3A_0 = arith.constant 0 : index
    %get3A_1 = vector.load %arg0[%get3A, %get3A_0] : memref<10000x128xf32, #tpu.memory_space<vmem>>, vector<10000x128xf32>
    %reduce_sum3A = arith.constant dense<0.000000e+00> : vector<128xf32>
    %reduce_sum3A_2 = vector.multi_reduction <add>, %get3A_1, %reduce_sum3A [0] : vector<10000x128xf32> to vector<128xf32>
    %div3A = arith.constant 1.000000e+04 : f32
    %div3A_3 = vector.broadcast %div3A : f32 to vector<128xf32>
    %div3A_4 = arith.divf %reduce_sum3A_2, %div3A_3 : vector<128xf32>
    %broadcast_in_dim3A = vector.shape_cast %div3A_4 : vector<128xf32> to vector<1x128xf32>
    %sub3A = vector.broadcast %broadcast_in_dim3A : vector<1x128xf32> to vector<10000x128xf32>
    %sub3A_5 = arith.subf %get3A_1, %sub3A : vector<10000x128xf32>
    %integer_pow3A = arith.mulf %sub3A_5, %sub3A_5 : vector<10000x128xf32>
    %reduce_sum3A_6 = arith.constant dense<0.000000e+00> : vector<128xf32>
    %reduce_sum3A_7 = vector.multi_reduction <add>, %integer_pow3A, %reduce_sum3A_6 [0] : vector<10000x128xf32> to vector<128xf32>
    %div3A_8 = arith.constant 1.000000e+04 : f32
    %div3A_9 = vector.broadcast %div3A_8 : f32 to vector<128xf32>
    %div3A_10 = arith.divf %reduce_sum3A_7, %div3A_9 : vector<128xf32>
    %broadcast_in_dim3A_11 = vector.shape_cast %div3A_4 : vector<128xf32> to vector<1x128xf32>
    %sub3A_12 = vector.broadcast %broadcast_in_dim3A_11 : vector<1x128xf32> to vector<10000x128xf32>
    %sub3A_13 = arith.subf %get3A_1, %sub3A_12 : vector<10000x128xf32>
    %add3A = arith.constant 9.99999974E-6 : f32
    %add3A_14 = vector.broadcast %add3A : f32 to vector<128xf32>
    %add3A_15 = arith.addf %div3A_10, %add3A_14 : vector<128xf32>
    %rsqrt3A = math.rsqrt %add3A_15 : vector<128xf32>
    %broadcast_in_dim3A_16 = vector.shape_cast %rsqrt3A : vector<128xf32> to vector<1x128xf32>
    %mul3A = vector.broadcast %broadcast_in_dim3A_16 : vector<1x128xf32> to vector<10000x128xf32>
    %mul3A_17 = arith.mulf %sub3A_13, %mul3A : vector<10000x128xf32>
    %get3A_18 = arith.constant 0 : index
    %get3A_19 = vector.load %arg1[%get3A_18] : memref<128xf32, #tpu.memory_space<vmem>>, vector<128xf32>
    %broadcast_in_dim3A_20 = vector.shape_cast %get3A_19 : vector<128xf32> to vector<1x128xf32>
    %mul3A_21 = vector.broadcast %broadcast_in_dim3A_20 : vector<1x128xf32> to vector<10000x128xf32>
    %mul3A_22 = arith.mulf %mul3A_17, %mul3A_21 : vector<10000x128xf32>
    %get3A_23 = arith.constant 0 : index
    %get3A_24 = vector.load %arg2[%get3A_23] : memref<128xf32, #tpu.memory_space<vmem>>, vector<128xf32>
    %broadcast_in_dim3A_25 = vector.shape_cast %get3A_24 : vector<128xf32> to vector<1x128xf32>
    %add3A_26 = vector.broadcast %broadcast_in_dim3A_25 : vector<1x128xf32> to vector<10000x128xf32>
    %add3A_27 = arith.addf %mul3A_22, %add3A_26 : vector<10000x128xf32>
    %get3A_28 = arith.constant 0 : index
    %get3A_29 = vector.load %arg4[%get3A_28] : memref<10240xf32, #tpu.memory_space<vmem>>, vector<10240xf32>
    %slice3A = vector.extract_strided_slice %get3A_29 {offsets = [0], sizes = [10000], strides = [1]} : vector<10240xf32> to vector<10000xf32>
    %add3A_30 = arith.constant 1.000000e+00 : f32
    %add3A_31 = vector.broadcast %add3A_30 : f32 to vector<10000xf32>
    %add3A_32 = arith.addf %add3A_31, %slice3A : vector<10000xf32>
    %get3A_33 = arith.constant 0 : index
    %get3A_34 = vector.load %arg5[%get3A_33] : memref<10240xf32, #tpu.memory_space<vmem>>, vector<10240xf32>
    %slice3A_35 = vector.extract_strided_slice %get3A_34 {offsets = [0], sizes = [10000], strides = [1]} : vector<10240xf32> to vector<10000xf32>
    %add3A_36 = arith.addf %add3A_32, %slice3A_35 : vector<10000xf32>
    %rsqrt3A_37 = math.rsqrt %add3A_36 : vector<10000xf32>
    %get3A_38 = arith.constant 0 : index
    %get3A_39 = arith.constant 0 : index
    %get3A_40 = vector.load %arg3[%get3A_38, %get3A_39] : memref<128x112xf32, #tpu.memory_space<vmem>>, vector<128x112xf32>
    %dot_general3A = arith.constant dense<0.000000e+00> : vector<10000x112xf32>
    %dot_general3A_41 = tpu.matmul %add3A_27, %get3A_40, %dot_general3A {dimension_numbers = #tpu.dot_dimension_numbers<[1], [0], [0], [1], [0, 0, 1, 1], [], []>, transpose_lhs_hint = false} : vector<10000x128xf32>, vector<128x112xf32>, vector<10000x112xf32> -> vector<10000x112xf32>
    %broadcast_in_dim3A_42 = vector.shape_cast %rsqrt3A_37 : vector<10000xf32> to vector<10000x1xf32>
    %mul3A_43 = vector.broadcast %broadcast_in_dim3A_42 : vector<10000x1xf32> to vector<10000x112xf32>
    %mul3A_44 = arith.mulf %dot_general3A_41, %mul3A_43 : vector<10000x112xf32>
    %swap3A = arith.constant 0 : index
    %swap3A_45 = arith.constant 0 : index
    %swap3A_46 = vector.load %arg6[%swap3A, %swap3A_45] : memref<10000x112xf32, #tpu.memory_space<vmem>>, vector<10000x112xf32>
    tpu.vector_store %arg6[%swap3A, %swap3A_45], %mul3A_44 {strides = array<i32>} : memref<10000x112xf32, #tpu.memory_space<vmem>>, vector<10000x112xf32>,
    %swap3A_47 = arith.constant 0 : index
    %swap3A_48 = vector.load %arg7[%swap3A_47] : memref<10000xf32, #tpu.memory_space<vmem>>, vector<10000xf32>
    tpu.vector_store %arg7[%swap3A_47], %rsqrt3A_37 {strides = array<i32>} : memref<10000xf32, #tpu.memory_space<vmem>>, vector<10000xf32>,
    return
  }
}

module attributes {stable_mosaic.version = 14 : i64} {
  func.func @_mid_body(%arg0: memref<10240x112xf32, #tpu.memory_space<vmem>>, %arg1: memref<10240x112xf32, #tpu.memory_space<vmem>>, %arg2: memref<10000x112xf32, #tpu.memory_space<vmem>>, %arg3: memref<10000xf32, #tpu.memory_space<vmem>>, %arg4: memref<112xf32, #tpu.memory_space<vmem>>, %arg5: memref<112xf32, #tpu.memory_space<vmem>>, %arg6: memref<112xf32, #tpu.memory_space<vmem>>, %arg7: memref<112x80xf32, #tpu.memory_space<vmem>>, %arg8: memref<10240xf32, #tpu.memory_space<vmem>>, %arg9: memref<10240xf32, #tpu.memory_space<vmem>>, %arg10: memref<10000x80xf32, #tpu.memory_space<vmem>>, %arg11: memref<10000xf32, #tpu.memory_space<vmem>>) attributes {dimension_semantics = [], scalar_prefetch = 0 : i64, scratch_operands = 0 : i64, tpu.core_type = #tpu.core_type<tc>} {
    %get3A = arith.constant 0 : index
    %get3A_0 = arith.constant 0 : index
    %get3A_1 = vector.load %arg0[%get3A, %get3A_0] : memref<10240x112xf32, #tpu.memory_space<vmem>>, vector<10240x112xf32>
    %slice3A = vector.extract_strided_slice %get3A_1 {offsets = [0, 0], sizes = [10000, 112], strides = [1, 1]} : vector<10240x112xf32> to vector<10000x112xf32>
    %get3A_2 = arith.constant 0 : index
    %get3A_3 = arith.constant 0 : index
    %get3A_4 = vector.load %arg1[%get3A_2, %get3A_3] : memref<10240x112xf32, #tpu.memory_space<vmem>>, vector<10240x112xf32>
    %slice3A_5 = vector.extract_strided_slice %get3A_4 {offsets = [0, 0], sizes = [10000, 112], strides = [1, 1]} : vector<10240x112xf32> to vector<10000x112xf32>
    %add3A = arith.addf %slice3A, %slice3A_5 : vector<10000x112xf32>
    %get3A_6 = arith.constant 0 : index
    %get3A_7 = vector.load %arg3[%get3A_6] : memref<10000xf32, #tpu.memory_space<vmem>>, vector<10000xf32>
    %broadcast_in_dim3A = vector.shape_cast %get3A_7 : vector<10000xf32> to vector<10000x1xf32>
    %get3A_8 = arith.constant 0 : index
    %get3A_9 = arith.constant 0 : index
    %get3A_10 = vector.load %arg2[%get3A_8, %get3A_9] : memref<10000x112xf32, #tpu.memory_space<vmem>>, vector<10000x112xf32>
    %add3A_11 = arith.addf %add3A, %get3A_10 : vector<10000x112xf32>
    %mul3A = vector.broadcast %broadcast_in_dim3A : vector<10000x1xf32> to vector<10000x112xf32>
    %mul3A_12 = arith.mulf %mul3A, %add3A_11 : vector<10000x112xf32>
    %max3A = arith.constant 0.000000e+00 : f32
    %max3A_13 = vector.broadcast %max3A : f32 to vector<10000x112xf32>
    %max3A_14 = arith.maximumf %mul3A_12, %max3A_13 : vector<10000x112xf32>
    %reduce_sum3A = arith.constant dense<0.000000e+00> : vector<112xf32>
    %reduce_sum3A_15 = vector.multi_reduction <add>, %max3A_14, %reduce_sum3A [0] : vector<10000x112xf32> to vector<112xf32>
    %div3A = arith.constant 1.000000e+04 : f32
    %div3A_16 = vector.broadcast %div3A : f32 to vector<112xf32>
    %div3A_17 = arith.divf %reduce_sum3A_15, %div3A_16 : vector<112xf32>
    %broadcast_in_dim3A_18 = vector.shape_cast %div3A_17 : vector<112xf32> to vector<1x112xf32>
    %sub3A = vector.broadcast %broadcast_in_dim3A_18 : vector<1x112xf32> to vector<10000x112xf32>
    %sub3A_19 = arith.subf %max3A_14, %sub3A : vector<10000x112xf32>
    %integer_pow3A = arith.mulf %sub3A_19, %sub3A_19 : vector<10000x112xf32>
    %reduce_sum3A_20 = arith.constant dense<0.000000e+00> : vector<112xf32>
    %reduce_sum3A_21 = vector.multi_reduction <add>, %integer_pow3A, %reduce_sum3A_20 [0] : vector<10000x112xf32> to vector<112xf32>
    %div3A_22 = arith.constant 1.000000e+04 : f32
    %div3A_23 = vector.broadcast %div3A_22 : f32 to vector<112xf32>
    %div3A_24 = arith.divf %reduce_sum3A_21, %div3A_23 : vector<112xf32>
    %broadcast_in_dim3A_25 = vector.shape_cast %div3A_17 : vector<112xf32> to vector<1x112xf32>
    %sub3A_26 = vector.broadcast %broadcast_in_dim3A_25 : vector<1x112xf32> to vector<10000x112xf32>
    %sub3A_27 = arith.subf %max3A_14, %sub3A_26 : vector<10000x112xf32>
    %add3A_28 = arith.constant 9.99999974E-6 : f32
    %add3A_29 = vector.broadcast %add3A_28 : f32 to vector<112xf32>
    %add3A_30 = arith.addf %div3A_24, %add3A_29 : vector<112xf32>
    %rsqrt3A = math.rsqrt %add3A_30 : vector<112xf32>
    %broadcast_in_dim3A_31 = vector.shape_cast %rsqrt3A : vector<112xf32> to vector<1x112xf32>
    %mul3A_32 = vector.broadcast %broadcast_in_dim3A_31 : vector<1x112xf32> to vector<10000x112xf32>
    %mul3A_33 = arith.mulf %sub3A_27, %mul3A_32 : vector<10000x112xf32>
    %get3A_34 = arith.constant 0 : index
    %get3A_35 = vector.load %arg4[%get3A_34] : memref<112xf32, #tpu.memory_space<vmem>>, vector<112xf32>
    %broadcast_in_dim3A_36 = vector.shape_cast %get3A_35 : vector<112xf32> to vector<1x112xf32>
    %mul3A_37 = vector.broadcast %broadcast_in_dim3A_36 : vector<1x112xf32> to vector<10000x112xf32>
    %mul3A_38 = arith.mulf %mul3A_33, %mul3A_37 : vector<10000x112xf32>
    %get3A_39 = arith.constant 0 : index
    %get3A_40 = vector.load %arg5[%get3A_39] : memref<112xf32, #tpu.memory_space<vmem>>, vector<112xf32>
    %broadcast_in_dim3A_41 = vector.shape_cast %get3A_40 : vector<112xf32> to vector<1x112xf32>
    %add3A_42 = vector.broadcast %broadcast_in_dim3A_41 : vector<1x112xf32> to vector<10000x112xf32>
    %add3A_43 = arith.addf %mul3A_38, %add3A_42 : vector<10000x112xf32>
    %get3A_44 = arith.constant 0 : index
    %get3A_45 = vector.load %arg8[%get3A_44] : memref<10240xf32, #tpu.memory_space<vmem>>, vector<10240xf32>
    %slice3A_46 = vector.extract_strided_slice %get3A_45 {offsets = [0], sizes = [10000], strides = [1]} : vector<10240xf32> to vector<10000xf32>
    %add3A_47 = arith.constant 1.000000e+00 : f32
    %add3A_48 = vector.broadcast %add3A_47 : f32 to vector<10000xf32>
    %add3A_49 = arith.addf %add3A_48, %slice3A_46 : vector<10000xf32>
    %get3A_50 = arith.constant 0 : index
    %get3A_51 = vector.load %arg9[%get3A_50] : memref<10240xf32, #tpu.memory_space<vmem>>, vector<10240xf32>
    %slice3A_52 = vector.extract_strided_slice %get3A_51 {offsets = [0], sizes = [10000], strides = [1]} : vector<10240xf32> to vector<10000xf32>
    %add3A_53 = arith.addf %add3A_49, %slice3A_52 : vector<10000xf32>
    %rsqrt3A_54 = math.rsqrt %add3A_53 : vector<10000xf32>
    %get3A_55 = arith.constant 0 : index
    %get3A_56 = arith.constant 0 : index
    %get3A_57 = vector.load %arg7[%get3A_55, %get3A_56] : memref<112x80xf32, #tpu.memory_space<vmem>>, vector<112x80xf32>
    %dot_general3A = arith.constant dense<0.000000e+00> : vector<10000x80xf32>
    %dot_general3A_58 = tpu.matmul %add3A_43, %get3A_57, %dot_general3A {dimension_numbers = #tpu.dot_dimension_numbers<[1], [0], [0], [1], [0, 0, 1, 1], [], []>, transpose_lhs_hint = false} : vector<10000x112xf32>, vector<112x80xf32>, vector<10000x80xf32> -> vector<10000x80xf32>
    %broadcast_in_dim3A_59 = vector.shape_cast %rsqrt3A_54 : vector<10000xf32> to vector<10000x1xf32>
    %mul3A_60 = vector.broadcast %broadcast_in_dim3A_59 : vector<10000x1xf32> to vector<10000x80xf32>
    %mul3A_61 = arith.mulf %dot_general3A_58, %mul3A_60 : vector<10000x80xf32>
    %swap3A = arith.constant 0 : index
    %swap3A_62 = arith.constant 0 : index
    %swap3A_63 = vector.load %arg10[%swap3A, %swap3A_62] : memref<10000x80xf32, #tpu.memory_space<vmem>>, vector<10000x80xf32>
    tpu.vector_store %arg10[%swap3A, %swap3A_62], %mul3A_61 {strides = array<i32>} : memref<10000x80xf32, #tpu.memory_space<vmem>>, vector<10000x80xf32>,
    %swap3A_64 = arith.constant 0 : index
    %swap3A_65 = vector.load %arg11[%swap3A_64] : memref<10000xf32, #tpu.memory_space<vmem>>, vector<10000xf32>
    tpu.vector_store %arg11[%swap3A_64], %rsqrt3A_54 {strides = array<i32>} : memref<10000xf32, #tpu.memory_space<vmem>>, vector<10000xf32>,
    return
  }
}

module attributes {stable_mosaic.version = 14 : i64} {
  func.func @_mid_body(%arg0: memref<10240x80xf32, #tpu.memory_space<vmem>>, %arg1: memref<10240x80xf32, #tpu.memory_space<vmem>>, %arg2: memref<10000x80xf32, #tpu.memory_space<vmem>>, %arg3: memref<10000xf32, #tpu.memory_space<vmem>>, %arg4: memref<80xf32, #tpu.memory_space<vmem>>, %arg5: memref<80xf32, #tpu.memory_space<vmem>>, %arg6: memref<80xf32, #tpu.memory_space<vmem>>, %arg7: memref<80x64xf32, #tpu.memory_space<vmem>>, %arg8: memref<10240xf32, #tpu.memory_space<vmem>>, %arg9: memref<10240xf32, #tpu.memory_space<vmem>>, %arg10: memref<10000x64xf32, #tpu.memory_space<vmem>>, %arg11: memref<10000xf32, #tpu.memory_space<vmem>>) attributes {dimension_semantics = [], scalar_prefetch = 0 : i64, scratch_operands = 0 : i64, tpu.core_type = #tpu.core_type<tc>} {
    %get3A = arith.constant 0 : index
    %get3A_0 = arith.constant 0 : index
    %get3A_1 = vector.load %arg0[%get3A, %get3A_0] : memref<10240x80xf32, #tpu.memory_space<vmem>>, vector<10240x80xf32>
    %slice3A = vector.extract_strided_slice %get3A_1 {offsets = [0, 0], sizes = [10000, 80], strides = [1, 1]} : vector<10240x80xf32> to vector<10000x80xf32>
    %get3A_2 = arith.constant 0 : index
    %get3A_3 = arith.constant 0 : index
    %get3A_4 = vector.load %arg1[%get3A_2, %get3A_3] : memref<10240x80xf32, #tpu.memory_space<vmem>>, vector<10240x80xf32>
    %slice3A_5 = vector.extract_strided_slice %get3A_4 {offsets = [0, 0], sizes = [10000, 80], strides = [1, 1]} : vector<10240x80xf32> to vector<10000x80xf32>
    %add3A = arith.addf %slice3A, %slice3A_5 : vector<10000x80xf32>
    %get3A_6 = arith.constant 0 : index
    %get3A_7 = vector.load %arg3[%get3A_6] : memref<10000xf32, #tpu.memory_space<vmem>>, vector<10000xf32>
    %broadcast_in_dim3A = vector.shape_cast %get3A_7 : vector<10000xf32> to vector<10000x1xf32>
    %get3A_8 = arith.constant 0 : index
    %get3A_9 = arith.constant 0 : index
    %get3A_10 = vector.load %arg2[%get3A_8, %get3A_9] : memref<10000x80xf32, #tpu.memory_space<vmem>>, vector<10000x80xf32>
    %add3A_11 = arith.addf %add3A, %get3A_10 : vector<10000x80xf32>
    %mul3A = vector.broadcast %broadcast_in_dim3A : vector<10000x1xf32> to vector<10000x80xf32>
    %mul3A_12 = arith.mulf %mul3A, %add3A_11 : vector<10000x80xf32>
    %max3A = arith.constant 0.000000e+00 : f32
    %max3A_13 = vector.broadcast %max3A : f32 to vector<10000x80xf32>
    %max3A_14 = arith.maximumf %mul3A_12, %max3A_13 : vector<10000x80xf32>
    %reduce_sum3A = arith.constant dense<0.000000e+00> : vector<80xf32>
    %reduce_sum3A_15 = vector.multi_reduction <add>, %max3A_14, %reduce_sum3A [0] : vector<10000x80xf32> to vector<80xf32>
    %div3A = arith.constant 1.000000e+04 : f32
    %div3A_16 = vector.broadcast %div3A : f32 to vector<80xf32>
    %div3A_17 = arith.divf %reduce_sum3A_15, %div3A_16 : vector<80xf32>
    %get3A_18 = arith.constant 0 : index
    %get3A_19 = vector.load %arg6[%get3A_18] : memref<80xf32, #tpu.memory_space<vmem>>, vector<80xf32>
    %broadcast_in_dim3A_20 = vector.shape_cast %get3A_19 : vector<80xf32> to vector<1x80xf32>
    %broadcast_in_dim3A_21 = vector.shape_cast %div3A_17 : vector<80xf32> to vector<1x80xf32>
    %mul3A_22 = arith.mulf %broadcast_in_dim3A_20, %broadcast_in_dim3A_21 : vector<1x80xf32>
    %sub3A = vector.broadcast %mul3A_22 : vector<1x80xf32> to vector<10000x80xf32>
    %sub3A_23 = arith.subf %max3A_14, %sub3A : vector<10000x80xf32>
    %mul3A_24 = arith.mulf %sub3A_23, %sub3A_23 : vector<10000x80xf32>
    %reduce_sum3A_25 = arith.constant dense<0.000000e+00> : vector<80xf32>
    %reduce_sum3A_26 = vector.multi_reduction <add>, %mul3A_24, %reduce_sum3A_25 [0] : vector<10000x80xf32> to vector<80xf32>
    %div3A_27 = arith.constant 1.000000e+04 : f32
    %div3A_28 = vector.broadcast %div3A_27 : f32 to vector<80xf32>
    %div3A_29 = arith.divf %reduce_sum3A_26, %div3A_28 : vector<80xf32>
    %get3A_30 = arith.constant 0 : index
    %get3A_31 = vector.load %arg4[%get3A_30] : memref<80xf32, #tpu.memory_space<vmem>>, vector<80xf32>
    %broadcast_in_dim3A_32 = vector.shape_cast %get3A_31 : vector<80xf32> to vector<1x80xf32>
    %mul3A_33 = vector.broadcast %broadcast_in_dim3A_32 : vector<1x80xf32> to vector<10000x80xf32>
    %mul3A_34 = arith.mulf %mul3A_33, %sub3A_23 : vector<10000x80xf32>
    %add3A_35 = arith.constant 9.99999974E-6 : f32
    %add3A_36 = vector.broadcast %add3A_35 : f32 to vector<80xf32>
    %add3A_37 = arith.addf %div3A_29, %add3A_36 : vector<80xf32>
    %rsqrt3A = math.rsqrt %add3A_37 : vector<80xf32>
    %broadcast_in_dim3A_38 = vector.shape_cast %rsqrt3A : vector<80xf32> to vector<1x80xf32>
    %mul3A_39 = vector.broadcast %broadcast_in_dim3A_38 : vector<1x80xf32> to vector<10000x80xf32>
    %mul3A_40 = arith.mulf %mul3A_34, %mul3A_39 : vector<10000x80xf32>
    %get3A_41 = arith.constant 0 : index
    %get3A_42 = vector.load %arg5[%get3A_41] : memref<80xf32, #tpu.memory_space<vmem>>, vector<80xf32>
    %broadcast_in_dim3A_43 = vector.shape_cast %get3A_42 : vector<80xf32> to vector<1x80xf32>
    %add3A_44 = vector.broadcast %broadcast_in_dim3A_43 : vector<1x80xf32> to vector<10000x80xf32>
    %add3A_45 = arith.addf %mul3A_40, %add3A_44 : vector<10000x80xf32>
    %get3A_46 = arith.constant 0 : index
    %get3A_47 = vector.load %arg8[%get3A_46] : memref<10240xf32, #tpu.memory_space<vmem>>, vector<10240xf32>
    %slice3A_48 = vector.extract_strided_slice %get3A_47 {offsets = [0], sizes = [10000], strides = [1]} : vector<10240xf32> to vector<10000xf32>
    %add3A_49 = arith.constant 1.000000e+00 : f32
    %add3A_50 = vector.broadcast %add3A_49 : f32 to vector<10000xf32>
    %add3A_51 = arith.addf %add3A_50, %slice3A_48 : vector<10000xf32>
    %get3A_52 = arith.constant 0 : index
    %get3A_53 = vector.load %arg9[%get3A_52] : memref<10240xf32, #tpu.memory_space<vmem>>, vector<10240xf32>
    %slice3A_54 = vector.extract_strided_slice %get3A_53 {offsets = [0], sizes = [10000], strides = [1]} : vector<10240xf32> to vector<10000xf32>
    %add3A_55 = arith.addf %add3A_51, %slice3A_54 : vector<10000xf32>
    %rsqrt3A_56 = math.rsqrt %add3A_55 : vector<10000xf32>
    %get3A_57 = arith.constant 0 : index
    %get3A_58 = arith.constant 0 : index
    %get3A_59 = vector.load %arg7[%get3A_57, %get3A_58] : memref<80x64xf32, #tpu.memory_space<vmem>>, vector<80x64xf32>
    %dot_general3A = arith.constant dense<0.000000e+00> : vector<10000x64xf32>
    %dot_general3A_60 = tpu.matmul %add3A_45, %get3A_59, %dot_general3A {dimension_numbers = #tpu.dot_dimension_numbers<[1], [0], [0], [1], [0, 0, 1, 1], [], []>, transpose_lhs_hint = false} : vector<10000x80xf32>, vector<80x64xf32>, vector<10000x64xf32> -> vector<10000x64xf32>
    %broadcast_in_dim3A_61 = vector.shape_cast %rsqrt3A_56 : vector<10000xf32> to vector<10000x1xf32>
    %mul3A_62 = vector.broadcast %broadcast_in_dim3A_61 : vector<10000x1xf32> to vector<10000x64xf32>
    %mul3A_63 = arith.mulf %dot_general3A_60, %mul3A_62 : vector<10000x64xf32>
    %swap3A = arith.constant 0 : index
    %swap3A_64 = arith.constant 0 : index
    %swap3A_65 = vector.load %arg10[%swap3A, %swap3A_64] : memref<10000x64xf32, #tpu.memory_space<vmem>>, vector<10000x64xf32>
    tpu.vector_store %arg10[%swap3A, %swap3A_64], %mul3A_63 {strides = array<i32>} : memref<10000x64xf32, #tpu.memory_space<vmem>>, vector<10000x64xf32>,
    %swap3A_66 = arith.constant 0 : index
    %swap3A_67 = vector.load %arg11[%swap3A_66] : memref<10000xf32, #tpu.memory_space<vmem>>, vector<10000xf32>
    tpu.vector_store %arg11[%swap3A_66], %rsqrt3A_56 {strides = array<i32>} : memref<10000xf32, #tpu.memory_space<vmem>>, vector<10000xf32>,
    return
  }
}

module attributes {stable_mosaic.version = 14 : i64} {
  func.func @_mid_body(%arg0: memref<10240x64xf32, #tpu.memory_space<vmem>>, %arg1: memref<10240x64xf32, #tpu.memory_space<vmem>>, %arg2: memref<10000x64xf32, #tpu.memory_space<vmem>>, %arg3: memref<10000xf32, #tpu.memory_space<vmem>>, %arg4: memref<64xf32, #tpu.memory_space<vmem>>, %arg5: memref<64xf32, #tpu.memory_space<vmem>>, %arg6: memref<64xf32, #tpu.memory_space<vmem>>, %arg7: memref<64x32xf32, #tpu.memory_space<vmem>>, %arg8: memref<10240xf32, #tpu.memory_space<vmem>>, %arg9: memref<10240xf32, #tpu.memory_space<vmem>>, %arg10: memref<10000x32xf32, #tpu.memory_space<vmem>>, %arg11: memref<10000xf32, #tpu.memory_space<vmem>>) attributes {dimension_semantics = [], scalar_prefetch = 0 : i64, scratch_operands = 0 : i64, tpu.core_type = #tpu.core_type<tc>} {
    %get3A = arith.constant 0 : index
    %get3A_0 = arith.constant 0 : index
    %get3A_1 = vector.load %arg0[%get3A, %get3A_0] : memref<10240x64xf32, #tpu.memory_space<vmem>>, vector<10240x64xf32>
    %slice3A = vector.extract_strided_slice %get3A_1 {offsets = [0, 0], sizes = [10000, 64], strides = [1, 1]} : vector<10240x64xf32> to vector<10000x64xf32>
    %get3A_2 = arith.constant 0 : index
    %get3A_3 = arith.constant 0 : index
    %get3A_4 = vector.load %arg1[%get3A_2, %get3A_3] : memref<10240x64xf32, #tpu.memory_space<vmem>>, vector<10240x64xf32>
    %slice3A_5 = vector.extract_strided_slice %get3A_4 {offsets = [0, 0], sizes = [10000, 64], strides = [1, 1]} : vector<10240x64xf32> to vector<10000x64xf32>
    %add3A = arith.addf %slice3A, %slice3A_5 : vector<10000x64xf32>
    %get3A_6 = arith.constant 0 : index
    %get3A_7 = vector.load %arg3[%get3A_6] : memref<10000xf32, #tpu.memory_space<vmem>>, vector<10000xf32>
    %broadcast_in_dim3A = vector.shape_cast %get3A_7 : vector<10000xf32> to vector<10000x1xf32>
    %get3A_8 = arith.constant 0 : index
    %get3A_9 = arith.constant 0 : index
    %get3A_10 = vector.load %arg2[%get3A_8, %get3A_9] : memref<10000x64xf32, #tpu.memory_space<vmem>>, vector<10000x64xf32>
    %add3A_11 = arith.addf %add3A, %get3A_10 : vector<10000x64xf32>
    %mul3A = vector.broadcast %broadcast_in_dim3A : vector<10000x1xf32> to vector<10000x64xf32>
    %mul3A_12 = arith.mulf %mul3A, %add3A_11 : vector<10000x64xf32>
    %max3A = arith.constant 0.000000e+00 : f32
    %max3A_13 = vector.broadcast %max3A : f32 to vector<10000x64xf32>
    %max3A_14 = arith.maximumf %mul3A_12, %max3A_13 : vector<10000x64xf32>
    %reduce_sum3A = arith.constant dense<0.000000e+00> : vector<64xf32>
    %reduce_sum3A_15 = vector.multi_reduction <add>, %max3A_14, %reduce_sum3A [0] : vector<10000x64xf32> to vector<64xf32>
    %div3A = arith.constant 1.000000e+04 : f32
    %div3A_16 = vector.broadcast %div3A : f32 to vector<64xf32>
    %div3A_17 = arith.divf %reduce_sum3A_15, %div3A_16 : vector<64xf32>
    %get3A_18 = arith.constant 0 : index
    %get3A_19 = vector.load %arg6[%get3A_18] : memref<64xf32, #tpu.memory_space<vmem>>, vector<64xf32>
    %broadcast_in_dim3A_20 = vector.shape_cast %get3A_19 : vector<64xf32> to vector<1x64xf32>
    %broadcast_in_dim3A_21 = vector.shape_cast %div3A_17 : vector<64xf32> to vector<1x64xf32>
    %mul3A_22 = arith.mulf %broadcast_in_dim3A_20, %broadcast_in_dim3A_21 : vector<1x64xf32>
    %sub3A = vector.broadcast %mul3A_22 : vector<1x64xf32> to vector<10000x64xf32>
    %sub3A_23 = arith.subf %max3A_14, %sub3A : vector<10000x64xf32>
    %mul3A_24 = arith.mulf %sub3A_23, %sub3A_23 : vector<10000x64xf32>
    %reduce_sum3A_25 = arith.constant dense<0.000000e+00> : vector<64xf32>
    %reduce_sum3A_26 = vector.multi_reduction <add>, %mul3A_24, %reduce_sum3A_25 [0] : vector<10000x64xf32> to vector<64xf32>
    %div3A_27 = arith.constant 1.000000e+04 : f32
    %div3A_28 = vector.broadcast %div3A_27 : f32 to vector<64xf32>
    %div3A_29 = arith.divf %reduce_sum3A_26, %div3A_28 : vector<64xf32>
    %get3A_30 = arith.constant 0 : index
    %get3A_31 = vector.load %arg4[%get3A_30] : memref<64xf32, #tpu.memory_space<vmem>>, vector<64xf32>
    %broadcast_in_dim3A_32 = vector.shape_cast %get3A_31 : vector<64xf32> to vector<1x64xf32>
    %mul3A_33 = vector.broadcast %broadcast_in_dim3A_32 : vector<1x64xf32> to vector<10000x64xf32>
    %mul3A_34 = arith.mulf %mul3A_33, %sub3A_23 : vector<10000x64xf32>
    %add3A_35 = arith.constant 9.99999974E-6 : f32
    %add3A_36 = vector.broadcast %add3A_35 : f32 to vector<64xf32>
    %add3A_37 = arith.addf %div3A_29, %add3A_36 : vector<64xf32>
    %rsqrt3A = math.rsqrt %add3A_37 : vector<64xf32>
    %broadcast_in_dim3A_38 = vector.shape_cast %rsqrt3A : vector<64xf32> to vector<1x64xf32>
    %mul3A_39 = vector.broadcast %broadcast_in_dim3A_38 : vector<1x64xf32> to vector<10000x64xf32>
    %mul3A_40 = arith.mulf %mul3A_34, %mul3A_39 : vector<10000x64xf32>
    %get3A_41 = arith.constant 0 : index
    %get3A_42 = vector.load %arg5[%get3A_41] : memref<64xf32, #tpu.memory_space<vmem>>, vector<64xf32>
    %broadcast_in_dim3A_43 = vector.shape_cast %get3A_42 : vector<64xf32> to vector<1x64xf32>
    %add3A_44 = vector.broadcast %broadcast_in_dim3A_43 : vector<1x64xf32> to vector<10000x64xf32>
    %add3A_45 = arith.addf %mul3A_40, %add3A_44 : vector<10000x64xf32>
    %get3A_46 = arith.constant 0 : index
    %get3A_47 = vector.load %arg8[%get3A_46] : memref<10240xf32, #tpu.memory_space<vmem>>, vector<10240xf32>
    %slice3A_48 = vector.extract_strided_slice %get3A_47 {offsets = [0], sizes = [10000], strides = [1]} : vector<10240xf32> to vector<10000xf32>
    %add3A_49 = arith.constant 1.000000e+00 : f32
    %add3A_50 = vector.broadcast %add3A_49 : f32 to vector<10000xf32>
    %add3A_51 = arith.addf %add3A_50, %slice3A_48 : vector<10000xf32>
    %get3A_52 = arith.constant 0 : index
    %get3A_53 = vector.load %arg9[%get3A_52] : memref<10240xf32, #tpu.memory_space<vmem>>, vector<10240xf32>
    %slice3A_54 = vector.extract_strided_slice %get3A_53 {offsets = [0], sizes = [10000], strides = [1]} : vector<10240xf32> to vector<10000xf32>
    %add3A_55 = arith.addf %add3A_51, %slice3A_54 : vector<10000xf32>
    %rsqrt3A_56 = math.rsqrt %add3A_55 : vector<10000xf32>
    %get3A_57 = arith.constant 0 : index
    %get3A_58 = arith.constant 0 : index
    %get3A_59 = vector.load %arg7[%get3A_57, %get3A_58] : memref<64x32xf32, #tpu.memory_space<vmem>>, vector<64x32xf32>
    %dot_general3A = arith.constant dense<0.000000e+00> : vector<10000x32xf32>
    %dot_general3A_60 = tpu.matmul %add3A_45, %get3A_59, %dot_general3A {dimension_numbers = #tpu.dot_dimension_numbers<[1], [0], [0], [1], [0, 0, 1, 1], [], []>, transpose_lhs_hint = false} : vector<10000x64xf32>, vector<64x32xf32>, vector<10000x32xf32> -> vector<10000x32xf32>
    %broadcast_in_dim3A_61 = vector.shape_cast %rsqrt3A_56 : vector<10000xf32> to vector<10000x1xf32>
    %mul3A_62 = vector.broadcast %broadcast_in_dim3A_61 : vector<10000x1xf32> to vector<10000x32xf32>
    %mul3A_63 = arith.mulf %dot_general3A_60, %mul3A_62 : vector<10000x32xf32>
    %swap3A = arith.constant 0 : index
    %swap3A_64 = arith.constant 0 : index
    %swap3A_65 = vector.load %arg10[%swap3A, %swap3A_64] : memref<10000x32xf32, #tpu.memory_space<vmem>>, vector<10000x32xf32>
    tpu.vector_store %arg10[%swap3A, %swap3A_64], %mul3A_63 {strides = array<i32>} : memref<10000x32xf32, #tpu.memory_space<vmem>>, vector<10000x32xf32>,
    %swap3A_66 = arith.constant 0 : index
    %swap3A_67 = vector.load %arg11[%swap3A_66] : memref<10000xf32, #tpu.memory_space<vmem>>, vector<10000xf32>
    tpu.vector_store %arg11[%swap3A_66], %rsqrt3A_56 {strides = array<i32>} : memref<10000xf32, #tpu.memory_space<vmem>>, vector<10000xf32>,
    return
  }
}

module attributes {stable_mosaic.version = 14 : i64} {
  func.func @_final_body(%arg0: memref<10240x32xf32, #tpu.memory_space<vmem>>, %arg1: memref<10240x32xf32, #tpu.memory_space<vmem>>, %arg2: memref<10000x32xf32, #tpu.memory_space<vmem>>, %arg3: memref<10000xf32, #tpu.memory_space<vmem>>, %arg4: memref<32xf32, #tpu.memory_space<vmem>>, %arg5: memref<32xf32, #tpu.memory_space<vmem>>, %arg6: memref<32xf32, #tpu.memory_space<vmem>>, %arg7: memref<10000x32xf32, #tpu.memory_space<vmem>>) attributes {dimension_semantics = [], scalar_prefetch = 0 : i64, scratch_operands = 0 : i64, tpu.core_type = #tpu.core_type<tc>} {
    %get3A = arith.constant 0 : index
    %get3A_0 = arith.constant 0 : index
    %get3A_1 = vector.load %arg0[%get3A, %get3A_0] : memref<10240x32xf32, #tpu.memory_space<vmem>>, vector<10240x32xf32>
    %slice3A = vector.extract_strided_slice %get3A_1 {offsets = [0, 0], sizes = [10000, 32], strides = [1, 1]} : vector<10240x32xf32> to vector<10000x32xf32>
    %get3A_2 = arith.constant 0 : index
    %get3A_3 = arith.constant 0 : index
    %get3A_4 = vector.load %arg1[%get3A_2, %get3A_3] : memref<10240x32xf32, #tpu.memory_space<vmem>>, vector<10240x32xf32>
    %slice3A_5 = vector.extract_strided_slice %get3A_4 {offsets = [0, 0], sizes = [10000, 32], strides = [1, 1]} : vector<10240x32xf32> to vector<10000x32xf32>
    %add3A = arith.addf %slice3A, %slice3A_5 : vector<10000x32xf32>
    %get3A_6 = arith.constant 0 : index
    %get3A_7 = vector.load %arg3[%get3A_6] : memref<10000xf32, #tpu.memory_space<vmem>>, vector<10000xf32>
    %broadcast_in_dim3A = vector.shape_cast %get3A_7 : vector<10000xf32> to vector<10000x1xf32>
    %get3A_8 = arith.constant 0 : index
    %get3A_9 = arith.constant 0 : index
    %get3A_10 = vector.load %arg2[%get3A_8, %get3A_9] : memref<10000x32xf32, #tpu.memory_space<vmem>>, vector<10000x32xf32>
    %add3A_11 = arith.addf %add3A, %get3A_10 : vector<10000x32xf32>
    %mul3A = vector.broadcast %broadcast_in_dim3A : vector<10000x1xf32> to vector<10000x32xf32>
    %mul3A_12 = arith.mulf %mul3A, %add3A_11 : vector<10000x32xf32>
    %max3A = arith.constant 0.000000e+00 : f32
    %max3A_13 = vector.broadcast %max3A : f32 to vector<10000x32xf32>
    %max3A_14 = arith.maximumf %mul3A_12, %max3A_13 : vector<10000x32xf32>
    %reduce_sum3A = arith.constant dense<0.000000e+00> : vector<32xf32>
    %reduce_sum3A_15 = vector.multi_reduction <add>, %max3A_14, %reduce_sum3A [0] : vector<10000x32xf32> to vector<32xf32>
    %div3A = arith.constant 1.000000e+04 : f32
    %div3A_16 = vector.broadcast %div3A : f32 to vector<32xf32>
    %div3A_17 = arith.divf %reduce_sum3A_15, %div3A_16 : vector<32xf32>
    %get3A_18 = arith.constant 0 : index
    %get3A_19 = vector.load %arg6[%get3A_18] : memref<32xf32, #tpu.memory_space<vmem>>, vector<32xf32>
    %broadcast_in_dim3A_20 = vector.shape_cast %get3A_19 : vector<32xf32> to vector<1x32xf32>
    %broadcast_in_dim3A_21 = vector.shape_cast %div3A_17 : vector<32xf32> to vector<1x32xf32>
    %mul3A_22 = arith.mulf %broadcast_in_dim3A_20, %broadcast_in_dim3A_21 : vector<1x32xf32>
    %sub3A = vector.broadcast %mul3A_22 : vector<1x32xf32> to vector<10000x32xf32>
    %sub3A_23 = arith.subf %max3A_14, %sub3A : vector<10000x32xf32>
    %mul3A_24 = arith.mulf %sub3A_23, %sub3A_23 : vector<10000x32xf32>
    %reduce_sum3A_25 = arith.constant dense<0.000000e+00> : vector<32xf32>
    %reduce_sum3A_26 = vector.multi_reduction <add>, %mul3A_24, %reduce_sum3A_25 [0] : vector<10000x32xf32> to vector<32xf32>
    %div3A_27 = arith.constant 1.000000e+04 : f32
    %div3A_28 = vector.broadcast %div3A_27 : f32 to vector<32xf32>
    %div3A_29 = arith.divf %reduce_sum3A_26, %div3A_28 : vector<32xf32>
    %get3A_30 = arith.constant 0 : index
    %get3A_31 = vector.load %arg4[%get3A_30] : memref<32xf32, #tpu.memory_space<vmem>>, vector<32xf32>
    %broadcast_in_dim3A_32 = vector.shape_cast %get3A_31 : vector<32xf32> to vector<1x32xf32>
    %mul3A_33 = vector.broadcast %broadcast_in_dim3A_32 : vector<1x32xf32> to vector<10000x32xf32>
    %mul3A_34 = arith.mulf %mul3A_33, %sub3A_23 : vector<10000x32xf32>
    %add3A_35 = arith.constant 9.99999974E-6 : f32
    %add3A_36 = vector.broadcast %add3A_35 : f32 to vector<32xf32>
    %add3A_37 = arith.addf %div3A_29, %add3A_36 : vector<32xf32>
    %rsqrt3A = math.rsqrt %add3A_37 : vector<32xf32>
    %broadcast_in_dim3A_38 = vector.shape_cast %rsqrt3A : vector<32xf32> to vector<1x32xf32>
    %mul3A_39 = vector.broadcast %broadcast_in_dim3A_38 : vector<1x32xf32> to vector<10000x32xf32>
    %mul3A_40 = arith.mulf %mul3A_34, %mul3A_39 : vector<10000x32xf32>
    %get3A_41 = arith.constant 0 : index
    %get3A_42 = vector.load %arg5[%get3A_41] : memref<32xf32, #tpu.memory_space<vmem>>, vector<32xf32>
    %broadcast_in_dim3A_43 = vector.shape_cast %get3A_42 : vector<32xf32> to vector<1x32xf32>
    %add3A_44 = vector.broadcast %broadcast_in_dim3A_43 : vector<1x32xf32> to vector<10000x32xf32>
    %add3A_45 = arith.addf %mul3A_40, %add3A_44 : vector<10000x32xf32>
    %swap3A = arith.constant 0 : index
    %swap3A_46 = arith.constant 0 : index
    %swap3A_47 = vector.load %arg7[%swap3A, %swap3A_46] : memref<10000x32xf32, #tpu.memory_space<vmem>>, vector<10000x32xf32>
    tpu.vector_store %arg7[%swap3A, %swap3A_46], %add3A_45 {strides = array<i32>} : memref<10000x32xf32, #tpu.memory_space<vmem>>, vector<10000x32xf32>,
    return
  }
}

</mosaic_0001>

<sc_bundles>
// kernel: kernel.13.cloned.1.call-start
scs
__scs_entry_jumppad:
0x0: {  	(pc) =	sbr.rel $0x88, $3  }
0x1: {  	(tag) =	ssettag $0x0;
	lr =	simm.s32 $0x1  }
0x2: {  	[smem:$0x3F7D] =	sst lr;
	_ =	strace $0xD0000000  }
0x3: {  	_ = 	snop  }
0x4: {  	_ = 	snop  }
0x5: {  	_ = 	snop  }
0x6: {  	_ = 	snop  }
0x7: {  	_ = 	snop  }
__scs_overlays_trampoline_lowered:
0x8: {  	[smem:$0x3F8C] =	sst s0  }
0x9: {  	[smem:$0x3F8D] =	sst s1  }
0xa: {  	[smem:$0x3F8E] =	sst s2  }
0xb: {  	[smem:$0x3F8F] =	sst s3  }
0xc: {  	[smem:$0x3F90] =	sst s4  }
0xd: {  	[smem:$0x3F91] =	sst s5  }
0xe: {  	[smem:$0x3F92] =	sst s6  }
0xf: {  	[smem:$0x3F93] =	sst s7  }
0x10: {  	[smem:$0x3F94] =	sst s8  }
0x11: {  	[smem:$0x3F95] =	sst s9;
	s0 =	simm.s32 @!p0 $0x0  }
0x12: {  	s1 =	sld [smem:$0x3F7B];
	s0 =	simm.s32 @p0 $0x1  }
0x13: {  	[smem:$0x3F96] =	sst s0;
	s0 =	simm.s32 @!p1 $0x0  }
0x14: {  	s2 =	sld [smem:$0x3F7A];
	s0 =	simm.s32 @p1 $0x1  }
0x15: {  	[smem:$0x3F97] =	sst s0;
	s0 =	simm.s32 @!p2 $0x0  }
0x16: {  	s3 =	sld [smem:$0x3FDB];
	s0 =	simm.s32 @p2 $0x1  }
0x17: {  	s4 =	simm.s32 $0x1BF5;
	[smem:$0x3F99] =	sst s0  }
0x18: {  	s0 =	sld [smem:$0x3F7C];
	_ =	swait.ge [sflag:s4], $0x0  }
0x19: {  	s7 =	sld [smem:$0x3F7D]  }
0x1a: {  	s8 =	sadd.s32 $0xFFFFE003, lr  }
0x1b: {  	s9 =	sadd.s32 $0xFFFFFEF7, lr;
	s5 =	simm.s32 $0xFFFFFFFF;
	p2 =	slt.u32 s8, $0xFFFFF086  }
0x1c: {  	p1 =	slt.u32 s9, $0xF7A;
	s5 =	simm.s32 @!p2 $0x0  }
0x1d: {  	s5 =	simm.s32 @p1 $0x1;
	p0 =	seq.s32 s7, s2  }
0x1e: {  	s7 =	smul.u32 @!p0 $0xF7A, s2;
	p2 =	seq.s32 @!p0 s5, $0x0  }
0x1f: {  	s9 =	smul.u32 $0xF7A, s1;
	s8 =	simm.s32 @!p0 $0x1BF5;
	p2 =	por !p2, p0  }
0x20: {  	[sflag:s8] =	ssyncset.s32 @!p0 $0xFFFFF086;
	s6 =	sadd.s32 @!p0 s3, s7;
	s7 =	simm.s32 @!p0 $0x108  }
0x21: {  	s3 =	sadd.s32 s3, s9;
	s6 =	sadd.s32 @!p0 $0x88, s6;
	s7 =	simm.s32 @p2 $0x1082  }
0x22: {  	[simem:s7], [sflag:s8] =	dma.local @!p0 [hbm:s6], $0xF7A  }
0x23: {  	s9 =	sor.u32 $0xD0000000, s2;
	s6 =	simm.s32 $0x108;
	_ =	swait.ge @!p0 [sflag:s8], $0x0  }
0x24: {  	s3 =	sadd.s32 $0x88, s3;
	s6 =	simm.s32 @!p1 $0x1082;
	[sflag:s4] =	ssyncset.s32 $0xFFFFF086  }
0x25: {  	[simem:s6], [sflag:s4] =	dma.local [hbm:s3], $0xF7A  }
0x26: {  	[smem:$0x3F7D] =	sst s1;
	(tag) =	ssettag s2;
	_ =	strace s9  }
0x27: {  	s1 =	sld [smem:$0x3F8D]  }
0x28: {  	s2 =	sld [smem:$0x3F8E]  }
0x29: {  	s4 =	sld [smem:$0x3F90]  }
0x2a: {  	p0 =	seq.s32 s5, $0x0;
	s5 =	sld [smem:$0x3F91]  }
0x2b: {  	s6 =	sld [smem:$0x3F92]  }
0x2c: {  	s7 =	sld [smem:$0x3F93]  }
0x2d: {  	s3 =	simm.s32 $0x108;
	s8 =	sld [smem:$0x3F94]  }
0x2e: {  	s3 =	simm.s32 @!p0 $0x1082;
	s9 =	sld [smem:$0x3F95]  }
0x2f: {  	lr =	sadd.s32 s0, s3;
	s0 =	sld [smem:$0x3F8C]  }
0x30: {  	s3 =	sld [smem:$0x3F8F]  }
0x31: {  	[smem:$0x3F98] =	sst s10  }
0x32: {  	s10 =	sld [smem:$0x3F96];
	_ =	sdelay $0x3  }
0x33: {  	p0 =	seq.s32 s10, $0x1;
	s10 =	sld [smem:$0x3F98];
	_ =	sdelay $0x3  }
0x34: {  	[smem:$0x3F98] =	sst s10  }
0x35: {  	s10 =	sld [smem:$0x3F97];
	_ =	sdelay $0x3  }
0x36: {  	p1 =	seq.s32 s10, $0x1;
	s10 =	sld [smem:$0x3F98];
	_ =	sdelay $0x3  }
0x37: {  	[smem:$0x3F98] =	sst s10  }
0x38: {  	s10 =	sld [smem:$0x3F99]  }
0x39: {  	_ = 	snop;
	(pc) =	sbr.ind lr, $3  }
0x3a: {  	_ = 	snop  }
0x3b: {  	_ = 	snop  }
0x3c: {  	p2 =	seq.s32 s10, $0x1;
	s10 =	sld [smem:$0x3F98]  }
0x3d: {  	_ =	shalt  }
0x3e: {  	_ =	shalt  }
0x3f: {  	_ =	shalt  }
0x40: {  	_ =	shalt  }
0x41: {  	_ =	shalt  }
0x42: {  	_ =	shalt  }
0x43: {  	_ =	shalt  }
0x44: {  	_ =	shalt  }
0x45: {  	_ =	shalt  }
0x46: {  	_ =	shalt  }
0x47: {  	_ =	shalt  }
0x48: {  	_ =	shalt  }
0x49: {  	_ =	shalt  }
0x4a: {  	_ =	shalt  }
0x4b: {  	_ =	shalt  }
0x4c: {  	_ =	shalt  }
0x4d: {  	_ =	shalt  }
0x4e: {  	_ =	shalt  }
0x4f: {  	_ =	shalt  }
0x50: {  	_ =	shalt  }
0x51: {  	_ =	shalt  }
0x52: {  	_ =	shalt  }
0x53: {  	_ =	shalt  }
0x54: {  	_ =	shalt  }
0x55: {  	_ =	shalt  }
0x56: {  	_ =	shalt  }
0x57: {  	_ =	shalt  }
0x58: {  	_ =	shalt  }
0x59: {  	_ =	shalt  }
0x5a: {  	_ =	shalt  }
0x5b: {  	_ =	shalt  }
0x5c: {  	_ =	shalt  }
0x5d: {  	_ =	shalt  }
0x5e: {  	_ =	shalt  }
0x5f: {  	_ =	shalt  }
0x60: {  	_ =	shalt  }
0x61: {  	_ =	shalt  }
0x62: {  	_ =	shalt  }
0x63: {  	_ =	shalt  }
0x64: {  	_ =	shalt  }
0x65: {  	_ =	shalt  }
0x66: {  	_ =	shalt  }
0x67: {  	_ =	shalt  }
0x68: {  	_ =	shalt  }
0x69: {  	_ =	shalt  }
0x6a: {  	_ =	shalt  }
0x6b: {  	_ =	shalt  }
0x6c: {  	_ =	shalt  }
0x6d: {  	_ =	shalt  }
0x6e: {  	_ =	shalt  }
0x6f: {  	_ =	shalt  }
0x70: {  	_ =	shalt  }
0x71: {  	_ =	shalt  }
0x72: {  	_ =	shalt  }
0x73: {  	_ =	shalt  }
0x74: {  	_ =	shalt  }
0x75: {  	_ =	shalt  }
0x76: {  	_ =	shalt  }
0x77: {  	_ =	shalt  }
0x78: {  	_ =	shalt  }
0x79: {  	_ =	shalt  }
0x7a: {  	_ =	shalt  }
0x7b: {  	_ =	shalt  }
0x7c: {  	_ =	shalt  }
0x7d: {  	_ =	shalt  }
0x7e: {  	_ =	shalt  }
0x7f: {  	_ =	shalt  }
0x80: {  	_ =	shalt  }
0x81: {  	_ =	shalt  }
0x82: {  	_ =	shalt  }
0x83: {  	_ =	shalt  }
0x84: {  	_ =	shalt  }
0x85: {  	_ =	shalt  }
0x86: {  	_ =	shalt  }
0x87: {  	_ =	shalt  }
.Lfunc_end0:
.L_simem_size_0:
called_computation_lowered:
.L_overlay_start_0:
0x88: {  	s2 =	sld [smem:$0x3FD9]  }
0x89: {  	s3 =	sld [smem:$0x3FFE];
	_ =	sdelay $0x1  }
0x8a: {  	s1 =	srdreg.scid  }
0x8b: {  	s0 =	sand.u32 $0x1, s1  }
0x8c: {  	s16 =	sshll.u32 s0, $0xA;
	s2 =	sadd.s32 s3, s2  }
0x8d: {  	s2 =	sadd.s32 s2, s16  }
0x8e: {  	[smem:$0x3FA4] =	sst s2  }
0x8f: {  	_ = 	snop  }
0x90: {  	(tm) =	ssettm $0x1  }
0x91: {  	s17 =	sld [smem:$0x3FFB];
	_ =	sdelay $0x3  }
0x92: {  	_ =	strace s17  }
0x93: {  	s2 =	sld [smem:$0x3FFC];
	_ =	sdelay $0x3  }
0x94: {  	_ =	strace s2  }
0x95: {  	s2 =	sld [smem:$0x3FFD];
	_ =	sdelay $0x3  }
0x96: {  	_ =	strace s2  }
0x97: {  	_ =	strace $0x8FFFFFFF  }
0x98: {  	s18 =	sld [smem:$0x3FDB];
	_ =	sdelay $0x1  }
0x99: {  	s19 =	simm.s32 $_scs_section_size  }
0x9a: {  	s4 =	simm.s32 $_size__tile_overlayer_lowered;
	s5 =	simm.s32 $_tile_overlayer_lowered  }
0x9b: {  	s22 =	simm.s32 $0x1BFF;
	s21 =	sshll.u32 s5, $0x1;
	s2 =	sadd.s32 s19, s18  }
0x9c: {  	s6 =	simm.s32 $0x0;
	s20 =	sshll.u32 s4, $0x1;
	s4 =	sadd.s32 s21, s2  }
0x9d: {  	[timem:s6], [sflag:s22] =	dma.local [hbm:s4], s20  }
0x9e: {  	_ =	swait.ge [sflag:s22], s20  }
0x9f: {  	s3 =	ssub.s32 $0x0, s20;
	[sflag:s22] =	ssyncset.done $0x0  }
0xa0: {  	[sflag:s22] =	ssyncadd.s32 s3;
	_ =	sdelay $0x1  }
0xa1: {  	s23 =	simm.s32 $0x1B8B  }
0xa2: {  	_ =	swait.ge [sflag:s23], $0x1  }
0xa3: {  	[sflag:s23] =	ssyncset.done $0x0  }
0xa4: {  	s25 =	simm.s32 $0x1B8E;
	s24 =	sld [smem:$0x3FFE];
	[sflag:s23] =	ssyncadd.s32 $0xFFFFFFFF  }
0xa5: {  	s26 =	simm.s32 $execute0_lowered;
	[smem:$0x3FD2] =	sst s25  }
0xa6: {  	s4 =	sshll.u32 s26, $0x1;
	_ =	strace $0x80000046;
	[dreg:$0x1] =	wrdreg $0xFFFFFFFF  }
0xa7: {  	s28 =	simm.s32 $_size_execute0_lowered;
	s2 =	sadd.s32 s2, s4;
	[dreg:$0x0] =	wrdreg $0x0  }
0xa8: {  	s4 =	sshll.u32 s28, $0x1;
	[dreg:$0x2] =	wrdreg s2  }
0xa9: {  	[dreg:$0x3] =	wrdreg s4  }
0xaa: {  	[dreg:$0x4] =	wrdreg $0xC0  }
0xab: {  	_ =	task [dreg:s6], $0x5FFFF  }
0xac: {  	[dreg:$0x1] =	wrdreg $0xFFFFFFFF  }
0xad: {  	[dreg:$0x0] =	wrdreg $0x60  }
0xae: {  	[dreg:$0x2] =	wrdreg s24  }
0xaf: {  	[dreg:$0x3] =	wrdreg $0xA500  }
0xb0: {  	[dreg:$0x4] =	wrdreg $0xCD00  }
0xb1: {  	[dreg:$0x5] =	wrdreg $0xF500  }
0xb2: {  	[dreg:$0x6] =	wrdreg $0x11D00  }
0xb3: {  	[dreg:$0x7] =	wrdreg $0x9  }
0xb4: {  	_ =	task.clear_ibuf [dreg:s6], $0x8FFFF;
	_ =	strace $0x90000046  }
0xb5: {  	s29 =	simm.s32 $0x9;
	_ =	strace $0x80000048  }
0xb6: {  	_ =	swait.ge [sflag:s29], $0x1  }
0xb7: {  	[sflag:s29] =	ssyncadd.s32 $0xFFFFFFFF  }
0xb8: {  	_ =	strace $0x90000048  }
0xb9: {  	_ =	sfence  }
0xba: {  	s30 =	sld [smem:$0x0];
	_ =	sdelay $0x2  }
0xbb: {  	s31 =	sshll.u32 s1, $0xD;
	s1 =	sshrl.u32 s1, $0x2  }
0xbc: {  	s3 =	sand.u32 $0x4000, s31;
	s1 =	sadd.s32 s1, s30  }
0xbd: {  	s0 =	sor.u32 s3, s0;
	s1 =	sshll.u32 s1, $0x11  }
0xbe: {  	s0 =	sor.u32 s1, s0  }
0xbf: {  	s0 =	sadd.s32 $0x8F2B, s0  }
0xc0: {  	[sflag:s0] =	ssyncadd.remote.s32 $0x1  }
0xc1: {  	_ =	sfence.sel $0xFFFF  }
0xc2: {  	[dreg:$0x0] =	wrdreg $0xFFFFFFFF;
	(pc) =	sbr.abs _section_cstart, $3  }
0xc3: {  	[dreg:$0x1] =	wrdreg $0xFFFFFFFF  }
0xc4: {  	_ =	task.clear_ibuf [dreg:s6], $0x2FFFF;
	_ =	strace $0x9FFFFFFF  }
0xc5: {  	(tm) =	ssettm $0x7FFFFFFF  }
tec
execute0_lowered:
.L_overlay_start_1:
0x0: {  	(tag) =	ssettag $0x1  }
0x1: {  	s7 =	rddreg [dreg:$0x0]  }
0x2: {  	s1 =	rddreg [dreg:$0x1]  }
0x3: {  	s2 =	rddreg [dreg:$0x2]  }
0x4: {  	s4 =	rddreg [dreg:$0x3]  }
0x5: {  	s5 =	rddreg [dreg:$0x4]  }
0x6: {  	s0 =	srdreg.scid;
	s3 =	rddreg [dreg:$0x5];
	s6 =	simm.s32 $0x0  }
0x7: {  	s23 =	simm.s32 $0x3E8;
	s24 =	simm.s32 $0x0;
	s11 =	sand.u32 $0x1, s0  }
0x8: {  	s0 =	stileid.u32;
	[smem:$0x7FF] =	sst s6;
	s12 =	sadd.s32 $0x38200, s7  }
0x9: {  	s13 =	sadd.s32 $0x38E00, s7;
	s14 =	sadd.s32 $0x39A00, s7;
	s15 =	sadd.s32 $0x3A600, s7  }
0xa: {  	s16 =	sadd.s32 $0x38800, s7;
	s17 =	sadd.s32 $0x39400, s7;
	s8 =	smul.u32 $0x27100, s11  }
0xb: {  	s19 =	sadd.s32 $0x3A000, s7;
	s21 =	sadd.s32 $0x3AC00, s7;
	s9 =	smul.u32 $0x2710, s0  }
0xc: {  	_ =	strace $0x80000047;
	s30 =	ssub.s32 $0x2, s11;
	p0 =	seq.s32 s11, $0x1  }
0xd: {  	s18 =	smul.u32 $0x280, s0;
	s31 =	sshrl.u32 s30, $0x1;
	s12 =	smov.u32 @p0 s16  }
0xe: {  	s13 =	smov.u32 @p0 s17;
	s14 =	smov.u32 @p0 s19;
	s15 =	smov.u32 @p0 s21  }
0xf: {  	s21 =	simm.s32 $0x7D0;
	s8 =	sadd.s32 s9, s8;
	s22 =	ssub.s32 s30, s31  }
0x10: {  	s9 =	sadd.s32 s18, s4;
	s10 =	sadd.s32 s18, s5;
	s8 =	sshrl.u32 s8, $0x3  }
0x11: {  	s11 =	smax.u32 s22, $0x1;
	s22 =	simm.s32 $0x1;
	s20 =	sadd.s32 s8, s7  }
0x12: {  	s7 =	sadd.s32 s18, s1;
	s8 =	sadd.s32 s18, s2;
	s18 =	sshrl.u32 s18, $0x3  }
0x13: {  	s12 =	sadd.s32 s12, s18;
	s13 =	sadd.s32 s13, s18;
	s14 =	sadd.s32 s14, s18  }
0x14: {  	s15 =	sadd.s32 s15, s18;
	s16 =	sadd.s32 $0x2E400, s20;
	s17 =	sadd.s32 $0x24600, s20  }
0x15: {  	v0 =	vimm.f32 $0.0e+00;
	s18 =	sadd.s32 $0x1A800, s20;
	s19 =	sadd.s32 $0x10A00, s20;
	s20 =	sadd.s32 $0x6C00, s20  }
.LBB2_1:
0x16: {  	[tilespmem:$0x7D0] =	vst v0  }
0x17: {  	[tilespmem:$0x7E0] =	vst v0  }
0x18: {  	[tilespmem:$0x7F0] =	vst v0  }
0x19: {  	[tilespmem:$0x800] =	vst v0  }
0x1a: {  	[tilespmem:$0x810] =	vst v0  }
0x1b: {  	[tilespmem:$0x820] =	vst v0  }
0x1c: {  	[tilespmem:$0x830] =	vst v0  }
0x1d: {  	[tilespmem:$0x840] =	vst v0  }
0x1e: {  	[tilespmem:$0x850] =	vst v0  }
0x1f: {  	[tilespmem:$0x860] =	vst v0  }
0x20: {  	[tilespmem:$0x870] =	vst v0  }
0x21: {  	[tilespmem:$0x880] =	vst v0  }
0x22: {  	[tilespmem:$0x890] =	vst v0  }
0x23: {  	[tilespmem:$0x8A0] =	vst v0  }
0x24: {  	[tilespmem:$0x8B0] =	vst v0  }
0x25: {  	[tilespmem:$0x8C0] =	vst v0  }
0x26: {  	[tilespmem:$0x8D0] =	vst v0  }
0x27: {  	[tilespmem:$0x8E0] =	vst v0  }
0x28: {  	[tilespmem:$0x8F0] =	vst v0  }
0x29: {  	[tilespmem:$0x900] =	vst v0  }
0x2a: {  	[tilespmem:$0x910] =	vst v0  }
0x2b: {  	[tilespmem:$0x920] =	vst v0  }
0x2c: {  	[tilespmem:$0x930] =	vst v0  }
0x2d: {  	[tilespmem:$0x940] =	vst v0  }
0x2e: {  	[tilespmem:$0x950] =	vst v0  }
0x2f: {  	[tilespmem:$0x960] =	vst v0  }
0x30: {  	[tilespmem:$0x970] =	vst v0  }
0x31: {  	[tilespmem:$0x980] =	vst v0  }
0x32: {  	[tilespmem:$0x990] =	vst v0  }
0x33: {  	[tilespmem:$0x9A0] =	vst v0  }
0x34: {  	[tilespmem:$0x9B0] =	vst v0  }
0x35: {  	[tilespmem:$0x9C0] =	vst v0  }
0x36: {  	[tilespmem:$0x9D0] =	vst v0  }
0x37: {  	[tilespmem:$0x9E0] =	vst v0  }
0x38: {  	[tilespmem:$0x9F0] =	vst v0  }
0x39: {  	[tilespmem:$0xA00] =	vst v0  }
0x3a: {  	[tilespmem:$0xA10] =	vst v0  }
0x3b: {  	[tilespmem:$0xA20] =	vst v0  }
0x3c: {  	[tilespmem:$0xA30] =	vst v0  }
0x3d: {  	[tilespmem:$0xA40] =	vst v0  }
0x3e: {  	[spmem:s7] =	stream.linear.scatter [tilespmem:s21], [sflag:$0x1], $0x280, $0x38;
	[tilespmem:$0x1450] =	vst v63  }
0x3f: {  	_ =	swait.ge [sflag:s22], $0x280  }
0x40: {  	[sflag:s22] =	ssyncset.done $0x0  }
0x41: {  	[sflag:s22] =	ssyncadd.s32 $0xFFFFFD80  }
0x42: {  	[spmem:s8] =	stream.linear.scatter [tilespmem:s21], [sflag:$0x1], $0x280, $0x38;
	[tilespmem:$0x1450] =	vst v63  }
0x43: {  	_ =	swait.ge [sflag:s22], $0x280  }
0x44: {  	[sflag:s22] =	ssyncset.done $0x0  }
0x45: {  	[sflag:s22] =	ssyncadd.s32 $0xFFFFFD80  }
0x46: {  	[spmem:s9] =	stream.linear.scatter [tilespmem:s21], [sflag:$0x1], $0x280, $0x38;
	[tilespmem:$0x1450] =	vst v63  }
0x47: {  	_ =	swait.ge [sflag:s22], $0x280  }
0x48: {  	[sflag:s22] =	ssyncset.done $0x0  }
0x49: {  	[sflag:s22] =	ssyncadd.s32 $0xFFFFFD80  }
0x4a: {  	[spmem:s10] =	stream.linear.scatter [tilespmem:s21], [sflag:$0x1], $0x280, $0x38;
	[tilespmem:$0x1450] =	vst v63  }
0x4b: {  	_ =	swait.ge [sflag:s22], $0x280  }
0x4c: {  	[sflag:s22] =	ssyncset.done $0x0  }
0x4d: {  	[sflag:s22] =	ssyncadd.s32 $0xFFFFFD80  }
0x4e: {  	s25 =	sadd.s32 $0x0, s20;
	[bflag:$0x0] =	sbarrier.arrive $0xFFFF  }
0x4f: {  	[tilespmem:s6], [sflag:$0x1] =	stream.linear.gather [hbm4b:s25+s6], $0x3E8, $0x38;
	[tilespmem:$0x1450] =	vst v63  }
0x50: {  	_ =	swait.ge [sflag:s22], $0x3E8  }
0x51: {  	[sflag:s22] =	ssyncset.done $0x0  }
0x52: {  	s26 =	sadd.s32 $0x0, s19;
	[sflag:s22] =	ssyncadd.s32 $0xFFFFFC18  }
0x53: {  	[tilespmem:s23], [sflag:$0x1] =	stream.linear.gather [hbm4b:s26+s6], $0x3E8, $0x38;
	[tilespmem:$0x1450] =	vst v63  }
0x54: {  	_ =	swait.ge [sflag:s22], $0x3E8  }
0x55: {  	[sflag:s22] =	ssyncset.done $0x0  }
0x56: {  	[sflag:s22] =	ssyncadd.s32 $0xFFFFFC18  }
0x57: {  	[spmem:s1] =	stream.indirect.scatter.add.f32 [tilespmem:s23], [sflag:$0x1], $0x1, s6, s23, $0xb8;
	[tilespmem:$0x1450] =	vst v63  }
0x58: {  	_ =	swait.ge [sflag:s22], $0x3E8  }
0x59: {  	[sflag:s22] =	ssyncset.done $0x0  }
0x5a: {  	s28 =	sadd.s32 $0x0, s18;
	[sflag:s22] =	ssyncadd.s32 $0xFFFFFC18  }
0x5b: {  	[tilespmem:s23], [sflag:$0x1] =	stream.linear.gather [hbm4b:s28+s6], $0x3E8, $0x38;
	[tilespmem:$0x1450] =	vst v63  }
0x5c: {  	_ =	swait.ge [sflag:s22], $0x3E8  }
0x5d: {  	[sflag:s22] =	ssyncset.done $0x0  }
0x5e: {  	[sflag:s22] =	ssyncadd.s32 $0xFFFFFC18  }
0x5f: {  	[spmem:s2] =	stream.indirect.scatter.add.f32 [tilespmem:s23], [sflag:$0x1], $0x1, s6, s23, $0xb8;
	[tilespmem:$0x1450] =	vst v63  }
0x60: {  	_ =	swait.ge [sflag:s22], $0x3E8  }
0x61: {  	[sflag:s22] =	ssyncset.done $0x0  }
0x62: {  	s30 =	sadd.s32 $0x0, s17;
	[sflag:s22] =	ssyncadd.s32 $0xFFFFFC18  }
0x63: {  	[tilespmem:s23], [sflag:$0x1] =	stream.linear.gather [hbm4b:s30+s6], $0x3E8, $0x38;
	[tilespmem:$0x1450] =	vst v63  }
0x64: {  	_ =	swait.ge [sflag:s22], $0x3E8  }
0x65: {  	[sflag:s22] =	ssyncset.done $0x0  }
0x66: {  	[sflag:s22] =	ssyncadd.s32 $0xFFFFFC18  }
0x67: {  	[spmem:s4] =	stream.indirect.scatter.add.f32 [tilespmem:s23], [sflag:$0x1], $0x1, s6, s23, $0xb8;
	[tilespmem:$0x1450] =	vst v63  }
0x68: {  	_ =	swait.ge [sflag:s22], $0x3E8  }
0x69: {  	[sflag:s22] =	ssyncset.done $0x0  }
0x6a: {  	s31 =	sadd.s32 $0x0, s16;
	[sflag:s22] =	ssyncadd.s32 $0xFFFFFC18  }
0x6b: {  	[tilespmem:s23], [sflag:$0x1] =	stream.linear.gather [hbm4b:s31+s6], $0x3E8, $0x38;
	[tilespmem:$0x1450] =	vst v63  }
0x6c: {  	_ =	swait.ge [sflag:s22], $0x3E8  }
0x6d: {  	[sflag:s22] =	ssyncset.done $0x0  }
0x6e: {  	[sflag:s22] =	ssyncadd.s32 $0xFFFFFC18  }
0x6f: {  	[spmem:s5] =	stream.indirect.scatter.add.f32 [tilespmem:s23], [sflag:$0x1], $0x1, s6, s23, $0xb8;
	[tilespmem:$0x1450] =	vst v63  }
0x70: {  	_ =	swait.ge [sflag:s22], $0x3E8  }
0x71: {  	s29 =	simm.s32 $0xFA;
	s25 =	simm.s32 $0x7D;
	[sflag:s22] =	ssyncset.done $0x0  }
.LBB2_2:
0x72: {  	s30 =	sadd.s32 s25, s20  }
0x73: {  	[sflag:s22] =	ssyncadd.s32 $0xFFFFFC18;
	s28 =	smov.u32 s29;
	s26 =	sadd.s32 $0x7D, s29  }
0x74: {  	[tilespmem:s6], [sflag:$0x1] =	stream.linear.gather [hbm4b:s30+s6], $0x3E8, $0x38;
	[tilespmem:$0x1450] =	vst v63  }
0x75: {  	p0 =	sne.s32 s29, $0x465;
	_ =	swait.ge [sflag:s22], $0x3E8  }
0x76: {  	[sflag:s22] =	ssyncset.done $0x0  }
0x77: {  	s29 =	sadd.s32 s25, s19;
	[sflag:s22] =	ssyncadd.s32 $0xFFFFFC18  }
0x78: {  	[tilespmem:s23], [sflag:$0x1] =	stream.linear.gather [hbm4b:s29+s6], $0x3E8, $0x38;
	[tilespmem:$0x1450] =	vst v63  }
0x79: {  	_ =	swait.ge [sflag:s22], $0x3E8  }
0x7a: {  	[sflag:s22] =	ssyncset.done $0x0  }
0x7b: {  	[sflag:s22] =	ssyncadd.s32 $0xFFFFFC18  }
0x7c: {  	[spmem:s1] =	stream.indirect.scatter.add.f32 [tilespmem:s23], [sflag:$0x1], $0x1, s6, s23, $0xb8;
	[tilespmem:$0x1450] =	vst v63  }
0x7d: {  	_ =	swait.ge [sflag:s22], $0x3E8  }
0x7e: {  	[sflag:s22] =	ssyncset.done $0x0  }
0x7f: {  	s29 =	sadd.s32 s25, s18;
	[sflag:s22] =	ssyncadd.s32 $0xFFFFFC18  }
0x80: {  	[tilespmem:s23], [sflag:$0x1] =	stream.linear.gather [hbm4b:s29+s6], $0x3E8, $0x38;
	[tilespmem:$0x1450] =	vst v63  }
0x81: {  	_ =	swait.ge [sflag:s22], $0x3E8  }
0x82: {  	[sflag:s22] =	ssyncset.done $0x0  }
0x83: {  	[sflag:s22] =	ssyncadd.s32 $0xFFFFFC18  }
0x84: {  	[spmem:s2] =	stream.indirect.scatter.add.f32 [tilespmem:s23], [sflag:$0x1], $0x1, s6, s23, $0xb8;
	[tilespmem:$0x1450] =	vst v63  }
0x85: {  	_ =	swait.ge [sflag:s22], $0x3E8  }
0x86: {  	[sflag:s22] =	ssyncset.done $0x0  }
0x87: {  	s29 =	sadd.s32 s25, s17;
	[sflag:s22] =	ssyncadd.s32 $0xFFFFFC18  }
0x88: {  	[tilespmem:s23], [sflag:$0x1] =	stream.linear.gather [hbm4b:s29+s6], $0x3E8, $0x38;
	[tilespmem:$0x1450] =	vst v63  }
0x89: {  	_ =	swait.ge [sflag:s22], $0x3E8  }
0x8a: {  	[sflag:s22] =	ssyncset.done $0x0  }
0x8b: {  	[sflag:s22] =	ssyncadd.s32 $0xFFFFFC18  }
0x8c: {  	[spmem:s4] =	stream.indirect.scatter.add.f32 [tilespmem:s23], [sflag:$0x1], $0x1, s6, s23, $0xb8;
	[tilespmem:$0x1450] =	vst v63  }
0x8d: {  	_ =	swait.ge [sflag:s22], $0x3E8  }
0x8e: {  	[sflag:s22] =	ssyncset.done $0x0  }
0x8f: {  	s29 =	sadd.s32 s25, s16;
	s25 =	smov.u32 s28;
	[sflag:s22] =	ssyncadd.s32 $0xFFFFFC18  }
0x90: {  	[tilespmem:s23], [sflag:$0x1] =	stream.linear.gather [hbm4b:s29+s6], $0x3E8, $0x38;
	[tilespmem:$0x1450] =	vst v63  }
0x91: {  	_ =	swait.ge [sflag:s22], $0x3E8  }
.Ltmp0:
0x92: {  	[sflag:s22] =	ssyncset.done $0x0;
	(pc) =	sbr.rel @p0 .LBB2_2-.Ltmp0, $4  }
0x93: {  	[sflag:s22] =	ssyncadd.s32 $0xFFFFFC18  }
0x94: {  	[spmem:s5] =	stream.indirect.scatter.add.f32 [tilespmem:s23], [sflag:$0x1], $0x1, s6, s23, $0xb8;
	[tilespmem:$0x1450] =	vst v63  }
0x95: {  	_ =	swait.ge [sflag:s22], $0x3E8  }
0x96: {  	s29 =	smov.u32 s26;
	[sflag:s22] =	ssyncset.done $0x0  }
0x97: {  	s26 =	sadd.s32 s25, s20;
	[sflag:s22] =	ssyncadd.s32 $0xFFFFFC18  }
0x98: {  	[tilespmem:s6], [sflag:$0x1] =	stream.linear.gather [hbm4b:s26+s6], $0x3E8, $0x38;
	[tilespmem:$0x1450] =	vst v63  }
0x99: {  	_ =	swait.ge [sflag:s22], $0x3E8  }
0x9a: {  	[sflag:s22] =	ssyncset.done $0x0  }
0x9b: {  	s28 =	sadd.s32 s25, s19;
	[sflag:s22] =	ssyncadd.s32 $0xFFFFFC18  }
0x9c: {  	[tilespmem:s23], [sflag:$0x1] =	stream.linear.gather [hbm4b:s28+s6], $0x3E8, $0x38;
	[tilespmem:$0x1450] =	vst v63  }
0x9d: {  	_ =	swait.ge [sflag:s22], $0x3E8  }
0x9e: {  	[sflag:s22] =	ssyncset.done $0x0  }
0x9f: {  	[sflag:s22] =	ssyncadd.s32 $0xFFFFFC18  }
0xa0: {  	[spmem:s1] =	stream.indirect.scatter.add.f32 [tilespmem:s23], [sflag:$0x1], $0x1, s6, s23, $0xb8;
	[tilespmem:$0x1450] =	vst v63  }
0xa1: {  	_ =	swait.ge [sflag:s22], $0x3E8  }
0xa2: {  	[sflag:s22] =	ssyncset.done $0x0  }
0xa3: {  	s29 =	sadd.s32 s25, s18;
	[sflag:s22] =	ssyncadd.s32 $0xFFFFFC18  }
0xa4: {  	[tilespmem:s23], [sflag:$0x1] =	stream.linear.gather [hbm4b:s29+s6], $0x3E8, $0x38;
	[tilespmem:$0x1450] =	vst v63  }
0xa5: {  	_ =	swait.ge [sflag:s22], $0x3E8  }
0xa6: {  	[sflag:s22] =	ssyncset.done $0x0  }
0xa7: {  	[sflag:s22] =	ssyncadd.s32 $0xFFFFFC18  }
0xa8: {  	[spmem:s2] =	stream.indirect.scatter.add.f32 [tilespmem:s23], [sflag:$0x1], $0x1, s6, s23, $0xb8;
	[tilespmem:$0x1450] =	vst v63  }
0xa9: {  	_ =	swait.ge [sflag:s22], $0x3E8  }
0xaa: {  	[sflag:s22] =	ssyncset.done $0x0  }
0xab: {  	s30 =	sadd.s32 s25, s17;
	[sflag:s22] =	ssyncadd.s32 $0xFFFFFC18  }
0xac: {  	[tilespmem:s23], [sflag:$0x1] =	stream.linear.gather [hbm4b:s30+s6], $0x3E8, $0x38;
	[tilespmem:$0x1450] =	vst v63  }
0xad: {  	_ =	swait.ge [sflag:s22], $0x3E8  }
0xae: {  	[sflag:s22] =	ssyncset.done $0x0  }
0xaf: {  	[sflag:s22] =	ssyncadd.s32 $0xFFFFFC18  }
0xb0: {  	[spmem:s4] =	stream.indirect.scatter.add.f32 [tilespmem:s23], [sflag:$0x1], $0x1, s6, s23, $0xb8;
	[tilespmem:$0x1450] =	vst v63  }
0xb1: {  	_ =	swait.ge [sflag:s22], $0x3E8  }
0xb2: {  	[sflag:s22] =	ssyncset.done $0x0  }
0xb3: {  	s31 =	sadd.s32 s25, s16;
	[sflag:s22] =	ssyncadd.s32 $0xFFFFFC18  }
0xb4: {  	[tilespmem:s23], [sflag:$0x1] =	stream.linear.gather [hbm4b:s31+s6], $0x3E8, $0x38;
	[tilespmem:$0x1450] =	vst v63  }
0xb5: {  	_ =	swait.ge [sflag:s22], $0x3E8  }
0xb6: {  	[sflag:s22] =	ssyncset.done $0x0  }
0xb7: {  	[sflag:s22] =	ssyncadd.s32 $0xFFFFFC18  }
0xb8: {  	[spmem:s5] =	stream.indirect.scatter.add.f32 [tilespmem:s23], [sflag:$0x1], $0x1, s6, s23, $0xb8;
	[tilespmem:$0x1450] =	vst v63  }
0xb9: {  	_ =	swait.ge [sflag:s22], $0x3E8  }
0xba: {  	[sflag:s22] =	ssyncset.done $0x0  }
0xbb: {  	s26 =	sshll.u32 s0, $0x6;
	[sflag:s22] =	ssyncadd.s32 $0xFFFFFC18  }
0xbc: {  	s25 =	sor.u32 $0x1C01, s26;
	s28 =	sshrl.u32 s7, $0x3;
	[bflag:$0x0] =	sbarrier.arrive $0xFFFF  }
0xbd: {  	[hbm:s12], [sflag:s25] =	dma.local [spmem:s28], $0x50  }
0xbe: {  	_ =	swait.ge [sflag:s22], $0x50  }
0xbf: {  	[sflag:s22] =	ssyncset.done $0x0  }
0xc0: {  	s29 =	sshrl.u32 s8, $0x3;
	[sflag:s22] =	ssyncadd.s32 $0xFFFFFFB0  }
0xc1: {  	[hbm:s13], [sflag:s25] =	dma.local [spmem:s29], $0x50  }
0xc2: {  	_ =	swait.ge [sflag:s22], $0x50  }
0xc3: {  	[sflag:s22] =	ssyncset.done $0x0  }
0xc4: {  	s30 =	sshrl.u32 s9, $0x3;
	[sflag:s22] =	ssyncadd.s32 $0xFFFFFFB0  }
0xc5: {  	[hbm:s14], [sflag:s25] =	dma.local [spmem:s30], $0x50  }
0xc6: {  	s24 =	sadd.s32 $0x1, s24;
	_ =	swait.ge [sflag:s22], $0x50  }
0xc7: {  	p0 =	sne.s32 s24, s11;
	[sflag:s22] =	ssyncset.done $0x0  }
.Ltmp1:
0xc8: {  	s31 =	sshrl.u32 s10, $0x3;
	[sflag:s22] =	ssyncadd.s32 $0xFFFFFFB0;
	(pc) =	sbr.rel @p0 .LBB2_1-.Ltmp1, $4  }
0xc9: {  	[hbm:s15], [sflag:s25] =	dma.local [spmem:s31], $0x50  }
0xca: {  	_ =	swait.ge [sflag:s22], $0x50  }
0xcb: {  	[sflag:s22] =	ssyncset.done $0x0  }
0xcc: {  	[sflag:s22] =	ssyncadd.s32 $0xFFFFFFB0  }
0xcd: {  	_ =	sfence.sel $0x180000  }
0xce: {  	[bflag:$0x0] =	sbarrier.arrive $0xFFFF  }
0xcf: {  	p0 =	sne.s32 s0, $0x0;
	_ =	strace $0x90000047  }
0xd0: {  	s0 =	sadd.s32 @!p0 $0x100000, s3;
	[bflag:$0x2] =	sbarrier.arrive $0xFFFF  }
0xd1: {  	[sflag:s0] =	ssyncadd.tile.s32 @!p0 $0x1;
	_ =	shalt  }
.Lfunc_end2:
_tile_overlayer_lowered:
.L_overlay_start_2:
0xd2: {  	(tag) =	ssettag $0x2  }
0xd3: {  	s0 =	rddreg [dreg:$0x0];
	s2 =	stileid.u32  }
0xd4: {  	s1 =	rddreg [dreg:$0x1];
	p0 =	sne.s32 s2, $0x0  }
0xd5: {  	s3 =	rddreg [dreg:$0x2];
	[bflag:$0x3] =	sbarrier.arrive $0xFFFF;
	s2 =	simm.s32 @!p0 $0x1C01  }
0xd6: {  	[timem:s3], [sflag:s2] =	dma.local @!p0 [hbm:s0], s1  }
0xd7: {  	s0 =	simm.s32 @!p0 $0x1  }
0xd8: {  	_ =	swait.ge @!p0 [sflag:s0], s1  }
0xd9: {  	s1 =	ssub.s32 @!p0 $0x0, s1;
	[sflag:s0] =	ssyncset.done @!p0 $0x0  }
0xda: {  	[sflag:s0] =	ssyncadd.s32 @!p0 s1  }
0xdb: {  	[bflag:$0x3] =	sbarrier.arrive $0xFFFF  }
0xdc: {  	_ =	shalt  }

// kernel: kernel.16.cloned.1.call-start
scs
__scs_entry_jumppad:
0x0: {  	(pc) =	sbr.rel $0x88, $3  }
0x1: {  	(tag) =	ssettag $0x0;
	lr =	simm.s32 $0x1  }
0x2: {  	[smem:$0x3F7D] =	sst lr;
	_ =	strace $0xD0000000  }
0x3: {  	_ = 	snop  }
0x4: {  	_ = 	snop  }
0x5: {  	_ = 	snop  }
0x6: {  	_ = 	snop  }
0x7: {  	_ = 	snop  }
__scs_overlays_trampoline_lowered:
0x8: {  	[smem:$0x3F8C] =	sst s0  }
0x9: {  	[smem:$0x3F8D] =	sst s1  }
0xa: {  	[smem:$0x3F8E] =	sst s2  }
0xb: {  	[smem:$0x3F8F] =	sst s3  }
0xc: {  	[smem:$0x3F90] =	sst s4  }
0xd: {  	[smem:$0x3F91] =	sst s5  }
0xe: {  	[smem:$0x3F92] =	sst s6  }
0xf: {  	[smem:$0x3F93] =	sst s7  }
0x10: {  	[smem:$0x3F94] =	sst s8  }
0x11: {  	[smem:$0x3F95] =	sst s9;
	s0 =	simm.s32 @!p0 $0x0  }
0x12: {  	s1 =	sld [smem:$0x3F7B];
	s0 =	simm.s32 @p0 $0x1  }
0x13: {  	[smem:$0x3F96] =	sst s0;
	s0 =	simm.s32 @!p1 $0x0  }
0x14: {  	s2 =	sld [smem:$0x3F7A];
	s0 =	simm.s32 @p1 $0x1  }
0x15: {  	[smem:$0x3F97] =	sst s0;
	s0 =	simm.s32 @!p2 $0x0  }
0x16: {  	s3 =	sld [smem:$0x3FDB];
	s0 =	simm.s32 @p2 $0x1  }
0x17: {  	s4 =	simm.s32 $0x1BF5;
	[smem:$0x3F99] =	sst s0  }
0x18: {  	s0 =	sld [smem:$0x3F7C];
	_ =	swait.ge [sflag:s4], $0x0  }
0x19: {  	s7 =	sld [smem:$0x3F7D]  }
0x1a: {  	s8 =	sadd.s32 $0xFFFFE003, lr  }
0x1b: {  	s9 =	sadd.s32 $0xFFFFFEF7, lr;
	s5 =	simm.s32 $0xFFFFFFFF;
	p2 =	slt.u32 s8, $0xFFFFF086  }
0x1c: {  	p1 =	slt.u32 s9, $0xF7A;
	s5 =	simm.s32 @!p2 $0x0  }
0x1d: {  	s5 =	simm.s32 @p1 $0x1;
	p0 =	seq.s32 s7, s2  }
0x1e: {  	s7 =	smul.u32 @!p0 $0xF7A, s2;
	p2 =	seq.s32 @!p0 s5, $0x0  }
0x1f: {  	s9 =	smul.u32 $0xF7A, s1;
	s8 =	simm.s32 @!p0 $0x1BF5;
	p2 =	por !p2, p0  }
0x20: {  	[sflag:s8] =	ssyncset.s32 @!p0 $0xFFFFF086;
	s6 =	sadd.s32 @!p0 s3, s7;
	s7 =	simm.s32 @!p0 $0x108  }
0x21: {  	s3 =	sadd.s32 s3, s9;
	s6 =	sadd.s32 @!p0 $0x88, s6;
	s7 =	simm.s32 @p2 $0x1082  }
0x22: {  	[simem:s7], [sflag:s8] =	dma.local @!p0 [hbm:s6], $0xF7A  }
0x23: {  	s9 =	sor.u32 $0xD0000000, s2;
	s6 =	simm.s32 $0x108;
	_ =	swait.ge @!p0 [sflag:s8], $0x0  }
0x24: {  	s3 =	sadd.s32 $0x88, s3;
	s6 =	simm.s32 @!p1 $0x1082;
	[sflag:s4] =	ssyncset.s32 $0xFFFFF086  }
0x25: {  	[simem:s6], [sflag:s4] =	dma.local [hbm:s3], $0xF7A  }
0x26: {  	[smem:$0x3F7D] =	sst s1;
	(tag) =	ssettag s2;
	_ =	strace s9  }
0x27: {  	s1 =	sld [smem:$0x3F8D]  }
0x28: {  	s2 =	sld [smem:$0x3F8E]  }
0x29: {  	s4 =	sld [smem:$0x3F90]  }
0x2a: {  	p0 =	seq.s32 s5, $0x0;
	s5 =	sld [smem:$0x3F91]  }
0x2b: {  	s6 =	sld [smem:$0x3F92]  }
0x2c: {  	s7 =	sld [smem:$0x3F93]  }
0x2d: {  	s3 =	simm.s32 $0x108;
	s8 =	sld [smem:$0x3F94]  }
0x2e: {  	s3 =	simm.s32 @!p0 $0x1082;
	s9 =	sld [smem:$0x3F95]  }
0x2f: {  	lr =	sadd.s32 s0, s3;
	s0 =	sld [smem:$0x3F8C]  }
0x30: {  	s3 =	sld [smem:$0x3F8F]  }
0x31: {  	[smem:$0x3F98] =	sst s10  }
0x32: {  	s10 =	sld [smem:$0x3F96];
	_ =	sdelay $0x3  }
0x33: {  	p0 =	seq.s32 s10, $0x1;
	s10 =	sld [smem:$0x3F98];
	_ =	sdelay $0x3  }
0x34: {  	[smem:$0x3F98] =	sst s10  }
0x35: {  	s10 =	sld [smem:$0x3F97];
	_ =	sdelay $0x3  }
0x36: {  	p1 =	seq.s32 s10, $0x1;
	s10 =	sld [smem:$0x3F98];
	_ =	sdelay $0x3  }
0x37: {  	[smem:$0x3F98] =	sst s10  }
0x38: {  	s10 =	sld [smem:$0x3F99]  }
0x39: {  	_ = 	snop;
	(pc) =	sbr.ind lr, $3  }
0x3a: {  	_ = 	snop  }
0x3b: {  	_ = 	snop  }
0x3c: {  	p2 =	seq.s32 s10, $0x1;
	s10 =	sld [smem:$0x3F98]  }
0x3d: {  	_ =	shalt  }
0x3e: {  	_ =	shalt  }
0x3f: {  	_ =	shalt  }
0x40: {  	_ =	shalt  }
0x41: {  	_ =	shalt  }
0x42: {  	_ =	shalt  }
0x43: {  	_ =	shalt  }
0x44: {  	_ =	shalt  }
0x45: {  	_ =	shalt  }
0x46: {  	_ =	shalt  }
0x47: {  	_ =	shalt  }
0x48: {  	_ =	shalt  }
0x49: {  	_ =	shalt  }
0x4a: {  	_ =	shalt  }
0x4b: {  	_ =	shalt  }
0x4c: {  	_ =	shalt  }
0x4d: {  	_ =	shalt  }
0x4e: {  	_ =	shalt  }
0x4f: {  	_ =	shalt  }
0x50: {  	_ =	shalt  }
0x51: {  	_ =	shalt  }
0x52: {  	_ =	shalt  }
0x53: {  	_ =	shalt  }
0x54: {  	_ =	shalt  }
0x55: {  	_ =	shalt  }
0x56: {  	_ =	shalt  }
0x57: {  	_ =	shalt  }
0x58: {  	_ =	shalt  }
0x59: {  	_ =	shalt  }
0x5a: {  	_ =	shalt  }
0x5b: {  	_ =	shalt  }
0x5c: {  	_ =	shalt  }
0x5d: {  	_ =	shalt  }
0x5e: {  	_ =	shalt  }
0x5f: {  	_ =	shalt  }
0x60: {  	_ =	shalt  }
0x61: {  	_ =	shalt  }
0x62: {  	_ =	shalt  }
0x63: {  	_ =	shalt  }
0x64: {  	_ =	shalt  }
0x65: {  	_ =	shalt  }
0x66: {  	_ =	shalt  }
0x67: {  	_ =	shalt  }
0x68: {  	_ =	shalt  }
0x69: {  	_ =	shalt  }
0x6a: {  	_ =	shalt  }
0x6b: {  	_ =	shalt  }
0x6c: {  	_ =	shalt  }
0x6d: {  	_ =	shalt  }
0x6e: {  	_ =	shalt  }
0x6f: {  	_ =	shalt  }
0x70: {  	_ =	shalt  }
0x71: {  	_ =	shalt  }
0x72: {  	_ =	shalt  }
0x73: {  	_ =	shalt  }
0x74: {  	_ =	shalt  }
0x75: {  	_ =	shalt  }
0x76: {  	_ =	shalt  }
0x77: {  	_ =	shalt  }
0x78: {  	_ =	shalt  }
0x79: {  	_ =	shalt  }
0x7a: {  	_ =	shalt  }
0x7b: {  	_ =	shalt  }
0x7c: {  	_ =	shalt  }
0x7d: {  	_ =	shalt  }
0x7e: {  	_ =	shalt  }
0x7f: {  	_ =	shalt  }
0x80: {  	_ =	shalt  }
0x81: {  	_ =	shalt  }
0x82: {  	_ =	shalt  }
0x83: {  	_ =	shalt  }
0x84: {  	_ =	shalt  }
0x85: {  	_ =	shalt  }
0x86: {  	_ =	shalt  }
0x87: {  	_ =	shalt  }
.Lfunc_end0:
.L_simem_size_0:
called_computation.1_lowered:
.L_overlay_start_0:
0x88: {  	s2 =	sld [smem:$0x3FD9]  }
0x89: {  	s3 =	sld [smem:$0x3FFE];
	_ =	sdelay $0x1  }
0x8a: {  	s1 =	srdreg.scid  }
0x8b: {  	s0 =	sand.u32 $0x1, s1  }
0x8c: {  	s17 =	sshll.u32 s0, $0xA;
	s2 =	sadd.s32 s3, s2  }
0x8d: {  	s2 =	sadd.s32 s2, s17  }
0x8e: {  	[smem:$0x3FA4] =	sst s2  }
0x8f: {  	_ = 	snop  }
0x90: {  	s2 =	sld [smem:$0x3FD0];
	(tm) =	ssettm $0x1  }
0x91: {  	s18 =	sld [smem:$0x3FFB];
	_ =	sdelay $0x3  }
0x92: {  	_ =	strace s18  }
0x93: {  	s3 =	sld [smem:$0x3FFC];
	_ =	sdelay $0x3  }
0x94: {  	_ =	strace s3  }
0x95: {  	s3 =	sld [smem:$0x3FFD];
	_ =	sdelay $0x3  }
0x96: {  	_ =	strace s3  }
0x97: {  	_ =	strace $0x8FFFFFFF  }
0x98: {  	s19 =	sld [smem:$0x3FDB];
	_ =	sdelay $0x1  }
0x99: {  	s4 =	simm.s32 $_scs_section_size  }
0x9a: {  	s5 =	simm.s32 $_size__tile_overlayer_lowered;
	s6 =	simm.s32 $_tile_overlayer_lowered  }
0x9b: {  	s22 =	simm.s32 $0x1BFF;
	s21 =	sshll.u32 s6, $0x1;
	s3 =	sadd.s32 s4, s19  }
0x9c: {  	s7 =	simm.s32 $0x0;
	s20 =	sshll.u32 s5, $0x1;
	s5 =	sadd.s32 s21, s3  }
0x9d: {  	[timem:s7], [sflag:s22] =	dma.local [hbm:s5], s20  }
0x9e: {  	_ =	swait.ge [sflag:s22], s20  }
0x9f: {  	s4 =	ssub.s32 $0x0, s20;
	[sflag:s22] =	ssyncset.done $0x0  }
0xa0: {  	[sflag:s22] =	ssyncadd.s32 s4;
	_ =	sdelay $0x1  }
0xa1: {  	s23 =	simm.s32 $0x1B8B  }
0xa2: {  	_ =	swait.ge [sflag:s23], $0x1  }
0xa3: {  	[sflag:s23] =	ssyncset.done $0x0  }
0xa4: {  	s25 =	simm.s32 $0x1B8E;
	s24 =	sld [smem:$0x3FFE];
	[sflag:s23] =	ssyncadd.s32 $0xFFFFFFFF  }
0xa5: {  	s26 =	simm.s32 $execute0_lowered;
	[smem:$0x3FD2] =	sst s25  }
0xa6: {  	s5 =	sshll.u32 s26, $0x1;
	_ =	strace $0x80000049;
	[dreg:$0x1] =	wrdreg $0xFFFFFFFF  }
0xa7: {  	s28 =	simm.s32 $_size_execute0_lowered;
	s3 =	sadd.s32 s3, s5;
	[dreg:$0x0] =	wrdreg $0x0  }
0xa8: {  	s5 =	sshll.u32 s28, $0x1;
	[dreg:$0x2] =	wrdreg s3  }
0xa9: {  	[dreg:$0x3] =	wrdreg s5  }
0xaa: {  	[dreg:$0x4] =	wrdreg $0xC0  }
0xab: {  	_ =	task [dreg:s7], $0x5FFFF  }
0xac: {  	[dreg:$0x1] =	wrdreg $0xFFFFFFFF  }
0xad: {  	[dreg:$0x0] =	wrdreg $0x60  }
0xae: {  	[dreg:$0x2] =	wrdreg s24  }
0xaf: {  	[dreg:$0x3] =	wrdreg s2  }
0xb0: {  	[dreg:$0x4] =	wrdreg $0xB3B00  }
0xb1: {  	[dreg:$0x5] =	wrdreg $0x9  }
0xb2: {  	_ =	task.clear_ibuf [dreg:s7], $0x6FFFF;
	_ =	strace $0x90000049  }
0xb3: {  	s29 =	simm.s32 $0x9;
	_ =	strace $0x8000004B  }
0xb4: {  	_ =	swait.ge [sflag:s29], $0x1  }
0xb5: {  	[sflag:s29] =	ssyncadd.s32 $0xFFFFFFFF  }
0xb6: {  	_ =	strace $0x9000004B  }
0xb7: {  	_ =	sfence  }
0xb8: {  	s30 =	sld [smem:$0x0];
	_ =	sdelay $0x2  }
0xb9: {  	s31 =	sshll.u32 s1, $0xD;
	s1 =	sshrl.u32 s1, $0x2  }
0xba: {  	s3 =	sand.u32 $0x4000, s31;
	s1 =	sadd.s32 s1, s30  }
0xbb: {  	s0 =	sor.u32 s3, s0;
	s1 =	sshll.u32 s1, $0x11  }
0xbc: {  	s0 =	sor.u32 s1, s0  }
0xbd: {  	s0 =	sadd.s32 $0x8F2B, s0  }
0xbe: {  	[sflag:s0] =	ssyncadd.remote.s32 $0x1  }
0xbf: {  	_ =	sfence.sel $0xFFFF  }
0xc0: {  	[dreg:$0x0] =	wrdreg $0xFFFFFFFF;
	(pc) =	sbr.abs _section_cstart, $3  }
0xc1: {  	[dreg:$0x1] =	wrdreg $0xFFFFFFFF  }
0xc2: {  	_ =	task.clear_ibuf [dreg:s7], $0x2FFFF;
	_ =	strace $0x9FFFFFFF  }
0xc3: {  	(tm) =	ssettm $0x7FFFFFFF  }
tec
execute0_lowered:
.L_overlay_start_1:
0x0: {  	(tag) =	ssettag $0x1  }
0x1: {  	s15 =	rddreg [dreg:$0x0]  }
0x2: {  	s1 =	rddreg [dreg:$0x1]  }
0x3: {  	s2 =	rddreg [dreg:$0x2]  }
0x4: {  	s0 =	rddreg [dreg:$0x3]  }
0x5: {  	s4 =	simm.s32 $0x0;
	s5 =	srdreg.scid;
	s3 =	stileid.u32  }
0x6: {  	s18 =	simm.s32 $0x80600;
	s19 =	simm.s32 $0x320;
	s20 =	simm.s32 $0x1  }
0x7: {  	[smem:$0x7FF] =	sst s4;
	s12 =	sand.u32 $0x1, s5;
	s5 =	sadd.s32 $0x3B200, s15  }
0x8: {  	s9 =	smul.u32 $0x46000, s3;
	s6 =	sadd.s32 $0x6C00, s15;
	s7 =	sadd.s32 $0x10A00, s15  }
0x9: {  	s14 =	smul.u32 $0x11800, s3;
	_ =	strace $0x8000004A;
	s8 =	ssub.s32 $0x2, s12  }
0xa: {  	s11 =	sshll.u32 s12, $0x4;
	p0 =	seq.s32 s12, $0x1;
	s10 =	sshrl.u32 s8, $0x1  }
0xb: {  	s9 =	sshrl.u32 s9, $0x2;
	s13 =	sor.u32 s3, s11;
	s18 =	simm.s32 @!p0 $0x5D600  }
0xc: {  	s31 =	sshrl.u32 s14, $0x3;
	s16 =	ssub.s32 s8, s10;
	s17 =	sadd.s32 s9, s2  }
0xd: {  	s8 =	sadd.s32 s14, s2;
	s13 =	smul.u32 $0x2710, s13;
	s15 =	sadd.s32 s18, s15  }
0xe: {  	s18 =	simm.s32 $0x190;
	s9 =	sadd.s32 $0x3800, s17;
	s10 =	sadd.s32 $0x7000, s17  }
0xf: {  	s11 =	sadd.s32 $0xA800, s17;
	s12 =	sadd.s32 $0xE000, s17;
	s14 =	smax.u32 s16, $0x1  }
0x10: {  	v0 =	vimm.f32 $0.0e+00;
	s15 =	sadd.s32 s15, s31;
	s16 =	simm.s32 $0x4B0;
	s17 =	simm.s32 $0x2  }
.LBB2_1:
0x11: {  	s21 =	simm.s32 $0x0;
	s22 =	simm.s32 $0x1C0  }
.LBB2_2:
0x12: {  	p0 =	sne.s32 s22, $0xDE40;
	[tilespmem:s21+$0x510] =	vst v0  }
0x13: {  	[tilespmem:s21+$0x4B0] =	vst v0  }
.Ltmp0:
0x14: {  	[tilespmem:s21+$0x4C0] =	vst v0;
	(pc) =	sbr.rel @p0 .LBB2_2-.Ltmp0, $4  }
0x15: {  	[tilespmem:s21+$0x4D0] =	vst v0  }
0x16: {  	[tilespmem:s21+$0x4E0] =	vst v0  }
0x17: {  	[tilespmem:s21+$0x4F0] =	vst v0  }
0x18: {  	[tilespmem:s21+$0x500] =	vst v0;
	s21 =	sshra.s32 s22, $0x2;
	s22 =	sadd.s32 $0x1C0, s22  }
0x19: {  	[tilespmem:s21+$0x510] =	vst v0  }
0x1a: {  	[tilespmem:s21+$0x4B0] =	vst v0  }
0x1b: {  	[tilespmem:s21+$0x4C0] =	vst v0  }
0x1c: {  	[tilespmem:s21+$0x4D0] =	vst v0  }
0x1d: {  	[tilespmem:s21+$0x4E0] =	vst v0  }
0x1e: {  	[tilespmem:s21+$0x4F0] =	vst v0  }
0x1f: {  	[tilespmem:s21+$0x500] =	vst v0  }
0x20: {  	[spmem:s8] =	stream.linear.scatter [tilespmem:s16], [sflag:$0x2], $0x3800, $0x38;
	[tilespmem:$0x1CBB0] =	vst v63  }
0x21: {  	_ =	swait.ge [sflag:s17], $0x3800  }
0x22: {  	[sflag:s17] =	ssyncset.done $0x0  }
0x23: {  	[sflag:s17] =	ssyncadd.s32 $0xFFFFC800  }
0x24: {  	[spmem:s9] =	stream.linear.scatter [tilespmem:s16], [sflag:$0x2], $0x3800, $0x38;
	[tilespmem:$0x1CBB0] =	vst v63  }
0x25: {  	_ =	swait.ge [sflag:s17], $0x3800  }
0x26: {  	[sflag:s17] =	ssyncset.done $0x0  }
0x27: {  	[sflag:s17] =	ssyncadd.s32 $0xFFFFC800  }
0x28: {  	[spmem:s10] =	stream.linear.scatter [tilespmem:s16], [sflag:$0x2], $0x3800, $0x38;
	[tilespmem:$0x1CBB0] =	vst v63  }
0x29: {  	_ =	swait.ge [sflag:s17], $0x3800  }
0x2a: {  	[sflag:s17] =	ssyncset.done $0x0  }
0x2b: {  	[sflag:s17] =	ssyncadd.s32 $0xFFFFC800  }
0x2c: {  	[spmem:s11] =	stream.linear.scatter [tilespmem:s16], [sflag:$0x2], $0x3800, $0x38;
	[tilespmem:$0x1CBB0] =	vst v63  }
0x2d: {  	_ =	swait.ge [sflag:s17], $0x3800  }
0x2e: {  	[sflag:s17] =	ssyncset.done $0x0  }
0x2f: {  	[sflag:s17] =	ssyncadd.s32 $0xFFFFC800  }
0x30: {  	[spmem:s12] =	stream.linear.scatter [tilespmem:s16], [sflag:$0x2], $0x3800, $0x38;
	[tilespmem:$0x1CBB0] =	vst v63  }
0x31: {  	_ =	swait.ge [sflag:s17], $0x3800  }
0x32: {  	[sflag:s17] =	ssyncset.done $0x0  }
0x33: {  	[sflag:s17] =	ssyncadd.s32 $0xFFFFC800  }
0x34: {  	s21 =	simm.s32 $0x0;
	s22 =	simm.s32 $0x0;
	[bflag:$0x0] =	sbarrier.arrive $0xFFFF  }
.LBB2_4:
0x35: {  	s23 =	smul.u32 $0x190, s22;
	_ =	sdelay $0x1  }
0x36: {  	s23 =	sadd.s32 s13, s23  }
0x37: {  	s23 =	sshrl.u32 s23, $0x3  }
0x38: {  	s24 =	sadd.s32 s1, s23  }
0x39: {  	[tilespmem:s21], [sflag:$0x2] =	stream.linear.gather [hbm4b:s24+s21], $0x190, $0x38;
	[tilespmem:$0x1CBB0] =	vst v63  }
0x3a: {  	_ =	swait.ge [sflag:s17], $0x190  }
0x3b: {  	[sflag:s17] =	ssyncset.done $0x0  }
0x3c: {  	s31 =	sadd.s32 s6, s23;
	[sflag:s17] =	ssyncadd.s32 $0xFFFFFE70  }
0x3d: {  	[tilespmem:s18], [sflag:$0x2] =	stream.linear.gather [hbm4b:s31+s21], $0x190, $0x38;
	[tilespmem:$0x1CBB0] =	vst v63  }
0x3e: {  	_ =	swait.ge [sflag:s17], $0x190  }
0x3f: {  	[sflag:s17] =	ssyncset.done $0x0  }
0x40: {  	s23 =	sadd.s32 s7, s23;
	[sflag:s17] =	ssyncadd.s32 $0xFFFFFE70  }
0x41: {  	[tilespmem:s19], [sflag:$0x2] =	stream.linear.gather [hbm4b:s23+s21], $0x190, $0x38;
	[tilespmem:$0x1CBB0] =	vst v63  }
0x42: {  	_ =	swait.ge [sflag:s17], $0x190  }
0x43: {  	[sflag:s17] =	ssyncset.done $0x0  }
0x44: {  	[sflag:s17] =	ssyncadd.s32 $0xFFFFFE70  }
0x45: {  	[tilespmem:s16], [sflag:$0x1] =	stream.indirect.gather [hbm4b:s5+s18], $0x70, s21, s18, $0xb8;
	[tilespmem:$0x1CBB0] =	vst v63  }
0x46: {  	v1 =	vmov s21;
	_ =	swait.ge [sflag:s20], $0xAF00  }
0x47: {  	[sflag:s20] =	ssyncset.done $0x0  }
0x48: {  	s23 =	simm.s32 $0x4E0;
	[sflag:s20] =	ssyncadd.s32 $0xFFFF5100  }
0x49: {  	v3 =	vld [tilespmem:s23+$0xFFFFFFF0]  }
0x4a: {  	v5 =	vld [tilespmem:s23+$0xFFFFFFD0]  }
0x4b: {  	v1 =	vld.idx.msk [tilespmem:v1+s19+$0x0], $0xffff  }
0x4c: {  	v6 =	vld [tilespmem:s23+$0x30]  }
0x4d: {  	v7 =	vld [tilespmem:s23+$0x20]  }
0x4e: {  	v2 =	vld [tilespmem:s23+$0x0]  }
0x4f: {  	v4 =	vld [tilespmem:s23+$0xFFFFFFE0]  }
0x50: {  	v8 =	vmul.f32 v5, v1;
	v5 =	vld [tilespmem:s23+$0x10]  }
0x51: {  	v6 =	vmul.f32 v6, v1  }
0x52: {  	s25 =	simm.s32 $0x4E0;
	s24 =	simm.s32 $0x1;
	v3 =	vmul.f32 v3, v1;
	v7 =	vmul.f32 v7, v1  }
.LBB2_5:
0x53: {  	p0 =	sne.s32 s24, $0x18F  }
0x54: {  	[tilespmem:s23+$0xFFFFFFD0] =	vst v8;
	v4 =	vmul.f32 v4, v1;
	v2 =	vmul.f32 v2, v1;
	s25 =	sadd.s32 $0x70, s25;
	s26 =	smov.u32 s24;
	s24 =	sadd.s32 $0x1, s24  }
0x55: {  	v1 =	vmul.f32 v5, v1;
	[tilespmem:s23+$0x30] =	vst v6  }
0x56: {  	v5 =	vmov s26;
	[tilespmem:s23+$0x20] =	vst v7  }
0x57: {  	[tilespmem:s23+$0x0] =	vst v2  }
0x58: {  	v7 =	vld [tilespmem:s25+$0xFFFFFFF0];
	[tilespmem:s23+$0x10] =	vst v1  }
0x59: {  	v6 =	vld [tilespmem:s25+$0xFFFFFFD0];
	[tilespmem:s23+$0xFFFFFFF0] =	vst v3  }
0x5a: {  	v2 =	vld [tilespmem:s25+$0x0];
	[tilespmem:s23+$0xFFFFFFE0] =	vst v4;
	s23 =	smov.u32 s25  }
0x5b: {  	v1 =	vld.idx.msk [tilespmem:v5+s19+$0x0], $0xffff  }
0x5c: {  	v3 =	vld [tilespmem:s25+$0x30]  }
0x5d: {  	v9 =	vld [tilespmem:s25+$0x20]  }
.Ltmp1:
0x5e: {  	v4 =	vld [tilespmem:s25+$0xFFFFFFE0];
	(pc) =	sbr.rel @p0 .LBB2_5-.Ltmp1, $3  }
0x5f: {  	v5 =	vld [tilespmem:s25+$0x10];
	_ =	sdelay $0x1  }
0x60: {  	v8 =	vmul.f32 v6, v1;
	v6 =	vmul.f32 v3, v1  }
0x61: {  	v3 =	vmul.f32 v7, v1;
	v7 =	vmul.f32 v9, v1  }
0x62: {  	[tilespmem:s23+$0xFFFFFFD0] =	vst v8  }
0x63: {  	[tilespmem:s23+$0x30] =	vst v6  }
0x64: {  	v2 =	vmul.f32 v2, v1;
	[tilespmem:s23+$0x20] =	vst v7  }
0x65: {  	v5 =	vmul.f32 v5, v1;
	[tilespmem:s23+$0xFFFFFFF0] =	vst v3  }
0x66: {  	s22 =	sadd.s32 $0x1, s22;
	v1 =	vmul.f32 v4, v1;
	[tilespmem:s23+$0x0] =	vst v2  }
0x67: {  	p0 =	sne.s32 s22, $0x19;
	[tilespmem:s23+$0x10] =	vst v5  }
.Ltmp2:
0x68: {  	[tilespmem:s23+$0xFFFFFFE0] =	vst v1;
	(pc) =	sbr.rel @p0 .LBB2_4-.Ltmp2, $4  }
0x69: {  	[spmem:s2] =	stream.indirect.scatter.add.f32 [tilespmem:s16], [sflag:$0x2], $0x70, s18, s18, $0xb8;
	[tilespmem:$0x1CBB0] =	vst v63  }
0x6a: {  	_ =	swait.ge [sflag:s17], $0xAF00  }
0x6b: {  	[sflag:s17] =	ssyncset.done $0x0  }
0x6c: {  	[sflag:s17] =	ssyncadd.s32 $0xFFFF5100  }
0x6d: {  	s4 =	sadd.s32 $0x1, s4  }
0x6e: {  	s21 =	sshll.u32 s3, $0x6;
	[bflag:$0x0] =	sbarrier.arrive $0xFFFF;
	p0 =	sne.s32 s4, s14  }
.Ltmp3:
0x6f: {  	s22 =	sshrl.u32 s8, $0x3;
	s21 =	sor.u32 $0x1C02, s21;
	(pc) =	sbr.rel @p0 .LBB2_1-.Ltmp3, $4  }
0x70: {  	[hbm:s15], [sflag:s21] =	dma.local [spmem:s22], $0x2300  }
0x71: {  	_ =	swait.ge [sflag:s17], $0x2300  }
0x72: {  	[sflag:s17] =	ssyncset.done $0x0  }
0x73: {  	[sflag:s17] =	ssyncadd.s32 $0xFFFFDD00  }
0x74: {  	_ =	sfence.sel $0x180000  }
0x75: {  	[bflag:$0x0] =	sbarrier.arrive $0xFFFF  }
0x76: {  	p0 =	sne.s32 s3, $0x0;
	_ =	strace $0x9000004A  }
0x77: {  	s0 =	sadd.s32 @!p0 $0x100000, s0;
	[bflag:$0x2] =	sbarrier.arrive $0xFFFF  }
0x78: {  	[sflag:s0] =	ssyncadd.tile.s32 @!p0 $0x1;
	_ =	shalt  }
.Lfunc_end2:
_tile_overlayer_lowered:
.L_overlay_start_2:
0x79: {  	(tag) =	ssettag $0x2  }
0x7a: {  	s0 =	rddreg [dreg:$0x0];
	s2 =	stileid.u32  }
0x7b: {  	s1 =	rddreg [dreg:$0x1];
	p0 =	sne.s32 s2, $0x0  }
0x7c: {  	s3 =	rddreg [dreg:$0x2];
	[bflag:$0x3] =	sbarrier.arrive $0xFFFF;
	s2 =	simm.s32 @!p0 $0x1C02  }
0x7d: {  	[timem:s3], [sflag:s2] =	dma.local @!p0 [hbm:s0], s1  }
0x7e: {  	s0 =	simm.s32 @!p0 $0x2  }
0x7f: {  	_ =	swait.ge @!p0 [sflag:s0], s1  }
0x80: {  	s1 =	ssub.s32 @!p0 $0x0, s1;
	[sflag:s0] =	ssyncset.done @!p0 $0x0  }
0x81: {  	[sflag:s0] =	ssyncadd.s32 @!p0 s1  }
0x82: {  	[bflag:$0x3] =	sbarrier.arrive $0xFFFF  }
0x83: {  	_ =	shalt  }

// kernel: kernel.19.cloned.1.call-start
scs
__scs_entry_jumppad:
0x0: {  	(pc) =	sbr.rel $0x88, $3  }
0x1: {  	(tag) =	ssettag $0x0;
	lr =	simm.s32 $0x1  }
0x2: {  	[smem:$0x3F7D] =	sst lr;
	_ =	strace $0xD0000000  }
0x3: {  	_ = 	snop  }
0x4: {  	_ = 	snop  }
0x5: {  	_ = 	snop  }
0x6: {  	_ = 	snop  }
0x7: {  	_ = 	snop  }
__scs_overlays_trampoline_lowered:
0x8: {  	[smem:$0x3F8C] =	sst s0  }
0x9: {  	[smem:$0x3F8D] =	sst s1  }
0xa: {  	[smem:$0x3F8E] =	sst s2  }
0xb: {  	[smem:$0x3F8F] =	sst s3  }
0xc: {  	[smem:$0x3F90] =	sst s4  }
0xd: {  	[smem:$0x3F91] =	sst s5  }
0xe: {  	[smem:$0x3F92] =	sst s6  }
0xf: {  	[smem:$0x3F93] =	sst s7  }
0x10: {  	[smem:$0x3F94] =	sst s8  }
0x11: {  	[smem:$0x3F95] =	sst s9;
	s0 =	simm.s32 @!p0 $0x0  }
0x12: {  	s1 =	sld [smem:$0x3F7B];
	s0 =	simm.s32 @p0 $0x1  }
0x13: {  	[smem:$0x3F96] =	sst s0;
	s0 =	simm.s32 @!p1 $0x0  }
0x14: {  	s2 =	sld [smem:$0x3F7A];
	s0 =	simm.s32 @p1 $0x1  }
0x15: {  	[smem:$0x3F97] =	sst s0;
	s0 =	simm.s32 @!p2 $0x0  }
0x16: {  	s3 =	sld [smem:$0x3FDB];
	s0 =	simm.s32 @p2 $0x1  }
0x17: {  	s4 =	simm.s32 $0x1BF5;
	[smem:$0x3F99] =	sst s0  }
0x18: {  	s0 =	sld [smem:$0x3F7C];
	_ =	swait.ge [sflag:s4], $0x0  }
0x19: {  	s7 =	sld [smem:$0x3F7D]  }
0x1a: {  	s8 =	sadd.s32 $0xFFFFE003, lr  }
0x1b: {  	s9 =	sadd.s32 $0xFFFFFEF7, lr;
	s5 =	simm.s32 $0xFFFFFFFF;
	p2 =	slt.u32 s8, $0xFFFFF086  }
0x1c: {  	p1 =	slt.u32 s9, $0xF7A;
	s5 =	simm.s32 @!p2 $0x0  }
0x1d: {  	s5 =	simm.s32 @p1 $0x1;
	p0 =	seq.s32 s7, s2  }
0x1e: {  	s7 =	smul.u32 @!p0 $0xF7A, s2;
	p2 =	seq.s32 @!p0 s5, $0x0  }
0x1f: {  	s9 =	smul.u32 $0xF7A, s1;
	s8 =	simm.s32 @!p0 $0x1BF5;
	p2 =	por !p2, p0  }
0x20: {  	[sflag:s8] =	ssyncset.s32 @!p0 $0xFFFFF086;
	s6 =	sadd.s32 @!p0 s3, s7;
	s7 =	simm.s32 @!p0 $0x108  }
0x21: {  	s3 =	sadd.s32 s3, s9;
	s6 =	sadd.s32 @!p0 $0x88, s6;
	s7 =	simm.s32 @p2 $0x1082  }
0x22: {  	[simem:s7], [sflag:s8] =	dma.local @!p0 [hbm:s6], $0xF7A  }
0x23: {  	s9 =	sor.u32 $0xD0000000, s2;
	s6 =	simm.s32 $0x108;
	_ =	swait.ge @!p0 [sflag:s8], $0x0  }
0x24: {  	s3 =	sadd.s32 $0x88, s3;
	s6 =	simm.s32 @!p1 $0x1082;
	[sflag:s4] =	ssyncset.s32 $0xFFFFF086  }
0x25: {  	[simem:s6], [sflag:s4] =	dma.local [hbm:s3], $0xF7A  }
0x26: {  	[smem:$0x3F7D] =	sst s1;
	(tag) =	ssettag s2;
	_ =	strace s9  }
0x27: {  	s1 =	sld [smem:$0x3F8D]  }
0x28: {  	s2 =	sld [smem:$0x3F8E]  }
0x29: {  	s4 =	sld [smem:$0x3F90]  }
0x2a: {  	p0 =	seq.s32 s5, $0x0;
	s5 =	sld [smem:$0x3F91]  }
0x2b: {  	s6 =	sld [smem:$0x3F92]  }
0x2c: {  	s7 =	sld [smem:$0x3F93]  }
0x2d: {  	s3 =	simm.s32 $0x108;
	s8 =	sld [smem:$0x3F94]  }
0x2e: {  	s3 =	simm.s32 @!p0 $0x1082;
	s9 =	sld [smem:$0x3F95]  }
0x2f: {  	lr =	sadd.s32 s0, s3;
	s0 =	sld [smem:$0x3F8C]  }
0x30: {  	s3 =	sld [smem:$0x3F8F]  }
0x31: {  	[smem:$0x3F98] =	sst s10  }
0x32: {  	s10 =	sld [smem:$0x3F96];
	_ =	sdelay $0x3  }
0x33: {  	p0 =	seq.s32 s10, $0x1;
	s10 =	sld [smem:$0x3F98];
	_ =	sdelay $0x3  }
0x34: {  	[smem:$0x3F98] =	sst s10  }
0x35: {  	s10 =	sld [smem:$0x3F97];
	_ =	sdelay $0x3  }
0x36: {  	p1 =	seq.s32 s10, $0x1;
	s10 =	sld [smem:$0x3F98];
	_ =	sdelay $0x3  }
0x37: {  	[smem:$0x3F98] =	sst s10  }
0x38: {  	s10 =	sld [smem:$0x3F99]  }
0x39: {  	_ = 	snop;
	(pc) =	sbr.ind lr, $3  }
0x3a: {  	_ = 	snop  }
0x3b: {  	_ = 	snop  }
0x3c: {  	p2 =	seq.s32 s10, $0x1;
	s10 =	sld [smem:$0x3F98]  }
0x3d: {  	_ =	shalt  }
0x3e: {  	_ =	shalt  }
0x3f: {  	_ =	shalt  }
0x40: {  	_ =	shalt  }
0x41: {  	_ =	shalt  }
0x42: {  	_ =	shalt  }
0x43: {  	_ =	shalt  }
0x44: {  	_ =	shalt  }
0x45: {  	_ =	shalt  }
0x46: {  	_ =	shalt  }
0x47: {  	_ =	shalt  }
0x48: {  	_ =	shalt  }
0x49: {  	_ =	shalt  }
0x4a: {  	_ =	shalt  }
0x4b: {  	_ =	shalt  }
0x4c: {  	_ =	shalt  }
0x4d: {  	_ =	shalt  }
0x4e: {  	_ =	shalt  }
0x4f: {  	_ =	shalt  }
0x50: {  	_ =	shalt  }
0x51: {  	_ =	shalt  }
0x52: {  	_ =	shalt  }
0x53: {  	_ =	shalt  }
0x54: {  	_ =	shalt  }
0x55: {  	_ =	shalt  }
0x56: {  	_ =	shalt  }
0x57: {  	_ =	shalt  }
0x58: {  	_ =	shalt  }
0x59: {  	_ =	shalt  }
0x5a: {  	_ =	shalt  }
0x5b: {  	_ =	shalt  }
0x5c: {  	_ =	shalt  }
0x5d: {  	_ =	shalt  }
0x5e: {  	_ =	shalt  }
0x5f: {  	_ =	shalt  }
0x60: {  	_ =	shalt  }
0x61: {  	_ =	shalt  }
0x62: {  	_ =	shalt  }
0x63: {  	_ =	shalt  }
0x64: {  	_ =	shalt  }
0x65: {  	_ =	shalt  }
0x66: {  	_ =	shalt  }
0x67: {  	_ =	shalt  }
0x68: {  	_ =	shalt  }
0x69: {  	_ =	shalt  }
0x6a: {  	_ =	shalt  }
0x6b: {  	_ =	shalt  }
0x6c: {  	_ =	shalt  }
0x6d: {  	_ =	shalt  }
0x6e: {  	_ =	shalt  }
0x6f: {  	_ =	shalt  }
0x70: {  	_ =	shalt  }
0x71: {  	_ =	shalt  }
0x72: {  	_ =	shalt  }
0x73: {  	_ =	shalt  }
0x74: {  	_ =	shalt  }
0x75: {  	_ =	shalt  }
0x76: {  	_ =	shalt  }
0x77: {  	_ =	shalt  }
0x78: {  	_ =	shalt  }
0x79: {  	_ =	shalt  }
0x7a: {  	_ =	shalt  }
0x7b: {  	_ =	shalt  }
0x7c: {  	_ =	shalt  }
0x7d: {  	_ =	shalt  }
0x7e: {  	_ =	shalt  }
0x7f: {  	_ =	shalt  }
0x80: {  	_ =	shalt  }
0x81: {  	_ =	shalt  }
0x82: {  	_ =	shalt  }
0x83: {  	_ =	shalt  }
0x84: {  	_ =	shalt  }
0x85: {  	_ =	shalt  }
0x86: {  	_ =	shalt  }
0x87: {  	_ =	shalt  }
.Lfunc_end0:
.L_simem_size_0:
called_computation.2_lowered:
.L_overlay_start_0:
0x88: {  	s2 =	sld [smem:$0x3FD9]  }
0x89: {  	s3 =	sld [smem:$0x3FFE];
	_ =	sdelay $0x1  }
0x8a: {  	s1 =	srdreg.scid  }
0x8b: {  	s0 =	sand.u32 $0x1, s1  }
0x8c: {  	s17 =	sshll.u32 s0, $0xA;
	s2 =	sadd.s32 s3, s2  }
0x8d: {  	s2 =	sadd.s32 s2, s17  }
0x8e: {  	[smem:$0x3FA4] =	sst s2  }
0x8f: {  	_ = 	snop  }
0x90: {  	s2 =	sld [smem:$0x3FD0];
	(tm) =	ssettm $0x1  }
0x91: {  	s18 =	sld [smem:$0x3FFB];
	_ =	sdelay $0x3  }
0x92: {  	_ =	strace s18  }
0x93: {  	s3 =	sld [smem:$0x3FFC];
	_ =	sdelay $0x3  }
0x94: {  	_ =	strace s3  }
0x95: {  	s3 =	sld [smem:$0x3FFD];
	_ =	sdelay $0x3  }
0x96: {  	_ =	strace s3  }
0x97: {  	_ =	strace $0x8FFFFFFF  }
0x98: {  	s19 =	sld [smem:$0x3FDB];
	_ =	sdelay $0x1  }
0x99: {  	s4 =	simm.s32 $_scs_section_size  }
0x9a: {  	s5 =	simm.s32 $_size__tile_overlayer_lowered;
	s6 =	simm.s32 $_tile_overlayer_lowered  }
0x9b: {  	s22 =	simm.s32 $0x1BFF;
	s21 =	sshll.u32 s6, $0x1;
	s3 =	sadd.s32 s4, s19  }
0x9c: {  	s7 =	simm.s32 $0x0;
	s20 =	sshll.u32 s5, $0x1;
	s5 =	sadd.s32 s21, s3  }
0x9d: {  	[timem:s7], [sflag:s22] =	dma.local [hbm:s5], s20  }
0x9e: {  	_ =	swait.ge [sflag:s22], s20  }
0x9f: {  	s4 =	ssub.s32 $0x0, s20;
	[sflag:s22] =	ssyncset.done $0x0  }
0xa0: {  	[sflag:s22] =	ssyncadd.s32 s4;
	_ =	sdelay $0x1  }
0xa1: {  	s23 =	simm.s32 $0x1B8B  }
0xa2: {  	_ =	swait.ge [sflag:s23], $0x1  }
0xa3: {  	[sflag:s23] =	ssyncset.done $0x0  }
0xa4: {  	s25 =	simm.s32 $0x1B8E;
	s24 =	sld [smem:$0x3FFE];
	[sflag:s23] =	ssyncadd.s32 $0xFFFFFFFF  }
0xa5: {  	s26 =	simm.s32 $execute0_lowered;
	[smem:$0x3FD2] =	sst s25  }
0xa6: {  	s5 =	sshll.u32 s26, $0x1;
	_ =	strace $0x8000004C;
	[dreg:$0x1] =	wrdreg $0xFFFFFFFF  }
0xa7: {  	s28 =	simm.s32 $_size_execute0_lowered;
	s3 =	sadd.s32 s3, s5;
	[dreg:$0x0] =	wrdreg $0x0  }
0xa8: {  	s5 =	sshll.u32 s28, $0x1;
	[dreg:$0x2] =	wrdreg s3  }
0xa9: {  	[dreg:$0x3] =	wrdreg s5  }
0xaa: {  	[dreg:$0x4] =	wrdreg $0xC0  }
0xab: {  	_ =	task [dreg:s7], $0x5FFFF  }
0xac: {  	[dreg:$0x1] =	wrdreg $0xFFFFFFFF  }
0xad: {  	[dreg:$0x0] =	wrdreg $0x60  }
0xae: {  	[dreg:$0x2] =	wrdreg s24  }
0xaf: {  	[dreg:$0x3] =	wrdreg s2  }
0xb0: {  	[dreg:$0x4] =	wrdreg $0x81B00  }
0xb1: {  	[dreg:$0x5] =	wrdreg $0x9  }
0xb2: {  	_ =	task.clear_ibuf [dreg:s7], $0x6FFFF;
	_ =	strace $0x9000004C  }
0xb3: {  	s29 =	simm.s32 $0x9;
	_ =	strace $0x8000004E  }
0xb4: {  	_ =	swait.ge [sflag:s29], $0x1  }
0xb5: {  	[sflag:s29] =	ssyncadd.s32 $0xFFFFFFFF  }
0xb6: {  	_ =	strace $0x9000004E  }
0xb7: {  	_ =	sfence  }
0xb8: {  	s30 =	sld [smem:$0x0];
	_ =	sdelay $0x2  }
0xb9: {  	s31 =	sshll.u32 s1, $0xD;
	s1 =	sshrl.u32 s1, $0x2  }
0xba: {  	s3 =	sand.u32 $0x4000, s31;
	s1 =	sadd.s32 s1, s30  }
0xbb: {  	s0 =	sor.u32 s3, s0;
	s1 =	sshll.u32 s1, $0x11  }
0xbc: {  	s0 =	sor.u32 s1, s0  }
0xbd: {  	s0 =	sadd.s32 $0x8F2B, s0  }
0xbe: {  	[sflag:s0] =	ssyncadd.remote.s32 $0x1  }
0xbf: {  	_ =	sfence.sel $0xFFFF  }
0xc0: {  	[dreg:$0x0] =	wrdreg $0xFFFFFFFF;
	(pc) =	sbr.abs _section_cstart, $3  }
0xc1: {  	[dreg:$0x1] =	wrdreg $0xFFFFFFFF  }
0xc2: {  	_ =	task.clear_ibuf [dreg:s7], $0x2FFFF;
	_ =	strace $0x9FFFFFFF  }
0xc3: {  	(tm) =	ssettm $0x7FFFFFFF  }
tec
execute0_lowered:
.L_overlay_start_1:
0x0: {  	(tag) =	ssettag $0x1  }
0x1: {  	s15 =	rddreg [dreg:$0x0]  }
0x2: {  	s1 =	rddreg [dreg:$0x1]  }
0x3: {  	s2 =	rddreg [dreg:$0x2]  }
0x4: {  	s0 =	rddreg [dreg:$0x3]  }
0x5: {  	s4 =	simm.s32 $0x0;
	s5 =	srdreg.scid;
	s3 =	stileid.u32  }
0x6: {  	s18 =	simm.s32 $0x53A00;
	s19 =	simm.s32 $0x320;
	s20 =	simm.s32 $0x1  }
0x7: {  	[smem:$0x7FF] =	sst s4;
	s12 =	sand.u32 $0x1, s5;
	s5 =	sadd.s32 $0x3B200, s15  }
0x8: {  	s9 =	smul.u32 $0x32000, s3;
	s6 =	sadd.s32 $0x6C00, s15;
	s7 =	sadd.s32 $0x1A800, s15  }
0x9: {  	s14 =	smul.u32 $0xC800, s3;
	_ =	strace $0x8000004D;
	s8 =	ssub.s32 $0x2, s12  }
0xa: {  	s11 =	sshll.u32 s12, $0x4;
	p0 =	seq.s32 s12, $0x1;
	s10 =	sshrl.u32 s8, $0x1  }
0xb: {  	s9 =	sshrl.u32 s9, $0x2;
	s13 =	sor.u32 s3, s11;
	s18 =	simm.s32 @!p0 $0x6CA00  }
0xc: {  	s31 =	sshrl.u32 s14, $0x3;
	s16 =	ssub.s32 s8, s10;
	s17 =	sadd.s32 s9, s2  }
0xd: {  	s8 =	sadd.s32 s14, s2;
	s13 =	smul.u32 $0x2710, s13;
	s15 =	sadd.s32 s18, s15  }
0xe: {  	s18 =	simm.s32 $0x190;
	s9 =	sadd.s32 $0x2800, s17;
	s10 =	sadd.s32 $0x5000, s17  }
0xf: {  	s11 =	sadd.s32 $0x7800, s17;
	s12 =	sadd.s32 $0xA000, s17;
	s14 =	smax.u32 s16, $0x1  }
0x10: {  	v0 =	vimm.f32 $0.0e+00;
	s15 =	sadd.s32 s15, s31;
	s16 =	simm.s32 $0x4B0;
	s17 =	simm.s32 $0x2  }
.LBB2_1:
0x11: {  	s22 =	simm.s32 $0x140;
	s21 =	simm.s32 $0x0  }
.LBB2_2:
0x12: {  	p0 =	sne.s32 s22, $0x9EC0;
	[tilespmem:s21+$0x4F0] =	vst v0;
	s23 =	smov.u32 s22;
	s22 =	sadd.s32 $0x140, s22  }
.Ltmp0:
0x13: {  	[tilespmem:s21+$0x4E0] =	vst v0;
	(pc) =	sbr.rel @p0 .LBB2_2-.Ltmp0, $4  }
0x14: {  	[tilespmem:s21+$0x4D0] =	vst v0  }
0x15: {  	[tilespmem:s21+$0x4B0] =	vst v0  }
0x16: {  	[tilespmem:s21+$0x4C0] =	vst v0  }
0x17: {  	s21 =	sshra.s32 s23, $0x2  }
0x18: {  	[tilespmem:s21+$0x4F0] =	vst v0  }
0x19: {  	[tilespmem:s21+$0x4E0] =	vst v0  }
0x1a: {  	[tilespmem:s21+$0x4D0] =	vst v0  }
0x1b: {  	[tilespmem:s21+$0x4B0] =	vst v0  }
0x1c: {  	[tilespmem:s21+$0x4C0] =	vst v0  }
0x1d: {  	[spmem:s8] =	stream.linear.scatter [tilespmem:s16], [sflag:$0x2], $0x2800, $0x38;
	[tilespmem:$0x149B0] =	vst v63  }
0x1e: {  	_ =	swait.ge [sflag:s17], $0x2800  }
0x1f: {  	[sflag:s17] =	ssyncset.done $0x0  }
0x20: {  	[sflag:s17] =	ssyncadd.s32 $0xFFFFD800  }
0x21: {  	[spmem:s9] =	stream.linear.scatter [tilespmem:s16], [sflag:$0x2], $0x2800, $0x38;
	[tilespmem:$0x149B0] =	vst v63  }
0x22: {  	_ =	swait.ge [sflag:s17], $0x2800  }
0x23: {  	[sflag:s17] =	ssyncset.done $0x0  }
0x24: {  	[sflag:s17] =	ssyncadd.s32 $0xFFFFD800  }
0x25: {  	[spmem:s10] =	stream.linear.scatter [tilespmem:s16], [sflag:$0x2], $0x2800, $0x38;
	[tilespmem:$0x149B0] =	vst v63  }
0x26: {  	_ =	swait.ge [sflag:s17], $0x2800  }
0x27: {  	[sflag:s17] =	ssyncset.done $0x0  }
0x28: {  	[sflag:s17] =	ssyncadd.s32 $0xFFFFD800  }
0x29: {  	[spmem:s11] =	stream.linear.scatter [tilespmem:s16], [sflag:$0x2], $0x2800, $0x38;
	[tilespmem:$0x149B0] =	vst v63  }
0x2a: {  	_ =	swait.ge [sflag:s17], $0x2800  }
0x2b: {  	[sflag:s17] =	ssyncset.done $0x0  }
0x2c: {  	[sflag:s17] =	ssyncadd.s32 $0xFFFFD800  }
0x2d: {  	[spmem:s12] =	stream.linear.scatter [tilespmem:s16], [sflag:$0x2], $0x2800, $0x38;
	[tilespmem:$0x149B0] =	vst v63  }
0x2e: {  	_ =	swait.ge [sflag:s17], $0x2800  }
0x2f: {  	[sflag:s17] =	ssyncset.done $0x0  }
0x30: {  	[sflag:s17] =	ssyncadd.s32 $0xFFFFD800  }
0x31: {  	s21 =	simm.s32 $0x0;
	s22 =	simm.s32 $0x0;
	[bflag:$0x0] =	sbarrier.arrive $0xFFFF  }
.LBB2_4:
0x32: {  	s23 =	smul.u32 $0x190, s22;
	_ =	sdelay $0x1  }
0x33: {  	s23 =	sadd.s32 s13, s23  }
0x34: {  	s23 =	sshrl.u32 s23, $0x3  }
0x35: {  	s24 =	sadd.s32 s1, s23  }
0x36: {  	[tilespmem:s21], [sflag:$0x2] =	stream.linear.gather [hbm4b:s24+s21], $0x190, $0x38;
	[tilespmem:$0x149B0] =	vst v63  }
0x37: {  	_ =	swait.ge [sflag:s17], $0x190  }
0x38: {  	[sflag:s17] =	ssyncset.done $0x0  }
0x39: {  	s30 =	sadd.s32 s6, s23;
	[sflag:s17] =	ssyncadd.s32 $0xFFFFFE70  }
0x3a: {  	[tilespmem:s18], [sflag:$0x2] =	stream.linear.gather [hbm4b:s30+s21], $0x190, $0x38;
	[tilespmem:$0x149B0] =	vst v63  }
0x3b: {  	_ =	swait.ge [sflag:s17], $0x190  }
0x3c: {  	[sflag:s17] =	ssyncset.done $0x0  }
0x3d: {  	s23 =	sadd.s32 s7, s23;
	[sflag:s17] =	ssyncadd.s32 $0xFFFFFE70  }
0x3e: {  	[tilespmem:s19], [sflag:$0x2] =	stream.linear.gather [hbm4b:s23+s21], $0x190, $0x38;
	[tilespmem:$0x149B0] =	vst v63  }
0x3f: {  	_ =	swait.ge [sflag:s17], $0x190  }
0x40: {  	[sflag:s17] =	ssyncset.done $0x0  }
0x41: {  	[sflag:s17] =	ssyncadd.s32 $0xFFFFFE70  }
0x42: {  	[tilespmem:s16], [sflag:$0x1] =	stream.indirect.gather [hbm4b:s5+s18], $0x50, s21, s18, $0xb8;
	[tilespmem:$0x149B0] =	vst v63  }
0x43: {  	v1 =	vmov s21;
	_ =	swait.ge [sflag:s20], $0x7D00  }
0x44: {  	[sflag:s20] =	ssyncset.done $0x0  }
0x45: {  	s23 =	simm.s32 $0x4D0;
	[sflag:s20] =	ssyncadd.s32 $0xFFFF8300  }
0x46: {  	v2 =	vld [tilespmem:s23+$0xFFFFFFF0]  }
0x47: {  	v3 =	vld [tilespmem:s23+$0x10]  }
0x48: {  	v6 =	vld.idx.msk [tilespmem:v1+s19+$0x0], $0xffff  }
0x49: {  	v1 =	vld [tilespmem:s23+$0xFFFFFFE0]  }
0x4a: {  	v5 =	vld [tilespmem:s23+$0x0]  }
0x4b: {  	v7 =	vld [tilespmem:s23+$0x20];
	_ =	sdelay $0x2  }
0x4c: {  	v8 =	vmul.f32 v1, v6  }
0x4d: {  	s31 =	simm.s32 $0x1;
	v4 =	vmul.f32 v2, v6;
	v5 =	vmul.f32 v5, v6  }
0x4e: {  	s25 =	simm.s32 $0x2;
	s24 =	simm.s32 $0x4D0;
	v2 =	vmul.f32 v3, v6;
	v1 =	vmov s31;
	v3 =	vmul.f32 v7, v6;
	[tilespmem:s23+$0xFFFFFFE0] =	vst v8  }
.LBB2_5:
0x4f: {  	p0 =	sne.s32 s25, $0x18F;
	[tilespmem:s23+$0xFFFFFFF0] =	vst v4  }
0x50: {  	s23 =	sadd.s32 $0x50, s23;
	[tilespmem:s24+$0x0] =	vst v5  }
0x51: {  	v4 =	vld [tilespmem:s23+$0xFFFFFFF0];
	[tilespmem:s24+$0x10] =	vst v2  }
0x52: {  	v2 =	vld [tilespmem:s23+$0x10];
	[tilespmem:s24+$0x20] =	vst v3;
	s24 =	smov.u32 s23  }
0x53: {  	v3 =	vld.idx.msk [tilespmem:v1+s19+$0x0], $0xffff  }
0x54: {  	v1 =	vld [tilespmem:s23+$0xFFFFFFE0]  }
0x55: {  	v5 =	vld [tilespmem:s23+$0x0]  }
0x56: {  	v6 =	vld [tilespmem:s23+$0x20]  }
.Ltmp1:
0x57: {  	(pc) =	sbr.rel @p0 .LBB2_5-.Ltmp1, $4  }
0x58: {  	_ = 	snop  }
0x59: {  	v4 =	vmul.f32 v4, v3;
	v7 =	vmul.f32 v1, v3  }
0x5a: {  	v2 =	vmul.f32 v2, v3;
	v5 =	vmul.f32 v5, v3  }
0x5b: {  	v1 =	vmov s25;
	s25 =	sadd.s32 $0x1, s25;
	[tilespmem:s23+$0xFFFFFFE0] =	vst v7;
	v3 =	vmul.f32 v6, v3  }
0x5c: {  	[tilespmem:s23+$0xFFFFFFF0] =	vst v4  }
0x5d: {  	s31 =	sadd.s32 $0x50, s23;
	[tilespmem:s24+$0x0] =	vst v5  }
0x5e: {  	v4 =	vld [tilespmem:s31+$0xFFFFFFF0];
	[tilespmem:s24+$0x10] =	vst v2  }
0x5f: {  	v2 =	vld [tilespmem:s31+$0x10]  }
0x60: {  	[tilespmem:s24+$0x20] =	vst v3;
	v3 =	vld [tilespmem:s31+$0xFFFFFFE0]  }
0x61: {  	v1 =	vld.idx.msk [tilespmem:v1+s19+$0x0], $0xffff;
	_ =	sdelay $0x1  }
0x62: {  	v5 =	vld [tilespmem:s31+$0x0];
	_ =	sdelay $0x1  }
0x63: {  	v6 =	vld [tilespmem:s31+$0x20]  }
0x64: {  	v3 =	vmul.f32 v3, v1  }
0x65: {  	v4 =	vmul.f32 v4, v1  }
0x66: {  	v5 =	vmul.f32 v5, v1;
	[tilespmem:s31+$0xFFFFFFE0] =	vst v3  }
0x67: {  	v2 =	vmul.f32 v2, v1;
	[tilespmem:s31+$0xFFFFFFF0] =	vst v4  }
0x68: {  	s22 =	sadd.s32 $0x1, s22;
	v1 =	vmul.f32 v6, v1;
	[tilespmem:s31+$0x0] =	vst v5  }
0x69: {  	p0 =	sne.s32 s22, $0x19;
	[tilespmem:s31+$0x10] =	vst v2  }
.Ltmp2:
0x6a: {  	[tilespmem:s31+$0x20] =	vst v1;
	(pc) =	sbr.rel @p0 .LBB2_4-.Ltmp2, $4  }
0x6b: {  	[spmem:s2] =	stream.indirect.scatter.add.f32 [tilespmem:s16], [sflag:$0x2], $0x50, s18, s18, $0xb8;
	[tilespmem:$0x149B0] =	vst v63  }
0x6c: {  	_ =	swait.ge [sflag:s17], $0x7D00  }
0x6d: {  	[sflag:s17] =	ssyncset.done $0x0  }
0x6e: {  	[sflag:s17] =	ssyncadd.s32 $0xFFFF8300  }
0x6f: {  	s4 =	sadd.s32 $0x1, s4  }
0x70: {  	s21 =	sshll.u32 s3, $0x6;
	[bflag:$0x0] =	sbarrier.arrive $0xFFFF;
	p0 =	sne.s32 s4, s14  }
.Ltmp3:
0x71: {  	s22 =	sshrl.u32 s8, $0x3;
	s21 =	sor.u32 $0x1C02, s21;
	(pc) =	sbr.rel @p0 .LBB2_1-.Ltmp3, $4  }
0x72: {  	[hbm:s15], [sflag:s21] =	dma.local [spmem:s22], $0x1900  }
0x73: {  	_ =	swait.ge [sflag:s17], $0x1900  }
0x74: {  	[sflag:s17] =	ssyncset.done $0x0  }
0x75: {  	[sflag:s17] =	ssyncadd.s32 $0xFFFFE700  }
0x76: {  	_ =	sfence.sel $0x180000  }
0x77: {  	[bflag:$0x0] =	sbarrier.arrive $0xFFFF  }
0x78: {  	p0 =	sne.s32 s3, $0x0;
	_ =	strace $0x9000004D  }
0x79: {  	s0 =	sadd.s32 @!p0 $0x100000, s0;
	[bflag:$0x2] =	sbarrier.arrive $0xFFFF  }
0x7a: {  	[sflag:s0] =	ssyncadd.tile.s32 @!p0 $0x1;
	_ =	shalt  }
.Lfunc_end2:
_tile_overlayer_lowered:
.L_overlay_start_2:
0x7b: {  	(tag) =	ssettag $0x2  }
0x7c: {  	s0 =	rddreg [dreg:$0x0];
	s2 =	stileid.u32  }
0x7d: {  	s1 =	rddreg [dreg:$0x1];
	p0 =	sne.s32 s2, $0x0  }
0x7e: {  	s3 =	rddreg [dreg:$0x2];
	[bflag:$0x3] =	sbarrier.arrive $0xFFFF;
	s2 =	simm.s32 @!p0 $0x1C02  }
0x7f: {  	[timem:s3], [sflag:s2] =	dma.local @!p0 [hbm:s0], s1  }
0x80: {  	s0 =	simm.s32 @!p0 $0x2  }
0x81: {  	_ =	swait.ge @!p0 [sflag:s0], s1  }
0x82: {  	s1 =	ssub.s32 @!p0 $0x0, s1;
	[sflag:s0] =	ssyncset.done @!p0 $0x0  }
0x83: {  	[sflag:s0] =	ssyncadd.s32 @!p0 s1  }
0x84: {  	[bflag:$0x3] =	sbarrier.arrive $0xFFFF  }
0x85: {  	_ =	shalt  }

// kernel: kernel.22.cloned.1.call-start
scs
__scs_entry_jumppad:
0x0: {  	(pc) =	sbr.rel $0x88, $3  }
0x1: {  	(tag) =	ssettag $0x0;
	lr =	simm.s32 $0x1  }
0x2: {  	[smem:$0x3F7D] =	sst lr;
	_ =	strace $0xD0000000  }
0x3: {  	_ = 	snop  }
0x4: {  	_ = 	snop  }
0x5: {  	_ = 	snop  }
0x6: {  	_ = 	snop  }
0x7: {  	_ = 	snop  }
__scs_overlays_trampoline_lowered:
0x8: {  	[smem:$0x3F8C] =	sst s0  }
0x9: {  	[smem:$0x3F8D] =	sst s1  }
0xa: {  	[smem:$0x3F8E] =	sst s2  }
0xb: {  	[smem:$0x3F8F] =	sst s3  }
0xc: {  	[smem:$0x3F90] =	sst s4  }
0xd: {  	[smem:$0x3F91] =	sst s5  }
0xe: {  	[smem:$0x3F92] =	sst s6  }
0xf: {  	[smem:$0x3F93] =	sst s7  }
0x10: {  	[smem:$0x3F94] =	sst s8  }
0x11: {  	[smem:$0x3F95] =	sst s9;
	s0 =	simm.s32 @!p0 $0x0  }
0x12: {  	s1 =	sld [smem:$0x3F7B];
	s0 =	simm.s32 @p0 $0x1  }
0x13: {  	[smem:$0x3F96] =	sst s0;
	s0 =	simm.s32 @!p1 $0x0  }
0x14: {  	s2 =	sld [smem:$0x3F7A];
	s0 =	simm.s32 @p1 $0x1  }
0x15: {  	[smem:$0x3F97] =	sst s0;
	s0 =	simm.s32 @!p2 $0x0  }
0x16: {  	s3 =	sld [smem:$0x3FDB];
	s0 =	simm.s32 @p2 $0x1  }
0x17: {  	s4 =	simm.s32 $0x1BF5;
	[smem:$0x3F99] =	sst s0  }
0x18: {  	s0 =	sld [smem:$0x3F7C];
	_ =	swait.ge [sflag:s4], $0x0  }
0x19: {  	s7 =	sld [smem:$0x3F7D]  }
0x1a: {  	s8 =	sadd.s32 $0xFFFFE003, lr  }
0x1b: {  	s9 =	sadd.s32 $0xFFFFFEF7, lr;
	s5 =	simm.s32 $0xFFFFFFFF;
	p2 =	slt.u32 s8, $0xFFFFF086  }
0x1c: {  	p1 =	slt.u32 s9, $0xF7A;
	s5 =	simm.s32 @!p2 $0x0  }
0x1d: {  	s5 =	simm.s32 @p1 $0x1;
	p0 =	seq.s32 s7, s2  }
0x1e: {  	s7 =	smul.u32 @!p0 $0xF7A, s2;
	p2 =	seq.s32 @!p0 s5, $0x0  }
0x1f: {  	s9 =	smul.u32 $0xF7A, s1;
	s8 =	simm.s32 @!p0 $0x1BF5;
	p2 =	por !p2, p0  }
0x20: {  	[sflag:s8] =	ssyncset.s32 @!p0 $0xFFFFF086;
	s6 =	sadd.s32 @!p0 s3, s7;
	s7 =	simm.s32 @!p0 $0x108  }
0x21: {  	s3 =	sadd.s32 s3, s9;
	s6 =	sadd.s32 @!p0 $0x88, s6;
	s7 =	simm.s32 @p2 $0x1082  }
0x22: {  	[simem:s7], [sflag:s8] =	dma.local @!p0 [hbm:s6], $0xF7A  }
0x23: {  	s9 =	sor.u32 $0xD0000000, s2;
	s6 =	simm.s32 $0x108;
	_ =	swait.ge @!p0 [sflag:s8], $0x0  }
0x24: {  	s3 =	sadd.s32 $0x88, s3;
	s6 =	simm.s32 @!p1 $0x1082;
	[sflag:s4] =	ssyncset.s32 $0xFFFFF086  }
0x25: {  	[simem:s6], [sflag:s4] =	dma.local [hbm:s3], $0xF7A  }
0x26: {  	[smem:$0x3F7D] =	sst s1;
	(tag) =	ssettag s2;
	_ =	strace s9  }
0x27: {  	s1 =	sld [smem:$0x3F8D]  }
0x28: {  	s2 =	sld [smem:$0x3F8E]  }
0x29: {  	s4 =	sld [smem:$0x3F90]  }
0x2a: {  	p0 =	seq.s32 s5, $0x0;
	s5 =	sld [smem:$0x3F91]  }
0x2b: {  	s6 =	sld [smem:$0x3F92]  }
0x2c: {  	s7 =	sld [smem:$0x3F93]  }
0x2d: {  	s3 =	simm.s32 $0x108;
	s8 =	sld [smem:$0x3F94]  }
0x2e: {  	s3 =	simm.s32 @!p0 $0x1082;
	s9 =	sld [smem:$0x3F95]  }
0x2f: {  	lr =	sadd.s32 s0, s3;
	s0 =	sld [smem:$0x3F8C]  }
0x30: {  	s3 =	sld [smem:$0x3F8F]  }
0x31: {  	[smem:$0x3F98] =	sst s10  }
0x32: {  	s10 =	sld [smem:$0x3F96];
	_ =	sdelay $0x3  }
0x33: {  	p0 =	seq.s32 s10, $0x1;
	s10 =	sld [smem:$0x3F98];
	_ =	sdelay $0x3  }
0x34: {  	[smem:$0x3F98] =	sst s10  }
0x35: {  	s10 =	sld [smem:$0x3F97];
	_ =	sdelay $0x3  }
0x36: {  	p1 =	seq.s32 s10, $0x1;
	s10 =	sld [smem:$0x3F98];
	_ =	sdelay $0x3  }
0x37: {  	[smem:$0x3F98] =	sst s10  }
0x38: {  	s10 =	sld [smem:$0x3F99]  }
0x39: {  	_ = 	snop;
	(pc) =	sbr.ind lr, $3  }
0x3a: {  	_ = 	snop  }
0x3b: {  	_ = 	snop  }
0x3c: {  	p2 =	seq.s32 s10, $0x1;
	s10 =	sld [smem:$0x3F98]  }
0x3d: {  	_ =	shalt  }
0x3e: {  	_ =	shalt  }
0x3f: {  	_ =	shalt  }
0x40: {  	_ =	shalt  }
0x41: {  	_ =	shalt  }
0x42: {  	_ =	shalt  }
0x43: {  	_ =	shalt  }
0x44: {  	_ =	shalt  }
0x45: {  	_ =	shalt  }
0x46: {  	_ =	shalt  }
0x47: {  	_ =	shalt  }
0x48: {  	_ =	shalt  }
0x49: {  	_ =	shalt  }
0x4a: {  	_ =	shalt  }
0x4b: {  	_ =	shalt  }
0x4c: {  	_ =	shalt  }
0x4d: {  	_ =	shalt  }
0x4e: {  	_ =	shalt  }
0x4f: {  	_ =	shalt  }
0x50: {  	_ =	shalt  }
0x51: {  	_ =	shalt  }
0x52: {  	_ =	shalt  }
0x53: {  	_ =	shalt  }
0x54: {  	_ =	shalt  }
0x55: {  	_ =	shalt  }
0x56: {  	_ =	shalt  }
0x57: {  	_ =	shalt  }
0x58: {  	_ =	shalt  }
0x59: {  	_ =	shalt  }
0x5a: {  	_ =	shalt  }
0x5b: {  	_ =	shalt  }
0x5c: {  	_ =	shalt  }
0x5d: {  	_ =	shalt  }
0x5e: {  	_ =	shalt  }
0x5f: {  	_ =	shalt  }
0x60: {  	_ =	shalt  }
0x61: {  	_ =	shalt  }
0x62: {  	_ =	shalt  }
0x63: {  	_ =	shalt  }
0x64: {  	_ =	shalt  }
0x65: {  	_ =	shalt  }
0x66: {  	_ =	shalt  }
0x67: {  	_ =	shalt  }
0x68: {  	_ =	shalt  }
0x69: {  	_ =	shalt  }
0x6a: {  	_ =	shalt  }
0x6b: {  	_ =	shalt  }
0x6c: {  	_ =	shalt  }
0x6d: {  	_ =	shalt  }
0x6e: {  	_ =	shalt  }
0x6f: {  	_ =	shalt  }
0x70: {  	_ =	shalt  }
0x71: {  	_ =	shalt  }
0x72: {  	_ =	shalt  }
0x73: {  	_ =	shalt  }
0x74: {  	_ =	shalt  }
0x75: {  	_ =	shalt  }
0x76: {  	_ =	shalt  }
0x77: {  	_ =	shalt  }
0x78: {  	_ =	shalt  }
0x79: {  	_ =	shalt  }
0x7a: {  	_ =	shalt  }
0x7b: {  	_ =	shalt  }
0x7c: {  	_ =	shalt  }
0x7d: {  	_ =	shalt  }
0x7e: {  	_ =	shalt  }
0x7f: {  	_ =	shalt  }
0x80: {  	_ =	shalt  }
0x81: {  	_ =	shalt  }
0x82: {  	_ =	shalt  }
0x83: {  	_ =	shalt  }
0x84: {  	_ =	shalt  }
0x85: {  	_ =	shalt  }
0x86: {  	_ =	shalt  }
0x87: {  	_ =	shalt  }
.Lfunc_end0:
.L_simem_size_0:
called_computation.3_lowered:
.L_overlay_start_0:
0x88: {  	s2 =	sld [smem:$0x3FD9]  }
0x89: {  	s3 =	sld [smem:$0x3FFE];
	_ =	sdelay $0x1  }
0x8a: {  	s1 =	srdreg.scid  }
0x8b: {  	s0 =	sand.u32 $0x1, s1  }
0x8c: {  	s17 =	sshll.u32 s0, $0xA;
	s2 =	sadd.s32 s3, s2  }
0x8d: {  	s2 =	sadd.s32 s2, s17  }
0x8e: {  	[smem:$0x3FA4] =	sst s2  }
0x8f: {  	_ = 	snop  }
0x90: {  	s2 =	sld [smem:$0x3FD0];
	(tm) =	ssettm $0x1  }
0x91: {  	s18 =	sld [smem:$0x3FFB];
	_ =	sdelay $0x3  }
0x92: {  	_ =	strace s18  }
0x93: {  	s3 =	sld [smem:$0x3FFC];
	_ =	sdelay $0x3  }
0x94: {  	_ =	strace s3  }
0x95: {  	s3 =	sld [smem:$0x3FFD];
	_ =	sdelay $0x3  }
0x96: {  	_ =	strace s3  }
0x97: {  	_ =	strace $0x8FFFFFFF  }
0x98: {  	s19 =	sld [smem:$0x3FDB];
	_ =	sdelay $0x1  }
0x99: {  	s4 =	simm.s32 $_scs_section_size  }
0x9a: {  	s5 =	simm.s32 $_size__tile_overlayer_lowered;
	s6 =	simm.s32 $_tile_overlayer_lowered  }
0x9b: {  	s22 =	simm.s32 $0x1BFF;
	s21 =	sshll.u32 s6, $0x1;
	s3 =	sadd.s32 s4, s19  }
0x9c: {  	s7 =	simm.s32 $0x0;
	s20 =	sshll.u32 s5, $0x1;
	s5 =	sadd.s32 s21, s3  }
0x9d: {  	[timem:s7], [sflag:s22] =	dma.local [hbm:s5], s20  }
0x9e: {  	_ =	swait.ge [sflag:s22], s20  }
0x9f: {  	s4 =	ssub.s32 $0x0, s20;
	[sflag:s22] =	ssyncset.done $0x0  }
0xa0: {  	[sflag:s22] =	ssyncadd.s32 s4;
	_ =	sdelay $0x1  }
0xa1: {  	s23 =	simm.s32 $0x1B8B  }
0xa2: {  	_ =	swait.ge [sflag:s23], $0x1  }
0xa3: {  	[sflag:s23] =	ssyncset.done $0x0  }
0xa4: {  	s25 =	simm.s32 $0x1B8E;
	s24 =	sld [smem:$0x3FFE];
	[sflag:s23] =	ssyncadd.s32 $0xFFFFFFFF  }
0xa5: {  	s26 =	simm.s32 $execute0_lowered;
	[smem:$0x3FD2] =	sst s25  }
0xa6: {  	s5 =	sshll.u32 s26, $0x1;
	_ =	strace $0x8000004F;
	[dreg:$0x1] =	wrdreg $0xFFFFFFFF  }
0xa7: {  	s28 =	simm.s32 $_size_execute0_lowered;
	s3 =	sadd.s32 s3, s5;
	[dreg:$0x0] =	wrdreg $0x0  }
0xa8: {  	s5 =	sshll.u32 s28, $0x1;
	[dreg:$0x2] =	wrdreg s3  }
0xa9: {  	[dreg:$0x3] =	wrdreg s5  }
0xaa: {  	[dreg:$0x4] =	wrdreg $0xC0  }
0xab: {  	_ =	task [dreg:s7], $0x5FFFF  }
0xac: {  	[dreg:$0x1] =	wrdreg $0xFFFFFFFF  }
0xad: {  	[dreg:$0x0] =	wrdreg $0x60  }
0xae: {  	[dreg:$0x2] =	wrdreg s24  }
0xaf: {  	[dreg:$0x3] =	wrdreg s2  }
0xb0: {  	[dreg:$0x4] =	wrdreg $0x68B00  }
0xb1: {  	[dreg:$0x5] =	wrdreg $0x9  }
0xb2: {  	_ =	task.clear_ibuf [dreg:s7], $0x6FFFF;
	_ =	strace $0x9000004F  }
0xb3: {  	s29 =	simm.s32 $0x9;
	_ =	strace $0x80000051  }
0xb4: {  	_ =	swait.ge [sflag:s29], $0x1  }
0xb5: {  	[sflag:s29] =	ssyncadd.s32 $0xFFFFFFFF  }
0xb6: {  	_ =	strace $0x90000051  }
0xb7: {  	_ =	sfence  }
0xb8: {  	s30 =	sld [smem:$0x0];
	_ =	sdelay $0x2  }
0xb9: {  	s31 =	sshll.u32 s1, $0xD;
	s1 =	sshrl.u32 s1, $0x2  }
0xba: {  	s3 =	sand.u32 $0x4000, s31;
	s1 =	sadd.s32 s1, s30  }
0xbb: {  	s0 =	sor.u32 s3, s0;
	s1 =	sshll.u32 s1, $0x11  }
0xbc: {  	s0 =	sor.u32 s1, s0  }
0xbd: {  	s0 =	sadd.s32 $0x8F2B, s0  }
0xbe: {  	[sflag:s0] =	ssyncadd.remote.s32 $0x1  }
0xbf: {  	_ =	sfence.sel $0xFFFF  }
0xc0: {  	[dreg:$0x0] =	wrdreg $0xFFFFFFFF;
	(pc) =	sbr.abs _section_cstart, $3  }
0xc1: {  	[dreg:$0x1] =	wrdreg $0xFFFFFFFF  }
0xc2: {  	_ =	task.clear_ibuf [dreg:s7], $0x2FFFF;
	_ =	strace $0x9FFFFFFF  }
0xc3: {  	(tm) =	ssettm $0x7FFFFFFF  }
tec
execute0_lowered:
.L_overlay_start_1:
0x0: {  	(tag) =	ssettag $0x1  }
0x1: {  	s15 =	rddreg [dreg:$0x0]  }
0x2: {  	s1 =	rddreg [dreg:$0x1]  }
0x3: {  	s2 =	rddreg [dreg:$0x2]  }
0x4: {  	s0 =	rddreg [dreg:$0x3]  }
0x5: {  	s4 =	simm.s32 $0x0;
	s5 =	srdreg.scid;
	s3 =	stileid.u32  }
0x6: {  	s18 =	simm.s32 $0x3B200;
	s19 =	simm.s32 $0x320;
	s20 =	simm.s32 $0x1  }
0x7: {  	[smem:$0x7FF] =	sst s4;
	s12 =	sand.u32 $0x1, s5;
	s5 =	sadd.s32 $0x10A00, s15  }
0x8: {  	s9 =	smul.u32 $0x28000, s3;
	s6 =	sadd.s32 $0x6C00, s15;
	s7 =	sadd.s32 $0x24600, s15  }
0x9: {  	s14 =	smul.u32 $0xA000, s3;
	_ =	strace $0x80000050;
	s8 =	ssub.s32 $0x2, s12  }
0xa: {  	s11 =	sshll.u32 s12, $0x4;
	p0 =	seq.s32 s12, $0x1;
	s10 =	sshrl.u32 s8, $0x1  }
0xb: {  	s9 =	sshrl.u32 s9, $0x2;
	s13 =	sor.u32 s3, s11;
	s18 =	simm.s32 @!p0 $0x4F200  }
0xc: {  	s31 =	sshrl.u32 s14, $0x3;
	s16 =	ssub.s32 s8, s10;
	s17 =	sadd.s32 s9, s2  }
0xd: {  	s8 =	sadd.s32 s14, s2;
	s13 =	smul.u32 $0x2710, s13;
	s15 =	sadd.s32 s18, s15  }
0xe: {  	s18 =	simm.s32 $0x190;
	s9 =	sadd.s32 $0x2000, s17;
	s10 =	sadd.s32 $0x4000, s17  }
0xf: {  	s11 =	sadd.s32 $0x6000, s17;
	s12 =	sadd.s32 $0x8000, s17;
	s14 =	smax.u32 s16, $0x1  }
0x10: {  	v0 =	vimm.f32 $0.0e+00;
	s15 =	sadd.s32 s15, s31;
	s16 =	simm.s32 $0x4B0;
	s17 =	simm.s32 $0x2  }
.LBB2_1:
0x11: {  	s22 =	simm.s32 $0x100;
	s21 =	simm.s32 $0x0  }
.LBB2_2:
0x12: {  	p0 =	sne.s32 s22, $0x7F00;
	[tilespmem:s21+$0x4E0] =	vst v0;
	s23 =	smov.u32 s22;
	s22 =	sadd.s32 $0x100, s22  }
.Ltmp0:
0x13: {  	[tilespmem:s21+$0x4D0] =	vst v0;
	(pc) =	sbr.rel @p0 .LBB2_2-.Ltmp0, $3  }
0x14: {  	[tilespmem:s21+$0x4B0] =	vst v0  }
0x15: {  	[tilespmem:s21+$0x4C0] =	vst v0;
	_ =	sdelay $0x1  }
0x16: {  	s21 =	sshra.s32 s23, $0x2  }
0x17: {  	[tilespmem:s21+$0x4E0] =	vst v0  }
0x18: {  	[tilespmem:s21+$0x4D0] =	vst v0  }
0x19: {  	[tilespmem:s21+$0x4B0] =	vst v0  }
0x1a: {  	[tilespmem:s21+$0x4C0] =	vst v0  }
0x1b: {  	[spmem:s8] =	stream.linear.scatter [tilespmem:s16], [sflag:$0x2], $0x2000, $0x38;
	[tilespmem:$0x108B0] =	vst v63  }
0x1c: {  	_ =	swait.ge [sflag:s17], $0x2000  }
0x1d: {  	[sflag:s17] =	ssyncset.done $0x0  }
0x1e: {  	[sflag:s17] =	ssyncadd.s32 $0xFFFFE000  }
0x1f: {  	[spmem:s9] =	stream.linear.scatter [tilespmem:s16], [sflag:$0x2], $0x2000, $0x38;
	[tilespmem:$0x108B0] =	vst v63  }
0x20: {  	_ =	swait.ge [sflag:s17], $0x2000  }
0x21: {  	[sflag:s17] =	ssyncset.done $0x0  }
0x22: {  	[sflag:s17] =	ssyncadd.s32 $0xFFFFE000  }
0x23: {  	[spmem:s10] =	stream.linear.scatter [tilespmem:s16], [sflag:$0x2], $0x2000, $0x38;
	[tilespmem:$0x108B0] =	vst v63  }
0x24: {  	_ =	swait.ge [sflag:s17], $0x2000  }
0x25: {  	[sflag:s17] =	ssyncset.done $0x0  }
0x26: {  	[sflag:s17] =	ssyncadd.s32 $0xFFFFE000  }
0x27: {  	[spmem:s11] =	stream.linear.scatter [tilespmem:s16], [sflag:$0x2], $0x2000, $0x38;
	[tilespmem:$0x108B0] =	vst v63  }
0x28: {  	_ =	swait.ge [sflag:s17], $0x2000  }
0x29: {  	[sflag:s17] =	ssyncset.done $0x0  }
0x2a: {  	[sflag:s17] =	ssyncadd.s32 $0xFFFFE000  }
0x2b: {  	[spmem:s12] =	stream.linear.scatter [tilespmem:s16], [sflag:$0x2], $0x2000, $0x38;
	[tilespmem:$0x108B0] =	vst v63  }
0x2c: {  	_ =	swait.ge [sflag:s17], $0x2000  }
0x2d: {  	[sflag:s17] =	ssyncset.done $0x0  }
0x2e: {  	[sflag:s17] =	ssyncadd.s32 $0xFFFFE000  }
0x2f: {  	s21 =	simm.s32 $0x0;
	s22 =	simm.s32 $0x0;
	[bflag:$0x0] =	sbarrier.arrive $0xFFFF  }
.LBB2_4:
0x30: {  	s23 =	smul.u32 $0x190, s22;
	_ =	sdelay $0x1  }
0x31: {  	s23 =	sadd.s32 s13, s23  }
0x32: {  	s23 =	sshrl.u32 s23, $0x3  }
0x33: {  	s24 =	sadd.s32 s1, s23  }
0x34: {  	[tilespmem:s21], [sflag:$0x2] =	stream.linear.gather [hbm4b:s24+s21], $0x190, $0x38;
	[tilespmem:$0x108B0] =	vst v63  }
0x35: {  	_ =	swait.ge [sflag:s17], $0x190  }
0x36: {  	[sflag:s17] =	ssyncset.done $0x0  }
0x37: {  	s31 =	sadd.s32 s6, s23;
	[sflag:s17] =	ssyncadd.s32 $0xFFFFFE70  }
0x38: {  	[tilespmem:s18], [sflag:$0x2] =	stream.linear.gather [hbm4b:s31+s21], $0x190, $0x38;
	[tilespmem:$0x108B0] =	vst v63  }
0x39: {  	_ =	swait.ge [sflag:s17], $0x190  }
0x3a: {  	[sflag:s17] =	ssyncset.done $0x0  }
0x3b: {  	s23 =	sadd.s32 s7, s23;
	[sflag:s17] =	ssyncadd.s32 $0xFFFFFE70  }
0x3c: {  	[tilespmem:s19], [sflag:$0x2] =	stream.linear.gather [hbm4b:s23+s21], $0x190, $0x38;
	[tilespmem:$0x108B0] =	vst v63  }
0x3d: {  	_ =	swait.ge [sflag:s17], $0x190  }
0x3e: {  	[sflag:s17] =	ssyncset.done $0x0  }
0x3f: {  	[sflag:s17] =	ssyncadd.s32 $0xFFFFFE70  }
0x40: {  	[tilespmem:s16], [sflag:$0x1] =	stream.indirect.gather [hbm4b:s5+s18], $0x40, s21, s18, $0xb8;
	[tilespmem:$0x108B0] =	vst v63  }
0x41: {  	v1 =	vmov s21;
	_ =	swait.ge [sflag:s20], $0x6400  }
0x42: {  	[sflag:s20] =	ssyncset.done $0x0  }
0x43: {  	s23 =	simm.s32 $0x4D0;
	[sflag:s20] =	ssyncadd.s32 $0xFFFF9C00  }
0x44: {  	v3 =	vld [tilespmem:s23+$0xFFFFFFF0]  }
0x45: {  	v4 =	vld [tilespmem:s23+$0x10]  }
0x46: {  	v6 =	vld.idx.msk [tilespmem:v1+s19+$0x0], $0xffff  }
0x47: {  	v1 =	vld [tilespmem:s23+$0xFFFFFFE0]  }
0x48: {  	v7 =	vld [tilespmem:s23+$0x0];
	_ =	sdelay $0x3  }
0x49: {  	s25 =	simm.s32 $0x1;
	v2 =	vmul.f32 v1, v6;
	v5 =	vmul.f32 v4, v6  }
0x4a: {  	s24 =	simm.s32 $0x2;
	v1 =	vmov s25;
	v4 =	vmul.f32 v3, v6;
	v3 =	vmul.f32 v7, v6;
	s25 =	simm.s32 $0x4D0  }
.LBB2_5:
0x4b: {  	p0 =	sne.s32 s24, $0x18F  }
0x4c: {  	[tilespmem:s23+$0x10] =	vst v5;
	s25 =	sadd.s32 $0x40, s25;
	s26 =	smov.u32 s24;
	s24 =	sadd.s32 $0x1, s24  }
0x4d: {  	[tilespmem:s23+$0xFFFFFFE0] =	vst v2  }
0x4e: {  	v6 =	vld [tilespmem:s25+$0xFFFFFFF0];
	[tilespmem:s23+$0xFFFFFFF0] =	vst v4  }
0x4f: {  	v4 =	vld [tilespmem:s25+$0x10];
	[tilespmem:s23+$0x0] =	vst v3;
	s23 =	smov.u32 s25  }
0x50: {  	v3 =	vld.idx.msk [tilespmem:v1+s19+$0x0], $0xffff  }
0x51: {  	v1 =	vld [tilespmem:s25+$0xFFFFFFE0]  }
0x52: {  	v7 =	vld [tilespmem:s25+$0x0]  }
.Ltmp1:
0x53: {  	(pc) =	sbr.rel @p0 .LBB2_5-.Ltmp1, $3  }
0x54: {  	_ =	sdelay $0x1  }
0x55: {  	v5 =	vmul.f32 v4, v3;
	v2 =	vmul.f32 v1, v3  }
0x56: {  	v4 =	vmul.f32 v6, v3;
	v1 =	vmov s26;
	v3 =	vmul.f32 v7, v3  }
0x57: {  	[tilespmem:s23+$0x10] =	vst v5  }
0x58: {  	s24 =	sadd.s32 $0x40, s25;
	[tilespmem:s23+$0xFFFFFFE0] =	vst v2  }
0x59: {  	v2 =	vld [tilespmem:s24+$0xFFFFFFF0];
	[tilespmem:s23+$0xFFFFFFF0] =	vst v4  }
0x5a: {  	v4 =	vld [tilespmem:s24+$0x10];
	[tilespmem:s23+$0x0] =	vst v3  }
0x5b: {  	v1 =	vld.idx.msk [tilespmem:v1+s19+$0x0], $0xffff  }
0x5c: {  	v3 =	vld [tilespmem:s24+$0xFFFFFFE0];
	_ =	sdelay $0x1  }
0x5d: {  	v5 =	vld [tilespmem:s24+$0x0];
	_ =	sdelay $0x1  }
0x5e: {  	v4 =	vmul.f32 v4, v1  }
0x5f: {  	v3 =	vmul.f32 v3, v1  }
0x60: {  	v2 =	vmul.f32 v2, v1;
	[tilespmem:s24+$0x10] =	vst v4  }
0x61: {  	s22 =	sadd.s32 $0x1, s22;
	v1 =	vmul.f32 v5, v1;
	[tilespmem:s24+$0xFFFFFFE0] =	vst v3  }
0x62: {  	p0 =	sne.s32 s22, $0x19;
	[tilespmem:s24+$0xFFFFFFF0] =	vst v2  }
.Ltmp2:
0x63: {  	[tilespmem:s24+$0x0] =	vst v1;
	(pc) =	sbr.rel @p0 .LBB2_4-.Ltmp2, $4  }
0x64: {  	[spmem:s2] =	stream.indirect.scatter.add.f32 [tilespmem:s16], [sflag:$0x2], $0x40, s18, s18, $0xb8;
	[tilespmem:$0x108B0] =	vst v63  }
0x65: {  	_ =	swait.ge [sflag:s17], $0x6400  }
0x66: {  	[sflag:s17] =	ssyncset.done $0x0  }
0x67: {  	[sflag:s17] =	ssyncadd.s32 $0xFFFF9C00  }
0x68: {  	s4 =	sadd.s32 $0x1, s4  }
0x69: {  	s21 =	sshll.u32 s3, $0x6;
	[bflag:$0x0] =	sbarrier.arrive $0xFFFF;
	p0 =	sne.s32 s4, s14  }
.Ltmp3:
0x6a: {  	s22 =	sshrl.u32 s8, $0x3;
	s21 =	sor.u32 $0x1C02, s21;
	(pc) =	sbr.rel @p0 .LBB2_1-.Ltmp3, $4  }
0x6b: {  	[hbm:s15], [sflag:s21] =	dma.local [spmem:s22], $0x1400  }
0x6c: {  	_ =	swait.ge [sflag:s17], $0x1400  }
0x6d: {  	[sflag:s17] =	ssyncset.done $0x0  }
0x6e: {  	[sflag:s17] =	ssyncadd.s32 $0xFFFFEC00  }
0x6f: {  	_ =	sfence.sel $0x180000  }
0x70: {  	[bflag:$0x0] =	sbarrier.arrive $0xFFFF  }
0x71: {  	p0 =	sne.s32 s3, $0x0;
	_ =	strace $0x90000050  }
0x72: {  	s0 =	sadd.s32 @!p0 $0x100000, s0;
	[bflag:$0x2] =	sbarrier.arrive $0xFFFF  }
0x73: {  	[sflag:s0] =	ssyncadd.tile.s32 @!p0 $0x1;
	_ =	shalt  }
.Lfunc_end2:
_tile_overlayer_lowered:
.L_overlay_start_2:
0x74: {  	(tag) =	ssettag $0x2  }
0x75: {  	s0 =	rddreg [dreg:$0x0];
	s2 =	stileid.u32  }
0x76: {  	s1 =	rddreg [dreg:$0x1];
	p0 =	sne.s32 s2, $0x0  }
0x77: {  	s3 =	rddreg [dreg:$0x2];
	[bflag:$0x3] =	sbarrier.arrive $0xFFFF;
	s2 =	simm.s32 @!p0 $0x1C02  }
0x78: {  	[timem:s3], [sflag:s2] =	dma.local @!p0 [hbm:s0], s1  }
0x79: {  	s0 =	simm.s32 @!p0 $0x2  }
0x7a: {  	_ =	swait.ge @!p0 [sflag:s0], s1  }
0x7b: {  	s1 =	ssub.s32 @!p0 $0x0, s1;
	[sflag:s0] =	ssyncset.done @!p0 $0x0  }
0x7c: {  	[sflag:s0] =	ssyncadd.s32 @!p0 s1  }
0x7d: {  	[bflag:$0x3] =	sbarrier.arrive $0xFFFF  }
0x7e: {  	_ =	shalt  }

// kernel: kernel.25.cloned.1.call-start
scs
__scs_entry_jumppad:
0x0: {  	(pc) =	sbr.rel $0x88, $3  }
0x1: {  	(tag) =	ssettag $0x0;
	lr =	simm.s32 $0x1  }
0x2: {  	[smem:$0x3F7D] =	sst lr;
	_ =	strace $0xD0000000  }
0x3: {  	_ = 	snop  }
0x4: {  	_ = 	snop  }
0x5: {  	_ = 	snop  }
0x6: {  	_ = 	snop  }
0x7: {  	_ = 	snop  }
__scs_overlays_trampoline_lowered:
0x8: {  	[smem:$0x3F8C] =	sst s0  }
0x9: {  	[smem:$0x3F8D] =	sst s1  }
0xa: {  	[smem:$0x3F8E] =	sst s2  }
0xb: {  	[smem:$0x3F8F] =	sst s3  }
0xc: {  	[smem:$0x3F90] =	sst s4  }
0xd: {  	[smem:$0x3F91] =	sst s5  }
0xe: {  	[smem:$0x3F92] =	sst s6  }
0xf: {  	[smem:$0x3F93] =	sst s7  }
0x10: {  	[smem:$0x3F94] =	sst s8  }
0x11: {  	[smem:$0x3F95] =	sst s9;
	s0 =	simm.s32 @!p0 $0x0  }
0x12: {  	s1 =	sld [smem:$0x3F7B];
	s0 =	simm.s32 @p0 $0x1  }
0x13: {  	[smem:$0x3F96] =	sst s0;
	s0 =	simm.s32 @!p1 $0x0  }
0x14: {  	s2 =	sld [smem:$0x3F7A];
	s0 =	simm.s32 @p1 $0x1  }
0x15: {  	[smem:$0x3F97] =	sst s0;
	s0 =	simm.s32 @!p2 $0x0  }
0x16: {  	s3 =	sld [smem:$0x3FDB];
	s0 =	simm.s32 @p2 $0x1  }
0x17: {  	s4 =	simm.s32 $0x1BF5;
	[smem:$0x3F99] =	sst s0  }
0x18: {  	s0 =	sld [smem:$0x3F7C];
	_ =	swait.ge [sflag:s4], $0x0  }
0x19: {  	s7 =	sld [smem:$0x3F7D]  }
0x1a: {  	s8 =	sadd.s32 $0xFFFFE003, lr  }
0x1b: {  	s9 =	sadd.s32 $0xFFFFFEF7, lr;
	s5 =	simm.s32 $0xFFFFFFFF;
	p2 =	slt.u32 s8, $0xFFFFF086  }
0x1c: {  	p1 =	slt.u32 s9, $0xF7A;
	s5 =	simm.s32 @!p2 $0x0  }
0x1d: {  	s5 =	simm.s32 @p1 $0x1;
	p0 =	seq.s32 s7, s2  }
0x1e: {  	s7 =	smul.u32 @!p0 $0xF7A, s2;
	p2 =	seq.s32 @!p0 s5, $0x0  }
0x1f: {  	s9 =	smul.u32 $0xF7A, s1;
	s8 =	simm.s32 @!p0 $0x1BF5;
	p2 =	por !p2, p0  }
0x20: {  	[sflag:s8] =	ssyncset.s32 @!p0 $0xFFFFF086;
	s6 =	sadd.s32 @!p0 s3, s7;
	s7 =	simm.s32 @!p0 $0x108  }
0x21: {  	s3 =	sadd.s32 s3, s9;
	s6 =	sadd.s32 @!p0 $0x88, s6;
	s7 =	simm.s32 @p2 $0x1082  }
0x22: {  	[simem:s7], [sflag:s8] =	dma.local @!p0 [hbm:s6], $0xF7A  }
0x23: {  	s9 =	sor.u32 $0xD0000000, s2;
	s6 =	simm.s32 $0x108;
	_ =	swait.ge @!p0 [sflag:s8], $0x0  }
0x24: {  	s3 =	sadd.s32 $0x88, s3;
	s6 =	simm.s32 @!p1 $0x1082;
	[sflag:s4] =	ssyncset.s32 $0xFFFFF086  }
0x25: {  	[simem:s6], [sflag:s4] =	dma.local [hbm:s3], $0xF7A  }
0x26: {  	[smem:$0x3F7D] =	sst s1;
	(tag) =	ssettag s2;
	_ =	strace s9  }
0x27: {  	s1 =	sld [smem:$0x3F8D]  }
0x28: {  	s2 =	sld [smem:$0x3F8E]  }
0x29: {  	s4 =	sld [smem:$0x3F90]  }
0x2a: {  	p0 =	seq.s32 s5, $0x0;
	s5 =	sld [smem:$0x3F91]  }
0x2b: {  	s6 =	sld [smem:$0x3F92]  }
0x2c: {  	s7 =	sld [smem:$0x3F93]  }
0x2d: {  	s3 =	simm.s32 $0x108;
	s8 =	sld [smem:$0x3F94]  }
0x2e: {  	s3 =	simm.s32 @!p0 $0x1082;
	s9 =	sld [smem:$0x3F95]  }
0x2f: {  	lr =	sadd.s32 s0, s3;
	s0 =	sld [smem:$0x3F8C]  }
0x30: {  	s3 =	sld [smem:$0x3F8F]  }
0x31: {  	[smem:$0x3F98] =	sst s10  }
0x32: {  	s10 =	sld [smem:$0x3F96];
	_ =	sdelay $0x3  }
0x33: {  	p0 =	seq.s32 s10, $0x1;
	s10 =	sld [smem:$0x3F98];
	_ =	sdelay $0x3  }
0x34: {  	[smem:$0x3F98] =	sst s10  }
0x35: {  	s10 =	sld [smem:$0x3F97];
	_ =	sdelay $0x3  }
0x36: {  	p1 =	seq.s32 s10, $0x1;
	s10 =	sld [smem:$0x3F98];
	_ =	sdelay $0x3  }
0x37: {  	[smem:$0x3F98] =	sst s10  }
0x38: {  	s10 =	sld [smem:$0x3F99]  }
0x39: {  	_ = 	snop;
	(pc) =	sbr.ind lr, $3  }
0x3a: {  	_ = 	snop  }
0x3b: {  	_ = 	snop  }
0x3c: {  	p2 =	seq.s32 s10, $0x1;
	s10 =	sld [smem:$0x3F98]  }
0x3d: {  	_ =	shalt  }
0x3e: {  	_ =	shalt  }
0x3f: {  	_ =	shalt  }
0x40: {  	_ =	shalt  }
0x41: {  	_ =	shalt  }
0x42: {  	_ =	shalt  }
0x43: {  	_ =	shalt  }
0x44: {  	_ =	shalt  }
0x45: {  	_ =	shalt  }
0x46: {  	_ =	shalt  }
0x47: {  	_ =	shalt  }
0x48: {  	_ =	shalt  }
0x49: {  	_ =	shalt  }
0x4a: {  	_ =	shalt  }
0x4b: {  	_ =	shalt  }
0x4c: {  	_ =	shalt  }
0x4d: {  	_ =	shalt  }
0x4e: {  	_ =	shalt  }
0x4f: {  	_ =	shalt  }
0x50: {  	_ =	shalt  }
0x51: {  	_ =	shalt  }
0x52: {  	_ =	shalt  }
0x53: {  	_ =	shalt  }
0x54: {  	_ =	shalt  }
0x55: {  	_ =	shalt  }
0x56: {  	_ =	shalt  }
0x57: {  	_ =	shalt  }
0x58: {  	_ =	shalt  }
0x59: {  	_ =	shalt  }
0x5a: {  	_ =	shalt  }
0x5b: {  	_ =	shalt  }
0x5c: {  	_ =	shalt  }
0x5d: {  	_ =	shalt  }
0x5e: {  	_ =	shalt  }
0x5f: {  	_ =	shalt  }
0x60: {  	_ =	shalt  }
0x61: {  	_ =	shalt  }
0x62: {  	_ =	shalt  }
0x63: {  	_ =	shalt  }
0x64: {  	_ =	shalt  }
0x65: {  	_ =	shalt  }
0x66: {  	_ =	shalt  }
0x67: {  	_ =	shalt  }
0x68: {  	_ =	shalt  }
0x69: {  	_ =	shalt  }
0x6a: {  	_ =	shalt  }
0x6b: {  	_ =	shalt  }
0x6c: {  	_ =	shalt  }
0x6d: {  	_ =	shalt  }
0x6e: {  	_ =	shalt  }
0x6f: {  	_ =	shalt  }
0x70: {  	_ =	shalt  }
0x71: {  	_ =	shalt  }
0x72: {  	_ =	shalt  }
0x73: {  	_ =	shalt  }
0x74: {  	_ =	shalt  }
0x75: {  	_ =	shalt  }
0x76: {  	_ =	shalt  }
0x77: {  	_ =	shalt  }
0x78: {  	_ =	shalt  }
0x79: {  	_ =	shalt  }
0x7a: {  	_ =	shalt  }
0x7b: {  	_ =	shalt  }
0x7c: {  	_ =	shalt  }
0x7d: {  	_ =	shalt  }
0x7e: {  	_ =	shalt  }
0x7f: {  	_ =	shalt  }
0x80: {  	_ =	shalt  }
0x81: {  	_ =	shalt  }
0x82: {  	_ =	shalt  }
0x83: {  	_ =	shalt  }
0x84: {  	_ =	shalt  }
0x85: {  	_ =	shalt  }
0x86: {  	_ =	shalt  }
0x87: {  	_ =	shalt  }
.Lfunc_end0:
.L_simem_size_0:
called_computation.4_lowered:
.L_overlay_start_0:
0x88: {  	s2 =	sld [smem:$0x3FD9]  }
0x89: {  	s3 =	sld [smem:$0x3FFE];
	_ =	sdelay $0x1  }
0x8a: {  	s1 =	srdreg.scid  }
0x8b: {  	s0 =	sand.u32 $0x1, s1  }
0x8c: {  	s17 =	sshll.u32 s0, $0xA;
	s2 =	sadd.s32 s3, s2  }
0x8d: {  	s2 =	sadd.s32 s2, s17  }
0x8e: {  	[smem:$0x3FA4] =	sst s2  }
0x8f: {  	_ = 	snop  }
0x90: {  	s2 =	sld [smem:$0x3FD0];
	(tm) =	ssettm $0x1  }
0x91: {  	s18 =	sld [smem:$0x3FFB];
	_ =	sdelay $0x3  }
0x92: {  	_ =	strace s18  }
0x93: {  	s3 =	sld [smem:$0x3FFC];
	_ =	sdelay $0x3  }
0x94: {  	_ =	strace s3  }
0x95: {  	s3 =	sld [smem:$0x3FFD];
	_ =	sdelay $0x3  }
0x96: {  	_ =	strace s3  }
0x97: {  	_ =	strace $0x8FFFFFFF  }
0x98: {  	s19 =	sld [smem:$0x3FDB];
	_ =	sdelay $0x1  }
0x99: {  	s4 =	simm.s32 $_scs_section_size  }
0x9a: {  	s5 =	simm.s32 $_size__tile_overlayer_lowered;
	s6 =	simm.s32 $_tile_overlayer_lowered  }
0x9b: {  	s22 =	simm.s32 $0x1BFF;
	s21 =	sshll.u32 s6, $0x1;
	s3 =	sadd.s32 s4, s19  }
0x9c: {  	s7 =	simm.s32 $0x0;
	s20 =	sshll.u32 s5, $0x1;
	s5 =	sadd.s32 s21, s3  }
0x9d: {  	[timem:s7], [sflag:s22] =	dma.local [hbm:s5], s20  }
0x9e: {  	_ =	swait.ge [sflag:s22], s20  }
0x9f: {  	s4 =	ssub.s32 $0x0, s20;
	[sflag:s22] =	ssyncset.done $0x0  }
0xa0: {  	[sflag:s22] =	ssyncadd.s32 s4;
	_ =	sdelay $0x1  }
0xa1: {  	s23 =	simm.s32 $0x1B8B  }
0xa2: {  	_ =	swait.ge [sflag:s23], $0x1  }
0xa3: {  	[sflag:s23] =	ssyncset.done $0x0  }
0xa4: {  	s25 =	simm.s32 $0x1B8E;
	s24 =	sld [smem:$0x3FFE];
	[sflag:s23] =	ssyncadd.s32 $0xFFFFFFFF  }
0xa5: {  	s26 =	simm.s32 $execute0_lowered;
	[smem:$0x3FD2] =	sst s25  }
0xa6: {  	s5 =	sshll.u32 s26, $0x1;
	_ =	strace $0x80000052;
	[dreg:$0x1] =	wrdreg $0xFFFFFFFF  }
0xa7: {  	s28 =	simm.s32 $_size_execute0_lowered;
	s3 =	sadd.s32 s3, s5;
	[dreg:$0x0] =	wrdreg $0x0  }
0xa8: {  	s5 =	sshll.u32 s28, $0x1;
	[dreg:$0x2] =	wrdreg s3  }
0xa9: {  	[dreg:$0x3] =	wrdreg s5  }
0xaa: {  	[dreg:$0x4] =	wrdreg $0xC0  }
0xab: {  	_ =	task [dreg:s7], $0x5FFFF  }
0xac: {  	[dreg:$0x1] =	wrdreg $0xFFFFFFFF  }
0xad: {  	[dreg:$0x0] =	wrdreg $0x60  }
0xae: {  	[dreg:$0x2] =	wrdreg s24  }
0xaf: {  	[dreg:$0x3] =	wrdreg s2  }
0xb0: {  	[dreg:$0x4] =	wrdreg $0x36B00  }
0xb1: {  	[dreg:$0x5] =	wrdreg $0x9  }
0xb2: {  	_ =	task.clear_ibuf [dreg:s7], $0x6FFFF;
	_ =	strace $0x90000052  }
0xb3: {  	s29 =	simm.s32 $0x9;
	_ =	strace $0x80000054  }
0xb4: {  	_ =	swait.ge [sflag:s29], $0x1  }
0xb5: {  	[sflag:s29] =	ssyncadd.s32 $0xFFFFFFFF  }
0xb6: {  	_ =	strace $0x90000054  }
0xb7: {  	_ =	sfence  }
0xb8: {  	s30 =	sld [smem:$0x0];
	_ =	sdelay $0x2  }
0xb9: {  	s31 =	sshll.u32 s1, $0xD;
	s1 =	sshrl.u32 s1, $0x2  }
0xba: {  	s3 =	sand.u32 $0x4000, s31;
	s1 =	sadd.s32 s1, s30  }
0xbb: {  	s0 =	sor.u32 s3, s0;
	s1 =	sshll.u32 s1, $0x11  }
0xbc: {  	s0 =	sor.u32 s1, s0  }
0xbd: {  	s0 =	sadd.s32 $0x8F2B, s0  }
0xbe: {  	[sflag:s0] =	ssyncadd.remote.s32 $0x1  }
0xbf: {  	_ =	sfence.sel $0xFFFF  }
0xc0: {  	[dreg:$0x0] =	wrdreg $0xFFFFFFFF;
	(pc) =	sbr.abs _section_cstart, $3  }
0xc1: {  	[dreg:$0x1] =	wrdreg $0xFFFFFFFF  }
0xc2: {  	_ =	task.clear_ibuf [dreg:s7], $0x2FFFF;
	_ =	strace $0x9FFFFFFF  }
0xc3: {  	(tm) =	ssettm $0x7FFFFFFF  }
tec
execute0_lowered:
.L_overlay_start_1:
0x0: {  	(tag) =	ssettag $0x1  }
0x1: {  	s15 =	rddreg [dreg:$0x0]  }
0x2: {  	s1 =	rddreg [dreg:$0x1]  }
0x3: {  	s2 =	rddreg [dreg:$0x2]  }
0x4: {  	s0 =	rddreg [dreg:$0x3]  }
0x5: {  	s4 =	simm.s32 $0x0;
	s5 =	srdreg.scid;
	s3 =	stileid.u32  }
0x6: {  	s18 =	simm.s32 $0x1A800;
	s19 =	simm.s32 $0x320;
	s20 =	simm.s32 $0x1  }
0x7: {  	[smem:$0x7FF] =	sst s4;
	s12 =	sand.u32 $0x1, s5;
	s5 =	sadd.s32 $0x10A00, s15  }
0x8: {  	s9 =	smul.u32 $0x14000, s3;
	s6 =	sadd.s32 $0x6C00, s15;
	s7 =	sadd.s32 $0x2E400, s15  }
0x9: {  	s14 =	smul.u32 $0x5000, s3;
	_ =	strace $0x80000053;
	s8 =	ssub.s32 $0x2, s12  }
0xa: {  	s11 =	sshll.u32 s12, $0x4;
	p0 =	seq.s32 s12, $0x1;
	s10 =	sshrl.u32 s8, $0x1  }
0xb: {  	s9 =	sshrl.u32 s9, $0x2;
	s13 =	sor.u32 s3, s11;
	s18 =	simm.s32 @!p0 $0x38200  }
0xc: {  	s31 =	sshrl.u32 s14, $0x3;
	s16 =	ssub.s32 s8, s10;
	s17 =	sadd.s32 s9, s2  }
0xd: {  	s8 =	sadd.s32 s14, s2;
	s13 =	smul.u32 $0x2710, s13;
	s15 =	sadd.s32 s18, s15  }
0xe: {  	s18 =	simm.s32 $0x190;
	s9 =	sadd.s32 $0x1000, s17;
	s10 =	sadd.s32 $0x2000, s17  }
0xf: {  	s11 =	sadd.s32 $0x3000, s17;
	s12 =	sadd.s32 $0x4000, s17;
	s14 =	smax.u32 s16, $0x1  }
0x10: {  	v0 =	vimm.f32 $0.0e+00;
	s15 =	sadd.s32 s15, s31;
	s16 =	simm.s32 $0x4B0;
	s17 =	simm.s32 $0x2  }
.LBB2_1:
0x11: {  	s21 =	simm.s32 $0x80;
	s22 =	simm.s32 $0x0  }
.LBB2_2:
0x12: {  	p0 =	sne.s32 s21, $0x3F80;
	[tilespmem:s22+$0x4B0] =	vst v0;
	s23 =	smov.u32 s21;
	s21 =	sadd.s32 $0x80, s21  }
.Ltmp0:
0x13: {  	[tilespmem:s22+$0x4C0] =	vst v0;
	(pc) =	sbr.rel @p0 .LBB2_2-.Ltmp0, $2  }
0x14: {  	_ =	sdelay $0x2  }
0x15: {  	s22 =	sshra.s32 s23, $0x2  }
0x16: {  	[tilespmem:s22+$0x4B0] =	vst v0  }
0x17: {  	[tilespmem:s22+$0x4C0] =	vst v0  }
0x18: {  	[spmem:s8] =	stream.linear.scatter [tilespmem:s16], [sflag:$0x2], $0x1000, $0x38;
	[tilespmem:$0x86B0] =	vst v63  }
0x19: {  	_ =	swait.ge [sflag:s17], $0x1000  }
0x1a: {  	[sflag:s17] =	ssyncset.done $0x0  }
0x1b: {  	[sflag:s17] =	ssyncadd.s32 $0xFFFFF000  }
0x1c: {  	[spmem:s9] =	stream.linear.scatter [tilespmem:s16], [sflag:$0x2], $0x1000, $0x38;
	[tilespmem:$0x86B0] =	vst v63  }
0x1d: {  	_ =	swait.ge [sflag:s17], $0x1000  }
0x1e: {  	[sflag:s17] =	ssyncset.done $0x0  }
0x1f: {  	[sflag:s17] =	ssyncadd.s32 $0xFFFFF000  }
0x20: {  	[spmem:s10] =	stream.linear.scatter [tilespmem:s16], [sflag:$0x2], $0x1000, $0x38;
	[tilespmem:$0x86B0] =	vst v63  }
0x21: {  	_ =	swait.ge [sflag:s17], $0x1000  }
0x22: {  	[sflag:s17] =	ssyncset.done $0x0  }
0x23: {  	[sflag:s17] =	ssyncadd.s32 $0xFFFFF000  }
0x24: {  	[spmem:s11] =	stream.linear.scatter [tilespmem:s16], [sflag:$0x2], $0x1000, $0x38;
	[tilespmem:$0x86B0] =	vst v63  }
0x25: {  	_ =	swait.ge [sflag:s17], $0x1000  }
0x26: {  	[sflag:s17] =	ssyncset.done $0x0  }
0x27: {  	[sflag:s17] =	ssyncadd.s32 $0xFFFFF000  }
0x28: {  	[spmem:s12] =	stream.linear.scatter [tilespmem:s16], [sflag:$0x2], $0x1000, $0x38;
	[tilespmem:$0x86B0] =	vst v63  }
0x29: {  	_ =	swait.ge [sflag:s17], $0x1000  }
0x2a: {  	[sflag:s17] =	ssyncset.done $0x0  }
0x2b: {  	[sflag:s17] =	ssyncadd.s32 $0xFFFFF000  }
0x2c: {  	s21 =	simm.s32 $0x0;
	s22 =	simm.s32 $0x0;
	[bflag:$0x0] =	sbarrier.arrive $0xFFFF  }
.LBB2_4:
0x2d: {  	s23 =	smul.u32 $0x190, s22;
	_ =	sdelay $0x1  }
0x2e: {  	s23 =	sadd.s32 s13, s23  }
0x2f: {  	s23 =	sshrl.u32 s23, $0x3  }
0x30: {  	s24 =	sadd.s32 s1, s23  }
0x31: {  	[tilespmem:s21], [sflag:$0x2] =	stream.linear.gather [hbm4b:s24+s21], $0x190, $0x38;
	[tilespmem:$0x86B0] =	vst v63  }
0x32: {  	_ =	swait.ge [sflag:s17], $0x190  }
0x33: {  	[sflag:s17] =	ssyncset.done $0x0  }
0x34: {  	s30 =	sadd.s32 s6, s23;
	[sflag:s17] =	ssyncadd.s32 $0xFFFFFE70  }
0x35: {  	[tilespmem:s18], [sflag:$0x2] =	stream.linear.gather [hbm4b:s30+s21], $0x190, $0x38;
	[tilespmem:$0x86B0] =	vst v63  }
0x36: {  	_ =	swait.ge [sflag:s17], $0x190  }
0x37: {  	[sflag:s17] =	ssyncset.done $0x0  }
0x38: {  	s23 =	sadd.s32 s7, s23;
	[sflag:s17] =	ssyncadd.s32 $0xFFFFFE70  }
0x39: {  	[tilespmem:s19], [sflag:$0x2] =	stream.linear.gather [hbm4b:s23+s21], $0x190, $0x38;
	[tilespmem:$0x86B0] =	vst v63  }
0x3a: {  	_ =	swait.ge [sflag:s17], $0x190  }
0x3b: {  	[sflag:s17] =	ssyncset.done $0x0  }
0x3c: {  	[sflag:s17] =	ssyncadd.s32 $0xFFFFFE70  }
0x3d: {  	v1 =	vmov s21;
	[tilespmem:s16], [sflag:$0x1] =	stream.indirect.gather [hbm4b:s5+s18], $0x20, s21, s18, $0xb8;
	[tilespmem:$0x86B0] =	vst v63  }
0x3e: {  	_ =	swait.ge [sflag:s20], $0x3200  }
0x3f: {  	[sflag:s20] =	ssyncset.done $0x0  }
0x40: {  	s23 =	simm.s32 $0x4C0;
	[sflag:s20] =	ssyncadd.s32 $0xFFFFCE00  }
0x41: {  	v2 =	vld [tilespmem:s23+$0xFFFFFFF0]  }
0x42: {  	v3 =	vld.idx.msk [tilespmem:v1+s19+$0x0], $0xffff  }
0x43: {  	v4 =	vld [tilespmem:s23+$0x0];
	_ =	sdelay $0x2  }
0x44: {  	s31 =	simm.s32 $0x1  }
0x45: {  	s25 =	simm.s32 $0x2;
	s24 =	simm.s32 $0x4C0;
	v1 =	vmov s31  }
.LBB2_5:
0x46: {  	p0 =	sne.s32 s25, $0x18F;
	v2 =	vmul.f32 v2, v3;
	v3 =	vmul.f32 v4, v3;
	_ =	sdelay $0x1  }
0x47: {  	s24 =	sadd.s32 $0x20, s24;
	[tilespmem:s23+$0xFFFFFFF0] =	vst v2  }
0x48: {  	v2 =	vld [tilespmem:s24+$0xFFFFFFF0];
	[tilespmem:s23+$0x0] =	vst v3;
	s23 =	smov.u32 s24  }
0x49: {  	v3 =	vld.idx.msk [tilespmem:v1+s19+$0x0], $0xffff  }
.Ltmp1:
0x4a: {  	v4 =	vld [tilespmem:s24+$0x0];
	(pc) =	sbr.rel @p0 .LBB2_5-.Ltmp1, $2  }
0x4b: {  	_ =	sdelay $0x2  }
0x4c: {  	v1 =	vmov s25;
	s25 =	sadd.s32 $0x1, s25  }
0x4d: {  	v2 =	vmul.f32 v2, v3  }
0x4e: {  	v3 =	vmul.f32 v4, v3  }
0x4f: {  	s24 =	sadd.s32 $0x20, s24;
	[tilespmem:s23+$0xFFFFFFF0] =	vst v2  }
0x50: {  	v2 =	vld [tilespmem:s24+$0xFFFFFFF0];
	[tilespmem:s23+$0x0] =	vst v3  }
0x51: {  	v1 =	vld.idx.msk [tilespmem:v1+s19+$0x0], $0xffff  }
0x52: {  	v3 =	vld [tilespmem:s24+$0x0];
	_ =	sdelay $0x3  }
0x53: {  	v2 =	vmul.f32 v2, v1  }
0x54: {  	s22 =	sadd.s32 $0x1, s22;
	v1 =	vmul.f32 v3, v1  }
0x55: {  	p0 =	sne.s32 s22, $0x19;
	[tilespmem:s24+$0xFFFFFFF0] =	vst v2  }
.Ltmp2:
0x56: {  	[tilespmem:s24+$0x0] =	vst v1;
	(pc) =	sbr.rel @p0 .LBB2_4-.Ltmp2, $4  }
0x57: {  	[spmem:s2] =	stream.indirect.scatter.add.f32 [tilespmem:s16], [sflag:$0x2], $0x20, s18, s18, $0xb8;
	[tilespmem:$0x86B0] =	vst v63  }
0x58: {  	_ =	swait.ge [sflag:s17], $0x3200  }
0x59: {  	[sflag:s17] =	ssyncset.done $0x0  }
0x5a: {  	[sflag:s17] =	ssyncadd.s32 $0xFFFFCE00  }
0x5b: {  	s4 =	sadd.s32 $0x1, s4  }
0x5c: {  	s21 =	sshll.u32 s3, $0x6;
	[bflag:$0x0] =	sbarrier.arrive $0xFFFF;
	p0 =	sne.s32 s4, s14  }
.Ltmp3:
0x5d: {  	s22 =	sshrl.u32 s8, $0x3;
	s21 =	sor.u32 $0x1C02, s21;
	(pc) =	sbr.rel @p0 .LBB2_1-.Ltmp3, $4  }
0x5e: {  	[hbm:s15], [sflag:s21] =	dma.local [spmem:s22], $0xA00  }
0x5f: {  	_ =	swait.ge [sflag:s17], $0xA00  }
0x60: {  	[sflag:s17] =	ssyncset.done $0x0  }
0x61: {  	[sflag:s17] =	ssyncadd.s32 $0xFFFFF600  }
0x62: {  	_ =	sfence.sel $0x180000  }
0x63: {  	[bflag:$0x0] =	sbarrier.arrive $0xFFFF  }
0x64: {  	p0 =	sne.s32 s3, $0x0;
	_ =	strace $0x90000053  }
0x65: {  	s0 =	sadd.s32 @!p0 $0x100000, s0;
	[bflag:$0x2] =	sbarrier.arrive $0xFFFF  }
0x66: {  	[sflag:s0] =	ssyncadd.tile.s32 @!p0 $0x1;
	_ =	shalt  }
.Lfunc_end2:
_tile_overlayer_lowered:
.L_overlay_start_2:
0x67: {  	(tag) =	ssettag $0x2  }
0x68: {  	s0 =	rddreg [dreg:$0x0];
	s2 =	stileid.u32  }
0x69: {  	s1 =	rddreg [dreg:$0x1];
	p0 =	sne.s32 s2, $0x0  }
0x6a: {  	s3 =	rddreg [dreg:$0x2];
	[bflag:$0x3] =	sbarrier.arrive $0xFFFF;
	s2 =	simm.s32 @!p0 $0x1C02  }
0x6b: {  	[timem:s3], [sflag:s2] =	dma.local @!p0 [hbm:s0], s1  }
0x6c: {  	s0 =	simm.s32 @!p0 $0x2  }
0x6d: {  	_ =	swait.ge @!p0 [sflag:s0], s1  }
0x6e: {  	s1 =	ssub.s32 @!p0 $0x0, s1;
	[sflag:s0] =	ssyncset.done @!p0 $0x0  }
0x6f: {  	[sflag:s0] =	ssyncadd.s32 @!p0 s1  }
0x70: {  	[bflag:$0x3] =	sbarrier.arrive $0xFFFF  }
0x71: {  	_ =	shalt  }

</sc_bundles>
